<compile_context>
chip_gen: v7x
topology: tpu7x:2x2x1
jax: 0.10.2.dev20260603
libtpu: 0.0.44.dev20260713+nightly
codegen_flags: <defaults>
</compile_context>

<pallas_src>
import functools

import jax
import jax.numpy as jnp
from jax import lax
from jax.experimental import pallas as pl
from jax.experimental.pallas import tpu as pltpu
from jax.experimental.pallas import tpu_sc as plsc

NTILES = 32
NGRP = 2
CGRP = 16
CH = 256
LANES = 16


def _sc_maxdiff(xw, idxb, n_tab, n_pad, k_deg):
    pairs = xw.shape[1] // n_tab
    n_sub = n_pad // NGRP
    blocks = n_sub // CH
    groups = CH // LANES
    mesh = plsc.VectorSubcoreMesh(core_axis_name="c", subcore_axis_name="s")

    @functools.partial(
        pl.kernel,
        out_type=jax.ShapeDtypeStruct((2 * CGRP * pairs, n_pad), jnp.float32),
        mesh=mesh,
        compiler_params=pltpu.CompilerParams(
            needs_layout_passes=False,
            use_tc_tiling_on_sc=False,
        ),
        scratch_types=[
            pltpu.VMEM((pairs * n_tab,), jnp.int32),
            pltpu.VMEM((2 * pairs, n_sub), jnp.float32),
            pltpu.VMEM((k_deg, CH), jnp.int32),
            pltpu.VMEM((k_deg, CH), jnp.int32),
            pltpu.VMEM((k_deg, CH), jnp.int32),
            pltpu.VMEM((k_deg, CH), jnp.int32),
            pltpu.SemaphoreType.DMA,
            pltpu.SemaphoreType.DMA,
        ],
    )
    def sc_kernel(x_hbm, idx_hbm, m_hbm, table_v, out_v,
                  i0a, i1a, i0b, i1b, sem_a, sem_b):
        wid = lax.axis_index("s") * 2 + lax.axis_index("c")
        cg = wid // NGRP
        ng = wid % NGRP
        poffs = [jnp.full((LANES,), p * n_tab, jnp.int32) for p in range(pairs)]
        blk0 = ng * blocks

        def issue(blk, d0, d1, sem):
            pltpu.async_copy(idx_hbm.at[0, blk], d0, sem)
            pltpu.async_copy(idx_hbm.at[1, blk], d1, sem)

        def drain(blk, d0, d1, sem):
            pltpu.make_async_copy(idx_hbm.at[0, blk], d0, sem).wait()
            pltpu.make_async_copy(idx_hbm.at[1, blk], d1, sem).wait()

        def compute(j, b0, b1):
            def g_body(g, carry):
                base = g * LANES
                accs = []
                for kk in range(k_deg):
                    i0 = b0[kk, pl.ds(base, LANES)]
                    i1 = b1[kk, pl.ds(base, LANES)]
                    for p in range(pairs):
                        a = plsc.load_gather(table_v, [i0 + poffs[p]])
                        b2 = plsc.load_gather(table_v, [i1 + poffs[p]])
                        d = plsc.bitcast(a, jnp.bfloat16) - plsc.bitcast(b2, jnp.bfloat16)
                        if kk == 0:
                            accs.append(d)
                        else:
                            accs[p] = jnp.maximum(accs[p], d)
                loc = j * CH + base
                for p in range(pairs):
                    lo, hi = plsc.unpack(accs[p], format=plsc.PackFormat.INTERLEAVED)
                    out_v[2 * p, pl.ds(loc, LANES)] = lo
                    out_v[2 * p + 1, pl.ds(loc, LANES)] = hi
                return carry

            lax.fori_loop(0, groups, g_body, 0)

        issue(blk0, i0a, i1a, sem_a)
        pltpu.sync_copy(x_hbm.at[cg], table_v)

        def super_body(it, carry):
            ja = 2 * it
            jb = 2 * it + 1
            issue(blk0 + jb, i0b, i1b, sem_b)
            drain(blk0 + ja, i0a, i1a, sem_a)
            compute(ja, i0a, i1a)

            @pl.when(it + 1 < blocks // 2)
            def _():
                issue(blk0 + ja + 2, i0a, i1a, sem_a)

            drain(blk0 + jb, i0b, i1b, sem_b)
            compute(jb, i0b, i1b)
            return carry

        lax.fori_loop(0, blocks // 2, super_body, 0)
        pltpu.sync_copy(
            out_v,
            m_hbm.at[pl.ds(cg * 2 * pairs, 2 * pairs), pl.ds(ng * n_sub, n_sub)],
        )

    return sc_kernel(xw, idxb)


def _tc_partial(xf, We, b2, c, n):

    def body(x_ref, we_ref, b_ref, y_ref):
        y_ref[...] = (
            jnp.dot(we_ref[...], x_ref[...], preferred_element_type=jnp.float32)
            + b_ref[...]
        )

    return pl.pallas_call(
        body,
        out_shape=jax.ShapeDtypeStruct((c, n), jnp.float32),
    )(xf, We, b2)


def _tc_conv(part, m, Wo, c, n):

    def body(p_ref, m_ref, wo_ref, y_ref):
        acc = p_ref[...] + jnp.dot(
            wo_ref[...], m_ref[:, :n], preferred_element_type=jnp.float32
        )
        y_ref[...] = jnp.maximum(acc, 0.0)

    return pl.pallas_call(
        body,
        out_shape=jax.ShapeDtypeStruct((c, n), jnp.float32),
    )(part, m, Wo)


def kernel(x, edge_index, W, b):
    B, C, N, _ = x.shape
    K = edge_index.shape[-1]
    n_pad = ((N + (NGRP * CH) - 1) // (NGRP * CH)) * (NGRP * CH)
    nblk = n_pad // CH
    pairs = C // (2 * CGRP)

    xf = x.reshape(C, N)
    xb = xf.astype(jnp.bfloat16)
    xwords = lax.bitcast_convert_type(
        xb.reshape(C // 2, 2, N).transpose(0, 2, 1), jnp.int32
    )
    xw = xwords.reshape(CGRP, pairs * N)

    ei = edge_index.reshape(2, N, K)
    eip = jnp.pad(ei, ((0, 0), (0, n_pad - N), (0, 0)))
    idxb = eip.reshape(2, nblk, CH, K).transpose(0, 1, 3, 2)

    m = _sc_maxdiff(xw, idxb, N, n_pad, K)

    We = W[:, 0::2]
    Wo = W[:, 1::2]
    part = _tc_partial(xf, We, b.reshape(C, 1), C, N)
    y = _tc_conv(part, m, Wo, C, N)
    return y.reshape(x.shape)

# --- scband reference (transcript-rebuilt; emitter-appended) ---
"""Pipeline reference for scband-mrconv2d-26044681683387 (READ-ONLY COPY).

The authoritative reference and input builder live on the scoring server;
editing this copy changes nothing except your own understanding.
"""

import jax, jax.numpy as jnp
import numpy as np


def batched_index_select(x, idx):
    # x: [B, C, N, 1], idx: [B, N, K] -> [B, C, N, K]
    B, C, N = x.shape[0], x.shape[1], x.shape[2]
    K = idx.shape[-1]
    xf = x[..., 0]  # [B, C, N]
    flat = idx.reshape(B, 1, N * K)
    flat = jnp.broadcast_to(flat, (B, C, N * K))
    g = jnp.take_along_axis(xf, flat, axis=2)
    return g.reshape(B, C, N, K)


def setup_inputs(seed: int = 0) -> dict:
    key = jax.random.key(seed)
    k1, k2, k3 = jax.random.split(key, 3)
    B, C, N, K = 1, 128, 10000, 32
    x = jax.random.normal(k1, (B, C, N, 1), dtype=jnp.float32)
    edge_index = jax.random.randint(k2, (2, B, N, K), 0, N, dtype=jnp.int32)
    # Conv2d(2C, C, kernel_size=1) params, kaiming-normal-ish init
    W = jax.random.normal(k3, (C, 2 * C), dtype=jnp.float32) * np.sqrt(2.0 / (2 * C))
    b = jnp.zeros((C,), dtype=jnp.float32)
    return {"x": x, "edge_index": edge_index, "W": W, "b": b}


def reference(x, edge_index, W, b):
    shape = x.shape
    B, C = x.shape[0], x.shape[1]
    N = x.shape[2] * x.shape[3]
    xr = x.reshape(B, C, N, 1)
    x_i = batched_index_select(xr, edge_index[1])  # [B, C, N, K]
    x_j = batched_index_select(xr, edge_index[0])  # [B, C, N, K]
    x_j = jnp.max(x_j - x_i, axis=-1, keepdims=True)  # [B, C, N, 1]
    # torch: cat([x.unsqueeze(2), x_j.unsqueeze(2)], dim=2).reshape(b, 2c, n, 1)
    h = jnp.concatenate([xr[:, :, None, :, :], x_j[:, :, None, :, :]], axis=2)
    h = h.reshape(B, 2 * C, N, 1)
    # 1x1 conv + ReLU
    y = jnp.einsum('oc,bcnk->bonk', W, h) + b[None, :, None, None]
    y = jax.nn.relu(y)
    return y.reshape(shape)

if __name__ == "__main__":
    import jax
    _d = setup_inputs()
    print(jax.jit(kernel)(*tuple(_d.values())))

</pallas_src>

<mosaic_0001>
#map = affine_map<(d0, d1) -> (0, 0)>
#map1 = affine_map<(d0, d1) -> (0, 0, 0, 0)>
module attributes {stable_mosaic.version = 14 : i64} {
  func.func @sc_kernel(%arg0: i32, %arg1: i32, %arg2: memref<16x40000xi32, #tpu.memory_space<hbm>>, %arg3: memref<2x40x32x256xi32, #tpu.memory_space<hbm>>, %arg4: memref<128x10240xf32, #tpu.memory_space<hbm>>, %arg5: memref<40000xi32, #tpu.memory_space<vmem>>, %arg6: memref<8x5120xf32, #tpu.memory_space<vmem>>, %arg7: memref<32x256xi32, #tpu.memory_space<vmem>>, %arg8: memref<32x256xi32, #tpu.memory_space<vmem>>, %arg9: memref<32x256xi32, #tpu.memory_space<vmem>>, %arg10: memref<32x256xi32, #tpu.memory_space<vmem>>, %arg11: memref<!tpu.dma_semaphore, #tpu.memory_space<semaphore_mem>>, %arg12: memref<!tpu.dma_semaphore, #tpu.memory_space<semaphore_mem>>) attributes {dimension_semantics = [#tpu.dimension_semantics<core_parallel>, #tpu.dimension_semantics<subcore_parallel>], iteration_bounds = array<i64: 2, 16>, scalar_prefetch = 0 : i64, scratch_operands = 8 : i64, tpu.core_type = #tpu.core_type<sc_vector_subcore>, window_params = [{transform_indices = #map}, {transform_indices = #map1}, {transform_indices = #map}]} {
    %mul3A = arith.constant 2 : i32
    %mul3A_0 = arith.muli %arg1, %mul3A : i32
    %add3A = arith.addi %mul3A_0, %arg0 : i32
    %jit3A = arith.constant 2 : i32
    %div3A = arith.divsi %add3A, %jit3A : i32
    %sign3A = arith.constant 0 : i32
    %sign3A_1 = arith.cmpi sgt, %add3A, %sign3A : i32
    %sign3A_2 = arith.extui %sign3A_1 : i1 to i32
    %sign3A_3 = arith.constant 0 : i32
    %sign3A_4 = arith.cmpi slt, %add3A, %sign3A_3 : i32
    %sign3A_5 = arith.extui %sign3A_4 : i1 to i32
    %sign3A_6 = arith.subi %sign3A_2, %sign3A_5 : i32
    %sign3A_7 = arith.constant 0 : i32
    %sign3A_8 = arith.cmpi sgt, %jit3A, %sign3A_7 : i32
    %sign3A_9 = arith.extui %sign3A_8 : i1 to i32
    %sign3A_10 = arith.constant 0 : i32
    %sign3A_11 = arith.cmpi slt, %jit3A, %sign3A_10 : i32
    %sign3A_12 = arith.extui %sign3A_11 : i1 to i32
    %sign3A_13 = arith.subi %sign3A_9, %sign3A_12 : i32
    %ne3A = arith.cmpi ne, %sign3A_6, %sign3A_13 : i32
    %rem3A = arith.remsi %add3A, %jit3A : i32
    %ne3A_14 = arith.constant 0 : i32
    %ne3A_15 = arith.cmpi ne, %rem3A, %ne3A_14 : i32
    %and3A = arith.andi %ne3A, %ne3A_15 : i1
    %sub3A = arith.constant 1 : i32
    %sub3A_16 = arith.subi %div3A, %sub3A : i32
    %select_n3A = arith.select %and3A, %sub3A_16, %div3A : i32
    %jit3A_17 = arith.constant 2 : i32
    %eq3A = arith.constant 0 : i32
    %eq3A_18 = arith.cmpi eq, %jit3A_17, %eq3A : i32
    %jit3A_19 = arith.constant 1 : i32
    %select_n3A_20 = arith.select %eq3A_18, %jit3A_19, %jit3A_17 : i32
    %rem3A_21 = arith.remsi %add3A, %select_n3A_20 : i32
    %ne3A_22 = arith.constant 0 : i32
    %ne3A_23 = arith.cmpi ne, %rem3A_21, %ne3A_22 : i32
    %lt3A = arith.constant 0 : i32
    %lt3A_24 = arith.cmpi slt, %rem3A_21, %lt3A : i32
    %lt3A_25 = arith.constant 0 : i32
    %lt3A_26 = arith.cmpi slt, %select_n3A_20, %lt3A_25 : i32
    %ne3A_27 = arith.xori %lt3A_24, %lt3A_26 : i1
    %and3A_28 = arith.andi %ne3A_27, %ne3A_23 : i1
    %add3A_29 = arith.addi %rem3A_21, %select_n3A_20 : i32
    %select_n3A_30 = arith.select %and3A_28, %add3A_29, %rem3A_21 : i32
    %broadcast_in_dim3A = arith.constant 0 : i32
    %broadcast_in_dim3A_31 = vector.broadcast %broadcast_in_dim3A : i32 to vector<16xi32>
    %broadcast_in_dim3A_32 = arith.constant 10000 : i32
    %broadcast_in_dim3A_33 = vector.broadcast %broadcast_in_dim3A_32 : i32 to vector<16xi32>
    %broadcast_in_dim3A_34 = arith.constant 20000 : i32
    %broadcast_in_dim3A_35 = vector.broadcast %broadcast_in_dim3A_34 : i32 to vector<16xi32>
    %broadcast_in_dim3A_36 = arith.constant 30000 : i32
    %broadcast_in_dim3A_37 = vector.broadcast %broadcast_in_dim3A_36 : i32 to vector<16xi32>
    %mul3A_38 = arith.constant 20 : i32
    %mul3A_39 = arith.muli %select_n3A_30, %mul3A_38 : i32
    %dma_start3A = arith.constant 0 : i32
    %dma_start3A_40 = arith.constant 0 : i32
    %dma_start3A_41 = arith.constant 0 : i32
    %dma_start3A_42 = tpu.memref_slice %arg3[%dma_start3A, %mul3A_39, %dma_start3A_40, %dma_start3A_41] : memref<2x40x32x256xi32, #tpu.memory_space<hbm>> -> memref<1x1x32x256xi32, #tpu.memory_space<hbm>>
    %dma_start3A_43 = tpu.memref_squeeze %dma_start3A_42 : memref<1x1x32x256xi32, #tpu.memory_space<hbm>> -> memref<32x256xi32, #tpu.memory_space<hbm>>
    %dma_start3A_44 = arith.constant 0 : i32
    %dma_start3A_45 = arith.constant 0 : i32
    %dma_start3A_46 = tpu.memref_slice %arg3[%dma_start3A, %mul3A_39, %dma_start3A_44, %dma_start3A_45] : memref<2x40x32x256xi32, #tpu.memory_space<hbm>> -> memref<1x1x32x256xi32, #tpu.memory_space<hbm>>
    %dma_start3A_47 = tpu.memref_squeeze %dma_start3A_46 : memref<1x1x32x256xi32, #tpu.memory_space<hbm>> -> memref<32x256xi32, #tpu.memory_space<hbm>>
    tpu.enqueue_dma source(%dma_start3A_47 : memref<32x256xi32, #tpu.memory_space<hbm>>) target(%arg7 : memref<32x256xi32, #tpu.memory_space<vmem>>) target_semaphore(%arg11 : memref<!tpu.dma_semaphore, #tpu.memory_space<semaphore_mem>>)
    %dma_start3A_48 = arith.constant 1 : i32
    %dma_start3A_49 = arith.constant 0 : i32
    %dma_start3A_50 = arith.constant 0 : i32
    %dma_start3A_51 = tpu.memref_slice %arg3[%dma_start3A_48, %mul3A_39, %dma_start3A_49, %dma_start3A_50] : memref<2x40x32x256xi32, #tpu.memory_space<hbm>> -> memref<1x1x32x256xi32, #tpu.memory_space<hbm>>
    %dma_start3A_52 = tpu.memref_squeeze %dma_start3A_51 : memref<1x1x32x256xi32, #tpu.memory_space<hbm>> -> memref<32x256xi32, #tpu.memory_space<hbm>>
    %dma_start3A_53 = arith.constant 0 : i32
    %dma_start3A_54 = arith.constant 0 : i32
    %dma_start3A_55 = tpu.memref_slice %arg3[%dma_start3A_48, %mul3A_39, %dma_start3A_53, %dma_start3A_54] : memref<2x40x32x256xi32, #tpu.memory_space<hbm>> -> memref<1x1x32x256xi32, #tpu.memory_space<hbm>>
    %dma_start3A_56 = tpu.memref_squeeze %dma_start3A_55 : memref<1x1x32x256xi32, #tpu.memory_space<hbm>> -> memref<32x256xi32, #tpu.memory_space<hbm>>
    tpu.enqueue_dma source(%dma_start3A_56 : memref<32x256xi32, #tpu.memory_space<hbm>>) target(%arg8 : memref<32x256xi32, #tpu.memory_space<vmem>>) target_semaphore(%arg11 : memref<!tpu.dma_semaphore, #tpu.memory_space<semaphore_mem>>)
    "tpu.region"() ({
      %run_scoped3A = tpu.sem_alloc : memref<!tpu.dma_semaphore, #tpu.memory_space<semaphore_mem>>
      %dma_start3A_68 = arith.constant 0 : i32
      %dma_start3A_69 = tpu.memref_slice %arg2[%select_n3A, %dma_start3A_68] : memref<16x40000xi32, #tpu.memory_space<hbm>> -> memref<1x40000xi32, #tpu.memory_space<hbm>>
      %dma_start3A_70 = tpu.memref_squeeze %dma_start3A_69 : memref<1x40000xi32, #tpu.memory_space<hbm>> -> memref<40000xi32, #tpu.memory_space<hbm>>
      %dma_start3A_71 = arith.constant 0 : i32
      %dma_start3A_72 = tpu.memref_slice %arg2[%select_n3A, %dma_start3A_71] : memref<16x40000xi32, #tpu.memory_space<hbm>> -> memref<1x40000xi32, #tpu.memory_space<hbm>>
      %dma_start3A_73 = tpu.memref_squeeze %dma_start3A_72 : memref<1x40000xi32, #tpu.memory_space<hbm>> -> memref<40000xi32, #tpu.memory_space<hbm>>
      tpu.enqueue_dma source(%dma_start3A_73 : memref<40000xi32, #tpu.memory_space<hbm>>) target(%arg5 : memref<40000xi32, #tpu.memory_space<vmem>>) target_semaphore(%run_scoped3A : memref<!tpu.dma_semaphore, #tpu.memory_space<semaphore_mem>>)
      %dma_wait3A = arith.constant 0 : i32
      %dma_wait3A_74 = tpu.memref_slice %arg2[%select_n3A, %dma_wait3A] : memref<16x40000xi32, #tpu.memory_space<hbm>> -> memref<1x40000xi32, #tpu.memory_space<hbm>>
      %dma_wait3A_75 = tpu.memref_squeeze %dma_wait3A_74 : memref<1x40000xi32, #tpu.memory_space<hbm>> -> memref<40000xi32, #tpu.memory_space<hbm>>
      %dma_wait3A_76 = arith.constant 0 : i32
      %dma_wait3A_77 = tpu.memref_slice %arg2[%select_n3A, %dma_wait3A_76] : memref<16x40000xi32, #tpu.memory_space<hbm>> -> memref<1x40000xi32, #tpu.memory_space<hbm>>
      %dma_wait3A_78 = tpu.memref_squeeze %dma_wait3A_77 : memref<1x40000xi32, #tpu.memory_space<hbm>> -> memref<40000xi32, #tpu.memory_space<hbm>>
      tpu.wait_dma2 semaphore(%run_scoped3A : memref<!tpu.dma_semaphore, #tpu.memory_space<semaphore_mem>>) src(%dma_wait3A_78 : memref<40000xi32, #tpu.memory_space<hbm>>) dst(%arg5 : memref<40000xi32, #tpu.memory_space<vmem>>)
      tpu.yield
    }) : () -> ()
    %scan3A = arith.constant 0 : i32
    %scan3A_57 = arith.constant 0 : i32
    %scan3A_58 = arith.constant 10 : i32
    %scan3A_59 = arith.addi %scan3A_57, %scan3A_58 : i32
    %scan3A_60 = arith.constant 1 : i32
    scf.for %scan3A_68 = %scan3A_57 to %scan3A_59 step %scan3A_60  : i32 {
      %mul3A_69 = arith.constant 2 : i32
      %mul3A_70 = arith.muli %mul3A_69, %scan3A_68 : i32
      %mul3A_71 = arith.constant 2 : i32
      %mul3A_72 = arith.muli %mul3A_71, %scan3A_68 : i32
      %add3A_73 = arith.constant 1 : i32
      %add3A_74 = arith.addi %mul3A_72, %add3A_73 : i32
      %add3A_75 = arith.addi %mul3A_39, %add3A_74 : i32
      %dma_start3A_76 = arith.constant 0 : i32
      %dma_start3A_77 = arith.constant 0 : i32
      %dma_start3A_78 = arith.constant 0 : i32
      %dma_start3A_79 = tpu.memref_slice %arg3[%dma_start3A_76, %add3A_75, %dma_start3A_77, %dma_start3A_78] : memref<2x40x32x256xi32, #tpu.memory_space<hbm>> -> memref<1x1x32x256xi32, #tpu.memory_space<hbm>>
      %dma_start3A_80 = tpu.memref_squeeze %dma_start3A_79 : memref<1x1x32x256xi32, #tpu.memory_space<hbm>> -> memref<32x256xi32, #tpu.memory_space<hbm>>
      %dma_start3A_81 = arith.constant 0 : i32
      %dma_start3A_82 = arith.constant 0 : i32
      %dma_start3A_83 = tpu.memref_slice %arg3[%dma_start3A_76, %add3A_75, %dma_start3A_81, %dma_start3A_82] : memref<2x40x32x256xi32, #tpu.memory_space<hbm>> -> memref<1x1x32x256xi32, #tpu.memory_space<hbm>>
      %dma_start3A_84 = tpu.memref_squeeze %dma_start3A_83 : memref<1x1x32x256xi32, #tpu.memory_space<hbm>> -> memref<32x256xi32, #tpu.memory_space<hbm>>
      tpu.enqueue_dma source(%dma_start3A_84 : memref<32x256xi32, #tpu.memory_space<hbm>>) target(%arg9 : memref<32x256xi32, #tpu.memory_space<vmem>>) target_semaphore(%arg12 : memref<!tpu.dma_semaphore, #tpu.memory_space<semaphore_mem>>)
      %dma_start3A_85 = arith.constant 1 : i32
      %dma_start3A_86 = arith.constant 0 : i32
      %dma_start3A_87 = arith.constant 0 : i32
      %dma_start3A_88 = tpu.memref_slice %arg3[%dma_start3A_85, %add3A_75, %dma_start3A_86, %dma_start3A_87] : memref<2x40x32x256xi32, #tpu.memory_space<hbm>> -> memref<1x1x32x256xi32, #tpu.memory_space<hbm>>
      %dma_start3A_89 = tpu.memref_squeeze %dma_start3A_88 : memref<1x1x32x256xi32, #tpu.memory_space<hbm>> -> memref<32x256xi32, #tpu.memory_space<hbm>>
      %dma_start3A_90 = arith.constant 0 : i32
      %dma_start3A_91 = arith.constant 0 : i32
      %dma_start3A_92 = tpu.memref_slice %arg3[%dma_start3A_85, %add3A_75, %dma_start3A_90, %dma_start3A_91] : memref<2x40x32x256xi32, #tpu.memory_space<hbm>> -> memref<1x1x32x256xi32, #tpu.memory_space<hbm>>
      %dma_start3A_93 = tpu.memref_squeeze %dma_start3A_92 : memref<1x1x32x256xi32, #tpu.memory_space<hbm>> -> memref<32x256xi32, #tpu.memory_space<hbm>>
      tpu.enqueue_dma source(%dma_start3A_93 : memref<32x256xi32, #tpu.memory_space<hbm>>) target(%arg10 : memref<32x256xi32, #tpu.memory_space<vmem>>) target_semaphore(%arg12 : memref<!tpu.dma_semaphore, #tpu.memory_space<semaphore_mem>>)
      %add3A_94 = arith.addi %mul3A_39, %mul3A_70 : i32
      %dma_wait3A = arith.constant 0 : i32
      %dma_wait3A_95 = arith.constant 0 : i32
      %dma_wait3A_96 = arith.constant 0 : i32
      %dma_wait3A_97 = tpu.memref_slice %arg3[%dma_wait3A, %add3A_94, %dma_wait3A_95, %dma_wait3A_96] : memref<2x40x32x256xi32, #tpu.memory_space<hbm>> -> memref<1x1x32x256xi32, #tpu.memory_space<hbm>>
      %dma_wait3A_98 = tpu.memref_squeeze %dma_wait3A_97 : memref<1x1x32x256xi32, #tpu.memory_space<hbm>> -> memref<32x256xi32, #tpu.memory_space<hbm>>
      %dma_wait3A_99 = arith.constant 0 : i32
      %dma_wait3A_100 = arith.constant 0 : i32
      %dma_wait3A_101 = tpu.memref_slice %arg3[%dma_wait3A, %add3A_94, %dma_wait3A_99, %dma_wait3A_100] : memref<2x40x32x256xi32, #tpu.memory_space<hbm>> -> memref<1x1x32x256xi32, #tpu.memory_space<hbm>>
      %dma_wait3A_102 = tpu.memref_squeeze %dma_wait3A_101 : memref<1x1x32x256xi32, #tpu.memory_space<hbm>> -> memref<32x256xi32, #tpu.memory_space<hbm>>
      tpu.wait_dma2 semaphore(%arg11 : memref<!tpu.dma_semaphore, #tpu.memory_space<semaphore_mem>>) src(%dma_wait3A_102 : memref<32x256xi32, #tpu.memory_space<hbm>>) dst(%arg7 : memref<32x256xi32, #tpu.memory_space<vmem>>)
      %dma_wait3A_103 = arith.constant 1 : i32
      %dma_wait3A_104 = arith.constant 0 : i32
      %dma_wait3A_105 = arith.constant 0 : i32
      %dma_wait3A_106 = tpu.memref_slice %arg3[%dma_wait3A_103, %add3A_94, %dma_wait3A_104, %dma_wait3A_105] : memref<2x40x32x256xi32, #tpu.memory_space<hbm>> -> memref<1x1x32x256xi32, #tpu.memory_space<hbm>>
      %dma_wait3A_107 = tpu.memref_squeeze %dma_wait3A_106 : memref<1x1x32x256xi32, #tpu.memory_space<hbm>> -> memref<32x256xi32, #tpu.memory_space<hbm>>
      %dma_wait3A_108 = arith.constant 0 : i32
      %dma_wait3A_109 = arith.constant 0 : i32
      %dma_wait3A_110 = tpu.memref_slice %arg3[%dma_wait3A_103, %add3A_94, %dma_wait3A_108, %dma_wait3A_109] : memref<2x40x32x256xi32, #tpu.memory_space<hbm>> -> memref<1x1x32x256xi32, #tpu.memory_space<hbm>>
      %dma_wait3A_111 = tpu.memref_squeeze %dma_wait3A_110 : memref<1x1x32x256xi32, #tpu.memory_space<hbm>> -> memref<32x256xi32, #tpu.memory_space<hbm>>
      tpu.wait_dma2 semaphore(%arg11 : memref<!tpu.dma_semaphore, #tpu.memory_space<semaphore_mem>>) src(%dma_wait3A_111 : memref<32x256xi32, #tpu.memory_space<hbm>>) dst(%arg8 : memref<32x256xi32, #tpu.memory_space<vmem>>)
      %scan3A_112 = arith.constant 0 : i32
      %scan3A_113 = arith.constant 0 : i32
      %scan3A_114 = arith.constant 16 : i32
      %scan3A_115 = arith.addi %scan3A_113, %scan3A_114 : i32
      %scan3A_116 = arith.constant 1 : i32
      scf.for %scan3A_148 = %scan3A_113 to %scan3A_115 step %scan3A_116  : i32 {
        %mul3A_149 = arith.constant 16 : i32
        %mul3A_150 = arith.muli %scan3A_148, %mul3A_149 : i32
        %get3A = arith.constant 0 : i32
        %get3A_151 = arith.index_cast %get3A : i32 to index
        %get3A_152 = arith.index_cast %mul3A_150 : i32 to index
        %get3A_153 = tpu.vector_load %arg7[%get3A_151, %get3A_152] {strides = array<i32>} : memref<32x256xi32, #tpu.memory_space<vmem>>, vector<16xi32>,
        %get3A_154 = arith.constant 0 : i32
        %get3A_155 = arith.index_cast %get3A_154 : i32 to index
        %get3A_156 = arith.index_cast %mul3A_150 : i32 to index
        %get3A_157 = tpu.vector_load %arg8[%get3A_155, %get3A_156] {strides = array<i32>} : memref<32x256xi32, #tpu.memory_space<vmem>>, vector<16xi32>,
        %add3A_158 = arith.addi %get3A_153, %broadcast_in_dim3A_31 : vector<16xi32>
        %gather3A = tpu.vector_load_idx %arg5[%add3A_158] : memref<40000xi32, #tpu.memory_space<vmem>>[vector<16xi32>], vector<16xi32>,
        %add3A_159 = arith.addi %get3A_157, %broadcast_in_dim3A_31 : vector<16xi32>
        %gather3A_160 = tpu.vector_load_idx %arg5[%add3A_159] : memref<40000xi32, #tpu.memory_space<vmem>>[vector<16xi32>], vector<16xi32>,
        %bitcast3A = vector.bitcast %gather3A : vector<16xi32> to vector<32xbf16>
        %bitcast3A_161 = vector.bitcast %gather3A_160 : vector<16xi32> to vector<32xbf16>
        %sub3A_162 = arith.subf %bitcast3A, %bitcast3A_161 : vector<32xbf16>
        %add3A_163 = arith.addi %get3A_153, %broadcast_in_dim3A_33 : vector<16xi32>
        %gather3A_164 = tpu.vector_load_idx %arg5[%add3A_163] : memref<40000xi32, #tpu.memory_space<vmem>>[vector<16xi32>], vector<16xi32>,
        %add3A_165 = arith.addi %get3A_157, %broadcast_in_dim3A_33 : vector<16xi32>
        %gather3A_166 = tpu.vector_load_idx %arg5[%add3A_165] : memref<40000xi32, #tpu.memory_space<vmem>>[vector<16xi32>], vector<16xi32>,
        %bitcast3A_167 = vector.bitcast %gather3A_164 : vector<16xi32> to vector<32xbf16>
        %bitcast3A_168 = vector.bitcast %gather3A_166 : vector<16xi32> to vector<32xbf16>
        %sub3A_169 = arith.subf %bitcast3A_167, %bitcast3A_168 : vector<32xbf16>
        %add3A_170 = arith.addi %get3A_153, %broadcast_in_dim3A_35 : vector<16xi32>
        %gather3A_171 = tpu.vector_load_idx %arg5[%add3A_170] : memref<40000xi32, #tpu.memory_space<vmem>>[vector<16xi32>], vector<16xi32>,
        %add3A_172 = arith.addi %get3A_157, %broadcast_in_dim3A_35 : vector<16xi32>
        %gather3A_173 = tpu.vector_load_idx %arg5[%add3A_172] : memref<40000xi32, #tpu.memory_space<vmem>>[vector<16xi32>], vector<16xi32>,
        %bitcast3A_174 = vector.bitcast %gather3A_171 : vector<16xi32> to vector<32xbf16>
        %bitcast3A_175 = vector.bitcast %gather3A_173 : vector<16xi32> to vector<32xbf16>
        %sub3A_176 = arith.subf %bitcast3A_174, %bitcast3A_175 : vector<32xbf16>
        %add3A_177 = arith.addi %get3A_153, %broadcast_in_dim3A_37 : vector<16xi32>
        %gather3A_178 = tpu.vector_load_idx %arg5[%add3A_177] : memref<40000xi32, #tpu.memory_space<vmem>>[vector<16xi32>], vector<16xi32>,
        %add3A_179 = arith.addi %get3A_157, %broadcast_in_dim3A_37 : vector<16xi32>
        %gather3A_180 = tpu.vector_load_idx %arg5[%add3A_179] : memref<40000xi32, #tpu.memory_space<vmem>>[vector<16xi32>], vector<16xi32>,
        %bitcast3A_181 = vector.bitcast %gather3A_178 : vector<16xi32> to vector<32xbf16>
        %bitcast3A_182 = vector.bitcast %gather3A_180 : vector<16xi32> to vector<32xbf16>
        %sub3A_183 = arith.subf %bitcast3A_181, %bitcast3A_182 : vector<32xbf16>
        %get3A_184 = arith.constant 1 : i32
        %get3A_185 = arith.index_cast %get3A_184 : i32 to index
        %get3A_186 = arith.index_cast %mul3A_150 : i32 to index
        %get3A_187 = tpu.vector_load %arg7[%get3A_185, %get3A_186] {strides = array<i32>} : memref<32x256xi32, #tpu.memory_space<vmem>>, vector<16xi32>,
        %get3A_188 = arith.constant 1 : i32
        %get3A_189 = arith.index_cast %get3A_188 : i32 to index
        %get3A_190 = arith.index_cast %mul3A_150 : i32 to index
        %get3A_191 = tpu.vector_load %arg8[%get3A_189, %get3A_190] {strides = array<i32>} : memref<32x256xi32, #tpu.memory_space<vmem>>, vector<16xi32>,
        %add3A_192 = arith.addi %get3A_187, %broadcast_in_dim3A_31 : vector<16xi32>
        %gather3A_193 = tpu.vector_load_idx %arg5[%add3A_192] : memref<40000xi32, #tpu.memory_space<vmem>>[vector<16xi32>], vector<16xi32>,
        %add3A_194 = arith.addi %get3A_191, %broadcast_in_dim3A_31 : vector<16xi32>
        %gather3A_195 = tpu.vector_load_idx %arg5[%add3A_194] : memref<40000xi32, #tpu.memory_space<vmem>>[vector<16xi32>], vector<16xi32>,
        %bitcast3A_196 = vector.bitcast %gather3A_193 : vector<16xi32> to vector<32xbf16>
        %bitcast3A_197 = vector.bitcast %gather3A_195 : vector<16xi32> to vector<32xbf16>
        %sub3A_198 = arith.subf %bitcast3A_196, %bitcast3A_197 : vector<32xbf16>
        %max3A = arith.maximumf %sub3A_162, %sub3A_198 : vector<32xbf16>
        %add3A_199 = arith.addi %get3A_187, %broadcast_in_dim3A_33 : vector<16xi32>
        %gather3A_200 = tpu.vector_load_idx %arg5[%add3A_199] : memref<40000xi32, #tpu.memory_space<vmem>>[vector<16xi32>], vector<16xi32>,
        %add3A_201 = arith.addi %get3A_191, %broadcast_in_dim3A_33 : vector<16xi32>
        %gather3A_202 = tpu.vector_load_idx %arg5[%add3A_201] : memref<40000xi32, #tpu.memory_space<vmem>>[vector<16xi32>], vector<16xi32>,
        %bitcast3A_203 = vector.bitcast %gather3A_200 : vector<16xi32> to vector<32xbf16>
        %bitcast3A_204 = vector.bitcast %gather3A_202 : vector<16xi32> to vector<32xbf16>
        %sub3A_205 = arith.subf %bitcast3A_203, %bitcast3A_204 : vector<32xbf16>
        %max3A_206 = arith.maximumf %sub3A_169, %sub3A_205 : vector<32xbf16>
        %add3A_207 = arith.addi %get3A_187, %broadcast_in_dim3A_35 : vector<16xi32>
        %gather3A_208 = tpu.vector_load_idx %arg5[%add3A_207] : memref<40000xi32, #tpu.memory_space<vmem>>[vector<16xi32>], vector<16xi32>,
        %add3A_209 = arith.addi %get3A_191, %broadcast_in_dim3A_35 : vector<16xi32>
        %gather3A_210 = tpu.vector_load_idx %arg5[%add3A_209] : memref<40000xi32, #tpu.memory_space<vmem>>[vector<16xi32>], vector<16xi32>,
        %bitcast3A_211 = vector.bitcast %gather3A_208 : vector<16xi32> to vector<32xbf16>
        %bitcast3A_212 = vector.bitcast %gather3A_210 : vector<16xi32> to vector<32xbf16>
        %sub3A_213 = arith.subf %bitcast3A_211, %bitcast3A_212 : vector<32xbf16>
        %max3A_214 = arith.maximumf %sub3A_176, %sub3A_213 : vector<32xbf16>
        %add3A_215 = arith.addi %get3A_187, %broadcast_in_dim3A_37 : vector<16xi32>
        %gather3A_216 = tpu.vector_load_idx %arg5[%add3A_215] : memref<40000xi32, #tpu.memory_space<vmem>>[vector<16xi32>], vector<16xi32>,
        %add3A_217 = arith.addi %get3A_191, %broadcast_in_dim3A_37 : vector<16xi32>
        %gather3A_218 = tpu.vector_load_idx %arg5[%add3A_217] : memref<40000xi32, #tpu.memory_space<vmem>>[vector<16xi32>], vector<16xi32>,
        %bitcast3A_219 = vector.bitcast %gather3A_216 : vector<16xi32> to vector<32xbf16>
        %bitcast3A_220 = vector.bitcast %gather3A_218 : vector<16xi32> to vector<32xbf16>
        %sub3A_221 = arith.subf %bitcast3A_219, %bitcast3A_220 : vector<32xbf16>
        %max3A_222 = arith.maximumf %sub3A_183, %sub3A_221 : vector<32xbf16>
        %get3A_223 = arith.constant 2 : i32
        %get3A_224 = arith.index_cast %get3A_223 : i32 to index
        %get3A_225 = arith.index_cast %mul3A_150 : i32 to index
        %get3A_226 = tpu.vector_load %arg7[%get3A_224, %get3A_225] {strides = array<i32>} : memref<32x256xi32, #tpu.memory_space<vmem>>, vector<16xi32>,
        %get3A_227 = arith.constant 2 : i32
        %get3A_228 = arith.index_cast %get3A_227 : i32 to index
        %get3A_229 = arith.index_cast %mul3A_150 : i32 to index
        %get3A_230 = tpu.vector_load %arg8[%get3A_228, %get3A_229] {strides = array<i32>} : memref<32x256xi32, #tpu.memory_space<vmem>>, vector<16xi32>,
        %add3A_231 = arith.addi %get3A_226, %broadcast_in_dim3A_31 : vector<16xi32>
        %gather3A_232 = tpu.vector_load_idx %arg5[%add3A_231] : memref<40000xi32, #tpu.memory_space<vmem>>[vector<16xi32>], vector<16xi32>,
        %add3A_233 = arith.addi %get3A_230, %broadcast_in_dim3A_31 : vector<16xi32>
        %gather3A_234 = tpu.vector_load_idx %arg5[%add3A_233] : memref<40000xi32, #tpu.memory_space<vmem>>[vector<16xi32>], vector<16xi32>,
        %bitcast3A_235 = vector.bitcast %gather3A_232 : vector<16xi32> to vector<32xbf16>
        %bitcast3A_236 = vector.bitcast %gather3A_234 : vector<16xi32> to vector<32xbf16>
        %sub3A_237 = arith.subf %bitcast3A_235, %bitcast3A_236 : vector<32xbf16>
        %max3A_238 = arith.maximumf %max3A, %sub3A_237 : vector<32xbf16>
        %add3A_239 = arith.addi %get3A_226, %broadcast_in_dim3A_33 : vector<16xi32>
        %gather3A_240 = tpu.vector_load_idx %arg5[%add3A_239] : memref<40000xi32, #tpu.memory_space<vmem>>[vector<16xi32>], vector<16xi32>,
        %add3A_241 = arith.addi %get3A_230, %broadcast_in_dim3A_33 : vector<16xi32>
        %gather3A_242 = tpu.vector_load_idx %arg5[%add3A_241] : memref<40000xi32, #tpu.memory_space<vmem>>[vector<16xi32>], vector<16xi32>,
        %bitcast3A_243 = vector.bitcast %gather3A_240 : vector<16xi32> to vector<32xbf16>
        %bitcast3A_244 = vector.bitcast %gather3A_242 : vector<16xi32> to vector<32xbf16>
        %sub3A_245 = arith.subf %bitcast3A_243, %bitcast3A_244 : vector<32xbf16>
        %max3A_246 = arith.maximumf %max3A_206, %sub3A_245 : vector<32xbf16>
        %add3A_247 = arith.addi %get3A_226, %broadcast_in_dim3A_35 : vector<16xi32>
        %gather3A_248 = tpu.vector_load_idx %arg5[%add3A_247] : memref<40000xi32, #tpu.memory_space<vmem>>[vector<16xi32>], vector<16xi32>,
        %add3A_249 = arith.addi %get3A_230, %broadcast_in_dim3A_35 : vector<16xi32>
        %gather3A_250 = tpu.vector_load_idx %arg5[%add3A_249] : memref<40000xi32, #tpu.memory_space<vmem>>[vector<16xi32>], vector<16xi32>,
        %bitcast3A_251 = vector.bitcast %gather3A_248 : vector<16xi32> to vector<32xbf16>
        %bitcast3A_252 = vector.bitcast %gather3A_250 : vector<16xi32> to vector<32xbf16>
        %sub3A_253 = arith.subf %bitcast3A_251, %bitcast3A_252 : vector<32xbf16>
        %max3A_254 = arith.maximumf %max3A_214, %sub3A_253 : vector<32xbf16>
        %add3A_255 = arith.addi %get3A_226, %broadcast_in_dim3A_37 : vector<16xi32>
        %gather3A_256 = tpu.vector_load_idx %arg5[%add3A_255] : memref<40000xi32, #tpu.memory_space<vmem>>[vector<16xi32>], vector<16xi32>,
        %add3A_257 = arith.addi %get3A_230, %broadcast_in_dim3A_37 : vector<16xi32>
        %gather3A_258 = tpu.vector_load_idx %arg5[%add3A_257] : memref<40000xi32, #tpu.memory_space<vmem>>[vector<16xi32>], vector<16xi32>,
        %bitcast3A_259 = vector.bitcast %gather3A_256 : vector<16xi32> to vector<32xbf16>
        %bitcast3A_260 = vector.bitcast %gather3A_258 : vector<16xi32> to vector<32xbf16>
        %sub3A_261 = arith.subf %bitcast3A_259, %bitcast3A_260 : vector<32xbf16>
        %max3A_262 = arith.maximumf %max3A_222, %sub3A_261 : vector<32xbf16>
        %get3A_263 = arith.constant 3 : i32
        %get3A_264 = arith.index_cast %get3A_263 : i32 to index
        %get3A_265 = arith.index_cast %mul3A_150 : i32 to index
        %get3A_266 = tpu.vector_load %arg7[%get3A_264, %get3A_265] {strides = array<i32>} : memref<32x256xi32, #tpu.memory_space<vmem>>, vector<16xi32>,
        %get3A_267 = arith.constant 3 : i32
        %get3A_268 = arith.index_cast %get3A_267 : i32 to index
        %get3A_269 = arith.index_cast %mul3A_150 : i32 to index
        %get3A_270 = tpu.vector_load %arg8[%get3A_268, %get3A_269] {strides = array<i32>} : memref<32x256xi32, #tpu.memory_space<vmem>>, vector<16xi32>,
        %add3A_271 = arith.addi %get3A_266, %broadcast_in_dim3A_31 : vector<16xi32>
        %gather3A_272 = tpu.vector_load_idx %arg5[%add3A_271] : memref<40000xi32, #tpu.memory_space<vmem>>[vector<16xi32>], vector<16xi32>,
        %add3A_273 = arith.addi %get3A_270, %broadcast_in_dim3A_31 : vector<16xi32>
        %gather3A_274 = tpu.vector_load_idx %arg5[%add3A_273] : memref<40000xi32, #tpu.memory_space<vmem>>[vector<16xi32>], vector<16xi32>,
        %bitcast3A_275 = vector.bitcast %gather3A_272 : vector<16xi32> to vector<32xbf16>
        %bitcast3A_276 = vector.bitcast %gather3A_274 : vector<16xi32> to vector<32xbf16>
        %sub3A_277 = arith.subf %bitcast3A_275, %bitcast3A_276 : vector<32xbf16>
        %max3A_278 = arith.maximumf %max3A_238, %sub3A_277 : vector<32xbf16>
        %add3A_279 = arith.addi %get3A_266, %broadcast_in_dim3A_33 : vector<16xi32>
        %gather3A_280 = tpu.vector_load_idx %arg5[%add3A_279] : memref<40000xi32, #tpu.memory_space<vmem>>[vector<16xi32>], vector<16xi32>,
        %add3A_281 = arith.addi %get3A_270, %broadcast_in_dim3A_33 : vector<16xi32>
        %gather3A_282 = tpu.vector_load_idx %arg5[%add3A_281] : memref<40000xi32, #tpu.memory_space<vmem>>[vector<16xi32>], vector<16xi32>,
        %bitcast3A_283 = vector.bitcast %gather3A_280 : vector<16xi32> to vector<32xbf16>
        %bitcast3A_284 = vector.bitcast %gather3A_282 : vector<16xi32> to vector<32xbf16>
        %sub3A_285 = arith.subf %bitcast3A_283, %bitcast3A_284 : vector<32xbf16>
        %max3A_286 = arith.maximumf %max3A_246, %sub3A_285 : vector<32xbf16>
        %add3A_287 = arith.addi %get3A_266, %broadcast_in_dim3A_35 : vector<16xi32>
        %gather3A_288 = tpu.vector_load_idx %arg5[%add3A_287] : memref<40000xi32, #tpu.memory_space<vmem>>[vector<16xi32>], vector<16xi32>,
        %add3A_289 = arith.addi %get3A_270, %broadcast_in_dim3A_35 : vector<16xi32>
        %gather3A_290 = tpu.vector_load_idx %arg5[%add3A_289] : memref<40000xi32, #tpu.memory_space<vmem>>[vector<16xi32>], vector<16xi32>,
        %bitcast3A_291 = vector.bitcast %gather3A_288 : vector<16xi32> to vector<32xbf16>
        %bitcast3A_292 = vector.bitcast %gather3A_290 : vector<16xi32> to vector<32xbf16>
        %sub3A_293 = arith.subf %bitcast3A_291, %bitcast3A_292 : vector<32xbf16>
        %max3A_294 = arith.maximumf %max3A_254, %sub3A_293 : vector<32xbf16>
        %add3A_295 = arith.addi %get3A_266, %broadcast_in_dim3A_37 : vector<16xi32>
        %gather3A_296 = tpu.vector_load_idx %arg5[%add3A_295] : memref<40000xi32, #tpu.memory_space<vmem>>[vector<16xi32>], vector<16xi32>,
        %add3A_297 = arith.addi %get3A_270, %broadcast_in_dim3A_37 : vector<16xi32>
        %gather3A_298 = tpu.vector_load_idx %arg5[%add3A_297] : memref<40000xi32, #tpu.memory_space<vmem>>[vector<16xi32>], vector<16xi32>,
        %bitcast3A_299 = vector.bitcast %gather3A_296 : vector<16xi32> to vector<32xbf16>
        %bitcast3A_300 = vector.bitcast %gather3A_298 : vector<16xi32> to vector<32xbf16>
        %sub3A_301 = arith.subf %bitcast3A_299, %bitcast3A_300 : vector<32xbf16>
        %max3A_302 = arith.maximumf %max3A_262, %sub3A_301 : vector<32xbf16>
        %get3A_303 = arith.constant 4 : i32
        %get3A_304 = arith.index_cast %get3A_303 : i32 to index
        %get3A_305 = arith.index_cast %mul3A_150 : i32 to index
        %get3A_306 = tpu.vector_load %arg7[%get3A_304, %get3A_305] {strides = array<i32>} : memref<32x256xi32, #tpu.memory_space<vmem>>, vector<16xi32>,
        %get3A_307 = arith.constant 4 : i32
        %get3A_308 = arith.index_cast %get3A_307 : i32 to index
        %get3A_309 = arith.index_cast %mul3A_150 : i32 to index
        %get3A_310 = tpu.vector_load %arg8[%get3A_308, %get3A_309] {strides = array<i32>} : memref<32x256xi32, #tpu.memory_space<vmem>>, vector<16xi32>,
        %add3A_311 = arith.addi %get3A_306, %broadcast_in_dim3A_31 : vector<16xi32>
        %gather3A_312 = tpu.vector_load_idx %arg5[%add3A_311] : memref<40000xi32, #tpu.memory_space<vmem>>[vector<16xi32>], vector<16xi32>,
        %add3A_313 = arith.addi %get3A_310, %broadcast_in_dim3A_31 : vector<16xi32>
        %gather3A_314 = tpu.vector_load_idx %arg5[%add3A_313] : memref<40000xi32, #tpu.memory_space<vmem>>[vector<16xi32>], vector<16xi32>,
        %bitcast3A_315 = vector.bitcast %gather3A_312 : vector<16xi32> to vector<32xbf16>
        %bitcast3A_316 = vector.bitcast %gather3A_314 : vector<16xi32> to vector<32xbf16>
        %sub3A_317 = arith.subf %bitcast3A_315, %bitcast3A_316 : vector<32xbf16>
        %max3A_318 = arith.maximumf %max3A_278, %sub3A_317 : vector<32xbf16>
        %add3A_319 = arith.addi %get3A_306, %broadcast_in_dim3A_33 : vector<16xi32>
        %gather3A_320 = tpu.vector_load_idx %arg5[%add3A_319] : memref<40000xi32, #tpu.memory_space<vmem>>[vector<16xi32>], vector<16xi32>,
        %add3A_321 = arith.addi %get3A_310, %broadcast_in_dim3A_33 : vector<16xi32>
        %gather3A_322 = tpu.vector_load_idx %arg5[%add3A_321] : memref<40000xi32, #tpu.memory_space<vmem>>[vector<16xi32>], vector<16xi32>,
        %bitcast3A_323 = vector.bitcast %gather3A_320 : vector<16xi32> to vector<32xbf16>
        %bitcast3A_324 = vector.bitcast %gather3A_322 : vector<16xi32> to vector<32xbf16>
        %sub3A_325 = arith.subf %bitcast3A_323, %bitcast3A_324 : vector<32xbf16>
        %max3A_326 = arith.maximumf %max3A_286, %sub3A_325 : vector<32xbf16>
        %add3A_327 = arith.addi %get3A_306, %broadcast_in_dim3A_35 : vector<16xi32>
        %gather3A_328 = tpu.vector_load_idx %arg5[%add3A_327] : memref<40000xi32, #tpu.memory_space<vmem>>[vector<16xi32>], vector<16xi32>,
        %add3A_329 = arith.addi %get3A_310, %broadcast_in_dim3A_35 : vector<16xi32>
        %gather3A_330 = tpu.vector_load_idx %arg5[%add3A_329] : memref<40000xi32, #tpu.memory_space<vmem>>[vector<16xi32>], vector<16xi32>,
        %bitcast3A_331 = vector.bitcast %gather3A_328 : vector<16xi32> to vector<32xbf16>
        %bitcast3A_332 = vector.bitcast %gather3A_330 : vector<16xi32> to vector<32xbf16>
        %sub3A_333 = arith.subf %bitcast3A_331, %bitcast3A_332 : vector<32xbf16>
        %max3A_334 = arith.maximumf %max3A_294, %sub3A_333 : vector<32xbf16>
        %add3A_335 = arith.addi %get3A_306, %broadcast_in_dim3A_37 : vector<16xi32>
        %gather3A_336 = tpu.vector_load_idx %arg5[%add3A_335] : memref<40000xi32, #tpu.memory_space<vmem>>[vector<16xi32>], vector<16xi32>,
        %add3A_337 = arith.addi %get3A_310, %broadcast_in_dim3A_37 : vector<16xi32>
        %gather3A_338 = tpu.vector_load_idx %arg5[%add3A_337] : memref<40000xi32, #tpu.memory_space<vmem>>[vector<16xi32>], vector<16xi32>,
        %bitcast3A_339 = vector.bitcast %gather3A_336 : vector<16xi32> to vector<32xbf16>
        %bitcast3A_340 = vector.bitcast %gather3A_338 : vector<16xi32> to vector<32xbf16>
        %sub3A_341 = arith.subf %bitcast3A_339, %bitcast3A_340 : vector<32xbf16>
        %max3A_342 = arith.maximumf %max3A_302, %sub3A_341 : vector<32xbf16>
        %get3A_343 = arith.constant 5 : i32
        %get3A_344 = arith.index_cast %get3A_343 : i32 to index
        %get3A_345 = arith.index_cast %mul3A_150 : i32 to index
        %get3A_346 = tpu.vector_load %arg7[%get3A_344, %get3A_345] {strides = array<i32>} : memref<32x256xi32, #tpu.memory_space<vmem>>, vector<16xi32>,
        %get3A_347 = arith.constant 5 : i32
        %get3A_348 = arith.index_cast %get3A_347 : i32 to index
        %get3A_349 = arith.index_cast %mul3A_150 : i32 to index
        %get3A_350 = tpu.vector_load %arg8[%get3A_348, %get3A_349] {strides = array<i32>} : memref<32x256xi32, #tpu.memory_space<vmem>>, vector<16xi32>,
        %add3A_351 = arith.addi %get3A_346, %broadcast_in_dim3A_31 : vector<16xi32>
        %gather3A_352 = tpu.vector_load_idx %arg5[%add3A_351] : memref<40000xi32, #tpu.memory_space<vmem>>[vector<16xi32>], vector<16xi32>,
        %add3A_353 = arith.addi %get3A_350, %broadcast_in_dim3A_31 : vector<16xi32>
        %gather3A_354 = tpu.vector_load_idx %arg5[%add3A_353] : memref<40000xi32, #tpu.memory_space<vmem>>[vector<16xi32>], vector<16xi32>,
        %bitcast3A_355 = vector.bitcast %gather3A_352 : vector<16xi32> to vector<32xbf16>
        %bitcast3A_356 = vector.bitcast %gather3A_354 : vector<16xi32> to vector<32xbf16>
        %sub3A_357 = arith.subf %bitcast3A_355, %bitcast3A_356 : vector<32xbf16>
        %max3A_358 = arith.maximumf %max3A_318, %sub3A_357 : vector<32xbf16>
        %add3A_359 = arith.addi %get3A_346, %broadcast_in_dim3A_33 : vector<16xi32>
        %gather3A_360 = tpu.vector_load_idx %arg5[%add3A_359] : memref<40000xi32, #tpu.memory_space<vmem>>[vector<16xi32>], vector<16xi32>,
        %add3A_361 = arith.addi %get3A_350, %broadcast_in_dim3A_33 : vector<16xi32>
        %gather3A_362 = tpu.vector_load_idx %arg5[%add3A_361] : memref<40000xi32, #tpu.memory_space<vmem>>[vector<16xi32>], vector<16xi32>,
        %bitcast3A_363 = vector.bitcast %gather3A_360 : vector<16xi32> to vector<32xbf16>
        %bitcast3A_364 = vector.bitcast %gather3A_362 : vector<16xi32> to vector<32xbf16>
        %sub3A_365 = arith.subf %bitcast3A_363, %bitcast3A_364 : vector<32xbf16>
        %max3A_366 = arith.maximumf %max3A_326, %sub3A_365 : vector<32xbf16>
        %add3A_367 = arith.addi %get3A_346, %broadcast_in_dim3A_35 : vector<16xi32>
        %gather3A_368 = tpu.vector_load_idx %arg5[%add3A_367] : memref<40000xi32, #tpu.memory_space<vmem>>[vector<16xi32>], vector<16xi32>,
        %add3A_369 = arith.addi %get3A_350, %broadcast_in_dim3A_35 : vector<16xi32>
        %gather3A_370 = tpu.vector_load_idx %arg5[%add3A_369] : memref<40000xi32, #tpu.memory_space<vmem>>[vector<16xi32>], vector<16xi32>,
        %bitcast3A_371 = vector.bitcast %gather3A_368 : vector<16xi32> to vector<32xbf16>
        %bitcast3A_372 = vector.bitcast %gather3A_370 : vector<16xi32> to vector<32xbf16>
        %sub3A_373 = arith.subf %bitcast3A_371, %bitcast3A_372 : vector<32xbf16>
        %max3A_374 = arith.maximumf %max3A_334, %sub3A_373 : vector<32xbf16>
        %add3A_375 = arith.addi %get3A_346, %broadcast_in_dim3A_37 : vector<16xi32>
        %gather3A_376 = tpu.vector_load_idx %arg5[%add3A_375] : memref<40000xi32, #tpu.memory_space<vmem>>[vector<16xi32>], vector<16xi32>,
        %add3A_377 = arith.addi %get3A_350, %broadcast_in_dim3A_37 : vector<16xi32>
        %gather3A_378 = tpu.vector_load_idx %arg5[%add3A_377] : memref<40000xi32, #tpu.memory_space<vmem>>[vector<16xi32>], vector<16xi32>,
        %bitcast3A_379 = vector.bitcast %gather3A_376 : vector<16xi32> to vector<32xbf16>
        %bitcast3A_380 = vector.bitcast %gather3A_378 : vector<16xi32> to vector<32xbf16>
        %sub3A_381 = arith.subf %bitcast3A_379, %bitcast3A_380 : vector<32xbf16>
        %max3A_382 = arith.maximumf %max3A_342, %sub3A_381 : vector<32xbf16>
        %get3A_383 = arith.constant 6 : i32
        %get3A_384 = arith.index_cast %get3A_383 : i32 to index
        %get3A_385 = arith.index_cast %mul3A_150 : i32 to index
        %get3A_386 = tpu.vector_load %arg7[%get3A_384, %get3A_385] {strides = array<i32>} : memref<32x256xi32, #tpu.memory_space<vmem>>, vector<16xi32>,
        %get3A_387 = arith.constant 6 : i32
        %get3A_388 = arith.index_cast %get3A_387 : i32 to index
        %get3A_389 = arith.index_cast %mul3A_150 : i32 to index
        %get3A_390 = tpu.vector_load %arg8[%get3A_388, %get3A_389] {strides = array<i32>} : memref<32x256xi32, #tpu.memory_space<vmem>>, vector<16xi32>,
        %add3A_391 = arith.addi %get3A_386, %broadcast_in_dim3A_31 : vector<16xi32>
        %gather3A_392 = tpu.vector_load_idx %arg5[%add3A_391] : memref<40000xi32, #tpu.memory_space<vmem>>[vector<16xi32>], vector<16xi32>,
        %add3A_393 = arith.addi %get3A_390, %broadcast_in_dim3A_31 : vector<16xi32>
        %gather3A_394 = tpu.vector_load_idx %arg5[%add3A_393] : memref<40000xi32, #tpu.memory_space<vmem>>[vector<16xi32>], vector<16xi32>,
        %bitcast3A_395 = vector.bitcast %gather3A_392 : vector<16xi32> to vector<32xbf16>
        %bitcast3A_396 = vector.bitcast %gather3A_394 : vector<16xi32> to vector<32xbf16>
        %sub3A_397 = arith.subf %bitcast3A_395, %bitcast3A_396 : vector<32xbf16>
        %max3A_398 = arith.maximumf %max3A_358, %sub3A_397 : vector<32xbf16>
        %add3A_399 = arith.addi %get3A_386, %broadcast_in_dim3A_33 : vector<16xi32>
        %gather3A_400 = tpu.vector_load_idx %arg5[%add3A_399] : memref<40000xi32, #tpu.memory_space<vmem>>[vector<16xi32>], vector<16xi32>,
        %add3A_401 = arith.addi %get3A_390, %broadcast_in_dim3A_33 : vector<16xi32>
        %gather3A_402 = tpu.vector_load_idx %arg5[%add3A_401] : memref<40000xi32, #tpu.memory_space<vmem>>[vector<16xi32>], vector<16xi32>,
        %bitcast3A_403 = vector.bitcast %gather3A_400 : vector<16xi32> to vector<32xbf16>
        %bitcast3A_404 = vector.bitcast %gather3A_402 : vector<16xi32> to vector<32xbf16>
        %sub3A_405 = arith.subf %bitcast3A_403, %bitcast3A_404 : vector<32xbf16>
        %max3A_406 = arith.maximumf %max3A_366, %sub3A_405 : vector<32xbf16>
        %add3A_407 = arith.addi %get3A_386, %broadcast_in_dim3A_35 : vector<16xi32>
        %gather3A_408 = tpu.vector_load_idx %arg5[%add3A_407] : memref<40000xi32, #tpu.memory_space<vmem>>[vector<16xi32>], vector<16xi32>,
        %add3A_409 = arith.addi %get3A_390, %broadcast_in_dim3A_35 : vector<16xi32>
        %gather3A_410 = tpu.vector_load_idx %arg5[%add3A_409] : memref<40000xi32, #tpu.memory_space<vmem>>[vector<16xi32>], vector<16xi32>,
        %bitcast3A_411 = vector.bitcast %gather3A_408 : vector<16xi32> to vector<32xbf16>
        %bitcast3A_412 = vector.bitcast %gather3A_410 : vector<16xi32> to vector<32xbf16>
        %sub3A_413 = arith.subf %bitcast3A_411, %bitcast3A_412 : vector<32xbf16>
        %max3A_414 = arith.maximumf %max3A_374, %sub3A_413 : vector<32xbf16>
        %add3A_415 = arith.addi %get3A_386, %broadcast_in_dim3A_37 : vector<16xi32>
        %gather3A_416 = tpu.vector_load_idx %arg5[%add3A_415] : memref<40000xi32, #tpu.memory_space<vmem>>[vector<16xi32>], vector<16xi32>,
        %add3A_417 = arith.addi %get3A_390, %broadcast_in_dim3A_37 : vector<16xi32>
        %gather3A_418 = tpu.vector_load_idx %arg5[%add3A_417] : memref<40000xi32, #tpu.memory_space<vmem>>[vector<16xi32>], vector<16xi32>,
        %bitcast3A_419 = vector.bitcast %gather3A_416 : vector<16xi32> to vector<32xbf16>
        %bitcast3A_420 = vector.bitcast %gather3A_418 : vector<16xi32> to vector<32xbf16>
        %sub3A_421 = arith.subf %bitcast3A_419, %bitcast3A_420 : vector<32xbf16>
        %max3A_422 = arith.maximumf %max3A_382, %sub3A_421 : vector<32xbf16>
        %get3A_423 = arith.constant 7 : i32
        %get3A_424 = arith.index_cast %get3A_423 : i32 to index
        %get3A_425 = arith.index_cast %mul3A_150 : i32 to index
        %get3A_426 = tpu.vector_load %arg7[%get3A_424, %get3A_425] {strides = array<i32>} : memref<32x256xi32, #tpu.memory_space<vmem>>, vector<16xi32>,
        %get3A_427 = arith.constant 7 : i32
        %get3A_428 = arith.index_cast %get3A_427 : i32 to index
        %get3A_429 = arith.index_cast %mul3A_150 : i32 to index
        %get3A_430 = tpu.vector_load %arg8[%get3A_428, %get3A_429] {strides = array<i32>} : memref<32x256xi32, #tpu.memory_space<vmem>>, vector<16xi32>,
        %add3A_431 = arith.addi %get3A_426, %broadcast_in_dim3A_31 : vector<16xi32>
        %gather3A_432 = tpu.vector_load_idx %arg5[%add3A_431] : memref<40000xi32, #tpu.memory_space<vmem>>[vector<16xi32>], vector<16xi32>,
        %add3A_433 = arith.addi %get3A_430, %broadcast_in_dim3A_31 : vector<16xi32>
        %gather3A_434 = tpu.vector_load_idx %arg5[%add3A_433] : memref<40000xi32, #tpu.memory_space<vmem>>[vector<16xi32>], vector<16xi32>,
        %bitcast3A_435 = vector.bitcast %gather3A_432 : vector<16xi32> to vector<32xbf16>
        %bitcast3A_436 = vector.bitcast %gather3A_434 : vector<16xi32> to vector<32xbf16>
        %sub3A_437 = arith.subf %bitcast3A_435, %bitcast3A_436 : vector<32xbf16>
        %max3A_438 = arith.maximumf %max3A_398, %sub3A_437 : vector<32xbf16>
        %add3A_439 = arith.addi %get3A_426, %broadcast_in_dim3A_33 : vector<16xi32>
        %gather3A_440 = tpu.vector_load_idx %arg5[%add3A_439] : memref<40000xi32, #tpu.memory_space<vmem>>[vector<16xi32>], vector<16xi32>,
        %add3A_441 = arith.addi %get3A_430, %broadcast_in_dim3A_33 : vector<16xi32>
        %gather3A_442 = tpu.vector_load_idx %arg5[%add3A_441] : memref<40000xi32, #tpu.memory_space<vmem>>[vector<16xi32>], vector<16xi32>,
        %bitcast3A_443 = vector.bitcast %gather3A_440 : vector<16xi32> to vector<32xbf16>
        %bitcast3A_444 = vector.bitcast %gather3A_442 : vector<16xi32> to vector<32xbf16>
        %sub3A_445 = arith.subf %bitcast3A_443, %bitcast3A_444 : vector<32xbf16>
        %max3A_446 = arith.maximumf %max3A_406, %sub3A_445 : vector<32xbf16>
        %add3A_447 = arith.addi %get3A_426, %broadcast_in_dim3A_35 : vector<16xi32>
        %gather3A_448 = tpu.vector_load_idx %arg5[%add3A_447] : memref<40000xi32, #tpu.memory_space<vmem>>[vector<16xi32>], vector<16xi32>,
        %add3A_449 = arith.addi %get3A_430, %broadcast_in_dim3A_35 : vector<16xi32>
        %gather3A_450 = tpu.vector_load_idx %arg5[%add3A_449] : memref<40000xi32, #tpu.memory_space<vmem>>[vector<16xi32>], vector<16xi32>,
        %bitcast3A_451 = vector.bitcast %gather3A_448 : vector<16xi32> to vector<32xbf16>
        %bitcast3A_452 = vector.bitcast %gather3A_450 : vector<16xi32> to vector<32xbf16>
        %sub3A_453 = arith.subf %bitcast3A_451, %bitcast3A_452 : vector<32xbf16>
        %max3A_454 = arith.maximumf %max3A_414, %sub3A_453 : vector<32xbf16>
        %add3A_455 = arith.addi %get3A_426, %broadcast_in_dim3A_37 : vector<16xi32>
        %gather3A_456 = tpu.vector_load_idx %arg5[%add3A_455] : memref<40000xi32, #tpu.memory_space<vmem>>[vector<16xi32>], vector<16xi32>,
        %add3A_457 = arith.addi %get3A_430, %broadcast_in_dim3A_37 : vector<16xi32>
        %gather3A_458 = tpu.vector_load_idx %arg5[%add3A_457] : memref<40000xi32, #tpu.memory_space<vmem>>[vector<16xi32>], vector<16xi32>,
        %bitcast3A_459 = vector.bitcast %gather3A_456 : vector<16xi32> to vector<32xbf16>
        %bitcast3A_460 = vector.bitcast %gather3A_458 : vector<16xi32> to vector<32xbf16>
        %sub3A_461 = arith.subf %bitcast3A_459, %bitcast3A_460 : vector<32xbf16>
        %max3A_462 = arith.maximumf %max3A_422, %sub3A_461 : vector<32xbf16>
        %get3A_463 = arith.constant 8 : i32
        %get3A_464 = arith.index_cast %get3A_463 : i32 to index
        %get3A_465 = arith.index_cast %mul3A_150 : i32 to index
        %get3A_466 = tpu.vector_load %arg7[%get3A_464, %get3A_465] {strides = array<i32>} : memref<32x256xi32, #tpu.memory_space<vmem>>, vector<16xi32>,
        %get3A_467 = arith.constant 8 : i32
        %get3A_468 = arith.index_cast %get3A_467 : i32 to index
        %get3A_469 = arith.index_cast %mul3A_150 : i32 to index
        %get3A_470 = tpu.vector_load %arg8[%get3A_468, %get3A_469] {strides = array<i32>} : memref<32x256xi32, #tpu.memory_space<vmem>>, vector<16xi32>,
        %add3A_471 = arith.addi %get3A_466, %broadcast_in_dim3A_31 : vector<16xi32>
        %gather3A_472 = tpu.vector_load_idx %arg5[%add3A_471] : memref<40000xi32, #tpu.memory_space<vmem>>[vector<16xi32>], vector<16xi32>,
        %add3A_473 = arith.addi %get3A_470, %broadcast_in_dim3A_31 : vector<16xi32>
        %gather3A_474 = tpu.vector_load_idx %arg5[%add3A_473] : memref<40000xi32, #tpu.memory_space<vmem>>[vector<16xi32>], vector<16xi32>,
        %bitcast3A_475 = vector.bitcast %gather3A_472 : vector<16xi32> to vector<32xbf16>
        %bitcast3A_476 = vector.bitcast %gather3A_474 : vector<16xi32> to vector<32xbf16>
        %sub3A_477 = arith.subf %bitcast3A_475, %bitcast3A_476 : vector<32xbf16>
        %max3A_478 = arith.maximumf %max3A_438, %sub3A_477 : vector<32xbf16>
        %add3A_479 = arith.addi %get3A_466, %broadcast_in_dim3A_33 : vector<16xi32>
        %gather3A_480 = tpu.vector_load_idx %arg5[%add3A_479] : memref<40000xi32, #tpu.memory_space<vmem>>[vector<16xi32>], vector<16xi32>,
        %add3A_481 = arith.addi %get3A_470, %broadcast_in_dim3A_33 : vector<16xi32>
        %gather3A_482 = tpu.vector_load_idx %arg5[%add3A_481] : memref<40000xi32, #tpu.memory_space<vmem>>[vector<16xi32>], vector<16xi32>,
        %bitcast3A_483 = vector.bitcast %gather3A_480 : vector<16xi32> to vector<32xbf16>
        %bitcast3A_484 = vector.bitcast %gather3A_482 : vector<16xi32> to vector<32xbf16>
        %sub3A_485 = arith.subf %bitcast3A_483, %bitcast3A_484 : vector<32xbf16>
        %max3A_486 = arith.maximumf %max3A_446, %sub3A_485 : vector<32xbf16>
        %add3A_487 = arith.addi %get3A_466, %broadcast_in_dim3A_35 : vector<16xi32>
        %gather3A_488 = tpu.vector_load_idx %arg5[%add3A_487] : memref<40000xi32, #tpu.memory_space<vmem>>[vector<16xi32>], vector<16xi32>,
        %add3A_489 = arith.addi %get3A_470, %broadcast_in_dim3A_35 : vector<16xi32>
        %gather3A_490 = tpu.vector_load_idx %arg5[%add3A_489] : memref<40000xi32, #tpu.memory_space<vmem>>[vector<16xi32>], vector<16xi32>,
        %bitcast3A_491 = vector.bitcast %gather3A_488 : vector<16xi32> to vector<32xbf16>
        %bitcast3A_492 = vector.bitcast %gather3A_490 : vector<16xi32> to vector<32xbf16>
        %sub3A_493 = arith.subf %bitcast3A_491, %bitcast3A_492 : vector<32xbf16>
        %max3A_494 = arith.maximumf %max3A_454, %sub3A_493 : vector<32xbf16>
        %add3A_495 = arith.addi %get3A_466, %broadcast_in_dim3A_37 : vector<16xi32>
        %gather3A_496 = tpu.vector_load_idx %arg5[%add3A_495] : memref<40000xi32, #tpu.memory_space<vmem>>[vector<16xi32>], vector<16xi32>,
        %add3A_497 = arith.addi %get3A_470, %broadcast_in_dim3A_37 : vector<16xi32>
        %gather3A_498 = tpu.vector_load_idx %arg5[%add3A_497] : memref<40000xi32, #tpu.memory_space<vmem>>[vector<16xi32>], vector<16xi32>,
        %bitcast3A_499 = vector.bitcast %gather3A_496 : vector<16xi32> to vector<32xbf16>
        %bitcast3A_500 = vector.bitcast %gather3A_498 : vector<16xi32> to vector<32xbf16>
        %sub3A_501 = arith.subf %bitcast3A_499, %bitcast3A_500 : vector<32xbf16>
        %max3A_502 = arith.maximumf %max3A_462, %sub3A_501 : vector<32xbf16>
        %get3A_503 = arith.constant 9 : i32
        %get3A_504 = arith.index_cast %get3A_503 : i32 to index
        %get3A_505 = arith.index_cast %mul3A_150 : i32 to index
        %get3A_506 = tpu.vector_load %arg7[%get3A_504, %get3A_505] {strides = array<i32>} : memref<32x256xi32, #tpu.memory_space<vmem>>, vector<16xi32>,
        %get3A_507 = arith.constant 9 : i32
        %get3A_508 = arith.index_cast %get3A_507 : i32 to index
        %get3A_509 = arith.index_cast %mul3A_150 : i32 to index
        %get3A_510 = tpu.vector_load %arg8[%get3A_508, %get3A_509] {strides = array<i32>} : memref<32x256xi32, #tpu.memory_space<vmem>>, vector<16xi32>,
        %add3A_511 = arith.addi %get3A_506, %broadcast_in_dim3A_31 : vector<16xi32>
        %gather3A_512 = tpu.vector_load_idx %arg5[%add3A_511] : memref<40000xi32, #tpu.memory_space<vmem>>[vector<16xi32>], vector<16xi32>,
        %add3A_513 = arith.addi %get3A_510, %broadcast_in_dim3A_31 : vector<16xi32>
        %gather3A_514 = tpu.vector_load_idx %arg5[%add3A_513] : memref<40000xi32, #tpu.memory_space<vmem>>[vector<16xi32>], vector<16xi32>,
        %bitcast3A_515 = vector.bitcast %gather3A_512 : vector<16xi32> to vector<32xbf16>
        %bitcast3A_516 = vector.bitcast %gather3A_514 : vector<16xi32> to vector<32xbf16>
        %sub3A_517 = arith.subf %bitcast3A_515, %bitcast3A_516 : vector<32xbf16>
        %max3A_518 = arith.maximumf %max3A_478, %sub3A_517 : vector<32xbf16>
        %add3A_519 = arith.addi %get3A_506, %broadcast_in_dim3A_33 : vector<16xi32>
        %gather3A_520 = tpu.vector_load_idx %arg5[%add3A_519] : memref<40000xi32, #tpu.memory_space<vmem>>[vector<16xi32>], vector<16xi32>,
        %add3A_521 = arith.addi %get3A_510, %broadcast_in_dim3A_33 : vector<16xi32>
        %gather3A_522 = tpu.vector_load_idx %arg5[%add3A_521] : memref<40000xi32, #tpu.memory_space<vmem>>[vector<16xi32>], vector<16xi32>,
        %bitcast3A_523 = vector.bitcast %gather3A_520 : vector<16xi32> to vector<32xbf16>
        %bitcast3A_524 = vector.bitcast %gather3A_522 : vector<16xi32> to vector<32xbf16>
        %sub3A_525 = arith.subf %bitcast3A_523, %bitcast3A_524 : vector<32xbf16>
        %max3A_526 = arith.maximumf %max3A_486, %sub3A_525 : vector<32xbf16>
        %add3A_527 = arith.addi %get3A_506, %broadcast_in_dim3A_35 : vector<16xi32>
        %gather3A_528 = tpu.vector_load_idx %arg5[%add3A_527] : memref<40000xi32, #tpu.memory_space<vmem>>[vector<16xi32>], vector<16xi32>,
        %add3A_529 = arith.addi %get3A_510, %broadcast_in_dim3A_35 : vector<16xi32>
        %gather3A_530 = tpu.vector_load_idx %arg5[%add3A_529] : memref<40000xi32, #tpu.memory_space<vmem>>[vector<16xi32>], vector<16xi32>,
        %bitcast3A_531 = vector.bitcast %gather3A_528 : vector<16xi32> to vector<32xbf16>
        %bitcast3A_532 = vector.bitcast %gather3A_530 : vector<16xi32> to vector<32xbf16>
        %sub3A_533 = arith.subf %bitcast3A_531, %bitcast3A_532 : vector<32xbf16>
        %max3A_534 = arith.maximumf %max3A_494, %sub3A_533 : vector<32xbf16>
        %add3A_535 = arith.addi %get3A_506, %broadcast_in_dim3A_37 : vector<16xi32>
        %gather3A_536 = tpu.vector_load_idx %arg5[%add3A_535] : memref<40000xi32, #tpu.memory_space<vmem>>[vector<16xi32>], vector<16xi32>,
        %add3A_537 = arith.addi %get3A_510, %broadcast_in_dim3A_37 : vector<16xi32>
        %gather3A_538 = tpu.vector_load_idx %arg5[%add3A_537] : memref<40000xi32, #tpu.memory_space<vmem>>[vector<16xi32>], vector<16xi32>,
        %bitcast3A_539 = vector.bitcast %gather3A_536 : vector<16xi32> to vector<32xbf16>
        %bitcast3A_540 = vector.bitcast %gather3A_538 : vector<16xi32> to vector<32xbf16>
        %sub3A_541 = arith.subf %bitcast3A_539, %bitcast3A_540 : vector<32xbf16>
        %max3A_542 = arith.maximumf %max3A_502, %sub3A_541 : vector<32xbf16>
        %get3A_543 = arith.constant 10 : i32
        %get3A_544 = arith.index_cast %get3A_543 : i32 to index
        %get3A_545 = arith.index_cast %mul3A_150 : i32 to index
        %get3A_546 = tpu.vector_load %arg7[%get3A_544, %get3A_545] {strides = array<i32>} : memref<32x256xi32, #tpu.memory_space<vmem>>, vector<16xi32>,
        %get3A_547 = arith.constant 10 : i32
        %get3A_548 = arith.index_cast %get3A_547 : i32 to index
        %get3A_549 = arith.index_cast %mul3A_150 : i32 to index
        %get3A_550 = tpu.vector_load %arg8[%get3A_548, %get3A_549] {strides = array<i32>} : memref<32x256xi32, #tpu.memory_space<vmem>>, vector<16xi32>,
        %add3A_551 = arith.addi %get3A_546, %broadcast_in_dim3A_31 : vector<16xi32>
        %gather3A_552 = tpu.vector_load_idx %arg5[%add3A_551] : memref<40000xi32, #tpu.memory_space<vmem>>[vector<16xi32>], vector<16xi32>,
        %add3A_553 = arith.addi %get3A_550, %broadcast_in_dim3A_31 : vector<16xi32>
        %gather3A_554 = tpu.vector_load_idx %arg5[%add3A_553] : memref<40000xi32, #tpu.memory_space<vmem>>[vector<16xi32>], vector<16xi32>,
        %bitcast3A_555 = vector.bitcast %gather3A_552 : vector<16xi32> to vector<32xbf16>
        %bitcast3A_556 = vector.bitcast %gather3A_554 : vector<16xi32> to vector<32xbf16>
        %sub3A_557 = arith.subf %bitcast3A_555, %bitcast3A_556 : vector<32xbf16>
        %max3A_558 = arith.maximumf %max3A_518, %sub3A_557 : vector<32xbf16>
        %add3A_559 = arith.addi %get3A_546, %broadcast_in_dim3A_33 : vector<16xi32>
        %gather3A_560 = tpu.vector_load_idx %arg5[%add3A_559] : memref<40000xi32, #tpu.memory_space<vmem>>[vector<16xi32>], vector<16xi32>,
        %add3A_561 = arith.addi %get3A_550, %broadcast_in_dim3A_33 : vector<16xi32>
        %gather3A_562 = tpu.vector_load_idx %arg5[%add3A_561] : memref<40000xi32, #tpu.memory_space<vmem>>[vector<16xi32>], vector<16xi32>,
        %bitcast3A_563 = vector.bitcast %gather3A_560 : vector<16xi32> to vector<32xbf16>
        %bitcast3A_564 = vector.bitcast %gather3A_562 : vector<16xi32> to vector<32xbf16>
        %sub3A_565 = arith.subf %bitcast3A_563, %bitcast3A_564 : vector<32xbf16>
        %max3A_566 = arith.maximumf %max3A_526, %sub3A_565 : vector<32xbf16>
        %add3A_567 = arith.addi %get3A_546, %broadcast_in_dim3A_35 : vector<16xi32>
        %gather3A_568 = tpu.vector_load_idx %arg5[%add3A_567] : memref<40000xi32, #tpu.memory_space<vmem>>[vector<16xi32>], vector<16xi32>,
        %add3A_569 = arith.addi %get3A_550, %broadcast_in_dim3A_35 : vector<16xi32>
        %gather3A_570 = tpu.vector_load_idx %arg5[%add3A_569] : memref<40000xi32, #tpu.memory_space<vmem>>[vector<16xi32>], vector<16xi32>,
        %bitcast3A_571 = vector.bitcast %gather3A_568 : vector<16xi32> to vector<32xbf16>
        %bitcast3A_572 = vector.bitcast %gather3A_570 : vector<16xi32> to vector<32xbf16>
        %sub3A_573 = arith.subf %bitcast3A_571, %bitcast3A_572 : vector<32xbf16>
        %max3A_574 = arith.maximumf %max3A_534, %sub3A_573 : vector<32xbf16>
        %add3A_575 = arith.addi %get3A_546, %broadcast_in_dim3A_37 : vector<16xi32>
        %gather3A_576 = tpu.vector_load_idx %arg5[%add3A_575] : memref<40000xi32, #tpu.memory_space<vmem>>[vector<16xi32>], vector<16xi32>,
        %add3A_577 = arith.addi %get3A_550, %broadcast_in_dim3A_37 : vector<16xi32>
        %gather3A_578 = tpu.vector_load_idx %arg5[%add3A_577] : memref<40000xi32, #tpu.memory_space<vmem>>[vector<16xi32>], vector<16xi32>,
        %bitcast3A_579 = vector.bitcast %gather3A_576 : vector<16xi32> to vector<32xbf16>
        %bitcast3A_580 = vector.bitcast %gather3A_578 : vector<16xi32> to vector<32xbf16>
        %sub3A_581 = arith.subf %bitcast3A_579, %bitcast3A_580 : vector<32xbf16>
        %max3A_582 = arith.maximumf %max3A_542, %sub3A_581 : vector<32xbf16>
        %get3A_583 = arith.constant 11 : i32
        %get3A_584 = arith.index_cast %get3A_583 : i32 to index
        %get3A_585 = arith.index_cast %mul3A_150 : i32 to index
        %get3A_586 = tpu.vector_load %arg7[%get3A_584, %get3A_585] {strides = array<i32>} : memref<32x256xi32, #tpu.memory_space<vmem>>, vector<16xi32>,
        %get3A_587 = arith.constant 11 : i32
        %get3A_588 = arith.index_cast %get3A_587 : i32 to index
        %get3A_589 = arith.index_cast %mul3A_150 : i32 to index
        %get3A_590 = tpu.vector_load %arg8[%get3A_588, %get3A_589] {strides = array<i32>} : memref<32x256xi32, #tpu.memory_space<vmem>>, vector<16xi32>,
        %add3A_591 = arith.addi %get3A_586, %broadcast_in_dim3A_31 : vector<16xi32>
        %gather3A_592 = tpu.vector_load_idx %arg5[%add3A_591] : memref<40000xi32, #tpu.memory_space<vmem>>[vector<16xi32>], vector<16xi32>,
        %add3A_593 = arith.addi %get3A_590, %broadcast_in_dim3A_31 : vector<16xi32>
        %gather3A_594 = tpu.vector_load_idx %arg5[%add3A_593] : memref<40000xi32, #tpu.memory_space<vmem>>[vector<16xi32>], vector<16xi32>,
        %bitcast3A_595 = vector.bitcast %gather3A_592 : vector<16xi32> to vector<32xbf16>
        %bitcast3A_596 = vector.bitcast %gather3A_594 : vector<16xi32> to vector<32xbf16>
        %sub3A_597 = arith.subf %bitcast3A_595, %bitcast3A_596 : vector<32xbf16>
        %max3A_598 = arith.maximumf %max3A_558, %sub3A_597 : vector<32xbf16>
        %add3A_599 = arith.addi %get3A_586, %broadcast_in_dim3A_33 : vector<16xi32>
        %gather3A_600 = tpu.vector_load_idx %arg5[%add3A_599] : memref<40000xi32, #tpu.memory_space<vmem>>[vector<16xi32>], vector<16xi32>,
        %add3A_601 = arith.addi %get3A_590, %broadcast_in_dim3A_33 : vector<16xi32>
        %gather3A_602 = tpu.vector_load_idx %arg5[%add3A_601] : memref<40000xi32, #tpu.memory_space<vmem>>[vector<16xi32>], vector<16xi32>,
        %bitcast3A_603 = vector.bitcast %gather3A_600 : vector<16xi32> to vector<32xbf16>
        %bitcast3A_604 = vector.bitcast %gather3A_602 : vector<16xi32> to vector<32xbf16>
        %sub3A_605 = arith.subf %bitcast3A_603, %bitcast3A_604 : vector<32xbf16>
        %max3A_606 = arith.maximumf %max3A_566, %sub3A_605 : vector<32xbf16>
        %add3A_607 = arith.addi %get3A_586, %broadcast_in_dim3A_35 : vector<16xi32>
        %gather3A_608 = tpu.vector_load_idx %arg5[%add3A_607] : memref<40000xi32, #tpu.memory_space<vmem>>[vector<16xi32>], vector<16xi32>,
        %add3A_609 = arith.addi %get3A_590, %broadcast_in_dim3A_35 : vector<16xi32>
        %gather3A_610 = tpu.vector_load_idx %arg5[%add3A_609] : memref<40000xi32, #tpu.memory_space<vmem>>[vector<16xi32>], vector<16xi32>,
        %bitcast3A_611 = vector.bitcast %gather3A_608 : vector<16xi32> to vector<32xbf16>
        %bitcast3A_612 = vector.bitcast %gather3A_610 : vector<16xi32> to vector<32xbf16>
        %sub3A_613 = arith.subf %bitcast3A_611, %bitcast3A_612 : vector<32xbf16>
        %max3A_614 = arith.maximumf %max3A_574, %sub3A_613 : vector<32xbf16>
        %add3A_615 = arith.addi %get3A_586, %broadcast_in_dim3A_37 : vector<16xi32>
        %gather3A_616 = tpu.vector_load_idx %arg5[%add3A_615] : memref<40000xi32, #tpu.memory_space<vmem>>[vector<16xi32>], vector<16xi32>,
        %add3A_617 = arith.addi %get3A_590, %broadcast_in_dim3A_37 : vector<16xi32>
        %gather3A_618 = tpu.vector_load_idx %arg5[%add3A_617] : memref<40000xi32, #tpu.memory_space<vmem>>[vector<16xi32>], vector<16xi32>,
        %bitcast3A_619 = vector.bitcast %gather3A_616 : vector<16xi32> to vector<32xbf16>
        %bitcast3A_620 = vector.bitcast %gather3A_618 : vector<16xi32> to vector<32xbf16>
        %sub3A_621 = arith.subf %bitcast3A_619, %bitcast3A_620 : vector<32xbf16>
        %max3A_622 = arith.maximumf %max3A_582, %sub3A_621 : vector<32xbf16>
        %get3A_623 = arith.constant 12 : i32
        %get3A_624 = arith.index_cast %get3A_623 : i32 to index
        %get3A_625 = arith.index_cast %mul3A_150 : i32 to index
        %get3A_626 = tpu.vector_load %arg7[%get3A_624, %get3A_625] {strides = array<i32>} : memref<32x256xi32, #tpu.memory_space<vmem>>, vector<16xi32>,
        %get3A_627 = arith.constant 12 : i32
        %get3A_628 = arith.index_cast %get3A_627 : i32 to index
        %get3A_629 = arith.index_cast %mul3A_150 : i32 to index
        %get3A_630 = tpu.vector_load %arg8[%get3A_628, %get3A_629] {strides = array<i32>} : memref<32x256xi32, #tpu.memory_space<vmem>>, vector<16xi32>,
        %add3A_631 = arith.addi %get3A_626, %broadcast_in_dim3A_31 : vector<16xi32>
        %gather3A_632 = tpu.vector_load_idx %arg5[%add3A_631] : memref<40000xi32, #tpu.memory_space<vmem>>[vector<16xi32>], vector<16xi32>,
        %add3A_633 = arith.addi %get3A_630, %broadcast_in_dim3A_31 : vector<16xi32>
        %gather3A_634 = tpu.vector_load_idx %arg5[%add3A_633] : memref<40000xi32, #tpu.memory_space<vmem>>[vector<16xi32>], vector<16xi32>,
        %bitcast3A_635 = vector.bitcast %gather3A_632 : vector<16xi32> to vector<32xbf16>
        %bitcast3A_636 = vector.bitcast %gather3A_634 : vector<16xi32> to vector<32xbf16>
        %sub3A_637 = arith.subf %bitcast3A_635, %bitcast3A_636 : vector<32xbf16>
        %max3A_638 = arith.maximumf %max3A_598, %sub3A_637 : vector<32xbf16>
        %add3A_639 = arith.addi %get3A_626, %broadcast_in_dim3A_33 : vector<16xi32>
        %gather3A_640 = tpu.vector_load_idx %arg5[%add3A_639] : memref<40000xi32, #tpu.memory_space<vmem>>[vector<16xi32>], vector<16xi32>,
        %add3A_641 = arith.addi %get3A_630, %broadcast_in_dim3A_33 : vector<16xi32>
        %gather3A_642 = tpu.vector_load_idx %arg5[%add3A_641] : memref<40000xi32, #tpu.memory_space<vmem>>[vector<16xi32>], vector<16xi32>,
        %bitcast3A_643 = vector.bitcast %gather3A_640 : vector<16xi32> to vector<32xbf16>
        %bitcast3A_644 = vector.bitcast %gather3A_642 : vector<16xi32> to vector<32xbf16>
        %sub3A_645 = arith.subf %bitcast3A_643, %bitcast3A_644 : vector<32xbf16>
        %max3A_646 = arith.maximumf %max3A_606, %sub3A_645 : vector<32xbf16>
        %add3A_647 = arith.addi %get3A_626, %broadcast_in_dim3A_35 : vector<16xi32>
        %gather3A_648 = tpu.vector_load_idx %arg5[%add3A_647] : memref<40000xi32, #tpu.memory_space<vmem>>[vector<16xi32>], vector<16xi32>,
        %add3A_649 = arith.addi %get3A_630, %broadcast_in_dim3A_35 : vector<16xi32>
        %gather3A_650 = tpu.vector_load_idx %arg5[%add3A_649] : memref<40000xi32, #tpu.memory_space<vmem>>[vector<16xi32>], vector<16xi32>,
        %bitcast3A_651 = vector.bitcast %gather3A_648 : vector<16xi32> to vector<32xbf16>
        %bitcast3A_652 = vector.bitcast %gather3A_650 : vector<16xi32> to vector<32xbf16>
        %sub3A_653 = arith.subf %bitcast3A_651, %bitcast3A_652 : vector<32xbf16>
        %max3A_654 = arith.maximumf %max3A_614, %sub3A_653 : vector<32xbf16>
        %add3A_655 = arith.addi %get3A_626, %broadcast_in_dim3A_37 : vector<16xi32>
        %gather3A_656 = tpu.vector_load_idx %arg5[%add3A_655] : memref<40000xi32, #tpu.memory_space<vmem>>[vector<16xi32>], vector<16xi32>,
        %add3A_657 = arith.addi %get3A_630, %broadcast_in_dim3A_37 : vector<16xi32>
        %gather3A_658 = tpu.vector_load_idx %arg5[%add3A_657] : memref<40000xi32, #tpu.memory_space<vmem>>[vector<16xi32>], vector<16xi32>,
        %bitcast3A_659 = vector.bitcast %gather3A_656 : vector<16xi32> to vector<32xbf16>
        %bitcast3A_660 = vector.bitcast %gather3A_658 : vector<16xi32> to vector<32xbf16>
        %sub3A_661 = arith.subf %bitcast3A_659, %bitcast3A_660 : vector<32xbf16>
        %max3A_662 = arith.maximumf %max3A_622, %sub3A_661 : vector<32xbf16>
        %get3A_663 = arith.constant 13 : i32
        %get3A_664 = arith.index_cast %get3A_663 : i32 to index
        %get3A_665 = arith.index_cast %mul3A_150 : i32 to index
        %get3A_666 = tpu.vector_load %arg7[%get3A_664, %get3A_665] {strides = array<i32>} : memref<32x256xi32, #tpu.memory_space<vmem>>, vector<16xi32>,
        %get3A_667 = arith.constant 13 : i32
        %get3A_668 = arith.index_cast %get3A_667 : i32 to index
        %get3A_669 = arith.index_cast %mul3A_150 : i32 to index
        %get3A_670 = tpu.vector_load %arg8[%get3A_668, %get3A_669] {strides = array<i32>} : memref<32x256xi32, #tpu.memory_space<vmem>>, vector<16xi32>,
        %add3A_671 = arith.addi %get3A_666, %broadcast_in_dim3A_31 : vector<16xi32>
        %gather3A_672 = tpu.vector_load_idx %arg5[%add3A_671] : memref<40000xi32, #tpu.memory_space<vmem>>[vector<16xi32>], vector<16xi32>,
        %add3A_673 = arith.addi %get3A_670, %broadcast_in_dim3A_31 : vector<16xi32>
        %gather3A_674 = tpu.vector_load_idx %arg5[%add3A_673] : memref<40000xi32, #tpu.memory_space<vmem>>[vector<16xi32>], vector<16xi32>,
        %bitcast3A_675 = vector.bitcast %gather3A_672 : vector<16xi32> to vector<32xbf16>
        %bitcast3A_676 = vector.bitcast %gather3A_674 : vector<16xi32> to vector<32xbf16>
        %sub3A_677 = arith.subf %bitcast3A_675, %bitcast3A_676 : vector<32xbf16>
        %max3A_678 = arith.maximumf %max3A_638, %sub3A_677 : vector<32xbf16>
        %add3A_679 = arith.addi %get3A_666, %broadcast_in_dim3A_33 : vector<16xi32>
        %gather3A_680 = tpu.vector_load_idx %arg5[%add3A_679] : memref<40000xi32, #tpu.memory_space<vmem>>[vector<16xi32>], vector<16xi32>,
        %add3A_681 = arith.addi %get3A_670, %broadcast_in_dim3A_33 : vector<16xi32>
        %gather3A_682 = tpu.vector_load_idx %arg5[%add3A_681] : memref<40000xi32, #tpu.memory_space<vmem>>[vector<16xi32>], vector<16xi32>,
        %bitcast3A_683 = vector.bitcast %gather3A_680 : vector<16xi32> to vector<32xbf16>
        %bitcast3A_684 = vector.bitcast %gather3A_682 : vector<16xi32> to vector<32xbf16>
        %sub3A_685 = arith.subf %bitcast3A_683, %bitcast3A_684 : vector<32xbf16>
        %max3A_686 = arith.maximumf %max3A_646, %sub3A_685 : vector<32xbf16>
        %add3A_687 = arith.addi %get3A_666, %broadcast_in_dim3A_35 : vector<16xi32>
        %gather3A_688 = tpu.vector_load_idx %arg5[%add3A_687] : memref<40000xi32, #tpu.memory_space<vmem>>[vector<16xi32>], vector<16xi32>,
        %add3A_689 = arith.addi %get3A_670, %broadcast_in_dim3A_35 : vector<16xi32>
        %gather3A_690 = tpu.vector_load_idx %arg5[%add3A_689] : memref<40000xi32, #tpu.memory_space<vmem>>[vector<16xi32>], vector<16xi32>,
        %bitcast3A_691 = vector.bitcast %gather3A_688 : vector<16xi32> to vector<32xbf16>
        %bitcast3A_692 = vector.bitcast %gather3A_690 : vector<16xi32> to vector<32xbf16>
        %sub3A_693 = arith.subf %bitcast3A_691, %bitcast3A_692 : vector<32xbf16>
        %max3A_694 = arith.maximumf %max3A_654, %sub3A_693 : vector<32xbf16>
        %add3A_695 = arith.addi %get3A_666, %broadcast_in_dim3A_37 : vector<16xi32>
        %gather3A_696 = tpu.vector_load_idx %arg5[%add3A_695] : memref<40000xi32, #tpu.memory_space<vmem>>[vector<16xi32>], vector<16xi32>,
        %add3A_697 = arith.addi %get3A_670, %broadcast_in_dim3A_37 : vector<16xi32>
        %gather3A_698 = tpu.vector_load_idx %arg5[%add3A_697] : memref<40000xi32, #tpu.memory_space<vmem>>[vector<16xi32>], vector<16xi32>,
        %bitcast3A_699 = vector.bitcast %gather3A_696 : vector<16xi32> to vector<32xbf16>
        %bitcast3A_700 = vector.bitcast %gather3A_698 : vector<16xi32> to vector<32xbf16>
        %sub3A_701 = arith.subf %bitcast3A_699, %bitcast3A_700 : vector<32xbf16>
        %max3A_702 = arith.maximumf %max3A_662, %sub3A_701 : vector<32xbf16>
        %get3A_703 = arith.constant 14 : i32
        %get3A_704 = arith.index_cast %get3A_703 : i32 to index
        %get3A_705 = arith.index_cast %mul3A_150 : i32 to index
        %get3A_706 = tpu.vector_load %arg7[%get3A_704, %get3A_705] {strides = array<i32>} : memref<32x256xi32, #tpu.memory_space<vmem>>, vector<16xi32>,
        %get3A_707 = arith.constant 14 : i32
        %get3A_708 = arith.index_cast %get3A_707 : i32 to index
        %get3A_709 = arith.index_cast %mul3A_150 : i32 to index
        %get3A_710 = tpu.vector_load %arg8[%get3A_708, %get3A_709] {strides = array<i32>} : memref<32x256xi32, #tpu.memory_space<vmem>>, vector<16xi32>,
        %add3A_711 = arith.addi %get3A_706, %broadcast_in_dim3A_31 : vector<16xi32>
        %gather3A_712 = tpu.vector_load_idx %arg5[%add3A_711] : memref<40000xi32, #tpu.memory_space<vmem>>[vector<16xi32>], vector<16xi32>,
        %add3A_713 = arith.addi %get3A_710, %broadcast_in_dim3A_31 : vector<16xi32>
        %gather3A_714 = tpu.vector_load_idx %arg5[%add3A_713] : memref<40000xi32, #tpu.memory_space<vmem>>[vector<16xi32>], vector<16xi32>,
        %bitcast3A_715 = vector.bitcast %gather3A_712 : vector<16xi32> to vector<32xbf16>
        %bitcast3A_716 = vector.bitcast %gather3A_714 : vector<16xi32> to vector<32xbf16>
        %sub3A_717 = arith.subf %bitcast3A_715, %bitcast3A_716 : vector<32xbf16>
        %max3A_718 = arith.maximumf %max3A_678, %sub3A_717 : vector<32xbf16>
        %add3A_719 = arith.addi %get3A_706, %broadcast_in_dim3A_33 : vector<16xi32>
        %gather3A_720 = tpu.vector_load_idx %arg5[%add3A_719] : memref<40000xi32, #tpu.memory_space<vmem>>[vector<16xi32>], vector<16xi32>,
        %add3A_721 = arith.addi %get3A_710, %broadcast_in_dim3A_33 : vector<16xi32>
        %gather3A_722 = tpu.vector_load_idx %arg5[%add3A_721] : memref<40000xi32, #tpu.memory_space<vmem>>[vector<16xi32>], vector<16xi32>,
        %bitcast3A_723 = vector.bitcast %gather3A_720 : vector<16xi32> to vector<32xbf16>
        %bitcast3A_724 = vector.bitcast %gather3A_722 : vector<16xi32> to vector<32xbf16>
        %sub3A_725 = arith.subf %bitcast3A_723, %bitcast3A_724 : vector<32xbf16>
        %max3A_726 = arith.maximumf %max3A_686, %sub3A_725 : vector<32xbf16>
        %add3A_727 = arith.addi %get3A_706, %broadcast_in_dim3A_35 : vector<16xi32>
        %gather3A_728 = tpu.vector_load_idx %arg5[%add3A_727] : memref<40000xi32, #tpu.memory_space<vmem>>[vector<16xi32>], vector<16xi32>,
        %add3A_729 = arith.addi %get3A_710, %broadcast_in_dim3A_35 : vector<16xi32>
        %gather3A_730 = tpu.vector_load_idx %arg5[%add3A_729] : memref<40000xi32, #tpu.memory_space<vmem>>[vector<16xi32>], vector<16xi32>,
        %bitcast3A_731 = vector.bitcast %gather3A_728 : vector<16xi32> to vector<32xbf16>
        %bitcast3A_732 = vector.bitcast %gather3A_730 : vector<16xi32> to vector<32xbf16>
        %sub3A_733 = arith.subf %bitcast3A_731, %bitcast3A_732 : vector<32xbf16>
        %max3A_734 = arith.maximumf %max3A_694, %sub3A_733 : vector<32xbf16>
        %add3A_735 = arith.addi %get3A_706, %broadcast_in_dim3A_37 : vector<16xi32>
        %gather3A_736 = tpu.vector_load_idx %arg5[%add3A_735] : memref<40000xi32, #tpu.memory_space<vmem>>[vector<16xi32>], vector<16xi32>,
        %add3A_737 = arith.addi %get3A_710, %broadcast_in_dim3A_37 : vector<16xi32>
        %gather3A_738 = tpu.vector_load_idx %arg5[%add3A_737] : memref<40000xi32, #tpu.memory_space<vmem>>[vector<16xi32>], vector<16xi32>,
        %bitcast3A_739 = vector.bitcast %gather3A_736 : vector<16xi32> to vector<32xbf16>
        %bitcast3A_740 = vector.bitcast %gather3A_738 : vector<16xi32> to vector<32xbf16>
        %sub3A_741 = arith.subf %bitcast3A_739, %bitcast3A_740 : vector<32xbf16>
        %max3A_742 = arith.maximumf %max3A_702, %sub3A_741 : vector<32xbf16>
        %get3A_743 = arith.constant 15 : i32
        %get3A_744 = arith.index_cast %get3A_743 : i32 to index
        %get3A_745 = arith.index_cast %mul3A_150 : i32 to index
        %get3A_746 = tpu.vector_load %arg7[%get3A_744, %get3A_745] {strides = array<i32>} : memref<32x256xi32, #tpu.memory_space<vmem>>, vector<16xi32>,
        %get3A_747 = arith.constant 15 : i32
        %get3A_748 = arith.index_cast %get3A_747 : i32 to index
        %get3A_749 = arith.index_cast %mul3A_150 : i32 to index
        %get3A_750 = tpu.vector_load %arg8[%get3A_748, %get3A_749] {strides = array<i32>} : memref<32x256xi32, #tpu.memory_space<vmem>>, vector<16xi32>,
        %add3A_751 = arith.addi %get3A_746, %broadcast_in_dim3A_31 : vector<16xi32>
        %gather3A_752 = tpu.vector_load_idx %arg5[%add3A_751] : memref<40000xi32, #tpu.memory_space<vmem>>[vector<16xi32>], vector<16xi32>,
        %add3A_753 = arith.addi %get3A_750, %broadcast_in_dim3A_31 : vector<16xi32>
        %gather3A_754 = tpu.vector_load_idx %arg5[%add3A_753] : memref<40000xi32, #tpu.memory_space<vmem>>[vector<16xi32>], vector<16xi32>,
        %bitcast3A_755 = vector.bitcast %gather3A_752 : vector<16xi32> to vector<32xbf16>
        %bitcast3A_756 = vector.bitcast %gather3A_754 : vector<16xi32> to vector<32xbf16>
        %sub3A_757 = arith.subf %bitcast3A_755, %bitcast3A_756 : vector<32xbf16>
        %max3A_758 = arith.maximumf %max3A_718, %sub3A_757 : vector<32xbf16>
        %add3A_759 = arith.addi %get3A_746, %broadcast_in_dim3A_33 : vector<16xi32>
        %gather3A_760 = tpu.vector_load_idx %arg5[%add3A_759] : memref<40000xi32, #tpu.memory_space<vmem>>[vector<16xi32>], vector<16xi32>,
        %add3A_761 = arith.addi %get3A_750, %broadcast_in_dim3A_33 : vector<16xi32>
        %gather3A_762 = tpu.vector_load_idx %arg5[%add3A_761] : memref<40000xi32, #tpu.memory_space<vmem>>[vector<16xi32>], vector<16xi32>,
        %bitcast3A_763 = vector.bitcast %gather3A_760 : vector<16xi32> to vector<32xbf16>
        %bitcast3A_764 = vector.bitcast %gather3A_762 : vector<16xi32> to vector<32xbf16>
        %sub3A_765 = arith.subf %bitcast3A_763, %bitcast3A_764 : vector<32xbf16>
        %max3A_766 = arith.maximumf %max3A_726, %sub3A_765 : vector<32xbf16>
        %add3A_767 = arith.addi %get3A_746, %broadcast_in_dim3A_35 : vector<16xi32>
        %gather3A_768 = tpu.vector_load_idx %arg5[%add3A_767] : memref<40000xi32, #tpu.memory_space<vmem>>[vector<16xi32>], vector<16xi32>,
        %add3A_769 = arith.addi %get3A_750, %broadcast_in_dim3A_35 : vector<16xi32>
        %gather3A_770 = tpu.vector_load_idx %arg5[%add3A_769] : memref<40000xi32, #tpu.memory_space<vmem>>[vector<16xi32>], vector<16xi32>,
        %bitcast3A_771 = vector.bitcast %gather3A_768 : vector<16xi32> to vector<32xbf16>
        %bitcast3A_772 = vector.bitcast %gather3A_770 : vector<16xi32> to vector<32xbf16>
        %sub3A_773 = arith.subf %bitcast3A_771, %bitcast3A_772 : vector<32xbf16>
        %max3A_774 = arith.maximumf %max3A_734, %sub3A_773 : vector<32xbf16>
        %add3A_775 = arith.addi %get3A_746, %broadcast_in_dim3A_37 : vector<16xi32>
        %gather3A_776 = tpu.vector_load_idx %arg5[%add3A_775] : memref<40000xi32, #tpu.memory_space<vmem>>[vector<16xi32>], vector<16xi32>,
        %add3A_777 = arith.addi %get3A_750, %broadcast_in_dim3A_37 : vector<16xi32>
        %gather3A_778 = tpu.vector_load_idx %arg5[%add3A_777] : memref<40000xi32, #tpu.memory_space<vmem>>[vector<16xi32>], vector<16xi32>,
        %bitcast3A_779 = vector.bitcast %gather3A_776 : vector<16xi32> to vector<32xbf16>
        %bitcast3A_780 = vector.bitcast %gather3A_778 : vector<16xi32> to vector<32xbf16>
        %sub3A_781 = arith.subf %bitcast3A_779, %bitcast3A_780 : vector<32xbf16>
        %max3A_782 = arith.maximumf %max3A_742, %sub3A_781 : vector<32xbf16>
        %get3A_783 = arith.constant 16 : i32
        %get3A_784 = arith.index_cast %get3A_783 : i32 to index
        %get3A_785 = arith.index_cast %mul3A_150 : i32 to index
        %get3A_786 = tpu.vector_load %arg7[%get3A_784, %get3A_785] {strides = array<i32>} : memref<32x256xi32, #tpu.memory_space<vmem>>, vector<16xi32>,
        %get3A_787 = arith.constant 16 : i32
        %get3A_788 = arith.index_cast %get3A_787 : i32 to index
        %get3A_789 = arith.index_cast %mul3A_150 : i32 to index
        %get3A_790 = tpu.vector_load %arg8[%get3A_788, %get3A_789] {strides = array<i32>} : memref<32x256xi32, #tpu.memory_space<vmem>>, vector<16xi32>,
        %add3A_791 = arith.addi %get3A_786, %broadcast_in_dim3A_31 : vector<16xi32>
        %gather3A_792 = tpu.vector_load_idx %arg5[%add3A_791] : memref<40000xi32, #tpu.memory_space<vmem>>[vector<16xi32>], vector<16xi32>,
        %add3A_793 = arith.addi %get3A_790, %broadcast_in_dim3A_31 : vector<16xi32>
        %gather3A_794 = tpu.vector_load_idx %arg5[%add3A_793] : memref<40000xi32, #tpu.memory_space<vmem>>[vector<16xi32>], vector<16xi32>,
        %bitcast3A_795 = vector.bitcast %gather3A_792 : vector<16xi32> to vector<32xbf16>
        %bitcast3A_796 = vector.bitcast %gather3A_794 : vector<16xi32> to vector<32xbf16>
        %sub3A_797 = arith.subf %bitcast3A_795, %bitcast3A_796 : vector<32xbf16>
        %max3A_798 = arith.maximumf %max3A_758, %sub3A_797 : vector<32xbf16>
        %add3A_799 = arith.addi %get3A_786, %broadcast_in_dim3A_33 : vector<16xi32>
        %gather3A_800 = tpu.vector_load_idx %arg5[%add3A_799] : memref<40000xi32, #tpu.memory_space<vmem>>[vector<16xi32>], vector<16xi32>,
        %add3A_801 = arith.addi %get3A_790, %broadcast_in_dim3A_33 : vector<16xi32>
        %gather3A_802 = tpu.vector_load_idx %arg5[%add3A_801] : memref<40000xi32, #tpu.memory_space<vmem>>[vector<16xi32>], vector<16xi32>,
        %bitcast3A_803 = vector.bitcast %gather3A_800 : vector<16xi32> to vector<32xbf16>
        %bitcast3A_804 = vector.bitcast %gather3A_802 : vector<16xi32> to vector<32xbf16>
        %sub3A_805 = arith.subf %bitcast3A_803, %bitcast3A_804 : vector<32xbf16>
        %max3A_806 = arith.maximumf %max3A_766, %sub3A_805 : vector<32xbf16>
        %add3A_807 = arith.addi %get3A_786, %broadcast_in_dim3A_35 : vector<16xi32>
        %gather3A_808 = tpu.vector_load_idx %arg5[%add3A_807] : memref<40000xi32, #tpu.memory_space<vmem>>[vector<16xi32>], vector<16xi32>,
        %add3A_809 = arith.addi %get3A_790, %broadcast_in_dim3A_35 : vector<16xi32>
        %gather3A_810 = tpu.vector_load_idx %arg5[%add3A_809] : memref<40000xi32, #tpu.memory_space<vmem>>[vector<16xi32>], vector<16xi32>,
        %bitcast3A_811 = vector.bitcast %gather3A_808 : vector<16xi32> to vector<32xbf16>
        %bitcast3A_812 = vector.bitcast %gather3A_810 : vector<16xi32> to vector<32xbf16>
        %sub3A_813 = arith.subf %bitcast3A_811, %bitcast3A_812 : vector<32xbf16>
        %max3A_814 = arith.maximumf %max3A_774, %sub3A_813 : vector<32xbf16>
        %add3A_815 = arith.addi %get3A_786, %broadcast_in_dim3A_37 : vector<16xi32>
        %gather3A_816 = tpu.vector_load_idx %arg5[%add3A_815] : memref<40000xi32, #tpu.memory_space<vmem>>[vector<16xi32>], vector<16xi32>,
        %add3A_817 = arith.addi %get3A_790, %broadcast_in_dim3A_37 : vector<16xi32>
        %gather3A_818 = tpu.vector_load_idx %arg5[%add3A_817] : memref<40000xi32, #tpu.memory_space<vmem>>[vector<16xi32>], vector<16xi32>,
        %bitcast3A_819 = vector.bitcast %gather3A_816 : vector<16xi32> to vector<32xbf16>
        %bitcast3A_820 = vector.bitcast %gather3A_818 : vector<16xi32> to vector<32xbf16>
        %sub3A_821 = arith.subf %bitcast3A_819, %bitcast3A_820 : vector<32xbf16>
        %max3A_822 = arith.maximumf %max3A_782, %sub3A_821 : vector<32xbf16>
        %get3A_823 = arith.constant 17 : i32
        %get3A_824 = arith.index_cast %get3A_823 : i32 to index
        %get3A_825 = arith.index_cast %mul3A_150 : i32 to index
        %get3A_826 = tpu.vector_load %arg7[%get3A_824, %get3A_825] {strides = array<i32>} : memref<32x256xi32, #tpu.memory_space<vmem>>, vector<16xi32>,
        %get3A_827 = arith.constant 17 : i32
        %get3A_828 = arith.index_cast %get3A_827 : i32 to index
        %get3A_829 = arith.index_cast %mul3A_150 : i32 to index
        %get3A_830 = tpu.vector_load %arg8[%get3A_828, %get3A_829] {strides = array<i32>} : memref<32x256xi32, #tpu.memory_space<vmem>>, vector<16xi32>,
        %add3A_831 = arith.addi %get3A_826, %broadcast_in_dim3A_31 : vector<16xi32>
        %gather3A_832 = tpu.vector_load_idx %arg5[%add3A_831] : memref<40000xi32, #tpu.memory_space<vmem>>[vector<16xi32>], vector<16xi32>,
        %add3A_833 = arith.addi %get3A_830, %broadcast_in_dim3A_31 : vector<16xi32>
        %gather3A_834 = tpu.vector_load_idx %arg5[%add3A_833] : memref<40000xi32, #tpu.memory_space<vmem>>[vector<16xi32>], vector<16xi32>,
        %bitcast3A_835 = vector.bitcast %gather3A_832 : vector<16xi32> to vector<32xbf16>
        %bitcast3A_836 = vector.bitcast %gather3A_834 : vector<16xi32> to vector<32xbf16>
        %sub3A_837 = arith.subf %bitcast3A_835, %bitcast3A_836 : vector<32xbf16>
        %max3A_838 = arith.maximumf %max3A_798, %sub3A_837 : vector<32xbf16>
        %add3A_839 = arith.addi %get3A_826, %broadcast_in_dim3A_33 : vector<16xi32>
        %gather3A_840 = tpu.vector_load_idx %arg5[%add3A_839] : memref<40000xi32, #tpu.memory_space<vmem>>[vector<16xi32>], vector<16xi32>,
        %add3A_841 = arith.addi %get3A_830, %broadcast_in_dim3A_33 : vector<16xi32>
        %gather3A_842 = tpu.vector_load_idx %arg5[%add3A_841] : memref<40000xi32, #tpu.memory_space<vmem>>[vector<16xi32>], vector<16xi32>,
        %bitcast3A_843 = vector.bitcast %gather3A_840 : vector<16xi32> to vector<32xbf16>
        %bitcast3A_844 = vector.bitcast %gather3A_842 : vector<16xi32> to vector<32xbf16>
        %sub3A_845 = arith.subf %bitcast3A_843, %bitcast3A_844 : vector<32xbf16>
        %max3A_846 = arith.maximumf %max3A_806, %sub3A_845 : vector<32xbf16>
        %add3A_847 = arith.addi %get3A_826, %broadcast_in_dim3A_35 : vector<16xi32>
        %gather3A_848 = tpu.vector_load_idx %arg5[%add3A_847] : memref<40000xi32, #tpu.memory_space<vmem>>[vector<16xi32>], vector<16xi32>,
        %add3A_849 = arith.addi %get3A_830, %broadcast_in_dim3A_35 : vector<16xi32>
        %gather3A_850 = tpu.vector_load_idx %arg5[%add3A_849] : memref<40000xi32, #tpu.memory_space<vmem>>[vector<16xi32>], vector<16xi32>,
        %bitcast3A_851 = vector.bitcast %gather3A_848 : vector<16xi32> to vector<32xbf16>
        %bitcast3A_852 = vector.bitcast %gather3A_850 : vector<16xi32> to vector<32xbf16>
        %sub3A_853 = arith.subf %bitcast3A_851, %bitcast3A_852 : vector<32xbf16>
        %max3A_854 = arith.maximumf %max3A_814, %sub3A_853 : vector<32xbf16>
        %add3A_855 = arith.addi %get3A_826, %broadcast_in_dim3A_37 : vector<16xi32>
        %gather3A_856 = tpu.vector_load_idx %arg5[%add3A_855] : memref<40000xi32, #tpu.memory_space<vmem>>[vector<16xi32>], vector<16xi32>,
        %add3A_857 = arith.addi %get3A_830, %broadcast_in_dim3A_37 : vector<16xi32>
        %gather3A_858 = tpu.vector_load_idx %arg5[%add3A_857] : memref<40000xi32, #tpu.memory_space<vmem>>[vector<16xi32>], vector<16xi32>,
        %bitcast3A_859 = vector.bitcast %gather3A_856 : vector<16xi32> to vector<32xbf16>
        %bitcast3A_860 = vector.bitcast %gather3A_858 : vector<16xi32> to vector<32xbf16>
        %sub3A_861 = arith.subf %bitcast3A_859, %bitcast3A_860 : vector<32xbf16>
        %max3A_862 = arith.maximumf %max3A_822, %sub3A_861 : vector<32xbf16>
        %get3A_863 = arith.constant 18 : i32
        %get3A_864 = arith.index_cast %get3A_863 : i32 to index
        %get3A_865 = arith.index_cast %mul3A_150 : i32 to index
        %get3A_866 = tpu.vector_load %arg7[%get3A_864, %get3A_865] {strides = array<i32>} : memref<32x256xi32, #tpu.memory_space<vmem>>, vector<16xi32>,
        %get3A_867 = arith.constant 18 : i32
        %get3A_868 = arith.index_cast %get3A_867 : i32 to index
        %get3A_869 = arith.index_cast %mul3A_150 : i32 to index
        %get3A_870 = tpu.vector_load %arg8[%get3A_868, %get3A_869] {strides = array<i32>} : memref<32x256xi32, #tpu.memory_space<vmem>>, vector<16xi32>,
        %add3A_871 = arith.addi %get3A_866, %broadcast_in_dim3A_31 : vector<16xi32>
        %gather3A_872 = tpu.vector_load_idx %arg5[%add3A_871] : memref<40000xi32, #tpu.memory_space<vmem>>[vector<16xi32>], vector<16xi32>,
        %add3A_873 = arith.addi %get3A_870, %broadcast_in_dim3A_31 : vector<16xi32>
        %gather3A_874 = tpu.vector_load_idx %arg5[%add3A_873] : memref<40000xi32, #tpu.memory_space<vmem>>[vector<16xi32>], vector<16xi32>,
        %bitcast3A_875 = vector.bitcast %gather3A_872 : vector<16xi32> to vector<32xbf16>
        %bitcast3A_876 = vector.bitcast %gather3A_874 : vector<16xi32> to vector<32xbf16>
        %sub3A_877 = arith.subf %bitcast3A_875, %bitcast3A_876 : vector<32xbf16>
        %max3A_878 = arith.maximumf %max3A_838, %sub3A_877 : vector<32xbf16>
        %add3A_879 = arith.addi %get3A_866, %broadcast_in_dim3A_33 : vector<16xi32>
        %gather3A_880 = tpu.vector_load_idx %arg5[%add3A_879] : memref<40000xi32, #tpu.memory_space<vmem>>[vector<16xi32>], vector<16xi32>,
        %add3A_881 = arith.addi %get3A_870, %broadcast_in_dim3A_33 : vector<16xi32>
        %gather3A_882 = tpu.vector_load_idx %arg5[%add3A_881] : memref<40000xi32, #tpu.memory_space<vmem>>[vector<16xi32>], vector<16xi32>,
        %bitcast3A_883 = vector.bitcast %gather3A_880 : vector<16xi32> to vector<32xbf16>
        %bitcast3A_884 = vector.bitcast %gather3A_882 : vector<16xi32> to vector<32xbf16>
        %sub3A_885 = arith.subf %bitcast3A_883, %bitcast3A_884 : vector<32xbf16>
        %max3A_886 = arith.maximumf %max3A_846, %sub3A_885 : vector<32xbf16>
        %add3A_887 = arith.addi %get3A_866, %broadcast_in_dim3A_35 : vector<16xi32>
        %gather3A_888 = tpu.vector_load_idx %arg5[%add3A_887] : memref<40000xi32, #tpu.memory_space<vmem>>[vector<16xi32>], vector<16xi32>,
        %add3A_889 = arith.addi %get3A_870, %broadcast_in_dim3A_35 : vector<16xi32>
        %gather3A_890 = tpu.vector_load_idx %arg5[%add3A_889] : memref<40000xi32, #tpu.memory_space<vmem>>[vector<16xi32>], vector<16xi32>,
        %bitcast3A_891 = vector.bitcast %gather3A_888 : vector<16xi32> to vector<32xbf16>
        %bitcast3A_892 = vector.bitcast %gather3A_890 : vector<16xi32> to vector<32xbf16>
        %sub3A_893 = arith.subf %bitcast3A_891, %bitcast3A_892 : vector<32xbf16>
        %max3A_894 = arith.maximumf %max3A_854, %sub3A_893 : vector<32xbf16>
        %add3A_895 = arith.addi %get3A_866, %broadcast_in_dim3A_37 : vector<16xi32>
        %gather3A_896 = tpu.vector_load_idx %arg5[%add3A_895] : memref<40000xi32, #tpu.memory_space<vmem>>[vector<16xi32>], vector<16xi32>,
        %add3A_897 = arith.addi %get3A_870, %broadcast_in_dim3A_37 : vector<16xi32>
        %gather3A_898 = tpu.vector_load_idx %arg5[%add3A_897] : memref<40000xi32, #tpu.memory_space<vmem>>[vector<16xi32>], vector<16xi32>,
        %bitcast3A_899 = vector.bitcast %gather3A_896 : vector<16xi32> to vector<32xbf16>
        %bitcast3A_900 = vector.bitcast %gather3A_898 : vector<16xi32> to vector<32xbf16>
        %sub3A_901 = arith.subf %bitcast3A_899, %bitcast3A_900 : vector<32xbf16>
        %max3A_902 = arith.maximumf %max3A_862, %sub3A_901 : vector<32xbf16>
        %get3A_903 = arith.constant 19 : i32
        %get3A_904 = arith.index_cast %get3A_903 : i32 to index
        %get3A_905 = arith.index_cast %mul3A_150 : i32 to index
        %get3A_906 = tpu.vector_load %arg7[%get3A_904, %get3A_905] {strides = array<i32>} : memref<32x256xi32, #tpu.memory_space<vmem>>, vector<16xi32>,
        %get3A_907 = arith.constant 19 : i32
        %get3A_908 = arith.index_cast %get3A_907 : i32 to index
        %get3A_909 = arith.index_cast %mul3A_150 : i32 to index
        %get3A_910 = tpu.vector_load %arg8[%get3A_908, %get3A_909] {strides = array<i32>} : memref<32x256xi32, #tpu.memory_space<vmem>>, vector<16xi32>,
        %add3A_911 = arith.addi %get3A_906, %broadcast_in_dim3A_31 : vector<16xi32>
        %gather3A_912 = tpu.vector_load_idx %arg5[%add3A_911] : memref<40000xi32, #tpu.memory_space<vmem>>[vector<16xi32>], vector<16xi32>,
        %add3A_913 = arith.addi %get3A_910, %broadcast_in_dim3A_31 : vector<16xi32>
        %gather3A_914 = tpu.vector_load_idx %arg5[%add3A_913] : memref<40000xi32, #tpu.memory_space<vmem>>[vector<16xi32>], vector<16xi32>,
        %bitcast3A_915 = vector.bitcast %gather3A_912 : vector<16xi32> to vector<32xbf16>
        %bitcast3A_916 = vector.bitcast %gather3A_914 : vector<16xi32> to vector<32xbf16>
        %sub3A_917 = arith.subf %bitcast3A_915, %bitcast3A_916 : vector<32xbf16>
        %max3A_918 = arith.maximumf %max3A_878, %sub3A_917 : vector<32xbf16>
        %add3A_919 = arith.addi %get3A_906, %broadcast_in_dim3A_33 : vector<16xi32>
        %gather3A_920 = tpu.vector_load_idx %arg5[%add3A_919] : memref<40000xi32, #tpu.memory_space<vmem>>[vector<16xi32>], vector<16xi32>,
        %add3A_921 = arith.addi %get3A_910, %broadcast_in_dim3A_33 : vector<16xi32>
        %gather3A_922 = tpu.vector_load_idx %arg5[%add3A_921] : memref<40000xi32, #tpu.memory_space<vmem>>[vector<16xi32>], vector<16xi32>,
        %bitcast3A_923 = vector.bitcast %gather3A_920 : vector<16xi32> to vector<32xbf16>
        %bitcast3A_924 = vector.bitcast %gather3A_922 : vector<16xi32> to vector<32xbf16>
        %sub3A_925 = arith.subf %bitcast3A_923, %bitcast3A_924 : vector<32xbf16>
        %max3A_926 = arith.maximumf %max3A_886, %sub3A_925 : vector<32xbf16>
        %add3A_927 = arith.addi %get3A_906, %broadcast_in_dim3A_35 : vector<16xi32>
        %gather3A_928 = tpu.vector_load_idx %arg5[%add3A_927] : memref<40000xi32, #tpu.memory_space<vmem>>[vector<16xi32>], vector<16xi32>,
        %add3A_929 = arith.addi %get3A_910, %broadcast_in_dim3A_35 : vector<16xi32>
        %gather3A_930 = tpu.vector_load_idx %arg5[%add3A_929] : memref<40000xi32, #tpu.memory_space<vmem>>[vector<16xi32>], vector<16xi32>,
        %bitcast3A_931 = vector.bitcast %gather3A_928 : vector<16xi32> to vector<32xbf16>
        %bitcast3A_932 = vector.bitcast %gather3A_930 : vector<16xi32> to vector<32xbf16>
        %sub3A_933 = arith.subf %bitcast3A_931, %bitcast3A_932 : vector<32xbf16>
        %max3A_934 = arith.maximumf %max3A_894, %sub3A_933 : vector<32xbf16>
        %add3A_935 = arith.addi %get3A_906, %broadcast_in_dim3A_37 : vector<16xi32>
        %gather3A_936 = tpu.vector_load_idx %arg5[%add3A_935] : memref<40000xi32, #tpu.memory_space<vmem>>[vector<16xi32>], vector<16xi32>,
        %add3A_937 = arith.addi %get3A_910, %broadcast_in_dim3A_37 : vector<16xi32>
        %gather3A_938 = tpu.vector_load_idx %arg5[%add3A_937] : memref<40000xi32, #tpu.memory_space<vmem>>[vector<16xi32>], vector<16xi32>,
        %bitcast3A_939 = vector.bitcast %gather3A_936 : vector<16xi32> to vector<32xbf16>
        %bitcast3A_940 = vector.bitcast %gather3A_938 : vector<16xi32> to vector<32xbf16>
        %sub3A_941 = arith.subf %bitcast3A_939, %bitcast3A_940 : vector<32xbf16>
        %max3A_942 = arith.maximumf %max3A_902, %sub3A_941 : vector<32xbf16>
        %get3A_943 = arith.constant 20 : i32
        %get3A_944 = arith.index_cast %get3A_943 : i32 to index
        %get3A_945 = arith.index_cast %mul3A_150 : i32 to index
        %get3A_946 = tpu.vector_load %arg7[%get3A_944, %get3A_945] {strides = array<i32>} : memref<32x256xi32, #tpu.memory_space<vmem>>, vector<16xi32>,
        %get3A_947 = arith.constant 20 : i32
        %get3A_948 = arith.index_cast %get3A_947 : i32 to index
        %get3A_949 = arith.index_cast %mul3A_150 : i32 to index
        %get3A_950 = tpu.vector_load %arg8[%get3A_948, %get3A_949] {strides = array<i32>} : memref<32x256xi32, #tpu.memory_space<vmem>>, vector<16xi32>,
        %add3A_951 = arith.addi %get3A_946, %broadcast_in_dim3A_31 : vector<16xi32>
        %gather3A_952 = tpu.vector_load_idx %arg5[%add3A_951] : memref<40000xi32, #tpu.memory_space<vmem>>[vector<16xi32>], vector<16xi32>,
        %add3A_953 = arith.addi %get3A_950, %broadcast_in_dim3A_31 : vector<16xi32>
        %gather3A_954 = tpu.vector_load_idx %arg5[%add3A_953] : memref<40000xi32, #tpu.memory_space<vmem>>[vector<16xi32>], vector<16xi32>,
        %bitcast3A_955 = vector.bitcast %gather3A_952 : vector<16xi32> to vector<32xbf16>
        %bitcast3A_956 = vector.bitcast %gather3A_954 : vector<16xi32> to vector<32xbf16>
        %sub3A_957 = arith.subf %bitcast3A_955, %bitcast3A_956 : vector<32xbf16>
        %max3A_958 = arith.maximumf %max3A_918, %sub3A_957 : vector<32xbf16>
        %add3A_959 = arith.addi %get3A_946, %broadcast_in_dim3A_33 : vector<16xi32>
        %gather3A_960 = tpu.vector_load_idx %arg5[%add3A_959] : memref<40000xi32, #tpu.memory_space<vmem>>[vector<16xi32>], vector<16xi32>,
        %add3A_961 = arith.addi %get3A_950, %broadcast_in_dim3A_33 : vector<16xi32>
        %gather3A_962 = tpu.vector_load_idx %arg5[%add3A_961] : memref<40000xi32, #tpu.memory_space<vmem>>[vector<16xi32>], vector<16xi32>,
        %bitcast3A_963 = vector.bitcast %gather3A_960 : vector<16xi32> to vector<32xbf16>
        %bitcast3A_964 = vector.bitcast %gather3A_962 : vector<16xi32> to vector<32xbf16>
        %sub3A_965 = arith.subf %bitcast3A_963, %bitcast3A_964 : vector<32xbf16>
        %max3A_966 = arith.maximumf %max3A_926, %sub3A_965 : vector<32xbf16>
        %add3A_967 = arith.addi %get3A_946, %broadcast_in_dim3A_35 : vector<16xi32>
        %gather3A_968 = tpu.vector_load_idx %arg5[%add3A_967] : memref<40000xi32, #tpu.memory_space<vmem>>[vector<16xi32>], vector<16xi32>,
        %add3A_969 = arith.addi %get3A_950, %broadcast_in_dim3A_35 : vector<16xi32>
        %gather3A_970 = tpu.vector_load_idx %arg5[%add3A_969] : memref<40000xi32, #tpu.memory_space<vmem>>[vector<16xi32>], vector<16xi32>,
        %bitcast3A_971 = vector.bitcast %gather3A_968 : vector<16xi32> to vector<32xbf16>
        %bitcast3A_972 = vector.bitcast %gather3A_970 : vector<16xi32> to vector<32xbf16>
        %sub3A_973 = arith.subf %bitcast3A_971, %bitcast3A_972 : vector<32xbf16>
        %max3A_974 = arith.maximumf %max3A_934, %sub3A_973 : vector<32xbf16>
        %add3A_975 = arith.addi %get3A_946, %broadcast_in_dim3A_37 : vector<16xi32>
        %gather3A_976 = tpu.vector_load_idx %arg5[%add3A_975] : memref<40000xi32, #tpu.memory_space<vmem>>[vector<16xi32>], vector<16xi32>,
        %add3A_977 = arith.addi %get3A_950, %broadcast_in_dim3A_37 : vector<16xi32>
        %gather3A_978 = tpu.vector_load_idx %arg5[%add3A_977] : memref<40000xi32, #tpu.memory_space<vmem>>[vector<16xi32>], vector<16xi32>,
        %bitcast3A_979 = vector.bitcast %gather3A_976 : vector<16xi32> to vector<32xbf16>
        %bitcast3A_980 = vector.bitcast %gather3A_978 : vector<16xi32> to vector<32xbf16>
        %sub3A_981 = arith.subf %bitcast3A_979, %bitcast3A_980 : vector<32xbf16>
        %max3A_982 = arith.maximumf %max3A_942, %sub3A_981 : vector<32xbf16>
        %get3A_983 = arith.constant 21 : i32
        %get3A_984 = arith.index_cast %get3A_983 : i32 to index
        %get3A_985 = arith.index_cast %mul3A_150 : i32 to index
        %get3A_986 = tpu.vector_load %arg7[%get3A_984, %get3A_985] {strides = array<i32>} : memref<32x256xi32, #tpu.memory_space<vmem>>, vector<16xi32>,
        %get3A_987 = arith.constant 21 : i32
        %get3A_988 = arith.index_cast %get3A_987 : i32 to index
        %get3A_989 = arith.index_cast %mul3A_150 : i32 to index
        %get3A_990 = tpu.vector_load %arg8[%get3A_988, %get3A_989] {strides = array<i32>} : memref<32x256xi32, #tpu.memory_space<vmem>>, vector<16xi32>,
        %add3A_991 = arith.addi %get3A_986, %broadcast_in_dim3A_31 : vector<16xi32>
        %gather3A_992 = tpu.vector_load_idx %arg5[%add3A_991] : memref<40000xi32, #tpu.memory_space<vmem>>[vector<16xi32>], vector<16xi32>,
        %add3A_993 = arith.addi %get3A_990, %broadcast_in_dim3A_31 : vector<16xi32>
        %gather3A_994 = tpu.vector_load_idx %arg5[%add3A_993] : memref<40000xi32, #tpu.memory_space<vmem>>[vector<16xi32>], vector<16xi32>,
        %bitcast3A_995 = vector.bitcast %gather3A_992 : vector<16xi32> to vector<32xbf16>
        %bitcast3A_996 = vector.bitcast %gather3A_994 : vector<16xi32> to vector<32xbf16>
        %sub3A_997 = arith.subf %bitcast3A_995, %bitcast3A_996 : vector<32xbf16>
        %max3A_998 = arith.maximumf %max3A_958, %sub3A_997 : vector<32xbf16>
        %add3A_999 = arith.addi %get3A_986, %broadcast_in_dim3A_33 : vector<16xi32>
        %gather3A_1000 = tpu.vector_load_idx %arg5[%add3A_999] : memref<40000xi32, #tpu.memory_space<vmem>>[vector<16xi32>], vector<16xi32>,
        %add3A_1001 = arith.addi %get3A_990, %broadcast_in_dim3A_33 : vector<16xi32>
        %gather3A_1002 = tpu.vector_load_idx %arg5[%add3A_1001] : memref<40000xi32, #tpu.memory_space<vmem>>[vector<16xi32>], vector<16xi32>,
        %bitcast3A_1003 = vector.bitcast %gather3A_1000 : vector<16xi32> to vector<32xbf16>
        %bitcast3A_1004 = vector.bitcast %gather3A_1002 : vector<16xi32> to vector<32xbf16>
        %sub3A_1005 = arith.subf %bitcast3A_1003, %bitcast3A_1004 : vector<32xbf16>
        %max3A_1006 = arith.maximumf %max3A_966, %sub3A_1005 : vector<32xbf16>
        %add3A_1007 = arith.addi %get3A_986, %broadcast_in_dim3A_35 : vector<16xi32>
        %gather3A_1008 = tpu.vector_load_idx %arg5[%add3A_1007] : memref<40000xi32, #tpu.memory_space<vmem>>[vector<16xi32>], vector<16xi32>,
        %add3A_1009 = arith.addi %get3A_990, %broadcast_in_dim3A_35 : vector<16xi32>
        %gather3A_1010 = tpu.vector_load_idx %arg5[%add3A_1009] : memref<40000xi32, #tpu.memory_space<vmem>>[vector<16xi32>], vector<16xi32>,
        %bitcast3A_1011 = vector.bitcast %gather3A_1008 : vector<16xi32> to vector<32xbf16>
        %bitcast3A_1012 = vector.bitcast %gather3A_1010 : vector<16xi32> to vector<32xbf16>
        %sub3A_1013 = arith.subf %bitcast3A_1011, %bitcast3A_1012 : vector<32xbf16>
        %max3A_1014 = arith.maximumf %max3A_974, %sub3A_1013 : vector<32xbf16>
        %add3A_1015 = arith.addi %get3A_986, %broadcast_in_dim3A_37 : vector<16xi32>
        %gather3A_1016 = tpu.vector_load_idx %arg5[%add3A_1015] : memref<40000xi32, #tpu.memory_space<vmem>>[vector<16xi32>], vector<16xi32>,
        %add3A_1017 = arith.addi %get3A_990, %broadcast_in_dim3A_37 : vector<16xi32>
        %gather3A_1018 = tpu.vector_load_idx %arg5[%add3A_1017] : memref<40000xi32, #tpu.memory_space<vmem>>[vector<16xi32>], vector<16xi32>,
        %bitcast3A_1019 = vector.bitcast %gather3A_1016 : vector<16xi32> to vector<32xbf16>
        %bitcast3A_1020 = vector.bitcast %gather3A_1018 : vector<16xi32> to vector<32xbf16>
        %sub3A_1021 = arith.subf %bitcast3A_1019, %bitcast3A_1020 : vector<32xbf16>
        %max3A_1022 = arith.maximumf %max3A_982, %sub3A_1021 : vector<32xbf16>
        %get3A_1023 = arith.constant 22 : i32
        %get3A_1024 = arith.index_cast %get3A_1023 : i32 to index
        %get3A_1025 = arith.index_cast %mul3A_150 : i32 to index
        %get3A_1026 = tpu.vector_load %arg7[%get3A_1024, %get3A_1025] {strides = array<i32>} : memref<32x256xi32, #tpu.memory_space<vmem>>, vector<16xi32>,
        %get3A_1027 = arith.constant 22 : i32
        %get3A_1028 = arith.index_cast %get3A_1027 : i32 to index
        %get3A_1029 = arith.index_cast %mul3A_150 : i32 to index
        %get3A_1030 = tpu.vector_load %arg8[%get3A_1028, %get3A_1029] {strides = array<i32>} : memref<32x256xi32, #tpu.memory_space<vmem>>, vector<16xi32>,
        %add3A_1031 = arith.addi %get3A_1026, %broadcast_in_dim3A_31 : vector<16xi32>
        %gather3A_1032 = tpu.vector_load_idx %arg5[%add3A_1031] : memref<40000xi32, #tpu.memory_space<vmem>>[vector<16xi32>], vector<16xi32>,
        %add3A_1033 = arith.addi %get3A_1030, %broadcast_in_dim3A_31 : vector<16xi32>
        %gather3A_1034 = tpu.vector_load_idx %arg5[%add3A_1033] : memref<40000xi32, #tpu.memory_space<vmem>>[vector<16xi32>], vector<16xi32>,
        %bitcast3A_1035 = vector.bitcast %gather3A_1032 : vector<16xi32> to vector<32xbf16>
        %bitcast3A_1036 = vector.bitcast %gather3A_1034 : vector<16xi32> to vector<32xbf16>
        %sub3A_1037 = arith.subf %bitcast3A_1035, %bitcast3A_1036 : vector<32xbf16>
        %max3A_1038 = arith.maximumf %max3A_998, %sub3A_1037 : vector<32xbf16>
        %add3A_1039 = arith.addi %get3A_1026, %broadcast_in_dim3A_33 : vector<16xi32>
        %gather3A_1040 = tpu.vector_load_idx %arg5[%add3A_1039] : memref<40000xi32, #tpu.memory_space<vmem>>[vector<16xi32>], vector<16xi32>,
        %add3A_1041 = arith.addi %get3A_1030, %broadcast_in_dim3A_33 : vector<16xi32>
        %gather3A_1042 = tpu.vector_load_idx %arg5[%add3A_1041] : memref<40000xi32, #tpu.memory_space<vmem>>[vector<16xi32>], vector<16xi32>,
        %bitcast3A_1043 = vector.bitcast %gather3A_1040 : vector<16xi32> to vector<32xbf16>
        %bitcast3A_1044 = vector.bitcast %gather3A_1042 : vector<16xi32> to vector<32xbf16>
        %sub3A_1045 = arith.subf %bitcast3A_1043, %bitcast3A_1044 : vector<32xbf16>
        %max3A_1046 = arith.maximumf %max3A_1006, %sub3A_1045 : vector<32xbf16>
        %add3A_1047 = arith.addi %get3A_1026, %broadcast_in_dim3A_35 : vector<16xi32>
        %gather3A_1048 = tpu.vector_load_idx %arg5[%add3A_1047] : memref<40000xi32, #tpu.memory_space<vmem>>[vector<16xi32>], vector<16xi32>,
        %add3A_1049 = arith.addi %get3A_1030, %broadcast_in_dim3A_35 : vector<16xi32>
        %gather3A_1050 = tpu.vector_load_idx %arg5[%add3A_1049] : memref<40000xi32, #tpu.memory_space<vmem>>[vector<16xi32>], vector<16xi32>,
        %bitcast3A_1051 = vector.bitcast %gather3A_1048 : vector<16xi32> to vector<32xbf16>
        %bitcast3A_1052 = vector.bitcast %gather3A_1050 : vector<16xi32> to vector<32xbf16>
        %sub3A_1053 = arith.subf %bitcast3A_1051, %bitcast3A_1052 : vector<32xbf16>
        %max3A_1054 = arith.maximumf %max3A_1014, %sub3A_1053 : vector<32xbf16>
        %add3A_1055 = arith.addi %get3A_1026, %broadcast_in_dim3A_37 : vector<16xi32>
        %gather3A_1056 = tpu.vector_load_idx %arg5[%add3A_1055] : memref<40000xi32, #tpu.memory_space<vmem>>[vector<16xi32>], vector<16xi32>,
        %add3A_1057 = arith.addi %get3A_1030, %broadcast_in_dim3A_37 : vector<16xi32>
        %gather3A_1058 = tpu.vector_load_idx %arg5[%add3A_1057] : memref<40000xi32, #tpu.memory_space<vmem>>[vector<16xi32>], vector<16xi32>,
        %bitcast3A_1059 = vector.bitcast %gather3A_1056 : vector<16xi32> to vector<32xbf16>
        %bitcast3A_1060 = vector.bitcast %gather3A_1058 : vector<16xi32> to vector<32xbf16>
        %sub3A_1061 = arith.subf %bitcast3A_1059, %bitcast3A_1060 : vector<32xbf16>
        %max3A_1062 = arith.maximumf %max3A_1022, %sub3A_1061 : vector<32xbf16>
        %get3A_1063 = arith.constant 23 : i32
        %get3A_1064 = arith.index_cast %get3A_1063 : i32 to index
        %get3A_1065 = arith.index_cast %mul3A_150 : i32 to index
        %get3A_1066 = tpu.vector_load %arg7[%get3A_1064, %get3A_1065] {strides = array<i32>} : memref<32x256xi32, #tpu.memory_space<vmem>>, vector<16xi32>,
        %get3A_1067 = arith.constant 23 : i32
        %get3A_1068 = arith.index_cast %get3A_1067 : i32 to index
        %get3A_1069 = arith.index_cast %mul3A_150 : i32 to index
        %get3A_1070 = tpu.vector_load %arg8[%get3A_1068, %get3A_1069] {strides = array<i32>} : memref<32x256xi32, #tpu.memory_space<vmem>>, vector<16xi32>,
        %add3A_1071 = arith.addi %get3A_1066, %broadcast_in_dim3A_31 : vector<16xi32>
        %gather3A_1072 = tpu.vector_load_idx %arg5[%add3A_1071] : memref<40000xi32, #tpu.memory_space<vmem>>[vector<16xi32>], vector<16xi32>,
        %add3A_1073 = arith.addi %get3A_1070, %broadcast_in_dim3A_31 : vector<16xi32>
        %gather3A_1074 = tpu.vector_load_idx %arg5[%add3A_1073] : memref<40000xi32, #tpu.memory_space<vmem>>[vector<16xi32>], vector<16xi32>,
        %bitcast3A_1075 = vector.bitcast %gather3A_1072 : vector<16xi32> to vector<32xbf16>
        %bitcast3A_1076 = vector.bitcast %gather3A_1074 : vector<16xi32> to vector<32xbf16>
        %sub3A_1077 = arith.subf %bitcast3A_1075, %bitcast3A_1076 : vector<32xbf16>
        %max3A_1078 = arith.maximumf %max3A_1038, %sub3A_1077 : vector<32xbf16>
        %add3A_1079 = arith.addi %get3A_1066, %broadcast_in_dim3A_33 : vector<16xi32>
        %gather3A_1080 = tpu.vector_load_idx %arg5[%add3A_1079] : memref<40000xi32, #tpu.memory_space<vmem>>[vector<16xi32>], vector<16xi32>,
        %add3A_1081 = arith.addi %get3A_1070, %broadcast_in_dim3A_33 : vector<16xi32>
        %gather3A_1082 = tpu.vector_load_idx %arg5[%add3A_1081] : memref<40000xi32, #tpu.memory_space<vmem>>[vector<16xi32>], vector<16xi32>,
        %bitcast3A_1083 = vector.bitcast %gather3A_1080 : vector<16xi32> to vector<32xbf16>
        %bitcast3A_1084 = vector.bitcast %gather3A_1082 : vector<16xi32> to vector<32xbf16>
        %sub3A_1085 = arith.subf %bitcast3A_1083, %bitcast3A_1084 : vector<32xbf16>
        %max3A_1086 = arith.maximumf %max3A_1046, %sub3A_1085 : vector<32xbf16>
        %add3A_1087 = arith.addi %get3A_1066, %broadcast_in_dim3A_35 : vector<16xi32>
        %gather3A_1088 = tpu.vector_load_idx %arg5[%add3A_1087] : memref<40000xi32, #tpu.memory_space<vmem>>[vector<16xi32>], vector<16xi32>,
        %add3A_1089 = arith.addi %get3A_1070, %broadcast_in_dim3A_35 : vector<16xi32>
        %gather3A_1090 = tpu.vector_load_idx %arg5[%add3A_1089] : memref<40000xi32, #tpu.memory_space<vmem>>[vector<16xi32>], vector<16xi32>,
        %bitcast3A_1091 = vector.bitcast %gather3A_1088 : vector<16xi32> to vector<32xbf16>
        %bitcast3A_1092 = vector.bitcast %gather3A_1090 : vector<16xi32> to vector<32xbf16>
        %sub3A_1093 = arith.subf %bitcast3A_1091, %bitcast3A_1092 : vector<32xbf16>
        %max3A_1094 = arith.maximumf %max3A_1054, %sub3A_1093 : vector<32xbf16>
        %add3A_1095 = arith.addi %get3A_1066, %broadcast_in_dim3A_37 : vector<16xi32>
        %gather3A_1096 = tpu.vector_load_idx %arg5[%add3A_1095] : memref<40000xi32, #tpu.memory_space<vmem>>[vector<16xi32>], vector<16xi32>,
        %add3A_1097 = arith.addi %get3A_1070, %broadcast_in_dim3A_37 : vector<16xi32>
        %gather3A_1098 = tpu.vector_load_idx %arg5[%add3A_1097] : memref<40000xi32, #tpu.memory_space<vmem>>[vector<16xi32>], vector<16xi32>,
        %bitcast3A_1099 = vector.bitcast %gather3A_1096 : vector<16xi32> to vector<32xbf16>
        %bitcast3A_1100 = vector.bitcast %gather3A_1098 : vector<16xi32> to vector<32xbf16>
        %sub3A_1101 = arith.subf %bitcast3A_1099, %bitcast3A_1100 : vector<32xbf16>
        %max3A_1102 = arith.maximumf %max3A_1062, %sub3A_1101 : vector<32xbf16>
        %get3A_1103 = arith.constant 24 : i32
        %get3A_1104 = arith.index_cast %get3A_1103 : i32 to index
        %get3A_1105 = arith.index_cast %mul3A_150 : i32 to index
        %get3A_1106 = tpu.vector_load %arg7[%get3A_1104, %get3A_1105] {strides = array<i32>} : memref<32x256xi32, #tpu.memory_space<vmem>>, vector<16xi32>,
        %get3A_1107 = arith.constant 24 : i32
        %get3A_1108 = arith.index_cast %get3A_1107 : i32 to index
        %get3A_1109 = arith.index_cast %mul3A_150 : i32 to index
        %get3A_1110 = tpu.vector_load %arg8[%get3A_1108, %get3A_1109] {strides = array<i32>} : memref<32x256xi32, #tpu.memory_space<vmem>>, vector<16xi32>,
        %add3A_1111 = arith.addi %get3A_1106, %broadcast_in_dim3A_31 : vector<16xi32>
        %gather3A_1112 = tpu.vector_load_idx %arg5[%add3A_1111] : memref<40000xi32, #tpu.memory_space<vmem>>[vector<16xi32>], vector<16xi32>,
        %add3A_1113 = arith.addi %get3A_1110, %broadcast_in_dim3A_31 : vector<16xi32>
        %gather3A_1114 = tpu.vector_load_idx %arg5[%add3A_1113] : memref<40000xi32, #tpu.memory_space<vmem>>[vector<16xi32>], vector<16xi32>,
        %bitcast3A_1115 = vector.bitcast %gather3A_1112 : vector<16xi32> to vector<32xbf16>
        %bitcast3A_1116 = vector.bitcast %gather3A_1114 : vector<16xi32> to vector<32xbf16>
        %sub3A_1117 = arith.subf %bitcast3A_1115, %bitcast3A_1116 : vector<32xbf16>
        %max3A_1118 = arith.maximumf %max3A_1078, %sub3A_1117 : vector<32xbf16>
        %add3A_1119 = arith.addi %get3A_1106, %broadcast_in_dim3A_33 : vector<16xi32>
        %gather3A_1120 = tpu.vector_load_idx %arg5[%add3A_1119] : memref<40000xi32, #tpu.memory_space<vmem>>[vector<16xi32>], vector<16xi32>,
        %add3A_1121 = arith.addi %get3A_1110, %broadcast_in_dim3A_33 : vector<16xi32>
        %gather3A_1122 = tpu.vector_load_idx %arg5[%add3A_1121] : memref<40000xi32, #tpu.memory_space<vmem>>[vector<16xi32>], vector<16xi32>,
        %bitcast3A_1123 = vector.bitcast %gather3A_1120 : vector<16xi32> to vector<32xbf16>
        %bitcast3A_1124 = vector.bitcast %gather3A_1122 : vector<16xi32> to vector<32xbf16>
        %sub3A_1125 = arith.subf %bitcast3A_1123, %bitcast3A_1124 : vector<32xbf16>
        %max3A_1126 = arith.maximumf %max3A_1086, %sub3A_1125 : vector<32xbf16>
        %add3A_1127 = arith.addi %get3A_1106, %broadcast_in_dim3A_35 : vector<16xi32>
        %gather3A_1128 = tpu.vector_load_idx %arg5[%add3A_1127] : memref<40000xi32, #tpu.memory_space<vmem>>[vector<16xi32>], vector<16xi32>,
        %add3A_1129 = arith.addi %get3A_1110, %broadcast_in_dim3A_35 : vector<16xi32>
        %gather3A_1130 = tpu.vector_load_idx %arg5[%add3A_1129] : memref<40000xi32, #tpu.memory_space<vmem>>[vector<16xi32>], vector<16xi32>,
        %bitcast3A_1131 = vector.bitcast %gather3A_1128 : vector<16xi32> to vector<32xbf16>
        %bitcast3A_1132 = vector.bitcast %gather3A_1130 : vector<16xi32> to vector<32xbf16>
        %sub3A_1133 = arith.subf %bitcast3A_1131, %bitcast3A_1132 : vector<32xbf16>
        %max3A_1134 = arith.maximumf %max3A_1094, %sub3A_1133 : vector<32xbf16>
        %add3A_1135 = arith.addi %get3A_1106, %broadcast_in_dim3A_37 : vector<16xi32>
        %gather3A_1136 = tpu.vector_load_idx %arg5[%add3A_1135] : memref<40000xi32, #tpu.memory_space<vmem>>[vector<16xi32>], vector<16xi32>,
        %add3A_1137 = arith.addi %get3A_1110, %broadcast_in_dim3A_37 : vector<16xi32>
        %gather3A_1138 = tpu.vector_load_idx %arg5[%add3A_1137] : memref<40000xi32, #tpu.memory_space<vmem>>[vector<16xi32>], vector<16xi32>,
        %bitcast3A_1139 = vector.bitcast %gather3A_1136 : vector<16xi32> to vector<32xbf16>
        %bitcast3A_1140 = vector.bitcast %gather3A_1138 : vector<16xi32> to vector<32xbf16>
        %sub3A_1141 = arith.subf %bitcast3A_1139, %bitcast3A_1140 : vector<32xbf16>
        %max3A_1142 = arith.maximumf %max3A_1102, %sub3A_1141 : vector<32xbf16>
        %get3A_1143 = arith.constant 25 : i32
        %get3A_1144 = arith.index_cast %get3A_1143 : i32 to index
        %get3A_1145 = arith.index_cast %mul3A_150 : i32 to index
        %get3A_1146 = tpu.vector_load %arg7[%get3A_1144, %get3A_1145] {strides = array<i32>} : memref<32x256xi32, #tpu.memory_space<vmem>>, vector<16xi32>,
        %get3A_1147 = arith.constant 25 : i32
        %get3A_1148 = arith.index_cast %get3A_1147 : i32 to index
        %get3A_1149 = arith.index_cast %mul3A_150 : i32 to index
        %get3A_1150 = tpu.vector_load %arg8[%get3A_1148, %get3A_1149] {strides = array<i32>} : memref<32x256xi32, #tpu.memory_space<vmem>>, vector<16xi32>,
        %add3A_1151 = arith.addi %get3A_1146, %broadcast_in_dim3A_31 : vector<16xi32>
        %gather3A_1152 = tpu.vector_load_idx %arg5[%add3A_1151] : memref<40000xi32, #tpu.memory_space<vmem>>[vector<16xi32>], vector<16xi32>,
        %add3A_1153 = arith.addi %get3A_1150, %broadcast_in_dim3A_31 : vector<16xi32>
        %gather3A_1154 = tpu.vector_load_idx %arg5[%add3A_1153] : memref<40000xi32, #tpu.memory_space<vmem>>[vector<16xi32>], vector<16xi32>,
        %bitcast3A_1155 = vector.bitcast %gather3A_1152 : vector<16xi32> to vector<32xbf16>
        %bitcast3A_1156 = vector.bitcast %gather3A_1154 : vector<16xi32> to vector<32xbf16>
        %sub3A_1157 = arith.subf %bitcast3A_1155, %bitcast3A_1156 : vector<32xbf16>
        %max3A_1158 = arith.maximumf %max3A_1118, %sub3A_1157 : vector<32xbf16>
        %add3A_1159 = arith.addi %get3A_1146, %broadcast_in_dim3A_33 : vector<16xi32>
        %gather3A_1160 = tpu.vector_load_idx %arg5[%add3A_1159] : memref<40000xi32, #tpu.memory_space<vmem>>[vector<16xi32>], vector<16xi32>,
        %add3A_1161 = arith.addi %get3A_1150, %broadcast_in_dim3A_33 : vector<16xi32>
        %gather3A_1162 = tpu.vector_load_idx %arg5[%add3A_1161] : memref<40000xi32, #tpu.memory_space<vmem>>[vector<16xi32>], vector<16xi32>,
        %bitcast3A_1163 = vector.bitcast %gather3A_1160 : vector<16xi32> to vector<32xbf16>
        %bitcast3A_1164 = vector.bitcast %gather3A_1162 : vector<16xi32> to vector<32xbf16>
        %sub3A_1165 = arith.subf %bitcast3A_1163, %bitcast3A_1164 : vector<32xbf16>
        %max3A_1166 = arith.maximumf %max3A_1126, %sub3A_1165 : vector<32xbf16>
        %add3A_1167 = arith.addi %get3A_1146, %broadcast_in_dim3A_35 : vector<16xi32>
        %gather3A_1168 = tpu.vector_load_idx %arg5[%add3A_1167] : memref<40000xi32, #tpu.memory_space<vmem>>[vector<16xi32>], vector<16xi32>,
        %add3A_1169 = arith.addi %get3A_1150, %broadcast_in_dim3A_35 : vector<16xi32>
        %gather3A_1170 = tpu.vector_load_idx %arg5[%add3A_1169] : memref<40000xi32, #tpu.memory_space<vmem>>[vector<16xi32>], vector<16xi32>,
        %bitcast3A_1171 = vector.bitcast %gather3A_1168 : vector<16xi32> to vector<32xbf16>
        %bitcast3A_1172 = vector.bitcast %gather3A_1170 : vector<16xi32> to vector<32xbf16>
        %sub3A_1173 = arith.subf %bitcast3A_1171, %bitcast3A_1172 : vector<32xbf16>
        %max3A_1174 = arith.maximumf %max3A_1134, %sub3A_1173 : vector<32xbf16>
        %add3A_1175 = arith.addi %get3A_1146, %broadcast_in_dim3A_37 : vector<16xi32>
        %gather3A_1176 = tpu.vector_load_idx %arg5[%add3A_1175] : memref<40000xi32, #tpu.memory_space<vmem>>[vector<16xi32>], vector<16xi32>,
        %add3A_1177 = arith.addi %get3A_1150, %broadcast_in_dim3A_37 : vector<16xi32>
        %gather3A_1178 = tpu.vector_load_idx %arg5[%add3A_1177] : memref<40000xi32, #tpu.memory_space<vmem>>[vector<16xi32>], vector<16xi32>,
        %bitcast3A_1179 = vector.bitcast %gather3A_1176 : vector<16xi32> to vector<32xbf16>
        %bitcast3A_1180 = vector.bitcast %gather3A_1178 : vector<16xi32> to vector<32xbf16>
        %sub3A_1181 = arith.subf %bitcast3A_1179, %bitcast3A_1180 : vector<32xbf16>
        %max3A_1182 = arith.maximumf %max3A_1142, %sub3A_1181 : vector<32xbf16>
        %get3A_1183 = arith.constant 26 : i32
        %get3A_1184 = arith.index_cast %get3A_1183 : i32 to index
        %get3A_1185 = arith.index_cast %mul3A_150 : i32 to index
        %get3A_1186 = tpu.vector_load %arg7[%get3A_1184, %get3A_1185] {strides = array<i32>} : memref<32x256xi32, #tpu.memory_space<vmem>>, vector<16xi32>,
        %get3A_1187 = arith.constant 26 : i32
        %get3A_1188 = arith.index_cast %get3A_1187 : i32 to index
        %get3A_1189 = arith.index_cast %mul3A_150 : i32 to index
        %get3A_1190 = tpu.vector_load %arg8[%get3A_1188, %get3A_1189] {strides = array<i32>} : memref<32x256xi32, #tpu.memory_space<vmem>>, vector<16xi32>,
        %add3A_1191 = arith.addi %get3A_1186, %broadcast_in_dim3A_31 : vector<16xi32>
        %gather3A_1192 = tpu.vector_load_idx %arg5[%add3A_1191] : memref<40000xi32, #tpu.memory_space<vmem>>[vector<16xi32>], vector<16xi32>,
        %add3A_1193 = arith.addi %get3A_1190, %broadcast_in_dim3A_31 : vector<16xi32>
        %gather3A_1194 = tpu.vector_load_idx %arg5[%add3A_1193] : memref<40000xi32, #tpu.memory_space<vmem>>[vector<16xi32>], vector<16xi32>,
        %bitcast3A_1195 = vector.bitcast %gather3A_1192 : vector<16xi32> to vector<32xbf16>
        %bitcast3A_1196 = vector.bitcast %gather3A_1194 : vector<16xi32> to vector<32xbf16>
        %sub3A_1197 = arith.subf %bitcast3A_1195, %bitcast3A_1196 : vector<32xbf16>
        %max3A_1198 = arith.maximumf %max3A_1158, %sub3A_1197 : vector<32xbf16>
        %add3A_1199 = arith.addi %get3A_1186, %broadcast_in_dim3A_33 : vector<16xi32>
        %gather3A_1200 = tpu.vector_load_idx %arg5[%add3A_1199] : memref<40000xi32, #tpu.memory_space<vmem>>[vector<16xi32>], vector<16xi32>,
        %add3A_1201 = arith.addi %get3A_1190, %broadcast_in_dim3A_33 : vector<16xi32>
        %gather3A_1202 = tpu.vector_load_idx %arg5[%add3A_1201] : memref<40000xi32, #tpu.memory_space<vmem>>[vector<16xi32>], vector<16xi32>,
        %bitcast3A_1203 = vector.bitcast %gather3A_1200 : vector<16xi32> to vector<32xbf16>
        %bitcast3A_1204 = vector.bitcast %gather3A_1202 : vector<16xi32> to vector<32xbf16>
        %sub3A_1205 = arith.subf %bitcast3A_1203, %bitcast3A_1204 : vector<32xbf16>
        %max3A_1206 = arith.maximumf %max3A_1166, %sub3A_1205 : vector<32xbf16>
        %add3A_1207 = arith.addi %get3A_1186, %broadcast_in_dim3A_35 : vector<16xi32>
        %gather3A_1208 = tpu.vector_load_idx %arg5[%add3A_1207] : memref<40000xi32, #tpu.memory_space<vmem>>[vector<16xi32>], vector<16xi32>,
        %add3A_1209 = arith.addi %get3A_1190, %broadcast_in_dim3A_35 : vector<16xi32>
        %gather3A_1210 = tpu.vector_load_idx %arg5[%add3A_1209] : memref<40000xi32, #tpu.memory_space<vmem>>[vector<16xi32>], vector<16xi32>,
        %bitcast3A_1211 = vector.bitcast %gather3A_1208 : vector<16xi32> to vector<32xbf16>
        %bitcast3A_1212 = vector.bitcast %gather3A_1210 : vector<16xi32> to vector<32xbf16>
        %sub3A_1213 = arith.subf %bitcast3A_1211, %bitcast3A_1212 : vector<32xbf16>
        %max3A_1214 = arith.maximumf %max3A_1174, %sub3A_1213 : vector<32xbf16>
        %add3A_1215 = arith.addi %get3A_1186, %broadcast_in_dim3A_37 : vector<16xi32>
        %gather3A_1216 = tpu.vector_load_idx %arg5[%add3A_1215] : memref<40000xi32, #tpu.memory_space<vmem>>[vector<16xi32>], vector<16xi32>,
        %add3A_1217 = arith.addi %get3A_1190, %broadcast_in_dim3A_37 : vector<16xi32>
        %gather3A_1218 = tpu.vector_load_idx %arg5[%add3A_1217] : memref<40000xi32, #tpu.memory_space<vmem>>[vector<16xi32>], vector<16xi32>,
        %bitcast3A_1219 = vector.bitcast %gather3A_1216 : vector<16xi32> to vector<32xbf16>
        %bitcast3A_1220 = vector.bitcast %gather3A_1218 : vector<16xi32> to vector<32xbf16>
        %sub3A_1221 = arith.subf %bitcast3A_1219, %bitcast3A_1220 : vector<32xbf16>
        %max3A_1222 = arith.maximumf %max3A_1182, %sub3A_1221 : vector<32xbf16>
        %get3A_1223 = arith.constant 27 : i32
        %get3A_1224 = arith.index_cast %get3A_1223 : i32 to index
        %get3A_1225 = arith.index_cast %mul3A_150 : i32 to index
        %get3A_1226 = tpu.vector_load %arg7[%get3A_1224, %get3A_1225] {strides = array<i32>} : memref<32x256xi32, #tpu.memory_space<vmem>>, vector<16xi32>,
        %get3A_1227 = arith.constant 27 : i32
        %get3A_1228 = arith.index_cast %get3A_1227 : i32 to index
        %get3A_1229 = arith.index_cast %mul3A_150 : i32 to index
        %get3A_1230 = tpu.vector_load %arg8[%get3A_1228, %get3A_1229] {strides = array<i32>} : memref<32x256xi32, #tpu.memory_space<vmem>>, vector<16xi32>,
        %add3A_1231 = arith.addi %get3A_1226, %broadcast_in_dim3A_31 : vector<16xi32>
        %gather3A_1232 = tpu.vector_load_idx %arg5[%add3A_1231] : memref<40000xi32, #tpu.memory_space<vmem>>[vector<16xi32>], vector<16xi32>,
        %add3A_1233 = arith.addi %get3A_1230, %broadcast_in_dim3A_31 : vector<16xi32>
        %gather3A_1234 = tpu.vector_load_idx %arg5[%add3A_1233] : memref<40000xi32, #tpu.memory_space<vmem>>[vector<16xi32>], vector<16xi32>,
        %bitcast3A_1235 = vector.bitcast %gather3A_1232 : vector<16xi32> to vector<32xbf16>
        %bitcast3A_1236 = vector.bitcast %gather3A_1234 : vector<16xi32> to vector<32xbf16>
        %sub3A_1237 = arith.subf %bitcast3A_1235, %bitcast3A_1236 : vector<32xbf16>
        %max3A_1238 = arith.maximumf %max3A_1198, %sub3A_1237 : vector<32xbf16>
        %add3A_1239 = arith.addi %get3A_1226, %broadcast_in_dim3A_33 : vector<16xi32>
        %gather3A_1240 = tpu.vector_load_idx %arg5[%add3A_1239] : memref<40000xi32, #tpu.memory_space<vmem>>[vector<16xi32>], vector<16xi32>,
        %add3A_1241 = arith.addi %get3A_1230, %broadcast_in_dim3A_33 : vector<16xi32>
        %gather3A_1242 = tpu.vector_load_idx %arg5[%add3A_1241] : memref<40000xi32, #tpu.memory_space<vmem>>[vector<16xi32>], vector<16xi32>,
        %bitcast3A_1243 = vector.bitcast %gather3A_1240 : vector<16xi32> to vector<32xbf16>
        %bitcast3A_1244 = vector.bitcast %gather3A_1242 : vector<16xi32> to vector<32xbf16>
        %sub3A_1245 = arith.subf %bitcast3A_1243, %bitcast3A_1244 : vector<32xbf16>
        %max3A_1246 = arith.maximumf %max3A_1206, %sub3A_1245 : vector<32xbf16>
        %add3A_1247 = arith.addi %get3A_1226, %broadcast_in_dim3A_35 : vector<16xi32>
        %gather3A_1248 = tpu.vector_load_idx %arg5[%add3A_1247] : memref<40000xi32, #tpu.memory_space<vmem>>[vector<16xi32>], vector<16xi32>,
        %add3A_1249 = arith.addi %get3A_1230, %broadcast_in_dim3A_35 : vector<16xi32>
        %gather3A_1250 = tpu.vector_load_idx %arg5[%add3A_1249] : memref<40000xi32, #tpu.memory_space<vmem>>[vector<16xi32>], vector<16xi32>,
        %bitcast3A_1251 = vector.bitcast %gather3A_1248 : vector<16xi32> to vector<32xbf16>
        %bitcast3A_1252 = vector.bitcast %gather3A_1250 : vector<16xi32> to vector<32xbf16>
        %sub3A_1253 = arith.subf %bitcast3A_1251, %bitcast3A_1252 : vector<32xbf16>
        %max3A_1254 = arith.maximumf %max3A_1214, %sub3A_1253 : vector<32xbf16>
        %add3A_1255 = arith.addi %get3A_1226, %broadcast_in_dim3A_37 : vector<16xi32>
        %gather3A_1256 = tpu.vector_load_idx %arg5[%add3A_1255] : memref<40000xi32, #tpu.memory_space<vmem>>[vector<16xi32>], vector<16xi32>,
        %add3A_1257 = arith.addi %get3A_1230, %broadcast_in_dim3A_37 : vector<16xi32>
        %gather3A_1258 = tpu.vector_load_idx %arg5[%add3A_1257] : memref<40000xi32, #tpu.memory_space<vmem>>[vector<16xi32>], vector<16xi32>,
        %bitcast3A_1259 = vector.bitcast %gather3A_1256 : vector<16xi32> to vector<32xbf16>
        %bitcast3A_1260 = vector.bitcast %gather3A_1258 : vector<16xi32> to vector<32xbf16>
        %sub3A_1261 = arith.subf %bitcast3A_1259, %bitcast3A_1260 : vector<32xbf16>
        %max3A_1262 = arith.maximumf %max3A_1222, %sub3A_1261 : vector<32xbf16>
        %get3A_1263 = arith.constant 28 : i32
        %get3A_1264 = arith.index_cast %get3A_1263 : i32 to index
        %get3A_1265 = arith.index_cast %mul3A_150 : i32 to index
        %get3A_1266 = tpu.vector_load %arg7[%get3A_1264, %get3A_1265] {strides = array<i32>} : memref<32x256xi32, #tpu.memory_space<vmem>>, vector<16xi32>,
        %get3A_1267 = arith.constant 28 : i32
        %get3A_1268 = arith.index_cast %get3A_1267 : i32 to index
        %get3A_1269 = arith.index_cast %mul3A_150 : i32 to index
        %get3A_1270 = tpu.vector_load %arg8[%get3A_1268, %get3A_1269] {strides = array<i32>} : memref<32x256xi32, #tpu.memory_space<vmem>>, vector<16xi32>,
        %add3A_1271 = arith.addi %get3A_1266, %broadcast_in_dim3A_31 : vector<16xi32>
        %gather3A_1272 = tpu.vector_load_idx %arg5[%add3A_1271] : memref<40000xi32, #tpu.memory_space<vmem>>[vector<16xi32>], vector<16xi32>,
        %add3A_1273 = arith.addi %get3A_1270, %broadcast_in_dim3A_31 : vector<16xi32>
        %gather3A_1274 = tpu.vector_load_idx %arg5[%add3A_1273] : memref<40000xi32, #tpu.memory_space<vmem>>[vector<16xi32>], vector<16xi32>,
        %bitcast3A_1275 = vector.bitcast %gather3A_1272 : vector<16xi32> to vector<32xbf16>
        %bitcast3A_1276 = vector.bitcast %gather3A_1274 : vector<16xi32> to vector<32xbf16>
        %sub3A_1277 = arith.subf %bitcast3A_1275, %bitcast3A_1276 : vector<32xbf16>
        %max3A_1278 = arith.maximumf %max3A_1238, %sub3A_1277 : vector<32xbf16>
        %add3A_1279 = arith.addi %get3A_1266, %broadcast_in_dim3A_33 : vector<16xi32>
        %gather3A_1280 = tpu.vector_load_idx %arg5[%add3A_1279] : memref<40000xi32, #tpu.memory_space<vmem>>[vector<16xi32>], vector<16xi32>,
        %add3A_1281 = arith.addi %get3A_1270, %broadcast_in_dim3A_33 : vector<16xi32>
        %gather3A_1282 = tpu.vector_load_idx %arg5[%add3A_1281] : memref<40000xi32, #tpu.memory_space<vmem>>[vector<16xi32>], vector<16xi32>,
        %bitcast3A_1283 = vector.bitcast %gather3A_1280 : vector<16xi32> to vector<32xbf16>
        %bitcast3A_1284 = vector.bitcast %gather3A_1282 : vector<16xi32> to vector<32xbf16>
        %sub3A_1285 = arith.subf %bitcast3A_1283, %bitcast3A_1284 : vector<32xbf16>
        %max3A_1286 = arith.maximumf %max3A_1246, %sub3A_1285 : vector<32xbf16>
        %add3A_1287 = arith.addi %get3A_1266, %broadcast_in_dim3A_35 : vector<16xi32>
        %gather3A_1288 = tpu.vector_load_idx %arg5[%add3A_1287] : memref<40000xi32, #tpu.memory_space<vmem>>[vector<16xi32>], vector<16xi32>,
        %add3A_1289 = arith.addi %get3A_1270, %broadcast_in_dim3A_35 : vector<16xi32>
        %gather3A_1290 = tpu.vector_load_idx %arg5[%add3A_1289] : memref<40000xi32, #tpu.memory_space<vmem>>[vector<16xi32>], vector<16xi32>,
        %bitcast3A_1291 = vector.bitcast %gather3A_1288 : vector<16xi32> to vector<32xbf16>
        %bitcast3A_1292 = vector.bitcast %gather3A_1290 : vector<16xi32> to vector<32xbf16>
        %sub3A_1293 = arith.subf %bitcast3A_1291, %bitcast3A_1292 : vector<32xbf16>
        %max3A_1294 = arith.maximumf %max3A_1254, %sub3A_1293 : vector<32xbf16>
        %add3A_1295 = arith.addi %get3A_1266, %broadcast_in_dim3A_37 : vector<16xi32>
        %gather3A_1296 = tpu.vector_load_idx %arg5[%add3A_1295] : memref<40000xi32, #tpu.memory_space<vmem>>[vector<16xi32>], vector<16xi32>,
        %add3A_1297 = arith.addi %get3A_1270, %broadcast_in_dim3A_37 : vector<16xi32>
        %gather3A_1298 = tpu.vector_load_idx %arg5[%add3A_1297] : memref<40000xi32, #tpu.memory_space<vmem>>[vector<16xi32>], vector<16xi32>,
        %bitcast3A_1299 = vector.bitcast %gather3A_1296 : vector<16xi32> to vector<32xbf16>
        %bitcast3A_1300 = vector.bitcast %gather3A_1298 : vector<16xi32> to vector<32xbf16>
        %sub3A_1301 = arith.subf %bitcast3A_1299, %bitcast3A_1300 : vector<32xbf16>
        %max3A_1302 = arith.maximumf %max3A_1262, %sub3A_1301 : vector<32xbf16>
        %get3A_1303 = arith.constant 29 : i32
        %get3A_1304 = arith.index_cast %get3A_1303 : i32 to index
        %get3A_1305 = arith.index_cast %mul3A_150 : i32 to index
        %get3A_1306 = tpu.vector_load %arg7[%get3A_1304, %get3A_1305] {strides = array<i32>} : memref<32x256xi32, #tpu.memory_space<vmem>>, vector<16xi32>,
        %get3A_1307 = arith.constant 29 : i32
        %get3A_1308 = arith.index_cast %get3A_1307 : i32 to index
        %get3A_1309 = arith.index_cast %mul3A_150 : i32 to index
        %get3A_1310 = tpu.vector_load %arg8[%get3A_1308, %get3A_1309] {strides = array<i32>} : memref<32x256xi32, #tpu.memory_space<vmem>>, vector<16xi32>,
        %add3A_1311 = arith.addi %get3A_1306, %broadcast_in_dim3A_31 : vector<16xi32>
        %gather3A_1312 = tpu.vector_load_idx %arg5[%add3A_1311] : memref<40000xi32, #tpu.memory_space<vmem>>[vector<16xi32>], vector<16xi32>,
        %add3A_1313 = arith.addi %get3A_1310, %broadcast_in_dim3A_31 : vector<16xi32>
        %gather3A_1314 = tpu.vector_load_idx %arg5[%add3A_1313] : memref<40000xi32, #tpu.memory_space<vmem>>[vector<16xi32>], vector<16xi32>,
        %bitcast3A_1315 = vector.bitcast %gather3A_1312 : vector<16xi32> to vector<32xbf16>
        %bitcast3A_1316 = vector.bitcast %gather3A_1314 : vector<16xi32> to vector<32xbf16>
        %sub3A_1317 = arith.subf %bitcast3A_1315, %bitcast3A_1316 : vector<32xbf16>
        %max3A_1318 = arith.maximumf %max3A_1278, %sub3A_1317 : vector<32xbf16>
        %add3A_1319 = arith.addi %get3A_1306, %broadcast_in_dim3A_33 : vector<16xi32>
        %gather3A_1320 = tpu.vector_load_idx %arg5[%add3A_1319] : memref<40000xi32, #tpu.memory_space<vmem>>[vector<16xi32>], vector<16xi32>,
        %add3A_1321 = arith.addi %get3A_1310, %broadcast_in_dim3A_33 : vector<16xi32>
        %gather3A_1322 = tpu.vector_load_idx %arg5[%add3A_1321] : memref<40000xi32, #tpu.memory_space<vmem>>[vector<16xi32>], vector<16xi32>,
        %bitcast3A_1323 = vector.bitcast %gather3A_1320 : vector<16xi32> to vector<32xbf16>
        %bitcast3A_1324 = vector.bitcast %gather3A_1322 : vector<16xi32> to vector<32xbf16>
        %sub3A_1325 = arith.subf %bitcast3A_1323, %bitcast3A_1324 : vector<32xbf16>
        %max3A_1326 = arith.maximumf %max3A_1286, %sub3A_1325 : vector<32xbf16>
        %add3A_1327 = arith.addi %get3A_1306, %broadcast_in_dim3A_35 : vector<16xi32>
        %gather3A_1328 = tpu.vector_load_idx %arg5[%add3A_1327] : memref<40000xi32, #tpu.memory_space<vmem>>[vector<16xi32>], vector<16xi32>,
        %add3A_1329 = arith.addi %get3A_1310, %broadcast_in_dim3A_35 : vector<16xi32>
        %gather3A_1330 = tpu.vector_load_idx %arg5[%add3A_1329] : memref<40000xi32, #tpu.memory_space<vmem>>[vector<16xi32>], vector<16xi32>,
        %bitcast3A_1331 = vector.bitcast %gather3A_1328 : vector<16xi32> to vector<32xbf16>
        %bitcast3A_1332 = vector.bitcast %gather3A_1330 : vector<16xi32> to vector<32xbf16>
        %sub3A_1333 = arith.subf %bitcast3A_1331, %bitcast3A_1332 : vector<32xbf16>
        %max3A_1334 = arith.maximumf %max3A_1294, %sub3A_1333 : vector<32xbf16>
        %add3A_1335 = arith.addi %get3A_1306, %broadcast_in_dim3A_37 : vector<16xi32>
        %gather3A_1336 = tpu.vector_load_idx %arg5[%add3A_1335] : memref<40000xi32, #tpu.memory_space<vmem>>[vector<16xi32>], vector<16xi32>,
        %add3A_1337 = arith.addi %get3A_1310, %broadcast_in_dim3A_37 : vector<16xi32>
        %gather3A_1338 = tpu.vector_load_idx %arg5[%add3A_1337] : memref<40000xi32, #tpu.memory_space<vmem>>[vector<16xi32>], vector<16xi32>,
        %bitcast3A_1339 = vector.bitcast %gather3A_1336 : vector<16xi32> to vector<32xbf16>
        %bitcast3A_1340 = vector.bitcast %gather3A_1338 : vector<16xi32> to vector<32xbf16>
        %sub3A_1341 = arith.subf %bitcast3A_1339, %bitcast3A_1340 : vector<32xbf16>
        %max3A_1342 = arith.maximumf %max3A_1302, %sub3A_1341 : vector<32xbf16>
        %get3A_1343 = arith.constant 30 : i32
        %get3A_1344 = arith.index_cast %get3A_1343 : i32 to index
        %get3A_1345 = arith.index_cast %mul3A_150 : i32 to index
        %get3A_1346 = tpu.vector_load %arg7[%get3A_1344, %get3A_1345] {strides = array<i32>} : memref<32x256xi32, #tpu.memory_space<vmem>>, vector<16xi32>,
        %get3A_1347 = arith.constant 30 : i32
        %get3A_1348 = arith.index_cast %get3A_1347 : i32 to index
        %get3A_1349 = arith.index_cast %mul3A_150 : i32 to index
        %get3A_1350 = tpu.vector_load %arg8[%get3A_1348, %get3A_1349] {strides = array<i32>} : memref<32x256xi32, #tpu.memory_space<vmem>>, vector<16xi32>,
        %add3A_1351 = arith.addi %get3A_1346, %broadcast_in_dim3A_31 : vector<16xi32>
        %gather3A_1352 = tpu.vector_load_idx %arg5[%add3A_1351] : memref<40000xi32, #tpu.memory_space<vmem>>[vector<16xi32>], vector<16xi32>,
        %add3A_1353 = arith.addi %get3A_1350, %broadcast_in_dim3A_31 : vector<16xi32>
        %gather3A_1354 = tpu.vector_load_idx %arg5[%add3A_1353] : memref<40000xi32, #tpu.memory_space<vmem>>[vector<16xi32>], vector<16xi32>,
        %bitcast3A_1355 = vector.bitcast %gather3A_1352 : vector<16xi32> to vector<32xbf16>
        %bitcast3A_1356 = vector.bitcast %gather3A_1354 : vector<16xi32> to vector<32xbf16>
        %sub3A_1357 = arith.subf %bitcast3A_1355, %bitcast3A_1356 : vector<32xbf16>
        %max3A_1358 = arith.maximumf %max3A_1318, %sub3A_1357 : vector<32xbf16>
        %add3A_1359 = arith.addi %get3A_1346, %broadcast_in_dim3A_33 : vector<16xi32>
        %gather3A_1360 = tpu.vector_load_idx %arg5[%add3A_1359] : memref<40000xi32, #tpu.memory_space<vmem>>[vector<16xi32>], vector<16xi32>,
        %add3A_1361 = arith.addi %get3A_1350, %broadcast_in_dim3A_33 : vector<16xi32>
        %gather3A_1362 = tpu.vector_load_idx %arg5[%add3A_1361] : memref<40000xi32, #tpu.memory_space<vmem>>[vector<16xi32>], vector<16xi32>,
        %bitcast3A_1363 = vector.bitcast %gather3A_1360 : vector<16xi32> to vector<32xbf16>
        %bitcast3A_1364 = vector.bitcast %gather3A_1362 : vector<16xi32> to vector<32xbf16>
        %sub3A_1365 = arith.subf %bitcast3A_1363, %bitcast3A_1364 : vector<32xbf16>
        %max3A_1366 = arith.maximumf %max3A_1326, %sub3A_1365 : vector<32xbf16>
        %add3A_1367 = arith.addi %get3A_1346, %broadcast_in_dim3A_35 : vector<16xi32>
        %gather3A_1368 = tpu.vector_load_idx %arg5[%add3A_1367] : memref<40000xi32, #tpu.memory_space<vmem>>[vector<16xi32>], vector<16xi32>,
        %add3A_1369 = arith.addi %get3A_1350, %broadcast_in_dim3A_35 : vector<16xi32>
        %gather3A_1370 = tpu.vector_load_idx %arg5[%add3A_1369] : memref<40000xi32, #tpu.memory_space<vmem>>[vector<16xi32>], vector<16xi32>,
        %bitcast3A_1371 = vector.bitcast %gather3A_1368 : vector<16xi32> to vector<32xbf16>
        %bitcast3A_1372 = vector.bitcast %gather3A_1370 : vector<16xi32> to vector<32xbf16>
        %sub3A_1373 = arith.subf %bitcast3A_1371, %bitcast3A_1372 : vector<32xbf16>
        %max3A_1374 = arith.maximumf %max3A_1334, %sub3A_1373 : vector<32xbf16>
        %add3A_1375 = arith.addi %get3A_1346, %broadcast_in_dim3A_37 : vector<16xi32>
        %gather3A_1376 = tpu.vector_load_idx %arg5[%add3A_1375] : memref<40000xi32, #tpu.memory_space<vmem>>[vector<16xi32>], vector<16xi32>,
        %add3A_1377 = arith.addi %get3A_1350, %broadcast_in_dim3A_37 : vector<16xi32>
        %gather3A_1378 = tpu.vector_load_idx %arg5[%add3A_1377] : memref<40000xi32, #tpu.memory_space<vmem>>[vector<16xi32>], vector<16xi32>,
        %bitcast3A_1379 = vector.bitcast %gather3A_1376 : vector<16xi32> to vector<32xbf16>
        %bitcast3A_1380 = vector.bitcast %gather3A_1378 : vector<16xi32> to vector<32xbf16>
        %sub3A_1381 = arith.subf %bitcast3A_1379, %bitcast3A_1380 : vector<32xbf16>
        %max3A_1382 = arith.maximumf %max3A_1342, %sub3A_1381 : vector<32xbf16>
        %get3A_1383 = arith.constant 31 : i32
        %get3A_1384 = arith.index_cast %get3A_1383 : i32 to index
        %get3A_1385 = arith.index_cast %mul3A_150 : i32 to index
        %get3A_1386 = tpu.vector_load %arg7[%get3A_1384, %get3A_1385] {strides = array<i32>} : memref<32x256xi32, #tpu.memory_space<vmem>>, vector<16xi32>,
        %get3A_1387 = arith.constant 31 : i32
        %get3A_1388 = arith.index_cast %get3A_1387 : i32 to index
        %get3A_1389 = arith.index_cast %mul3A_150 : i32 to index
        %get3A_1390 = tpu.vector_load %arg8[%get3A_1388, %get3A_1389] {strides = array<i32>} : memref<32x256xi32, #tpu.memory_space<vmem>>, vector<16xi32>,
        %add3A_1391 = arith.addi %get3A_1386, %broadcast_in_dim3A_31 : vector<16xi32>
        %gather3A_1392 = tpu.vector_load_idx %arg5[%add3A_1391] : memref<40000xi32, #tpu.memory_space<vmem>>[vector<16xi32>], vector<16xi32>,
        %add3A_1393 = arith.addi %get3A_1390, %broadcast_in_dim3A_31 : vector<16xi32>
        %gather3A_1394 = tpu.vector_load_idx %arg5[%add3A_1393] : memref<40000xi32, #tpu.memory_space<vmem>>[vector<16xi32>], vector<16xi32>,
        %bitcast3A_1395 = vector.bitcast %gather3A_1392 : vector<16xi32> to vector<32xbf16>
        %bitcast3A_1396 = vector.bitcast %gather3A_1394 : vector<16xi32> to vector<32xbf16>
        %sub3A_1397 = arith.subf %bitcast3A_1395, %bitcast3A_1396 : vector<32xbf16>
        %max3A_1398 = arith.maximumf %max3A_1358, %sub3A_1397 : vector<32xbf16>
        %add3A_1399 = arith.addi %get3A_1386, %broadcast_in_dim3A_33 : vector<16xi32>
        %gather3A_1400 = tpu.vector_load_idx %arg5[%add3A_1399] : memref<40000xi32, #tpu.memory_space<vmem>>[vector<16xi32>], vector<16xi32>,
        %add3A_1401 = arith.addi %get3A_1390, %broadcast_in_dim3A_33 : vector<16xi32>
        %gather3A_1402 = tpu.vector_load_idx %arg5[%add3A_1401] : memref<40000xi32, #tpu.memory_space<vmem>>[vector<16xi32>], vector<16xi32>,
        %bitcast3A_1403 = vector.bitcast %gather3A_1400 : vector<16xi32> to vector<32xbf16>
        %bitcast3A_1404 = vector.bitcast %gather3A_1402 : vector<16xi32> to vector<32xbf16>
        %sub3A_1405 = arith.subf %bitcast3A_1403, %bitcast3A_1404 : vector<32xbf16>
        %max3A_1406 = arith.maximumf %max3A_1366, %sub3A_1405 : vector<32xbf16>
        %add3A_1407 = arith.addi %get3A_1386, %broadcast_in_dim3A_35 : vector<16xi32>
        %gather3A_1408 = tpu.vector_load_idx %arg5[%add3A_1407] : memref<40000xi32, #tpu.memory_space<vmem>>[vector<16xi32>], vector<16xi32>,
        %add3A_1409 = arith.addi %get3A_1390, %broadcast_in_dim3A_35 : vector<16xi32>
        %gather3A_1410 = tpu.vector_load_idx %arg5[%add3A_1409] : memref<40000xi32, #tpu.memory_space<vmem>>[vector<16xi32>], vector<16xi32>,
        %bitcast3A_1411 = vector.bitcast %gather3A_1408 : vector<16xi32> to vector<32xbf16>
        %bitcast3A_1412 = vector.bitcast %gather3A_1410 : vector<16xi32> to vector<32xbf16>
        %sub3A_1413 = arith.subf %bitcast3A_1411, %bitcast3A_1412 : vector<32xbf16>
        %max3A_1414 = arith.maximumf %max3A_1374, %sub3A_1413 : vector<32xbf16>
        %add3A_1415 = arith.addi %get3A_1386, %broadcast_in_dim3A_37 : vector<16xi32>
        %gather3A_1416 = tpu.vector_load_idx %arg5[%add3A_1415] : memref<40000xi32, #tpu.memory_space<vmem>>[vector<16xi32>], vector<16xi32>,
        %add3A_1417 = arith.addi %get3A_1390, %broadcast_in_dim3A_37 : vector<16xi32>
        %gather3A_1418 = tpu.vector_load_idx %arg5[%add3A_1417] : memref<40000xi32, #tpu.memory_space<vmem>>[vector<16xi32>], vector<16xi32>,
        %bitcast3A_1419 = vector.bitcast %gather3A_1416 : vector<16xi32> to vector<32xbf16>
        %bitcast3A_1420 = vector.bitcast %gather3A_1418 : vector<16xi32> to vector<32xbf16>
        %sub3A_1421 = arith.subf %bitcast3A_1419, %bitcast3A_1420 : vector<32xbf16>
        %max3A_1422 = arith.maximumf %max3A_1382, %sub3A_1421 : vector<32xbf16>
        %mul3A_1423 = arith.constant 256 : i32
        %mul3A_1424 = arith.muli %mul3A_70, %mul3A_1423 : i32
        %add3A_1425 = arith.addi %mul3A_1424, %mul3A_150 : i32
        %unpack3A = tpu.unpack_subelements %max3A_1398, 0 {pack_format = #tpu.pack_format<interleaved>} : vector<32xbf16> -> vector<16xf32>
        %unpack3A_1426 = tpu.unpack_subelements %max3A_1398, 1 {pack_format = #tpu.pack_format<interleaved>} : vector<32xbf16> -> vector<16xf32>
        %swap3A = arith.constant 0 : i32
        %swap3A_1427 = arith.index_cast %swap3A : i32 to index
        %swap3A_1428 = arith.index_cast %add3A_1425 : i32 to index
        %swap3A_1429 = tpu.vector_load %arg6[%swap3A_1427, %swap3A_1428] {strides = array<i32>} : memref<8x5120xf32, #tpu.memory_space<vmem>>, vector<16xf32>,
        tpu.vector_store %arg6[%swap3A_1427, %swap3A_1428], %unpack3A {strides = array<i32>} : memref<8x5120xf32, #tpu.memory_space<vmem>>, vector<16xf32>,
        %swap3A_1430 = arith.constant 1 : i32
        %swap3A_1431 = arith.index_cast %swap3A_1430 : i32 to index
        %swap3A_1432 = arith.index_cast %add3A_1425 : i32 to index
        %swap3A_1433 = tpu.vector_load %arg6[%swap3A_1431, %swap3A_1432] {strides = array<i32>} : memref<8x5120xf32, #tpu.memory_space<vmem>>, vector<16xf32>,
        tpu.vector_store %arg6[%swap3A_1431, %swap3A_1432], %unpack3A_1426 {strides = array<i32>} : memref<8x5120xf32, #tpu.memory_space<vmem>>, vector<16xf32>,
        %unpack3A_1434 = tpu.unpack_subelements %max3A_1406, 0 {pack_format = #tpu.pack_format<interleaved>} : vector<32xbf16> -> vector<16xf32>
        %unpack3A_1435 = tpu.unpack_subelements %max3A_1406, 1 {pack_format = #tpu.pack_format<interleaved>} : vector<32xbf16> -> vector<16xf32>
        %swap3A_1436 = arith.constant 2 : i32
        %swap3A_1437 = arith.index_cast %swap3A_1436 : i32 to index
        %swap3A_1438 = arith.index_cast %add3A_1425 : i32 to index
        %swap3A_1439 = tpu.vector_load %arg6[%swap3A_1437, %swap3A_1438] {strides = array<i32>} : memref<8x5120xf32, #tpu.memory_space<vmem>>, vector<16xf32>,
        tpu.vector_store %arg6[%swap3A_1437, %swap3A_1438], %unpack3A_1434 {strides = array<i32>} : memref<8x5120xf32, #tpu.memory_space<vmem>>, vector<16xf32>,
        %swap3A_1440 = arith.constant 3 : i32
        %swap3A_1441 = arith.index_cast %swap3A_1440 : i32 to index
        %swap3A_1442 = arith.index_cast %add3A_1425 : i32 to index
        %swap3A_1443 = tpu.vector_load %arg6[%swap3A_1441, %swap3A_1442] {strides = array<i32>} : memref<8x5120xf32, #tpu.memory_space<vmem>>, vector<16xf32>,
        tpu.vector_store %arg6[%swap3A_1441, %swap3A_1442], %unpack3A_1435 {strides = array<i32>} : memref<8x5120xf32, #tpu.memory_space<vmem>>, vector<16xf32>,
        %unpack3A_1444 = tpu.unpack_subelements %max3A_1414, 0 {pack_format = #tpu.pack_format<interleaved>} : vector<32xbf16> -> vector<16xf32>
        %unpack3A_1445 = tpu.unpack_subelements %max3A_1414, 1 {pack_format = #tpu.pack_format<interleaved>} : vector<32xbf16> -> vector<16xf32>
        %swap3A_1446 = arith.constant 4 : i32
        %swap3A_1447 = arith.index_cast %swap3A_1446 : i32 to index
        %swap3A_1448 = arith.index_cast %add3A_1425 : i32 to index
        %swap3A_1449 = tpu.vector_load %arg6[%swap3A_1447, %swap3A_1448] {strides = array<i32>} : memref<8x5120xf32, #tpu.memory_space<vmem>>, vector<16xf32>,
        tpu.vector_store %arg6[%swap3A_1447, %swap3A_1448], %unpack3A_1444 {strides = array<i32>} : memref<8x5120xf32, #tpu.memory_space<vmem>>, vector<16xf32>,
        %swap3A_1450 = arith.constant 5 : i32
        %swap3A_1451 = arith.index_cast %swap3A_1450 : i32 to index
        %swap3A_1452 = arith.index_cast %add3A_1425 : i32 to index
        %swap3A_1453 = tpu.vector_load %arg6[%swap3A_1451, %swap3A_1452] {strides = array<i32>} : memref<8x5120xf32, #tpu.memory_space<vmem>>, vector<16xf32>,
        tpu.vector_store %arg6[%swap3A_1451, %swap3A_1452], %unpack3A_1445 {strides = array<i32>} : memref<8x5120xf32, #tpu.memory_space<vmem>>, vector<16xf32>,
        %unpack3A_1454 = tpu.unpack_subelements %max3A_1422, 0 {pack_format = #tpu.pack_format<interleaved>} : vector<32xbf16> -> vector<16xf32>
        %unpack3A_1455 = tpu.unpack_subelements %max3A_1422, 1 {pack_format = #tpu.pack_format<interleaved>} : vector<32xbf16> -> vector<16xf32>
        %swap3A_1456 = arith.constant 6 : i32
        %swap3A_1457 = arith.index_cast %swap3A_1456 : i32 to index
        %swap3A_1458 = arith.index_cast %add3A_1425 : i32 to index
        %swap3A_1459 = tpu.vector_load %arg6[%swap3A_1457, %swap3A_1458] {strides = array<i32>} : memref<8x5120xf32, #tpu.memory_space<vmem>>, vector<16xf32>,
        tpu.vector_store %arg6[%swap3A_1457, %swap3A_1458], %unpack3A_1454 {strides = array<i32>} : memref<8x5120xf32, #tpu.memory_space<vmem>>, vector<16xf32>,
        %swap3A_1460 = arith.constant 7 : i32
        %swap3A_1461 = arith.index_cast %swap3A_1460 : i32 to index
        %swap3A_1462 = arith.index_cast %add3A_1425 : i32 to index
        %swap3A_1463 = tpu.vector_load %arg6[%swap3A_1461, %swap3A_1462] {strides = array<i32>} : memref<8x5120xf32, #tpu.memory_space<vmem>>, vector<16xf32>,
        tpu.vector_store %arg6[%swap3A_1461, %swap3A_1462], %unpack3A_1455 {strides = array<i32>} : memref<8x5120xf32, #tpu.memory_space<vmem>>, vector<16xf32>,
      }
      %scan3A_117 = arith.constant 16 : i32
      %add3A_118 = arith.constant 1 : i32
      %add3A_119 = arith.addi %scan3A_68, %add3A_118 : i32
      %lt3A_120 = arith.constant 10 : i32
      %lt3A_121 = arith.cmpi slt, %add3A_119, %lt3A_120 : i32
      %convert_element_type3A = arith.extui %lt3A_121 : i1 to i32
      %cond3A = arith.constant 0 : i32
      %cond3A_122 = arith.cmpi ne, %convert_element_type3A, %cond3A : i32
      scf.if %cond3A_122 {
        %add3A_148 = arith.addi %mul3A_39, %mul3A_70 : i32
        %add3A_149 = arith.constant 2 : i32
        %add3A_150 = arith.addi %add3A_148, %add3A_149 : i32
        %dma_start3A_151 = arith.constant 0 : i32
        %dma_start3A_152 = arith.constant 0 : i32
        %dma_start3A_153 = arith.constant 0 : i32
        %dma_start3A_154 = tpu.memref_slice %arg3[%dma_start3A_151, %add3A_150, %dma_start3A_152, %dma_start3A_153] : memref<2x40x32x256xi32, #tpu.memory_space<hbm>> -> memref<1x1x32x256xi32, #tpu.memory_space<hbm>>
        %dma_start3A_155 = tpu.memref_squeeze %dma_start3A_154 : memref<1x1x32x256xi32, #tpu.memory_space<hbm>> -> memref<32x256xi32, #tpu.memory_space<hbm>>
        %dma_start3A_156 = arith.constant 0 : i32
        %dma_start3A_157 = arith.constant 0 : i32
        %dma_start3A_158 = tpu.memref_slice %arg3[%dma_start3A_151, %add3A_150, %dma_start3A_156, %dma_start3A_157] : memref<2x40x32x256xi32, #tpu.memory_space<hbm>> -> memref<1x1x32x256xi32, #tpu.memory_space<hbm>>
        %dma_start3A_159 = tpu.memref_squeeze %dma_start3A_158 : memref<1x1x32x256xi32, #tpu.memory_space<hbm>> -> memref<32x256xi32, #tpu.memory_space<hbm>>
        tpu.enqueue_dma source(%dma_start3A_159 : memref<32x256xi32, #tpu.memory_space<hbm>>) target(%arg7 : memref<32x256xi32, #tpu.memory_space<vmem>>) target_semaphore(%arg11 : memref<!tpu.dma_semaphore, #tpu.memory_space<semaphore_mem>>)
        %dma_start3A_160 = arith.constant 1 : i32
        %dma_start3A_161 = arith.constant 0 : i32
        %dma_start3A_162 = arith.constant 0 : i32
        %dma_start3A_163 = tpu.memref_slice %arg3[%dma_start3A_160, %add3A_150, %dma_start3A_161, %dma_start3A_162] : memref<2x40x32x256xi32, #tpu.memory_space<hbm>> -> memref<1x1x32x256xi32, #tpu.memory_space<hbm>>
        %dma_start3A_164 = tpu.memref_squeeze %dma_start3A_163 : memref<1x1x32x256xi32, #tpu.memory_space<hbm>> -> memref<32x256xi32, #tpu.memory_space<hbm>>
        %dma_start3A_165 = arith.constant 0 : i32
        %dma_start3A_166 = arith.constant 0 : i32
        %dma_start3A_167 = tpu.memref_slice %arg3[%dma_start3A_160, %add3A_150, %dma_start3A_165, %dma_start3A_166] : memref<2x40x32x256xi32, #tpu.memory_space<hbm>> -> memref<1x1x32x256xi32, #tpu.memory_space<hbm>>
        %dma_start3A_168 = tpu.memref_squeeze %dma_start3A_167 : memref<1x1x32x256xi32, #tpu.memory_space<hbm>> -> memref<32x256xi32, #tpu.memory_space<hbm>>
        tpu.enqueue_dma source(%dma_start3A_168 : memref<32x256xi32, #tpu.memory_space<hbm>>) target(%arg8 : memref<32x256xi32, #tpu.memory_space<vmem>>) target_semaphore(%arg11 : memref<!tpu.dma_semaphore, #tpu.memory_space<semaphore_mem>>)
      } else {
      }
      %add3A_123 = arith.addi %mul3A_39, %add3A_74 : i32
      %dma_wait3A_124 = arith.constant 0 : i32
      %dma_wait3A_125 = arith.constant 0 : i32
      %dma_wait3A_126 = arith.constant 0 : i32
      %dma_wait3A_127 = tpu.memref_slice %arg3[%dma_wait3A_124, %add3A_123, %dma_wait3A_125, %dma_wait3A_126] : memref<2x40x32x256xi32, #tpu.memory_space<hbm>> -> memref<1x1x32x256xi32, #tpu.memory_space<hbm>>
      %dma_wait3A_128 = tpu.memref_squeeze %dma_wait3A_127 : memref<1x1x32x256xi32, #tpu.memory_space<hbm>> -> memref<32x256xi32, #tpu.memory_space<hbm>>
      %dma_wait3A_129 = arith.constant 0 : i32
      %dma_wait3A_130 = arith.constant 0 : i32
      %dma_wait3A_131 = tpu.memref_slice %arg3[%dma_wait3A_124, %add3A_123, %dma_wait3A_129, %dma_wait3A_130] : memref<2x40x32x256xi32, #tpu.memory_space<hbm>> -> memref<1x1x32x256xi32, #tpu.memory_space<hbm>>
      %dma_wait3A_132 = tpu.memref_squeeze %dma_wait3A_131 : memref<1x1x32x256xi32, #tpu.memory_space<hbm>> -> memref<32x256xi32, #tpu.memory_space<hbm>>
      tpu.wait_dma2 semaphore(%arg12 : memref<!tpu.dma_semaphore, #tpu.memory_space<semaphore_mem>>) src(%dma_wait3A_132 : memref<32x256xi32, #tpu.memory_space<hbm>>) dst(%arg9 : memref<32x256xi32, #tpu.memory_space<vmem>>)
      %dma_wait3A_133 = arith.constant 1 : i32
      %dma_wait3A_134 = arith.constant 0 : i32
      %dma_wait3A_135 = arith.constant 0 : i32
      %dma_wait3A_136 = tpu.memref_slice %arg3[%dma_wait3A_133, %add3A_123, %dma_wait3A_134, %dma_wait3A_135] : memref<2x40x32x256xi32, #tpu.memory_space<hbm>> -> memref<1x1x32x256xi32, #tpu.memory_space<hbm>>
      %dma_wait3A_137 = tpu.memref_squeeze %dma_wait3A_136 : memref<1x1x32x256xi32, #tpu.memory_space<hbm>> -> memref<32x256xi32, #tpu.memory_space<hbm>>
      %dma_wait3A_138 = arith.constant 0 : i32
      %dma_wait3A_139 = arith.constant 0 : i32
      %dma_wait3A_140 = tpu.memref_slice %arg3[%dma_wait3A_133, %add3A_123, %dma_wait3A_138, %dma_wait3A_139] : memref<2x40x32x256xi32, #tpu.memory_space<hbm>> -> memref<1x1x32x256xi32, #tpu.memory_space<hbm>>
      %dma_wait3A_141 = tpu.memref_squeeze %dma_wait3A_140 : memref<1x1x32x256xi32, #tpu.memory_space<hbm>> -> memref<32x256xi32, #tpu.memory_space<hbm>>
      tpu.wait_dma2 semaphore(%arg12 : memref<!tpu.dma_semaphore, #tpu.memory_space<semaphore_mem>>) src(%dma_wait3A_141 : memref<32x256xi32, #tpu.memory_space<hbm>>) dst(%arg10 : memref<32x256xi32, #tpu.memory_space<vmem>>)
      %scan3A_142 = arith.constant 0 : i32
      %scan3A_143 = arith.constant 0 : i32
      %scan3A_144 = arith.constant 16 : i32
      %scan3A_145 = arith.addi %scan3A_143, %scan3A_144 : i32
      %scan3A_146 = arith.constant 1 : i32
      scf.for %scan3A_148 = %scan3A_143 to %scan3A_145 step %scan3A_146  : i32 {
        %mul3A_149 = arith.constant 16 : i32
        %mul3A_150 = arith.muli %scan3A_148, %mul3A_149 : i32
        %get3A = arith.constant 0 : i32
        %get3A_151 = arith.index_cast %get3A : i32 to index
        %get3A_152 = arith.index_cast %mul3A_150 : i32 to index
        %get3A_153 = tpu.vector_load %arg9[%get3A_151, %get3A_152] {strides = array<i32>} : memref<32x256xi32, #tpu.memory_space<vmem>>, vector<16xi32>,
        %get3A_154 = arith.constant 0 : i32
        %get3A_155 = arith.index_cast %get3A_154 : i32 to index
        %get3A_156 = arith.index_cast %mul3A_150 : i32 to index
        %get3A_157 = tpu.vector_load %arg10[%get3A_155, %get3A_156] {strides = array<i32>} : memref<32x256xi32, #tpu.memory_space<vmem>>, vector<16xi32>,
        %add3A_158 = arith.addi %get3A_153, %broadcast_in_dim3A_31 : vector<16xi32>
        %gather3A = tpu.vector_load_idx %arg5[%add3A_158] : memref<40000xi32, #tpu.memory_space<vmem>>[vector<16xi32>], vector<16xi32>,
        %add3A_159 = arith.addi %get3A_157, %broadcast_in_dim3A_31 : vector<16xi32>
        %gather3A_160 = tpu.vector_load_idx %arg5[%add3A_159] : memref<40000xi32, #tpu.memory_space<vmem>>[vector<16xi32>], vector<16xi32>,
        %bitcast3A = vector.bitcast %gather3A : vector<16xi32> to vector<32xbf16>
        %bitcast3A_161 = vector.bitcast %gather3A_160 : vector<16xi32> to vector<32xbf16>
        %sub3A_162 = arith.subf %bitcast3A, %bitcast3A_161 : vector<32xbf16>
        %add3A_163 = arith.addi %get3A_153, %broadcast_in_dim3A_33 : vector<16xi32>
        %gather3A_164 = tpu.vector_load_idx %arg5[%add3A_163] : memref<40000xi32, #tpu.memory_space<vmem>>[vector<16xi32>], vector<16xi32>,
        %add3A_165 = arith.addi %get3A_157, %broadcast_in_dim3A_33 : vector<16xi32>
        %gather3A_166 = tpu.vector_load_idx %arg5[%add3A_165] : memref<40000xi32, #tpu.memory_space<vmem>>[vector<16xi32>], vector<16xi32>,
        %bitcast3A_167 = vector.bitcast %gather3A_164 : vector<16xi32> to vector<32xbf16>
        %bitcast3A_168 = vector.bitcast %gather3A_166 : vector<16xi32> to vector<32xbf16>
        %sub3A_169 = arith.subf %bitcast3A_167, %bitcast3A_168 : vector<32xbf16>
        %add3A_170 = arith.addi %get3A_153, %broadcast_in_dim3A_35 : vector<16xi32>
        %gather3A_171 = tpu.vector_load_idx %arg5[%add3A_170] : memref<40000xi32, #tpu.memory_space<vmem>>[vector<16xi32>], vector<16xi32>,
        %add3A_172 = arith.addi %get3A_157, %broadcast_in_dim3A_35 : vector<16xi32>
        %gather3A_173 = tpu.vector_load_idx %arg5[%add3A_172] : memref<40000xi32, #tpu.memory_space<vmem>>[vector<16xi32>], vector<16xi32>,
        %bitcast3A_174 = vector.bitcast %gather3A_171 : vector<16xi32> to vector<32xbf16>
        %bitcast3A_175 = vector.bitcast %gather3A_173 : vector<16xi32> to vector<32xbf16>
        %sub3A_176 = arith.subf %bitcast3A_174, %bitcast3A_175 : vector<32xbf16>
        %add3A_177 = arith.addi %get3A_153, %broadcast_in_dim3A_37 : vector<16xi32>
        %gather3A_178 = tpu.vector_load_idx %arg5[%add3A_177] : memref<40000xi32, #tpu.memory_space<vmem>>[vector<16xi32>], vector<16xi32>,
        %add3A_179 = arith.addi %get3A_157, %broadcast_in_dim3A_37 : vector<16xi32>
        %gather3A_180 = tpu.vector_load_idx %arg5[%add3A_179] : memref<40000xi32, #tpu.memory_space<vmem>>[vector<16xi32>], vector<16xi32>,
        %bitcast3A_181 = vector.bitcast %gather3A_178 : vector<16xi32> to vector<32xbf16>
        %bitcast3A_182 = vector.bitcast %gather3A_180 : vector<16xi32> to vector<32xbf16>
        %sub3A_183 = arith.subf %bitcast3A_181, %bitcast3A_182 : vector<32xbf16>
        %get3A_184 = arith.constant 1 : i32
        %get3A_185 = arith.index_cast %get3A_184 : i32 to index
        %get3A_186 = arith.index_cast %mul3A_150 : i32 to index
        %get3A_187 = tpu.vector_load %arg9[%get3A_185, %get3A_186] {strides = array<i32>} : memref<32x256xi32, #tpu.memory_space<vmem>>, vector<16xi32>,
        %get3A_188 = arith.constant 1 : i32
        %get3A_189 = arith.index_cast %get3A_188 : i32 to index
        %get3A_190 = arith.index_cast %mul3A_150 : i32 to index
        %get3A_191 = tpu.vector_load %arg10[%get3A_189, %get3A_190] {strides = array<i32>} : memref<32x256xi32, #tpu.memory_space<vmem>>, vector<16xi32>,
        %add3A_192 = arith.addi %get3A_187, %broadcast_in_dim3A_31 : vector<16xi32>
        %gather3A_193 = tpu.vector_load_idx %arg5[%add3A_192] : memref<40000xi32, #tpu.memory_space<vmem>>[vector<16xi32>], vector<16xi32>,
        %add3A_194 = arith.addi %get3A_191, %broadcast_in_dim3A_31 : vector<16xi32>
        %gather3A_195 = tpu.vector_load_idx %arg5[%add3A_194] : memref<40000xi32, #tpu.memory_space<vmem>>[vector<16xi32>], vector<16xi32>,
        %bitcast3A_196 = vector.bitcast %gather3A_193 : vector<16xi32> to vector<32xbf16>
        %bitcast3A_197 = vector.bitcast %gather3A_195 : vector<16xi32> to vector<32xbf16>
        %sub3A_198 = arith.subf %bitcast3A_196, %bitcast3A_197 : vector<32xbf16>
        %max3A = arith.maximumf %sub3A_162, %sub3A_198 : vector<32xbf16>
        %add3A_199 = arith.addi %get3A_187, %broadcast_in_dim3A_33 : vector<16xi32>
        %gather3A_200 = tpu.vector_load_idx %arg5[%add3A_199] : memref<40000xi32, #tpu.memory_space<vmem>>[vector<16xi32>], vector<16xi32>,
        %add3A_201 = arith.addi %get3A_191, %broadcast_in_dim3A_33 : vector<16xi32>
        %gather3A_202 = tpu.vector_load_idx %arg5[%add3A_201] : memref<40000xi32, #tpu.memory_space<vmem>>[vector<16xi32>], vector<16xi32>,
        %bitcast3A_203 = vector.bitcast %gather3A_200 : vector<16xi32> to vector<32xbf16>
        %bitcast3A_204 = vector.bitcast %gather3A_202 : vector<16xi32> to vector<32xbf16>
        %sub3A_205 = arith.subf %bitcast3A_203, %bitcast3A_204 : vector<32xbf16>
        %max3A_206 = arith.maximumf %sub3A_169, %sub3A_205 : vector<32xbf16>
        %add3A_207 = arith.addi %get3A_187, %broadcast_in_dim3A_35 : vector<16xi32>
        %gather3A_208 = tpu.vector_load_idx %arg5[%add3A_207] : memref<40000xi32, #tpu.memory_space<vmem>>[vector<16xi32>], vector<16xi32>,
        %add3A_209 = arith.addi %get3A_191, %broadcast_in_dim3A_35 : vector<16xi32>
        %gather3A_210 = tpu.vector_load_idx %arg5[%add3A_209] : memref<40000xi32, #tpu.memory_space<vmem>>[vector<16xi32>], vector<16xi32>,
        %bitcast3A_211 = vector.bitcast %gather3A_208 : vector<16xi32> to vector<32xbf16>
        %bitcast3A_212 = vector.bitcast %gather3A_210 : vector<16xi32> to vector<32xbf16>
        %sub3A_213 = arith.subf %bitcast3A_211, %bitcast3A_212 : vector<32xbf16>
        %max3A_214 = arith.maximumf %sub3A_176, %sub3A_213 : vector<32xbf16>
        %add3A_215 = arith.addi %get3A_187, %broadcast_in_dim3A_37 : vector<16xi32>
        %gather3A_216 = tpu.vector_load_idx %arg5[%add3A_215] : memref<40000xi32, #tpu.memory_space<vmem>>[vector<16xi32>], vector<16xi32>,
        %add3A_217 = arith.addi %get3A_191, %broadcast_in_dim3A_37 : vector<16xi32>
        %gather3A_218 = tpu.vector_load_idx %arg5[%add3A_217] : memref<40000xi32, #tpu.memory_space<vmem>>[vector<16xi32>], vector<16xi32>,
        %bitcast3A_219 = vector.bitcast %gather3A_216 : vector<16xi32> to vector<32xbf16>
        %bitcast3A_220 = vector.bitcast %gather3A_218 : vector<16xi32> to vector<32xbf16>
        %sub3A_221 = arith.subf %bitcast3A_219, %bitcast3A_220 : vector<32xbf16>
        %max3A_222 = arith.maximumf %sub3A_183, %sub3A_221 : vector<32xbf16>
        %get3A_223 = arith.constant 2 : i32
        %get3A_224 = arith.index_cast %get3A_223 : i32 to index
        %get3A_225 = arith.index_cast %mul3A_150 : i32 to index
        %get3A_226 = tpu.vector_load %arg9[%get3A_224, %get3A_225] {strides = array<i32>} : memref<32x256xi32, #tpu.memory_space<vmem>>, vector<16xi32>,
        %get3A_227 = arith.constant 2 : i32
        %get3A_228 = arith.index_cast %get3A_227 : i32 to index
        %get3A_229 = arith.index_cast %mul3A_150 : i32 to index
        %get3A_230 = tpu.vector_load %arg10[%get3A_228, %get3A_229] {strides = array<i32>} : memref<32x256xi32, #tpu.memory_space<vmem>>, vector<16xi32>,
        %add3A_231 = arith.addi %get3A_226, %broadcast_in_dim3A_31 : vector<16xi32>
        %gather3A_232 = tpu.vector_load_idx %arg5[%add3A_231] : memref<40000xi32, #tpu.memory_space<vmem>>[vector<16xi32>], vector<16xi32>,
        %add3A_233 = arith.addi %get3A_230, %broadcast_in_dim3A_31 : vector<16xi32>
        %gather3A_234 = tpu.vector_load_idx %arg5[%add3A_233] : memref<40000xi32, #tpu.memory_space<vmem>>[vector<16xi32>], vector<16xi32>,
        %bitcast3A_235 = vector.bitcast %gather3A_232 : vector<16xi32> to vector<32xbf16>
        %bitcast3A_236 = vector.bitcast %gather3A_234 : vector<16xi32> to vector<32xbf16>
        %sub3A_237 = arith.subf %bitcast3A_235, %bitcast3A_236 : vector<32xbf16>
        %max3A_238 = arith.maximumf %max3A, %sub3A_237 : vector<32xbf16>
        %add3A_239 = arith.addi %get3A_226, %broadcast_in_dim3A_33 : vector<16xi32>
        %gather3A_240 = tpu.vector_load_idx %arg5[%add3A_239] : memref<40000xi32, #tpu.memory_space<vmem>>[vector<16xi32>], vector<16xi32>,
        %add3A_241 = arith.addi %get3A_230, %broadcast_in_dim3A_33 : vector<16xi32>
        %gather3A_242 = tpu.vector_load_idx %arg5[%add3A_241] : memref<40000xi32, #tpu.memory_space<vmem>>[vector<16xi32>], vector<16xi32>,
        %bitcast3A_243 = vector.bitcast %gather3A_240 : vector<16xi32> to vector<32xbf16>
        %bitcast3A_244 = vector.bitcast %gather3A_242 : vector<16xi32> to vector<32xbf16>
        %sub3A_245 = arith.subf %bitcast3A_243, %bitcast3A_244 : vector<32xbf16>
        %max3A_246 = arith.maximumf %max3A_206, %sub3A_245 : vector<32xbf16>
        %add3A_247 = arith.addi %get3A_226, %broadcast_in_dim3A_35 : vector<16xi32>
        %gather3A_248 = tpu.vector_load_idx %arg5[%add3A_247] : memref<40000xi32, #tpu.memory_space<vmem>>[vector<16xi32>], vector<16xi32>,
        %add3A_249 = arith.addi %get3A_230, %broadcast_in_dim3A_35 : vector<16xi32>
        %gather3A_250 = tpu.vector_load_idx %arg5[%add3A_249] : memref<40000xi32, #tpu.memory_space<vmem>>[vector<16xi32>], vector<16xi32>,
        %bitcast3A_251 = vector.bitcast %gather3A_248 : vector<16xi32> to vector<32xbf16>
        %bitcast3A_252 = vector.bitcast %gather3A_250 : vector<16xi32> to vector<32xbf16>
        %sub3A_253 = arith.subf %bitcast3A_251, %bitcast3A_252 : vector<32xbf16>
        %max3A_254 = arith.maximumf %max3A_214, %sub3A_253 : vector<32xbf16>
        %add3A_255 = arith.addi %get3A_226, %broadcast_in_dim3A_37 : vector<16xi32>
        %gather3A_256 = tpu.vector_load_idx %arg5[%add3A_255] : memref<40000xi32, #tpu.memory_space<vmem>>[vector<16xi32>], vector<16xi32>,
        %add3A_257 = arith.addi %get3A_230, %broadcast_in_dim3A_37 : vector<16xi32>
        %gather3A_258 = tpu.vector_load_idx %arg5[%add3A_257] : memref<40000xi32, #tpu.memory_space<vmem>>[vector<16xi32>], vector<16xi32>,
        %bitcast3A_259 = vector.bitcast %gather3A_256 : vector<16xi32> to vector<32xbf16>
        %bitcast3A_260 = vector.bitcast %gather3A_258 : vector<16xi32> to vector<32xbf16>
        %sub3A_261 = arith.subf %bitcast3A_259, %bitcast3A_260 : vector<32xbf16>
        %max3A_262 = arith.maximumf %max3A_222, %sub3A_261 : vector<32xbf16>
        %get3A_263 = arith.constant 3 : i32
        %get3A_264 = arith.index_cast %get3A_263 : i32 to index
        %get3A_265 = arith.index_cast %mul3A_150 : i32 to index
        %get3A_266 = tpu.vector_load %arg9[%get3A_264, %get3A_265] {strides = array<i32>} : memref<32x256xi32, #tpu.memory_space<vmem>>, vector<16xi32>,
        %get3A_267 = arith.constant 3 : i32
        %get3A_268 = arith.index_cast %get3A_267 : i32 to index
        %get3A_269 = arith.index_cast %mul3A_150 : i32 to index
        %get3A_270 = tpu.vector_load %arg10[%get3A_268, %get3A_269] {strides = array<i32>} : memref<32x256xi32, #tpu.memory_space<vmem>>, vector<16xi32>,
        %add3A_271 = arith.addi %get3A_266, %broadcast_in_dim3A_31 : vector<16xi32>
        %gather3A_272 = tpu.vector_load_idx %arg5[%add3A_271] : memref<40000xi32, #tpu.memory_space<vmem>>[vector<16xi32>], vector<16xi32>,
        %add3A_273 = arith.addi %get3A_270, %broadcast_in_dim3A_31 : vector<16xi32>
        %gather3A_274 = tpu.vector_load_idx %arg5[%add3A_273] : memref<40000xi32, #tpu.memory_space<vmem>>[vector<16xi32>], vector<16xi32>,
        %bitcast3A_275 = vector.bitcast %gather3A_272 : vector<16xi32> to vector<32xbf16>
        %bitcast3A_276 = vector.bitcast %gather3A_274 : vector<16xi32> to vector<32xbf16>
        %sub3A_277 = arith.subf %bitcast3A_275, %bitcast3A_276 : vector<32xbf16>
        %max3A_278 = arith.maximumf %max3A_238, %sub3A_277 : vector<32xbf16>
        %add3A_279 = arith.addi %get3A_266, %broadcast_in_dim3A_33 : vector<16xi32>
        %gather3A_280 = tpu.vector_load_idx %arg5[%add3A_279] : memref<40000xi32, #tpu.memory_space<vmem>>[vector<16xi32>], vector<16xi32>,
        %add3A_281 = arith.addi %get3A_270, %broadcast_in_dim3A_33 : vector<16xi32>
        %gather3A_282 = tpu.vector_load_idx %arg5[%add3A_281] : memref<40000xi32, #tpu.memory_space<vmem>>[vector<16xi32>], vector<16xi32>,
        %bitcast3A_283 = vector.bitcast %gather3A_280 : vector<16xi32> to vector<32xbf16>
        %bitcast3A_284 = vector.bitcast %gather3A_282 : vector<16xi32> to vector<32xbf16>
        %sub3A_285 = arith.subf %bitcast3A_283, %bitcast3A_284 : vector<32xbf16>
        %max3A_286 = arith.maximumf %max3A_246, %sub3A_285 : vector<32xbf16>
        %add3A_287 = arith.addi %get3A_266, %broadcast_in_dim3A_35 : vector<16xi32>
        %gather3A_288 = tpu.vector_load_idx %arg5[%add3A_287] : memref<40000xi32, #tpu.memory_space<vmem>>[vector<16xi32>], vector<16xi32>,
        %add3A_289 = arith.addi %get3A_270, %broadcast_in_dim3A_35 : vector<16xi32>
        %gather3A_290 = tpu.vector_load_idx %arg5[%add3A_289] : memref<40000xi32, #tpu.memory_space<vmem>>[vector<16xi32>], vector<16xi32>,
        %bitcast3A_291 = vector.bitcast %gather3A_288 : vector<16xi32> to vector<32xbf16>
        %bitcast3A_292 = vector.bitcast %gather3A_290 : vector<16xi32> to vector<32xbf16>
        %sub3A_293 = arith.subf %bitcast3A_291, %bitcast3A_292 : vector<32xbf16>
        %max3A_294 = arith.maximumf %max3A_254, %sub3A_293 : vector<32xbf16>
        %add3A_295 = arith.addi %get3A_266, %broadcast_in_dim3A_37 : vector<16xi32>
        %gather3A_296 = tpu.vector_load_idx %arg5[%add3A_295] : memref<40000xi32, #tpu.memory_space<vmem>>[vector<16xi32>], vector<16xi32>,
        %add3A_297 = arith.addi %get3A_270, %broadcast_in_dim3A_37 : vector<16xi32>
        %gather3A_298 = tpu.vector_load_idx %arg5[%add3A_297] : memref<40000xi32, #tpu.memory_space<vmem>>[vector<16xi32>], vector<16xi32>,
        %bitcast3A_299 = vector.bitcast %gather3A_296 : vector<16xi32> to vector<32xbf16>
        %bitcast3A_300 = vector.bitcast %gather3A_298 : vector<16xi32> to vector<32xbf16>
        %sub3A_301 = arith.subf %bitcast3A_299, %bitcast3A_300 : vector<32xbf16>
        %max3A_302 = arith.maximumf %max3A_262, %sub3A_301 : vector<32xbf16>
        %get3A_303 = arith.constant 4 : i32
        %get3A_304 = arith.index_cast %get3A_303 : i32 to index
        %get3A_305 = arith.index_cast %mul3A_150 : i32 to index
        %get3A_306 = tpu.vector_load %arg9[%get3A_304, %get3A_305] {strides = array<i32>} : memref<32x256xi32, #tpu.memory_space<vmem>>, vector<16xi32>,
        %get3A_307 = arith.constant 4 : i32
        %get3A_308 = arith.index_cast %get3A_307 : i32 to index
        %get3A_309 = arith.index_cast %mul3A_150 : i32 to index
        %get3A_310 = tpu.vector_load %arg10[%get3A_308, %get3A_309] {strides = array<i32>} : memref<32x256xi32, #tpu.memory_space<vmem>>, vector<16xi32>,
        %add3A_311 = arith.addi %get3A_306, %broadcast_in_dim3A_31 : vector<16xi32>
        %gather3A_312 = tpu.vector_load_idx %arg5[%add3A_311] : memref<40000xi32, #tpu.memory_space<vmem>>[vector<16xi32>], vector<16xi32>,
        %add3A_313 = arith.addi %get3A_310, %broadcast_in_dim3A_31 : vector<16xi32>
        %gather3A_314 = tpu.vector_load_idx %arg5[%add3A_313] : memref<40000xi32, #tpu.memory_space<vmem>>[vector<16xi32>], vector<16xi32>,
        %bitcast3A_315 = vector.bitcast %gather3A_312 : vector<16xi32> to vector<32xbf16>
        %bitcast3A_316 = vector.bitcast %gather3A_314 : vector<16xi32> to vector<32xbf16>
        %sub3A_317 = arith.subf %bitcast3A_315, %bitcast3A_316 : vector<32xbf16>
        %max3A_318 = arith.maximumf %max3A_278, %sub3A_317 : vector<32xbf16>
        %add3A_319 = arith.addi %get3A_306, %broadcast_in_dim3A_33 : vector<16xi32>
        %gather3A_320 = tpu.vector_load_idx %arg5[%add3A_319] : memref<40000xi32, #tpu.memory_space<vmem>>[vector<16xi32>], vector<16xi32>,
        %add3A_321 = arith.addi %get3A_310, %broadcast_in_dim3A_33 : vector<16xi32>
        %gather3A_322 = tpu.vector_load_idx %arg5[%add3A_321] : memref<40000xi32, #tpu.memory_space<vmem>>[vector<16xi32>], vector<16xi32>,
        %bitcast3A_323 = vector.bitcast %gather3A_320 : vector<16xi32> to vector<32xbf16>
        %bitcast3A_324 = vector.bitcast %gather3A_322 : vector<16xi32> to vector<32xbf16>
        %sub3A_325 = arith.subf %bitcast3A_323, %bitcast3A_324 : vector<32xbf16>
        %max3A_326 = arith.maximumf %max3A_286, %sub3A_325 : vector<32xbf16>
        %add3A_327 = arith.addi %get3A_306, %broadcast_in_dim3A_35 : vector<16xi32>
        %gather3A_328 = tpu.vector_load_idx %arg5[%add3A_327] : memref<40000xi32, #tpu.memory_space<vmem>>[vector<16xi32>], vector<16xi32>,
        %add3A_329 = arith.addi %get3A_310, %broadcast_in_dim3A_35 : vector<16xi32>
        %gather3A_330 = tpu.vector_load_idx %arg5[%add3A_329] : memref<40000xi32, #tpu.memory_space<vmem>>[vector<16xi32>], vector<16xi32>,
        %bitcast3A_331 = vector.bitcast %gather3A_328 : vector<16xi32> to vector<32xbf16>
        %bitcast3A_332 = vector.bitcast %gather3A_330 : vector<16xi32> to vector<32xbf16>
        %sub3A_333 = arith.subf %bitcast3A_331, %bitcast3A_332 : vector<32xbf16>
        %max3A_334 = arith.maximumf %max3A_294, %sub3A_333 : vector<32xbf16>
        %add3A_335 = arith.addi %get3A_306, %broadcast_in_dim3A_37 : vector<16xi32>
        %gather3A_336 = tpu.vector_load_idx %arg5[%add3A_335] : memref<40000xi32, #tpu.memory_space<vmem>>[vector<16xi32>], vector<16xi32>,
        %add3A_337 = arith.addi %get3A_310, %broadcast_in_dim3A_37 : vector<16xi32>
        %gather3A_338 = tpu.vector_load_idx %arg5[%add3A_337] : memref<40000xi32, #tpu.memory_space<vmem>>[vector<16xi32>], vector<16xi32>,
        %bitcast3A_339 = vector.bitcast %gather3A_336 : vector<16xi32> to vector<32xbf16>
        %bitcast3A_340 = vector.bitcast %gather3A_338 : vector<16xi32> to vector<32xbf16>
        %sub3A_341 = arith.subf %bitcast3A_339, %bitcast3A_340 : vector<32xbf16>
        %max3A_342 = arith.maximumf %max3A_302, %sub3A_341 : vector<32xbf16>
        %get3A_343 = arith.constant 5 : i32
        %get3A_344 = arith.index_cast %get3A_343 : i32 to index
        %get3A_345 = arith.index_cast %mul3A_150 : i32 to index
        %get3A_346 = tpu.vector_load %arg9[%get3A_344, %get3A_345] {strides = array<i32>} : memref<32x256xi32, #tpu.memory_space<vmem>>, vector<16xi32>,
        %get3A_347 = arith.constant 5 : i32
        %get3A_348 = arith.index_cast %get3A_347 : i32 to index
        %get3A_349 = arith.index_cast %mul3A_150 : i32 to index
        %get3A_350 = tpu.vector_load %arg10[%get3A_348, %get3A_349] {strides = array<i32>} : memref<32x256xi32, #tpu.memory_space<vmem>>, vector<16xi32>,
        %add3A_351 = arith.addi %get3A_346, %broadcast_in_dim3A_31 : vector<16xi32>
        %gather3A_352 = tpu.vector_load_idx %arg5[%add3A_351] : memref<40000xi32, #tpu.memory_space<vmem>>[vector<16xi32>], vector<16xi32>,
        %add3A_353 = arith.addi %get3A_350, %broadcast_in_dim3A_31 : vector<16xi32>
        %gather3A_354 = tpu.vector_load_idx %arg5[%add3A_353] : memref<40000xi32, #tpu.memory_space<vmem>>[vector<16xi32>], vector<16xi32>,
        %bitcast3A_355 = vector.bitcast %gather3A_352 : vector<16xi32> to vector<32xbf16>
        %bitcast3A_356 = vector.bitcast %gather3A_354 : vector<16xi32> to vector<32xbf16>
        %sub3A_357 = arith.subf %bitcast3A_355, %bitcast3A_356 : vector<32xbf16>
        %max3A_358 = arith.maximumf %max3A_318, %sub3A_357 : vector<32xbf16>
        %add3A_359 = arith.addi %get3A_346, %broadcast_in_dim3A_33 : vector<16xi32>
        %gather3A_360 = tpu.vector_load_idx %arg5[%add3A_359] : memref<40000xi32, #tpu.memory_space<vmem>>[vector<16xi32>], vector<16xi32>,
        %add3A_361 = arith.addi %get3A_350, %broadcast_in_dim3A_33 : vector<16xi32>
        %gather3A_362 = tpu.vector_load_idx %arg5[%add3A_361] : memref<40000xi32, #tpu.memory_space<vmem>>[vector<16xi32>], vector<16xi32>,
        %bitcast3A_363 = vector.bitcast %gather3A_360 : vector<16xi32> to vector<32xbf16>
        %bitcast3A_364 = vector.bitcast %gather3A_362 : vector<16xi32> to vector<32xbf16>
        %sub3A_365 = arith.subf %bitcast3A_363, %bitcast3A_364 : vector<32xbf16>
        %max3A_366 = arith.maximumf %max3A_326, %sub3A_365 : vector<32xbf16>
        %add3A_367 = arith.addi %get3A_346, %broadcast_in_dim3A_35 : vector<16xi32>
        %gather3A_368 = tpu.vector_load_idx %arg5[%add3A_367] : memref<40000xi32, #tpu.memory_space<vmem>>[vector<16xi32>], vector<16xi32>,
        %add3A_369 = arith.addi %get3A_350, %broadcast_in_dim3A_35 : vector<16xi32>
        %gather3A_370 = tpu.vector_load_idx %arg5[%add3A_369] : memref<40000xi32, #tpu.memory_space<vmem>>[vector<16xi32>], vector<16xi32>,
        %bitcast3A_371 = vector.bitcast %gather3A_368 : vector<16xi32> to vector<32xbf16>
        %bitcast3A_372 = vector.bitcast %gather3A_370 : vector<16xi32> to vector<32xbf16>
        %sub3A_373 = arith.subf %bitcast3A_371, %bitcast3A_372 : vector<32xbf16>
        %max3A_374 = arith.maximumf %max3A_334, %sub3A_373 : vector<32xbf16>
        %add3A_375 = arith.addi %get3A_346, %broadcast_in_dim3A_37 : vector<16xi32>
        %gather3A_376 = tpu.vector_load_idx %arg5[%add3A_375] : memref<40000xi32, #tpu.memory_space<vmem>>[vector<16xi32>], vector<16xi32>,
        %add3A_377 = arith.addi %get3A_350, %broadcast_in_dim3A_37 : vector<16xi32>
        %gather3A_378 = tpu.vector_load_idx %arg5[%add3A_377] : memref<40000xi32, #tpu.memory_space<vmem>>[vector<16xi32>], vector<16xi32>,
        %bitcast3A_379 = vector.bitcast %gather3A_376 : vector<16xi32> to vector<32xbf16>
        %bitcast3A_380 = vector.bitcast %gather3A_378 : vector<16xi32> to vector<32xbf16>
        %sub3A_381 = arith.subf %bitcast3A_379, %bitcast3A_380 : vector<32xbf16>
        %max3A_382 = arith.maximumf %max3A_342, %sub3A_381 : vector<32xbf16>
        %get3A_383 = arith.constant 6 : i32
        %get3A_384 = arith.index_cast %get3A_383 : i32 to index
        %get3A_385 = arith.index_cast %mul3A_150 : i32 to index
        %get3A_386 = tpu.vector_load %arg9[%get3A_384, %get3A_385] {strides = array<i32>} : memref<32x256xi32, #tpu.memory_space<vmem>>, vector<16xi32>,
        %get3A_387 = arith.constant 6 : i32
        %get3A_388 = arith.index_cast %get3A_387 : i32 to index
        %get3A_389 = arith.index_cast %mul3A_150 : i32 to index
        %get3A_390 = tpu.vector_load %arg10[%get3A_388, %get3A_389] {strides = array<i32>} : memref<32x256xi32, #tpu.memory_space<vmem>>, vector<16xi32>,
        %add3A_391 = arith.addi %get3A_386, %broadcast_in_dim3A_31 : vector<16xi32>
        %gather3A_392 = tpu.vector_load_idx %arg5[%add3A_391] : memref<40000xi32, #tpu.memory_space<vmem>>[vector<16xi32>], vector<16xi32>,
        %add3A_393 = arith.addi %get3A_390, %broadcast_in_dim3A_31 : vector<16xi32>
        %gather3A_394 = tpu.vector_load_idx %arg5[%add3A_393] : memref<40000xi32, #tpu.memory_space<vmem>>[vector<16xi32>], vector<16xi32>,
        %bitcast3A_395 = vector.bitcast %gather3A_392 : vector<16xi32> to vector<32xbf16>
        %bitcast3A_396 = vector.bitcast %gather3A_394 : vector<16xi32> to vector<32xbf16>
        %sub3A_397 = arith.subf %bitcast3A_395, %bitcast3A_396 : vector<32xbf16>
        %max3A_398 = arith.maximumf %max3A_358, %sub3A_397 : vector<32xbf16>
        %add3A_399 = arith.addi %get3A_386, %broadcast_in_dim3A_33 : vector<16xi32>
        %gather3A_400 = tpu.vector_load_idx %arg5[%add3A_399] : memref<40000xi32, #tpu.memory_space<vmem>>[vector<16xi32>], vector<16xi32>,
        %add3A_401 = arith.addi %get3A_390, %broadcast_in_dim3A_33 : vector<16xi32>
        %gather3A_402 = tpu.vector_load_idx %arg5[%add3A_401] : memref<40000xi32, #tpu.memory_space<vmem>>[vector<16xi32>], vector<16xi32>,
        %bitcast3A_403 = vector.bitcast %gather3A_400 : vector<16xi32> to vector<32xbf16>
        %bitcast3A_404 = vector.bitcast %gather3A_402 : vector<16xi32> to vector<32xbf16>
        %sub3A_405 = arith.subf %bitcast3A_403, %bitcast3A_404 : vector<32xbf16>
        %max3A_406 = arith.maximumf %max3A_366, %sub3A_405 : vector<32xbf16>
        %add3A_407 = arith.addi %get3A_386, %broadcast_in_dim3A_35 : vector<16xi32>
        %gather3A_408 = tpu.vector_load_idx %arg5[%add3A_407] : memref<40000xi32, #tpu.memory_space<vmem>>[vector<16xi32>], vector<16xi32>,
        %add3A_409 = arith.addi %get3A_390, %broadcast_in_dim3A_35 : vector<16xi32>
        %gather3A_410 = tpu.vector_load_idx %arg5[%add3A_409] : memref<40000xi32, #tpu.memory_space<vmem>>[vector<16xi32>], vector<16xi32>,
        %bitcast3A_411 = vector.bitcast %gather3A_408 : vector<16xi32> to vector<32xbf16>
        %bitcast3A_412 = vector.bitcast %gather3A_410 : vector<16xi32> to vector<32xbf16>
        %sub3A_413 = arith.subf %bitcast3A_411, %bitcast3A_412 : vector<32xbf16>
        %max3A_414 = arith.maximumf %max3A_374, %sub3A_413 : vector<32xbf16>
        %add3A_415 = arith.addi %get3A_386, %broadcast_in_dim3A_37 : vector<16xi32>
        %gather3A_416 = tpu.vector_load_idx %arg5[%add3A_415] : memref<40000xi32, #tpu.memory_space<vmem>>[vector<16xi32>], vector<16xi32>,
        %add3A_417 = arith.addi %get3A_390, %broadcast_in_dim3A_37 : vector<16xi32>
        %gather3A_418 = tpu.vector_load_idx %arg5[%add3A_417] : memref<40000xi32, #tpu.memory_space<vmem>>[vector<16xi32>], vector<16xi32>,
        %bitcast3A_419 = vector.bitcast %gather3A_416 : vector<16xi32> to vector<32xbf16>
        %bitcast3A_420 = vector.bitcast %gather3A_418 : vector<16xi32> to vector<32xbf16>
        %sub3A_421 = arith.subf %bitcast3A_419, %bitcast3A_420 : vector<32xbf16>
        %max3A_422 = arith.maximumf %max3A_382, %sub3A_421 : vector<32xbf16>
        %get3A_423 = arith.constant 7 : i32
        %get3A_424 = arith.index_cast %get3A_423 : i32 to index
        %get3A_425 = arith.index_cast %mul3A_150 : i32 to index
        %get3A_426 = tpu.vector_load %arg9[%get3A_424, %get3A_425] {strides = array<i32>} : memref<32x256xi32, #tpu.memory_space<vmem>>, vector<16xi32>,
        %get3A_427 = arith.constant 7 : i32
        %get3A_428 = arith.index_cast %get3A_427 : i32 to index
        %get3A_429 = arith.index_cast %mul3A_150 : i32 to index
        %get3A_430 = tpu.vector_load %arg10[%get3A_428, %get3A_429] {strides = array<i32>} : memref<32x256xi32, #tpu.memory_space<vmem>>, vector<16xi32>,
        %add3A_431 = arith.addi %get3A_426, %broadcast_in_dim3A_31 : vector<16xi32>
        %gather3A_432 = tpu.vector_load_idx %arg5[%add3A_431] : memref<40000xi32, #tpu.memory_space<vmem>>[vector<16xi32>], vector<16xi32>,
        %add3A_433 = arith.addi %get3A_430, %broadcast_in_dim3A_31 : vector<16xi32>
        %gather3A_434 = tpu.vector_load_idx %arg5[%add3A_433] : memref<40000xi32, #tpu.memory_space<vmem>>[vector<16xi32>], vector<16xi32>,
        %bitcast3A_435 = vector.bitcast %gather3A_432 : vector<16xi32> to vector<32xbf16>
        %bitcast3A_436 = vector.bitcast %gather3A_434 : vector<16xi32> to vector<32xbf16>
        %sub3A_437 = arith.subf %bitcast3A_435, %bitcast3A_436 : vector<32xbf16>
        %max3A_438 = arith.maximumf %max3A_398, %sub3A_437 : vector<32xbf16>
        %add3A_439 = arith.addi %get3A_426, %broadcast_in_dim3A_33 : vector<16xi32>
        %gather3A_440 = tpu.vector_load_idx %arg5[%add3A_439] : memref<40000xi32, #tpu.memory_space<vmem>>[vector<16xi32>], vector<16xi32>,
        %add3A_441 = arith.addi %get3A_430, %broadcast_in_dim3A_33 : vector<16xi32>
        %gather3A_442 = tpu.vector_load_idx %arg5[%add3A_441] : memref<40000xi32, #tpu.memory_space<vmem>>[vector<16xi32>], vector<16xi32>,
        %bitcast3A_443 = vector.bitcast %gather3A_440 : vector<16xi32> to vector<32xbf16>
        %bitcast3A_444 = vector.bitcast %gather3A_442 : vector<16xi32> to vector<32xbf16>
        %sub3A_445 = arith.subf %bitcast3A_443, %bitcast3A_444 : vector<32xbf16>
        %max3A_446 = arith.maximumf %max3A_406, %sub3A_445 : vector<32xbf16>
        %add3A_447 = arith.addi %get3A_426, %broadcast_in_dim3A_35 : vector<16xi32>
        %gather3A_448 = tpu.vector_load_idx %arg5[%add3A_447] : memref<40000xi32, #tpu.memory_space<vmem>>[vector<16xi32>], vector<16xi32>,
        %add3A_449 = arith.addi %get3A_430, %broadcast_in_dim3A_35 : vector<16xi32>
        %gather3A_450 = tpu.vector_load_idx %arg5[%add3A_449] : memref<40000xi32, #tpu.memory_space<vmem>>[vector<16xi32>], vector<16xi32>,
        %bitcast3A_451 = vector.bitcast %gather3A_448 : vector<16xi32> to vector<32xbf16>
        %bitcast3A_452 = vector.bitcast %gather3A_450 : vector<16xi32> to vector<32xbf16>
        %sub3A_453 = arith.subf %bitcast3A_451, %bitcast3A_452 : vector<32xbf16>
        %max3A_454 = arith.maximumf %max3A_414, %sub3A_453 : vector<32xbf16>
        %add3A_455 = arith.addi %get3A_426, %broadcast_in_dim3A_37 : vector<16xi32>
        %gather3A_456 = tpu.vector_load_idx %arg5[%add3A_455] : memref<40000xi32, #tpu.memory_space<vmem>>[vector<16xi32>], vector<16xi32>,
        %add3A_457 = arith.addi %get3A_430, %broadcast_in_dim3A_37 : vector<16xi32>
        %gather3A_458 = tpu.vector_load_idx %arg5[%add3A_457] : memref<40000xi32, #tpu.memory_space<vmem>>[vector<16xi32>], vector<16xi32>,
        %bitcast3A_459 = vector.bitcast %gather3A_456 : vector<16xi32> to vector<32xbf16>
        %bitcast3A_460 = vector.bitcast %gather3A_458 : vector<16xi32> to vector<32xbf16>
        %sub3A_461 = arith.subf %bitcast3A_459, %bitcast3A_460 : vector<32xbf16>
        %max3A_462 = arith.maximumf %max3A_422, %sub3A_461 : vector<32xbf16>
        %get3A_463 = arith.constant 8 : i32
        %get3A_464 = arith.index_cast %get3A_463 : i32 to index
        %get3A_465 = arith.index_cast %mul3A_150 : i32 to index
        %get3A_466 = tpu.vector_load %arg9[%get3A_464, %get3A_465] {strides = array<i32>} : memref<32x256xi32, #tpu.memory_space<vmem>>, vector<16xi32>,
        %get3A_467 = arith.constant 8 : i32
        %get3A_468 = arith.index_cast %get3A_467 : i32 to index
        %get3A_469 = arith.index_cast %mul3A_150 : i32 to index
        %get3A_470 = tpu.vector_load %arg10[%get3A_468, %get3A_469] {strides = array<i32>} : memref<32x256xi32, #tpu.memory_space<vmem>>, vector<16xi32>,
        %add3A_471 = arith.addi %get3A_466, %broadcast_in_dim3A_31 : vector<16xi32>
        %gather3A_472 = tpu.vector_load_idx %arg5[%add3A_471] : memref<40000xi32, #tpu.memory_space<vmem>>[vector<16xi32>], vector<16xi32>,
        %add3A_473 = arith.addi %get3A_470, %broadcast_in_dim3A_31 : vector<16xi32>
        %gather3A_474 = tpu.vector_load_idx %arg5[%add3A_473] : memref<40000xi32, #tpu.memory_space<vmem>>[vector<16xi32>], vector<16xi32>,
        %bitcast3A_475 = vector.bitcast %gather3A_472 : vector<16xi32> to vector<32xbf16>
        %bitcast3A_476 = vector.bitcast %gather3A_474 : vector<16xi32> to vector<32xbf16>
        %sub3A_477 = arith.subf %bitcast3A_475, %bitcast3A_476 : vector<32xbf16>
        %max3A_478 = arith.maximumf %max3A_438, %sub3A_477 : vector<32xbf16>
        %add3A_479 = arith.addi %get3A_466, %broadcast_in_dim3A_33 : vector<16xi32>
        %gather3A_480 = tpu.vector_load_idx %arg5[%add3A_479] : memref<40000xi32, #tpu.memory_space<vmem>>[vector<16xi32>], vector<16xi32>,
        %add3A_481 = arith.addi %get3A_470, %broadcast_in_dim3A_33 : vector<16xi32>
        %gather3A_482 = tpu.vector_load_idx %arg5[%add3A_481] : memref<40000xi32, #tpu.memory_space<vmem>>[vector<16xi32>], vector<16xi32>,
        %bitcast3A_483 = vector.bitcast %gather3A_480 : vector<16xi32> to vector<32xbf16>
        %bitcast3A_484 = vector.bitcast %gather3A_482 : vector<16xi32> to vector<32xbf16>
        %sub3A_485 = arith.subf %bitcast3A_483, %bitcast3A_484 : vector<32xbf16>
        %max3A_486 = arith.maximumf %max3A_446, %sub3A_485 : vector<32xbf16>
        %add3A_487 = arith.addi %get3A_466, %broadcast_in_dim3A_35 : vector<16xi32>
        %gather3A_488 = tpu.vector_load_idx %arg5[%add3A_487] : memref<40000xi32, #tpu.memory_space<vmem>>[vector<16xi32>], vector<16xi32>,
        %add3A_489 = arith.addi %get3A_470, %broadcast_in_dim3A_35 : vector<16xi32>
        %gather3A_490 = tpu.vector_load_idx %arg5[%add3A_489] : memref<40000xi32, #tpu.memory_space<vmem>>[vector<16xi32>], vector<16xi32>,
        %bitcast3A_491 = vector.bitcast %gather3A_488 : vector<16xi32> to vector<32xbf16>
        %bitcast3A_492 = vector.bitcast %gather3A_490 : vector<16xi32> to vector<32xbf16>
        %sub3A_493 = arith.subf %bitcast3A_491, %bitcast3A_492 : vector<32xbf16>
        %max3A_494 = arith.maximumf %max3A_454, %sub3A_493 : vector<32xbf16>
        %add3A_495 = arith.addi %get3A_466, %broadcast_in_dim3A_37 : vector<16xi32>
        %gather3A_496 = tpu.vector_load_idx %arg5[%add3A_495] : memref<40000xi32, #tpu.memory_space<vmem>>[vector<16xi32>], vector<16xi32>,
        %add3A_497 = arith.addi %get3A_470, %broadcast_in_dim3A_37 : vector<16xi32>
        %gather3A_498 = tpu.vector_load_idx %arg5[%add3A_497] : memref<40000xi32, #tpu.memory_space<vmem>>[vector<16xi32>], vector<16xi32>,
        %bitcast3A_499 = vector.bitcast %gather3A_496 : vector<16xi32> to vector<32xbf16>
        %bitcast3A_500 = vector.bitcast %gather3A_498 : vector<16xi32> to vector<32xbf16>
        %sub3A_501 = arith.subf %bitcast3A_499, %bitcast3A_500 : vector<32xbf16>
        %max3A_502 = arith.maximumf %max3A_462, %sub3A_501 : vector<32xbf16>
        %get3A_503 = arith.constant 9 : i32
        %get3A_504 = arith.index_cast %get3A_503 : i32 to index
        %get3A_505 = arith.index_cast %mul3A_150 : i32 to index
        %get3A_506 = tpu.vector_load %arg9[%get3A_504, %get3A_505] {strides = array<i32>} : memref<32x256xi32, #tpu.memory_space<vmem>>, vector<16xi32>,
        %get3A_507 = arith.constant 9 : i32
        %get3A_508 = arith.index_cast %get3A_507 : i32 to index
        %get3A_509 = arith.index_cast %mul3A_150 : i32 to index
        %get3A_510 = tpu.vector_load %arg10[%get3A_508, %get3A_509] {strides = array<i32>} : memref<32x256xi32, #tpu.memory_space<vmem>>, vector<16xi32>,
        %add3A_511 = arith.addi %get3A_506, %broadcast_in_dim3A_31 : vector<16xi32>
        %gather3A_512 = tpu.vector_load_idx %arg5[%add3A_511] : memref<40000xi32, #tpu.memory_space<vmem>>[vector<16xi32>], vector<16xi32>,
        %add3A_513 = arith.addi %get3A_510, %broadcast_in_dim3A_31 : vector<16xi32>
        %gather3A_514 = tpu.vector_load_idx %arg5[%add3A_513] : memref<40000xi32, #tpu.memory_space<vmem>>[vector<16xi32>], vector<16xi32>,
        %bitcast3A_515 = vector.bitcast %gather3A_512 : vector<16xi32> to vector<32xbf16>
        %bitcast3A_516 = vector.bitcast %gather3A_514 : vector<16xi32> to vector<32xbf16>
        %sub3A_517 = arith.subf %bitcast3A_515, %bitcast3A_516 : vector<32xbf16>
        %max3A_518 = arith.maximumf %max3A_478, %sub3A_517 : vector<32xbf16>
        %add3A_519 = arith.addi %get3A_506, %broadcast_in_dim3A_33 : vector<16xi32>
        %gather3A_520 = tpu.vector_load_idx %arg5[%add3A_519] : memref<40000xi32, #tpu.memory_space<vmem>>[vector<16xi32>], vector<16xi32>,
        %add3A_521 = arith.addi %get3A_510, %broadcast_in_dim3A_33 : vector<16xi32>
        %gather3A_522 = tpu.vector_load_idx %arg5[%add3A_521] : memref<40000xi32, #tpu.memory_space<vmem>>[vector<16xi32>], vector<16xi32>,
        %bitcast3A_523 = vector.bitcast %gather3A_520 : vector<16xi32> to vector<32xbf16>
        %bitcast3A_524 = vector.bitcast %gather3A_522 : vector<16xi32> to vector<32xbf16>
        %sub3A_525 = arith.subf %bitcast3A_523, %bitcast3A_524 : vector<32xbf16>
        %max3A_526 = arith.maximumf %max3A_486, %sub3A_525 : vector<32xbf16>
        %add3A_527 = arith.addi %get3A_506, %broadcast_in_dim3A_35 : vector<16xi32>
        %gather3A_528 = tpu.vector_load_idx %arg5[%add3A_527] : memref<40000xi32, #tpu.memory_space<vmem>>[vector<16xi32>], vector<16xi32>,
        %add3A_529 = arith.addi %get3A_510, %broadcast_in_dim3A_35 : vector<16xi32>
        %gather3A_530 = tpu.vector_load_idx %arg5[%add3A_529] : memref<40000xi32, #tpu.memory_space<vmem>>[vector<16xi32>], vector<16xi32>,
        %bitcast3A_531 = vector.bitcast %gather3A_528 : vector<16xi32> to vector<32xbf16>
        %bitcast3A_532 = vector.bitcast %gather3A_530 : vector<16xi32> to vector<32xbf16>
        %sub3A_533 = arith.subf %bitcast3A_531, %bitcast3A_532 : vector<32xbf16>
        %max3A_534 = arith.maximumf %max3A_494, %sub3A_533 : vector<32xbf16>
        %add3A_535 = arith.addi %get3A_506, %broadcast_in_dim3A_37 : vector<16xi32>
        %gather3A_536 = tpu.vector_load_idx %arg5[%add3A_535] : memref<40000xi32, #tpu.memory_space<vmem>>[vector<16xi32>], vector<16xi32>,
        %add3A_537 = arith.addi %get3A_510, %broadcast_in_dim3A_37 : vector<16xi32>
        %gather3A_538 = tpu.vector_load_idx %arg5[%add3A_537] : memref<40000xi32, #tpu.memory_space<vmem>>[vector<16xi32>], vector<16xi32>,
        %bitcast3A_539 = vector.bitcast %gather3A_536 : vector<16xi32> to vector<32xbf16>
        %bitcast3A_540 = vector.bitcast %gather3A_538 : vector<16xi32> to vector<32xbf16>
        %sub3A_541 = arith.subf %bitcast3A_539, %bitcast3A_540 : vector<32xbf16>
        %max3A_542 = arith.maximumf %max3A_502, %sub3A_541 : vector<32xbf16>
        %get3A_543 = arith.constant 10 : i32
        %get3A_544 = arith.index_cast %get3A_543 : i32 to index
        %get3A_545 = arith.index_cast %mul3A_150 : i32 to index
        %get3A_546 = tpu.vector_load %arg9[%get3A_544, %get3A_545] {strides = array<i32>} : memref<32x256xi32, #tpu.memory_space<vmem>>, vector<16xi32>,
        %get3A_547 = arith.constant 10 : i32
        %get3A_548 = arith.index_cast %get3A_547 : i32 to index
        %get3A_549 = arith.index_cast %mul3A_150 : i32 to index
        %get3A_550 = tpu.vector_load %arg10[%get3A_548, %get3A_549] {strides = array<i32>} : memref<32x256xi32, #tpu.memory_space<vmem>>, vector<16xi32>,
        %add3A_551 = arith.addi %get3A_546, %broadcast_in_dim3A_31 : vector<16xi32>
        %gather3A_552 = tpu.vector_load_idx %arg5[%add3A_551] : memref<40000xi32, #tpu.memory_space<vmem>>[vector<16xi32>], vector<16xi32>,
        %add3A_553 = arith.addi %get3A_550, %broadcast_in_dim3A_31 : vector<16xi32>
        %gather3A_554 = tpu.vector_load_idx %arg5[%add3A_553] : memref<40000xi32, #tpu.memory_space<vmem>>[vector<16xi32>], vector<16xi32>,
        %bitcast3A_555 = vector.bitcast %gather3A_552 : vector<16xi32> to vector<32xbf16>
        %bitcast3A_556 = vector.bitcast %gather3A_554 : vector<16xi32> to vector<32xbf16>
        %sub3A_557 = arith.subf %bitcast3A_555, %bitcast3A_556 : vector<32xbf16>
        %max3A_558 = arith.maximumf %max3A_518, %sub3A_557 : vector<32xbf16>
        %add3A_559 = arith.addi %get3A_546, %broadcast_in_dim3A_33 : vector<16xi32>
        %gather3A_560 = tpu.vector_load_idx %arg5[%add3A_559] : memref<40000xi32, #tpu.memory_space<vmem>>[vector<16xi32>], vector<16xi32>,
        %add3A_561 = arith.addi %get3A_550, %broadcast_in_dim3A_33 : vector<16xi32>
        %gather3A_562 = tpu.vector_load_idx %arg5[%add3A_561] : memref<40000xi32, #tpu.memory_space<vmem>>[vector<16xi32>], vector<16xi32>,
        %bitcast3A_563 = vector.bitcast %gather3A_560 : vector<16xi32> to vector<32xbf16>
        %bitcast3A_564 = vector.bitcast %gather3A_562 : vector<16xi32> to vector<32xbf16>
        %sub3A_565 = arith.subf %bitcast3A_563, %bitcast3A_564 : vector<32xbf16>
        %max3A_566 = arith.maximumf %max3A_526, %sub3A_565 : vector<32xbf16>
        %add3A_567 = arith.addi %get3A_546, %broadcast_in_dim3A_35 : vector<16xi32>
        %gather3A_568 = tpu.vector_load_idx %arg5[%add3A_567] : memref<40000xi32, #tpu.memory_space<vmem>>[vector<16xi32>], vector<16xi32>,
        %add3A_569 = arith.addi %get3A_550, %broadcast_in_dim3A_35 : vector<16xi32>
        %gather3A_570 = tpu.vector_load_idx %arg5[%add3A_569] : memref<40000xi32, #tpu.memory_space<vmem>>[vector<16xi32>], vector<16xi32>,
        %bitcast3A_571 = vector.bitcast %gather3A_568 : vector<16xi32> to vector<32xbf16>
        %bitcast3A_572 = vector.bitcast %gather3A_570 : vector<16xi32> to vector<32xbf16>
        %sub3A_573 = arith.subf %bitcast3A_571, %bitcast3A_572 : vector<32xbf16>
        %max3A_574 = arith.maximumf %max3A_534, %sub3A_573 : vector<32xbf16>
        %add3A_575 = arith.addi %get3A_546, %broadcast_in_dim3A_37 : vector<16xi32>
        %gather3A_576 = tpu.vector_load_idx %arg5[%add3A_575] : memref<40000xi32, #tpu.memory_space<vmem>>[vector<16xi32>], vector<16xi32>,
        %add3A_577 = arith.addi %get3A_550, %broadcast_in_dim3A_37 : vector<16xi32>
        %gather3A_578 = tpu.vector_load_idx %arg5[%add3A_577] : memref<40000xi32, #tpu.memory_space<vmem>>[vector<16xi32>], vector<16xi32>,
        %bitcast3A_579 = vector.bitcast %gather3A_576 : vector<16xi32> to vector<32xbf16>
        %bitcast3A_580 = vector.bitcast %gather3A_578 : vector<16xi32> to vector<32xbf16>
        %sub3A_581 = arith.subf %bitcast3A_579, %bitcast3A_580 : vector<32xbf16>
        %max3A_582 = arith.maximumf %max3A_542, %sub3A_581 : vector<32xbf16>
        %get3A_583 = arith.constant 11 : i32
        %get3A_584 = arith.index_cast %get3A_583 : i32 to index
        %get3A_585 = arith.index_cast %mul3A_150 : i32 to index
        %get3A_586 = tpu.vector_load %arg9[%get3A_584, %get3A_585] {strides = array<i32>} : memref<32x256xi32, #tpu.memory_space<vmem>>, vector<16xi32>,
        %get3A_587 = arith.constant 11 : i32
        %get3A_588 = arith.index_cast %get3A_587 : i32 to index
        %get3A_589 = arith.index_cast %mul3A_150 : i32 to index
        %get3A_590 = tpu.vector_load %arg10[%get3A_588, %get3A_589] {strides = array<i32>} : memref<32x256xi32, #tpu.memory_space<vmem>>, vector<16xi32>,
        %add3A_591 = arith.addi %get3A_586, %broadcast_in_dim3A_31 : vector<16xi32>
        %gather3A_592 = tpu.vector_load_idx %arg5[%add3A_591] : memref<40000xi32, #tpu.memory_space<vmem>>[vector<16xi32>], vector<16xi32>,
        %add3A_593 = arith.addi %get3A_590, %broadcast_in_dim3A_31 : vector<16xi32>
        %gather3A_594 = tpu.vector_load_idx %arg5[%add3A_593] : memref<40000xi32, #tpu.memory_space<vmem>>[vector<16xi32>], vector<16xi32>,
        %bitcast3A_595 = vector.bitcast %gather3A_592 : vector<16xi32> to vector<32xbf16>
        %bitcast3A_596 = vector.bitcast %gather3A_594 : vector<16xi32> to vector<32xbf16>
        %sub3A_597 = arith.subf %bitcast3A_595, %bitcast3A_596 : vector<32xbf16>
        %max3A_598 = arith.maximumf %max3A_558, %sub3A_597 : vector<32xbf16>
        %add3A_599 = arith.addi %get3A_586, %broadcast_in_dim3A_33 : vector<16xi32>
        %gather3A_600 = tpu.vector_load_idx %arg5[%add3A_599] : memref<40000xi32, #tpu.memory_space<vmem>>[vector<16xi32>], vector<16xi32>,
        %add3A_601 = arith.addi %get3A_590, %broadcast_in_dim3A_33 : vector<16xi32>
        %gather3A_602 = tpu.vector_load_idx %arg5[%add3A_601] : memref<40000xi32, #tpu.memory_space<vmem>>[vector<16xi32>], vector<16xi32>,
        %bitcast3A_603 = vector.bitcast %gather3A_600 : vector<16xi32> to vector<32xbf16>
        %bitcast3A_604 = vector.bitcast %gather3A_602 : vector<16xi32> to vector<32xbf16>
        %sub3A_605 = arith.subf %bitcast3A_603, %bitcast3A_604 : vector<32xbf16>
        %max3A_606 = arith.maximumf %max3A_566, %sub3A_605 : vector<32xbf16>
        %add3A_607 = arith.addi %get3A_586, %broadcast_in_dim3A_35 : vector<16xi32>
        %gather3A_608 = tpu.vector_load_idx %arg5[%add3A_607] : memref<40000xi32, #tpu.memory_space<vmem>>[vector<16xi32>], vector<16xi32>,
        %add3A_609 = arith.addi %get3A_590, %broadcast_in_dim3A_35 : vector<16xi32>
        %gather3A_610 = tpu.vector_load_idx %arg5[%add3A_609] : memref<40000xi32, #tpu.memory_space<vmem>>[vector<16xi32>], vector<16xi32>,
        %bitcast3A_611 = vector.bitcast %gather3A_608 : vector<16xi32> to vector<32xbf16>
        %bitcast3A_612 = vector.bitcast %gather3A_610 : vector<16xi32> to vector<32xbf16>
        %sub3A_613 = arith.subf %bitcast3A_611, %bitcast3A_612 : vector<32xbf16>
        %max3A_614 = arith.maximumf %max3A_574, %sub3A_613 : vector<32xbf16>
        %add3A_615 = arith.addi %get3A_586, %broadcast_in_dim3A_37 : vector<16xi32>
        %gather3A_616 = tpu.vector_load_idx %arg5[%add3A_615] : memref<40000xi32, #tpu.memory_space<vmem>>[vector<16xi32>], vector<16xi32>,
        %add3A_617 = arith.addi %get3A_590, %broadcast_in_dim3A_37 : vector<16xi32>
        %gather3A_618 = tpu.vector_load_idx %arg5[%add3A_617] : memref<40000xi32, #tpu.memory_space<vmem>>[vector<16xi32>], vector<16xi32>,
        %bitcast3A_619 = vector.bitcast %gather3A_616 : vector<16xi32> to vector<32xbf16>
        %bitcast3A_620 = vector.bitcast %gather3A_618 : vector<16xi32> to vector<32xbf16>
        %sub3A_621 = arith.subf %bitcast3A_619, %bitcast3A_620 : vector<32xbf16>
        %max3A_622 = arith.maximumf %max3A_582, %sub3A_621 : vector<32xbf16>
        %get3A_623 = arith.constant 12 : i32
        %get3A_624 = arith.index_cast %get3A_623 : i32 to index
        %get3A_625 = arith.index_cast %mul3A_150 : i32 to index
        %get3A_626 = tpu.vector_load %arg9[%get3A_624, %get3A_625] {strides = array<i32>} : memref<32x256xi32, #tpu.memory_space<vmem>>, vector<16xi32>,
        %get3A_627 = arith.constant 12 : i32
        %get3A_628 = arith.index_cast %get3A_627 : i32 to index
        %get3A_629 = arith.index_cast %mul3A_150 : i32 to index
        %get3A_630 = tpu.vector_load %arg10[%get3A_628, %get3A_629] {strides = array<i32>} : memref<32x256xi32, #tpu.memory_space<vmem>>, vector<16xi32>,
        %add3A_631 = arith.addi %get3A_626, %broadcast_in_dim3A_31 : vector<16xi32>
        %gather3A_632 = tpu.vector_load_idx %arg5[%add3A_631] : memref<40000xi32, #tpu.memory_space<vmem>>[vector<16xi32>], vector<16xi32>,
        %add3A_633 = arith.addi %get3A_630, %broadcast_in_dim3A_31 : vector<16xi32>
        %gather3A_634 = tpu.vector_load_idx %arg5[%add3A_633] : memref<40000xi32, #tpu.memory_space<vmem>>[vector<16xi32>], vector<16xi32>,
        %bitcast3A_635 = vector.bitcast %gather3A_632 : vector<16xi32> to vector<32xbf16>
        %bitcast3A_636 = vector.bitcast %gather3A_634 : vector<16xi32> to vector<32xbf16>
        %sub3A_637 = arith.subf %bitcast3A_635, %bitcast3A_636 : vector<32xbf16>
        %max3A_638 = arith.maximumf %max3A_598, %sub3A_637 : vector<32xbf16>
        %add3A_639 = arith.addi %get3A_626, %broadcast_in_dim3A_33 : vector<16xi32>
        %gather3A_640 = tpu.vector_load_idx %arg5[%add3A_639] : memref<40000xi32, #tpu.memory_space<vmem>>[vector<16xi32>], vector<16xi32>,
        %add3A_641 = arith.addi %get3A_630, %broadcast_in_dim3A_33 : vector<16xi32>
        %gather3A_642 = tpu.vector_load_idx %arg5[%add3A_641] : memref<40000xi32, #tpu.memory_space<vmem>>[vector<16xi32>], vector<16xi32>,
        %bitcast3A_643 = vector.bitcast %gather3A_640 : vector<16xi32> to vector<32xbf16>
        %bitcast3A_644 = vector.bitcast %gather3A_642 : vector<16xi32> to vector<32xbf16>
        %sub3A_645 = arith.subf %bitcast3A_643, %bitcast3A_644 : vector<32xbf16>
        %max3A_646 = arith.maximumf %max3A_606, %sub3A_645 : vector<32xbf16>
        %add3A_647 = arith.addi %get3A_626, %broadcast_in_dim3A_35 : vector<16xi32>
        %gather3A_648 = tpu.vector_load_idx %arg5[%add3A_647] : memref<40000xi32, #tpu.memory_space<vmem>>[vector<16xi32>], vector<16xi32>,
        %add3A_649 = arith.addi %get3A_630, %broadcast_in_dim3A_35 : vector<16xi32>
        %gather3A_650 = tpu.vector_load_idx %arg5[%add3A_649] : memref<40000xi32, #tpu.memory_space<vmem>>[vector<16xi32>], vector<16xi32>,
        %bitcast3A_651 = vector.bitcast %gather3A_648 : vector<16xi32> to vector<32xbf16>
        %bitcast3A_652 = vector.bitcast %gather3A_650 : vector<16xi32> to vector<32xbf16>
        %sub3A_653 = arith.subf %bitcast3A_651, %bitcast3A_652 : vector<32xbf16>
        %max3A_654 = arith.maximumf %max3A_614, %sub3A_653 : vector<32xbf16>
        %add3A_655 = arith.addi %get3A_626, %broadcast_in_dim3A_37 : vector<16xi32>
        %gather3A_656 = tpu.vector_load_idx %arg5[%add3A_655] : memref<40000xi32, #tpu.memory_space<vmem>>[vector<16xi32>], vector<16xi32>,
        %add3A_657 = arith.addi %get3A_630, %broadcast_in_dim3A_37 : vector<16xi32>
        %gather3A_658 = tpu.vector_load_idx %arg5[%add3A_657] : memref<40000xi32, #tpu.memory_space<vmem>>[vector<16xi32>], vector<16xi32>,
        %bitcast3A_659 = vector.bitcast %gather3A_656 : vector<16xi32> to vector<32xbf16>
        %bitcast3A_660 = vector.bitcast %gather3A_658 : vector<16xi32> to vector<32xbf16>
        %sub3A_661 = arith.subf %bitcast3A_659, %bitcast3A_660 : vector<32xbf16>
        %max3A_662 = arith.maximumf %max3A_622, %sub3A_661 : vector<32xbf16>
        %get3A_663 = arith.constant 13 : i32
        %get3A_664 = arith.index_cast %get3A_663 : i32 to index
        %get3A_665 = arith.index_cast %mul3A_150 : i32 to index
        %get3A_666 = tpu.vector_load %arg9[%get3A_664, %get3A_665] {strides = array<i32>} : memref<32x256xi32, #tpu.memory_space<vmem>>, vector<16xi32>,
        %get3A_667 = arith.constant 13 : i32
        %get3A_668 = arith.index_cast %get3A_667 : i32 to index
        %get3A_669 = arith.index_cast %mul3A_150 : i32 to index
        %get3A_670 = tpu.vector_load %arg10[%get3A_668, %get3A_669] {strides = array<i32>} : memref<32x256xi32, #tpu.memory_space<vmem>>, vector<16xi32>,
        %add3A_671 = arith.addi %get3A_666, %broadcast_in_dim3A_31 : vector<16xi32>
        %gather3A_672 = tpu.vector_load_idx %arg5[%add3A_671] : memref<40000xi32, #tpu.memory_space<vmem>>[vector<16xi32>], vector<16xi32>,
        %add3A_673 = arith.addi %get3A_670, %broadcast_in_dim3A_31 : vector<16xi32>
        %gather3A_674 = tpu.vector_load_idx %arg5[%add3A_673] : memref<40000xi32, #tpu.memory_space<vmem>>[vector<16xi32>], vector<16xi32>,
        %bitcast3A_675 = vector.bitcast %gather3A_672 : vector<16xi32> to vector<32xbf16>
        %bitcast3A_676 = vector.bitcast %gather3A_674 : vector<16xi32> to vector<32xbf16>
        %sub3A_677 = arith.subf %bitcast3A_675, %bitcast3A_676 : vector<32xbf16>
        %max3A_678 = arith.maximumf %max3A_638, %sub3A_677 : vector<32xbf16>
        %add3A_679 = arith.addi %get3A_666, %broadcast_in_dim3A_33 : vector<16xi32>
        %gather3A_680 = tpu.vector_load_idx %arg5[%add3A_679] : memref<40000xi32, #tpu.memory_space<vmem>>[vector<16xi32>], vector<16xi32>,
        %add3A_681 = arith.addi %get3A_670, %broadcast_in_dim3A_33 : vector<16xi32>
        %gather3A_682 = tpu.vector_load_idx %arg5[%add3A_681] : memref<40000xi32, #tpu.memory_space<vmem>>[vector<16xi32>], vector<16xi32>,
        %bitcast3A_683 = vector.bitcast %gather3A_680 : vector<16xi32> to vector<32xbf16>
        %bitcast3A_684 = vector.bitcast %gather3A_682 : vector<16xi32> to vector<32xbf16>
        %sub3A_685 = arith.subf %bitcast3A_683, %bitcast3A_684 : vector<32xbf16>
        %max3A_686 = arith.maximumf %max3A_646, %sub3A_685 : vector<32xbf16>
        %add3A_687 = arith.addi %get3A_666, %broadcast_in_dim3A_35 : vector<16xi32>
        %gather3A_688 = tpu.vector_load_idx %arg5[%add3A_687] : memref<40000xi32, #tpu.memory_space<vmem>>[vector<16xi32>], vector<16xi32>,
        %add3A_689 = arith.addi %get3A_670, %broadcast_in_dim3A_35 : vector<16xi32>
        %gather3A_690 = tpu.vector_load_idx %arg5[%add3A_689] : memref<40000xi32, #tpu.memory_space<vmem>>[vector<16xi32>], vector<16xi32>,
        %bitcast3A_691 = vector.bitcast %gather3A_688 : vector<16xi32> to vector<32xbf16>
        %bitcast3A_692 = vector.bitcast %gather3A_690 : vector<16xi32> to vector<32xbf16>
        %sub3A_693 = arith.subf %bitcast3A_691, %bitcast3A_692 : vector<32xbf16>
        %max3A_694 = arith.maximumf %max3A_654, %sub3A_693 : vector<32xbf16>
        %add3A_695 = arith.addi %get3A_666, %broadcast_in_dim3A_37 : vector<16xi32>
        %gather3A_696 = tpu.vector_load_idx %arg5[%add3A_695] : memref<40000xi32, #tpu.memory_space<vmem>>[vector<16xi32>], vector<16xi32>,
        %add3A_697 = arith.addi %get3A_670, %broadcast_in_dim3A_37 : vector<16xi32>
        %gather3A_698 = tpu.vector_load_idx %arg5[%add3A_697] : memref<40000xi32, #tpu.memory_space<vmem>>[vector<16xi32>], vector<16xi32>,
        %bitcast3A_699 = vector.bitcast %gather3A_696 : vector<16xi32> to vector<32xbf16>
        %bitcast3A_700 = vector.bitcast %gather3A_698 : vector<16xi32> to vector<32xbf16>
        %sub3A_701 = arith.subf %bitcast3A_699, %bitcast3A_700 : vector<32xbf16>
        %max3A_702 = arith.maximumf %max3A_662, %sub3A_701 : vector<32xbf16>
        %get3A_703 = arith.constant 14 : i32
        %get3A_704 = arith.index_cast %get3A_703 : i32 to index
        %get3A_705 = arith.index_cast %mul3A_150 : i32 to index
        %get3A_706 = tpu.vector_load %arg9[%get3A_704, %get3A_705] {strides = array<i32>} : memref<32x256xi32, #tpu.memory_space<vmem>>, vector<16xi32>,
        %get3A_707 = arith.constant 14 : i32
        %get3A_708 = arith.index_cast %get3A_707 : i32 to index
        %get3A_709 = arith.index_cast %mul3A_150 : i32 to index
        %get3A_710 = tpu.vector_load %arg10[%get3A_708, %get3A_709] {strides = array<i32>} : memref<32x256xi32, #tpu.memory_space<vmem>>, vector<16xi32>,
        %add3A_711 = arith.addi %get3A_706, %broadcast_in_dim3A_31 : vector<16xi32>
        %gather3A_712 = tpu.vector_load_idx %arg5[%add3A_711] : memref<40000xi32, #tpu.memory_space<vmem>>[vector<16xi32>], vector<16xi32>,
        %add3A_713 = arith.addi %get3A_710, %broadcast_in_dim3A_31 : vector<16xi32>
        %gather3A_714 = tpu.vector_load_idx %arg5[%add3A_713] : memref<40000xi32, #tpu.memory_space<vmem>>[vector<16xi32>], vector<16xi32>,
        %bitcast3A_715 = vector.bitcast %gather3A_712 : vector<16xi32> to vector<32xbf16>
        %bitcast3A_716 = vector.bitcast %gather3A_714 : vector<16xi32> to vector<32xbf16>
        %sub3A_717 = arith.subf %bitcast3A_715, %bitcast3A_716 : vector<32xbf16>
        %max3A_718 = arith.maximumf %max3A_678, %sub3A_717 : vector<32xbf16>
        %add3A_719 = arith.addi %get3A_706, %broadcast_in_dim3A_33 : vector<16xi32>
        %gather3A_720 = tpu.vector_load_idx %arg5[%add3A_719] : memref<40000xi32, #tpu.memory_space<vmem>>[vector<16xi32>], vector<16xi32>,
        %add3A_721 = arith.addi %get3A_710, %broadcast_in_dim3A_33 : vector<16xi32>
        %gather3A_722 = tpu.vector_load_idx %arg5[%add3A_721] : memref<40000xi32, #tpu.memory_space<vmem>>[vector<16xi32>], vector<16xi32>,
        %bitcast3A_723 = vector.bitcast %gather3A_720 : vector<16xi32> to vector<32xbf16>
        %bitcast3A_724 = vector.bitcast %gather3A_722 : vector<16xi32> to vector<32xbf16>
        %sub3A_725 = arith.subf %bitcast3A_723, %bitcast3A_724 : vector<32xbf16>
        %max3A_726 = arith.maximumf %max3A_686, %sub3A_725 : vector<32xbf16>
        %add3A_727 = arith.addi %get3A_706, %broadcast_in_dim3A_35 : vector<16xi32>
        %gather3A_728 = tpu.vector_load_idx %arg5[%add3A_727] : memref<40000xi32, #tpu.memory_space<vmem>>[vector<16xi32>], vector<16xi32>,
        %add3A_729 = arith.addi %get3A_710, %broadcast_in_dim3A_35 : vector<16xi32>
        %gather3A_730 = tpu.vector_load_idx %arg5[%add3A_729] : memref<40000xi32, #tpu.memory_space<vmem>>[vector<16xi32>], vector<16xi32>,
        %bitcast3A_731 = vector.bitcast %gather3A_728 : vector<16xi32> to vector<32xbf16>
        %bitcast3A_732 = vector.bitcast %gather3A_730 : vector<16xi32> to vector<32xbf16>
        %sub3A_733 = arith.subf %bitcast3A_731, %bitcast3A_732 : vector<32xbf16>
        %max3A_734 = arith.maximumf %max3A_694, %sub3A_733 : vector<32xbf16>
        %add3A_735 = arith.addi %get3A_706, %broadcast_in_dim3A_37 : vector<16xi32>
        %gather3A_736 = tpu.vector_load_idx %arg5[%add3A_735] : memref<40000xi32, #tpu.memory_space<vmem>>[vector<16xi32>], vector<16xi32>,
        %add3A_737 = arith.addi %get3A_710, %broadcast_in_dim3A_37 : vector<16xi32>
        %gather3A_738 = tpu.vector_load_idx %arg5[%add3A_737] : memref<40000xi32, #tpu.memory_space<vmem>>[vector<16xi32>], vector<16xi32>,
        %bitcast3A_739 = vector.bitcast %gather3A_736 : vector<16xi32> to vector<32xbf16>
        %bitcast3A_740 = vector.bitcast %gather3A_738 : vector<16xi32> to vector<32xbf16>
        %sub3A_741 = arith.subf %bitcast3A_739, %bitcast3A_740 : vector<32xbf16>
        %max3A_742 = arith.maximumf %max3A_702, %sub3A_741 : vector<32xbf16>
        %get3A_743 = arith.constant 15 : i32
        %get3A_744 = arith.index_cast %get3A_743 : i32 to index
        %get3A_745 = arith.index_cast %mul3A_150 : i32 to index
        %get3A_746 = tpu.vector_load %arg9[%get3A_744, %get3A_745] {strides = array<i32>} : memref<32x256xi32, #tpu.memory_space<vmem>>, vector<16xi32>,
        %get3A_747 = arith.constant 15 : i32
        %get3A_748 = arith.index_cast %get3A_747 : i32 to index
        %get3A_749 = arith.index_cast %mul3A_150 : i32 to index
        %get3A_750 = tpu.vector_load %arg10[%get3A_748, %get3A_749] {strides = array<i32>} : memref<32x256xi32, #tpu.memory_space<vmem>>, vector<16xi32>,
        %add3A_751 = arith.addi %get3A_746, %broadcast_in_dim3A_31 : vector<16xi32>
        %gather3A_752 = tpu.vector_load_idx %arg5[%add3A_751] : memref<40000xi32, #tpu.memory_space<vmem>>[vector<16xi32>], vector<16xi32>,
        %add3A_753 = arith.addi %get3A_750, %broadcast_in_dim3A_31 : vector<16xi32>
        %gather3A_754 = tpu.vector_load_idx %arg5[%add3A_753] : memref<40000xi32, #tpu.memory_space<vmem>>[vector<16xi32>], vector<16xi32>,
        %bitcast3A_755 = vector.bitcast %gather3A_752 : vector<16xi32> to vector<32xbf16>
        %bitcast3A_756 = vector.bitcast %gather3A_754 : vector<16xi32> to vector<32xbf16>
        %sub3A_757 = arith.subf %bitcast3A_755, %bitcast3A_756 : vector<32xbf16>
        %max3A_758 = arith.maximumf %max3A_718, %sub3A_757 : vector<32xbf16>
        %add3A_759 = arith.addi %get3A_746, %broadcast_in_dim3A_33 : vector<16xi32>
        %gather3A_760 = tpu.vector_load_idx %arg5[%add3A_759] : memref<40000xi32, #tpu.memory_space<vmem>>[vector<16xi32>], vector<16xi32>,
        %add3A_761 = arith.addi %get3A_750, %broadcast_in_dim3A_33 : vector<16xi32>
        %gather3A_762 = tpu.vector_load_idx %arg5[%add3A_761] : memref<40000xi32, #tpu.memory_space<vmem>>[vector<16xi32>], vector<16xi32>,
        %bitcast3A_763 = vector.bitcast %gather3A_760 : vector<16xi32> to vector<32xbf16>
        %bitcast3A_764 = vector.bitcast %gather3A_762 : vector<16xi32> to vector<32xbf16>
        %sub3A_765 = arith.subf %bitcast3A_763, %bitcast3A_764 : vector<32xbf16>
        %max3A_766 = arith.maximumf %max3A_726, %sub3A_765 : vector<32xbf16>
        %add3A_767 = arith.addi %get3A_746, %broadcast_in_dim3A_35 : vector<16xi32>
        %gather3A_768 = tpu.vector_load_idx %arg5[%add3A_767] : memref<40000xi32, #tpu.memory_space<vmem>>[vector<16xi32>], vector<16xi32>,
        %add3A_769 = arith.addi %get3A_750, %broadcast_in_dim3A_35 : vector<16xi32>
        %gather3A_770 = tpu.vector_load_idx %arg5[%add3A_769] : memref<40000xi32, #tpu.memory_space<vmem>>[vector<16xi32>], vector<16xi32>,
        %bitcast3A_771 = vector.bitcast %gather3A_768 : vector<16xi32> to vector<32xbf16>
        %bitcast3A_772 = vector.bitcast %gather3A_770 : vector<16xi32> to vector<32xbf16>
        %sub3A_773 = arith.subf %bitcast3A_771, %bitcast3A_772 : vector<32xbf16>
        %max3A_774 = arith.maximumf %max3A_734, %sub3A_773 : vector<32xbf16>
        %add3A_775 = arith.addi %get3A_746, %broadcast_in_dim3A_37 : vector<16xi32>
        %gather3A_776 = tpu.vector_load_idx %arg5[%add3A_775] : memref<40000xi32, #tpu.memory_space<vmem>>[vector<16xi32>], vector<16xi32>,
        %add3A_777 = arith.addi %get3A_750, %broadcast_in_dim3A_37 : vector<16xi32>
        %gather3A_778 = tpu.vector_load_idx %arg5[%add3A_777] : memref<40000xi32, #tpu.memory_space<vmem>>[vector<16xi32>], vector<16xi32>,
        %bitcast3A_779 = vector.bitcast %gather3A_776 : vector<16xi32> to vector<32xbf16>
        %bitcast3A_780 = vector.bitcast %gather3A_778 : vector<16xi32> to vector<32xbf16>
        %sub3A_781 = arith.subf %bitcast3A_779, %bitcast3A_780 : vector<32xbf16>
        %max3A_782 = arith.maximumf %max3A_742, %sub3A_781 : vector<32xbf16>
        %get3A_783 = arith.constant 16 : i32
        %get3A_784 = arith.index_cast %get3A_783 : i32 to index
        %get3A_785 = arith.index_cast %mul3A_150 : i32 to index
        %get3A_786 = tpu.vector_load %arg9[%get3A_784, %get3A_785] {strides = array<i32>} : memref<32x256xi32, #tpu.memory_space<vmem>>, vector<16xi32>,
        %get3A_787 = arith.constant 16 : i32
        %get3A_788 = arith.index_cast %get3A_787 : i32 to index
        %get3A_789 = arith.index_cast %mul3A_150 : i32 to index
        %get3A_790 = tpu.vector_load %arg10[%get3A_788, %get3A_789] {strides = array<i32>} : memref<32x256xi32, #tpu.memory_space<vmem>>, vector<16xi32>,
        %add3A_791 = arith.addi %get3A_786, %broadcast_in_dim3A_31 : vector<16xi32>
        %gather3A_792 = tpu.vector_load_idx %arg5[%add3A_791] : memref<40000xi32, #tpu.memory_space<vmem>>[vector<16xi32>], vector<16xi32>,
        %add3A_793 = arith.addi %get3A_790, %broadcast_in_dim3A_31 : vector<16xi32>
        %gather3A_794 = tpu.vector_load_idx %arg5[%add3A_793] : memref<40000xi32, #tpu.memory_space<vmem>>[vector<16xi32>], vector<16xi32>,
        %bitcast3A_795 = vector.bitcast %gather3A_792 : vector<16xi32> to vector<32xbf16>
        %bitcast3A_796 = vector.bitcast %gather3A_794 : vector<16xi32> to vector<32xbf16>
        %sub3A_797 = arith.subf %bitcast3A_795, %bitcast3A_796 : vector<32xbf16>
        %max3A_798 = arith.maximumf %max3A_758, %sub3A_797 : vector<32xbf16>
        %add3A_799 = arith.addi %get3A_786, %broadcast_in_dim3A_33 : vector<16xi32>
        %gather3A_800 = tpu.vector_load_idx %arg5[%add3A_799] : memref<40000xi32, #tpu.memory_space<vmem>>[vector<16xi32>], vector<16xi32>,
        %add3A_801 = arith.addi %get3A_790, %broadcast_in_dim3A_33 : vector<16xi32>
        %gather3A_802 = tpu.vector_load_idx %arg5[%add3A_801] : memref<40000xi32, #tpu.memory_space<vmem>>[vector<16xi32>], vector<16xi32>,
        %bitcast3A_803 = vector.bitcast %gather3A_800 : vector<16xi32> to vector<32xbf16>
        %bitcast3A_804 = vector.bitcast %gather3A_802 : vector<16xi32> to vector<32xbf16>
        %sub3A_805 = arith.subf %bitcast3A_803, %bitcast3A_804 : vector<32xbf16>
        %max3A_806 = arith.maximumf %max3A_766, %sub3A_805 : vector<32xbf16>
        %add3A_807 = arith.addi %get3A_786, %broadcast_in_dim3A_35 : vector<16xi32>
        %gather3A_808 = tpu.vector_load_idx %arg5[%add3A_807] : memref<40000xi32, #tpu.memory_space<vmem>>[vector<16xi32>], vector<16xi32>,
        %add3A_809 = arith.addi %get3A_790, %broadcast_in_dim3A_35 : vector<16xi32>
        %gather3A_810 = tpu.vector_load_idx %arg5[%add3A_809] : memref<40000xi32, #tpu.memory_space<vmem>>[vector<16xi32>], vector<16xi32>,
        %bitcast3A_811 = vector.bitcast %gather3A_808 : vector<16xi32> to vector<32xbf16>
        %bitcast3A_812 = vector.bitcast %gather3A_810 : vector<16xi32> to vector<32xbf16>
        %sub3A_813 = arith.subf %bitcast3A_811, %bitcast3A_812 : vector<32xbf16>
        %max3A_814 = arith.maximumf %max3A_774, %sub3A_813 : vector<32xbf16>
        %add3A_815 = arith.addi %get3A_786, %broadcast_in_dim3A_37 : vector<16xi32>
        %gather3A_816 = tpu.vector_load_idx %arg5[%add3A_815] : memref<40000xi32, #tpu.memory_space<vmem>>[vector<16xi32>], vector<16xi32>,
        %add3A_817 = arith.addi %get3A_790, %broadcast_in_dim3A_37 : vector<16xi32>
        %gather3A_818 = tpu.vector_load_idx %arg5[%add3A_817] : memref<40000xi32, #tpu.memory_space<vmem>>[vector<16xi32>], vector<16xi32>,
        %bitcast3A_819 = vector.bitcast %gather3A_816 : vector<16xi32> to vector<32xbf16>
        %bitcast3A_820 = vector.bitcast %gather3A_818 : vector<16xi32> to vector<32xbf16>
        %sub3A_821 = arith.subf %bitcast3A_819, %bitcast3A_820 : vector<32xbf16>
        %max3A_822 = arith.maximumf %max3A_782, %sub3A_821 : vector<32xbf16>
        %get3A_823 = arith.constant 17 : i32
        %get3A_824 = arith.index_cast %get3A_823 : i32 to index
        %get3A_825 = arith.index_cast %mul3A_150 : i32 to index
        %get3A_826 = tpu.vector_load %arg9[%get3A_824, %get3A_825] {strides = array<i32>} : memref<32x256xi32, #tpu.memory_space<vmem>>, vector<16xi32>,
        %get3A_827 = arith.constant 17 : i32
        %get3A_828 = arith.index_cast %get3A_827 : i32 to index
        %get3A_829 = arith.index_cast %mul3A_150 : i32 to index
        %get3A_830 = tpu.vector_load %arg10[%get3A_828, %get3A_829] {strides = array<i32>} : memref<32x256xi32, #tpu.memory_space<vmem>>, vector<16xi32>,
        %add3A_831 = arith.addi %get3A_826, %broadcast_in_dim3A_31 : vector<16xi32>
        %gather3A_832 = tpu.vector_load_idx %arg5[%add3A_831] : memref<40000xi32, #tpu.memory_space<vmem>>[vector<16xi32>], vector<16xi32>,
        %add3A_833 = arith.addi %get3A_830, %broadcast_in_dim3A_31 : vector<16xi32>
        %gather3A_834 = tpu.vector_load_idx %arg5[%add3A_833] : memref<40000xi32, #tpu.memory_space<vmem>>[vector<16xi32>], vector<16xi32>,
        %bitcast3A_835 = vector.bitcast %gather3A_832 : vector<16xi32> to vector<32xbf16>
        %bitcast3A_836 = vector.bitcast %gather3A_834 : vector<16xi32> to vector<32xbf16>
        %sub3A_837 = arith.subf %bitcast3A_835, %bitcast3A_836 : vector<32xbf16>
        %max3A_838 = arith.maximumf %max3A_798, %sub3A_837 : vector<32xbf16>
        %add3A_839 = arith.addi %get3A_826, %broadcast_in_dim3A_33 : vector<16xi32>
        %gather3A_840 = tpu.vector_load_idx %arg5[%add3A_839] : memref<40000xi32, #tpu.memory_space<vmem>>[vector<16xi32>], vector<16xi32>,
        %add3A_841 = arith.addi %get3A_830, %broadcast_in_dim3A_33 : vector<16xi32>
        %gather3A_842 = tpu.vector_load_idx %arg5[%add3A_841] : memref<40000xi32, #tpu.memory_space<vmem>>[vector<16xi32>], vector<16xi32>,
        %bitcast3A_843 = vector.bitcast %gather3A_840 : vector<16xi32> to vector<32xbf16>
        %bitcast3A_844 = vector.bitcast %gather3A_842 : vector<16xi32> to vector<32xbf16>
        %sub3A_845 = arith.subf %bitcast3A_843, %bitcast3A_844 : vector<32xbf16>
        %max3A_846 = arith.maximumf %max3A_806, %sub3A_845 : vector<32xbf16>
        %add3A_847 = arith.addi %get3A_826, %broadcast_in_dim3A_35 : vector<16xi32>
        %gather3A_848 = tpu.vector_load_idx %arg5[%add3A_847] : memref<40000xi32, #tpu.memory_space<vmem>>[vector<16xi32>], vector<16xi32>,
        %add3A_849 = arith.addi %get3A_830, %broadcast_in_dim3A_35 : vector<16xi32>
        %gather3A_850 = tpu.vector_load_idx %arg5[%add3A_849] : memref<40000xi32, #tpu.memory_space<vmem>>[vector<16xi32>], vector<16xi32>,
        %bitcast3A_851 = vector.bitcast %gather3A_848 : vector<16xi32> to vector<32xbf16>
        %bitcast3A_852 = vector.bitcast %gather3A_850 : vector<16xi32> to vector<32xbf16>
        %sub3A_853 = arith.subf %bitcast3A_851, %bitcast3A_852 : vector<32xbf16>
        %max3A_854 = arith.maximumf %max3A_814, %sub3A_853 : vector<32xbf16>
        %add3A_855 = arith.addi %get3A_826, %broadcast_in_dim3A_37 : vector<16xi32>
        %gather3A_856 = tpu.vector_load_idx %arg5[%add3A_855] : memref<40000xi32, #tpu.memory_space<vmem>>[vector<16xi32>], vector<16xi32>,
        %add3A_857 = arith.addi %get3A_830, %broadcast_in_dim3A_37 : vector<16xi32>
        %gather3A_858 = tpu.vector_load_idx %arg5[%add3A_857] : memref<40000xi32, #tpu.memory_space<vmem>>[vector<16xi32>], vector<16xi32>,
        %bitcast3A_859 = vector.bitcast %gather3A_856 : vector<16xi32> to vector<32xbf16>
        %bitcast3A_860 = vector.bitcast %gather3A_858 : vector<16xi32> to vector<32xbf16>
        %sub3A_861 = arith.subf %bitcast3A_859, %bitcast3A_860 : vector<32xbf16>
        %max3A_862 = arith.maximumf %max3A_822, %sub3A_861 : vector<32xbf16>
        %get3A_863 = arith.constant 18 : i32
        %get3A_864 = arith.index_cast %get3A_863 : i32 to index
        %get3A_865 = arith.index_cast %mul3A_150 : i32 to index
        %get3A_866 = tpu.vector_load %arg9[%get3A_864, %get3A_865] {strides = array<i32>} : memref<32x256xi32, #tpu.memory_space<vmem>>, vector<16xi32>,
        %get3A_867 = arith.constant 18 : i32
        %get3A_868 = arith.index_cast %get3A_867 : i32 to index
        %get3A_869 = arith.index_cast %mul3A_150 : i32 to index
        %get3A_870 = tpu.vector_load %arg10[%get3A_868, %get3A_869] {strides = array<i32>} : memref<32x256xi32, #tpu.memory_space<vmem>>, vector<16xi32>,
        %add3A_871 = arith.addi %get3A_866, %broadcast_in_dim3A_31 : vector<16xi32>
        %gather3A_872 = tpu.vector_load_idx %arg5[%add3A_871] : memref<40000xi32, #tpu.memory_space<vmem>>[vector<16xi32>], vector<16xi32>,
        %add3A_873 = arith.addi %get3A_870, %broadcast_in_dim3A_31 : vector<16xi32>
        %gather3A_874 = tpu.vector_load_idx %arg5[%add3A_873] : memref<40000xi32, #tpu.memory_space<vmem>>[vector<16xi32>], vector<16xi32>,
        %bitcast3A_875 = vector.bitcast %gather3A_872 : vector<16xi32> to vector<32xbf16>
        %bitcast3A_876 = vector.bitcast %gather3A_874 : vector<16xi32> to vector<32xbf16>
        %sub3A_877 = arith.subf %bitcast3A_875, %bitcast3A_876 : vector<32xbf16>
        %max3A_878 = arith.maximumf %max3A_838, %sub3A_877 : vector<32xbf16>
        %add3A_879 = arith.addi %get3A_866, %broadcast_in_dim3A_33 : vector<16xi32>
        %gather3A_880 = tpu.vector_load_idx %arg5[%add3A_879] : memref<40000xi32, #tpu.memory_space<vmem>>[vector<16xi32>], vector<16xi32>,
        %add3A_881 = arith.addi %get3A_870, %broadcast_in_dim3A_33 : vector<16xi32>
        %gather3A_882 = tpu.vector_load_idx %arg5[%add3A_881] : memref<40000xi32, #tpu.memory_space<vmem>>[vector<16xi32>], vector<16xi32>,
        %bitcast3A_883 = vector.bitcast %gather3A_880 : vector<16xi32> to vector<32xbf16>
        %bitcast3A_884 = vector.bitcast %gather3A_882 : vector<16xi32> to vector<32xbf16>
        %sub3A_885 = arith.subf %bitcast3A_883, %bitcast3A_884 : vector<32xbf16>
        %max3A_886 = arith.maximumf %max3A_846, %sub3A_885 : vector<32xbf16>
        %add3A_887 = arith.addi %get3A_866, %broadcast_in_dim3A_35 : vector<16xi32>
        %gather3A_888 = tpu.vector_load_idx %arg5[%add3A_887] : memref<40000xi32, #tpu.memory_space<vmem>>[vector<16xi32>], vector<16xi32>,
        %add3A_889 = arith.addi %get3A_870, %broadcast_in_dim3A_35 : vector<16xi32>
        %gather3A_890 = tpu.vector_load_idx %arg5[%add3A_889] : memref<40000xi32, #tpu.memory_space<vmem>>[vector<16xi32>], vector<16xi32>,
        %bitcast3A_891 = vector.bitcast %gather3A_888 : vector<16xi32> to vector<32xbf16>
        %bitcast3A_892 = vector.bitcast %gather3A_890 : vector<16xi32> to vector<32xbf16>
        %sub3A_893 = arith.subf %bitcast3A_891, %bitcast3A_892 : vector<32xbf16>
        %max3A_894 = arith.maximumf %max3A_854, %sub3A_893 : vector<32xbf16>
        %add3A_895 = arith.addi %get3A_866, %broadcast_in_dim3A_37 : vector<16xi32>
        %gather3A_896 = tpu.vector_load_idx %arg5[%add3A_895] : memref<40000xi32, #tpu.memory_space<vmem>>[vector<16xi32>], vector<16xi32>,
        %add3A_897 = arith.addi %get3A_870, %broadcast_in_dim3A_37 : vector<16xi32>
        %gather3A_898 = tpu.vector_load_idx %arg5[%add3A_897] : memref<40000xi32, #tpu.memory_space<vmem>>[vector<16xi32>], vector<16xi32>,
        %bitcast3A_899 = vector.bitcast %gather3A_896 : vector<16xi32> to vector<32xbf16>
        %bitcast3A_900 = vector.bitcast %gather3A_898 : vector<16xi32> to vector<32xbf16>
        %sub3A_901 = arith.subf %bitcast3A_899, %bitcast3A_900 : vector<32xbf16>
        %max3A_902 = arith.maximumf %max3A_862, %sub3A_901 : vector<32xbf16>
        %get3A_903 = arith.constant 19 : i32
        %get3A_904 = arith.index_cast %get3A_903 : i32 to index
        %get3A_905 = arith.index_cast %mul3A_150 : i32 to index
        %get3A_906 = tpu.vector_load %arg9[%get3A_904, %get3A_905] {strides = array<i32>} : memref<32x256xi32, #tpu.memory_space<vmem>>, vector<16xi32>,
        %get3A_907 = arith.constant 19 : i32
        %get3A_908 = arith.index_cast %get3A_907 : i32 to index
        %get3A_909 = arith.index_cast %mul3A_150 : i32 to index
        %get3A_910 = tpu.vector_load %arg10[%get3A_908, %get3A_909] {strides = array<i32>} : memref<32x256xi32, #tpu.memory_space<vmem>>, vector<16xi32>,
        %add3A_911 = arith.addi %get3A_906, %broadcast_in_dim3A_31 : vector<16xi32>
        %gather3A_912 = tpu.vector_load_idx %arg5[%add3A_911] : memref<40000xi32, #tpu.memory_space<vmem>>[vector<16xi32>], vector<16xi32>,
        %add3A_913 = arith.addi %get3A_910, %broadcast_in_dim3A_31 : vector<16xi32>
        %gather3A_914 = tpu.vector_load_idx %arg5[%add3A_913] : memref<40000xi32, #tpu.memory_space<vmem>>[vector<16xi32>], vector<16xi32>,
        %bitcast3A_915 = vector.bitcast %gather3A_912 : vector<16xi32> to vector<32xbf16>
        %bitcast3A_916 = vector.bitcast %gather3A_914 : vector<16xi32> to vector<32xbf16>
        %sub3A_917 = arith.subf %bitcast3A_915, %bitcast3A_916 : vector<32xbf16>
        %max3A_918 = arith.maximumf %max3A_878, %sub3A_917 : vector<32xbf16>
        %add3A_919 = arith.addi %get3A_906, %broadcast_in_dim3A_33 : vector<16xi32>
        %gather3A_920 = tpu.vector_load_idx %arg5[%add3A_919] : memref<40000xi32, #tpu.memory_space<vmem>>[vector<16xi32>], vector<16xi32>,
        %add3A_921 = arith.addi %get3A_910, %broadcast_in_dim3A_33 : vector<16xi32>
        %gather3A_922 = tpu.vector_load_idx %arg5[%add3A_921] : memref<40000xi32, #tpu.memory_space<vmem>>[vector<16xi32>], vector<16xi32>,
        %bitcast3A_923 = vector.bitcast %gather3A_920 : vector<16xi32> to vector<32xbf16>
        %bitcast3A_924 = vector.bitcast %gather3A_922 : vector<16xi32> to vector<32xbf16>
        %sub3A_925 = arith.subf %bitcast3A_923, %bitcast3A_924 : vector<32xbf16>
        %max3A_926 = arith.maximumf %max3A_886, %sub3A_925 : vector<32xbf16>
        %add3A_927 = arith.addi %get3A_906, %broadcast_in_dim3A_35 : vector<16xi32>
        %gather3A_928 = tpu.vector_load_idx %arg5[%add3A_927] : memref<40000xi32, #tpu.memory_space<vmem>>[vector<16xi32>], vector<16xi32>,
        %add3A_929 = arith.addi %get3A_910, %broadcast_in_dim3A_35 : vector<16xi32>
        %gather3A_930 = tpu.vector_load_idx %arg5[%add3A_929] : memref<40000xi32, #tpu.memory_space<vmem>>[vector<16xi32>], vector<16xi32>,
        %bitcast3A_931 = vector.bitcast %gather3A_928 : vector<16xi32> to vector<32xbf16>
        %bitcast3A_932 = vector.bitcast %gather3A_930 : vector<16xi32> to vector<32xbf16>
        %sub3A_933 = arith.subf %bitcast3A_931, %bitcast3A_932 : vector<32xbf16>
        %max3A_934 = arith.maximumf %max3A_894, %sub3A_933 : vector<32xbf16>
        %add3A_935 = arith.addi %get3A_906, %broadcast_in_dim3A_37 : vector<16xi32>
        %gather3A_936 = tpu.vector_load_idx %arg5[%add3A_935] : memref<40000xi32, #tpu.memory_space<vmem>>[vector<16xi32>], vector<16xi32>,
        %add3A_937 = arith.addi %get3A_910, %broadcast_in_dim3A_37 : vector<16xi32>
        %gather3A_938 = tpu.vector_load_idx %arg5[%add3A_937] : memref<40000xi32, #tpu.memory_space<vmem>>[vector<16xi32>], vector<16xi32>,
        %bitcast3A_939 = vector.bitcast %gather3A_936 : vector<16xi32> to vector<32xbf16>
        %bitcast3A_940 = vector.bitcast %gather3A_938 : vector<16xi32> to vector<32xbf16>
        %sub3A_941 = arith.subf %bitcast3A_939, %bitcast3A_940 : vector<32xbf16>
        %max3A_942 = arith.maximumf %max3A_902, %sub3A_941 : vector<32xbf16>
        %get3A_943 = arith.constant 20 : i32
        %get3A_944 = arith.index_cast %get3A_943 : i32 to index
        %get3A_945 = arith.index_cast %mul3A_150 : i32 to index
        %get3A_946 = tpu.vector_load %arg9[%get3A_944, %get3A_945] {strides = array<i32>} : memref<32x256xi32, #tpu.memory_space<vmem>>, vector<16xi32>,
        %get3A_947 = arith.constant 20 : i32
        %get3A_948 = arith.index_cast %get3A_947 : i32 to index
        %get3A_949 = arith.index_cast %mul3A_150 : i32 to index
        %get3A_950 = tpu.vector_load %arg10[%get3A_948, %get3A_949] {strides = array<i32>} : memref<32x256xi32, #tpu.memory_space<vmem>>, vector<16xi32>,
        %add3A_951 = arith.addi %get3A_946, %broadcast_in_dim3A_31 : vector<16xi32>
        %gather3A_952 = tpu.vector_load_idx %arg5[%add3A_951] : memref<40000xi32, #tpu.memory_space<vmem>>[vector<16xi32>], vector<16xi32>,
        %add3A_953 = arith.addi %get3A_950, %broadcast_in_dim3A_31 : vector<16xi32>
        %gather3A_954 = tpu.vector_load_idx %arg5[%add3A_953] : memref<40000xi32, #tpu.memory_space<vmem>>[vector<16xi32>], vector<16xi32>,
        %bitcast3A_955 = vector.bitcast %gather3A_952 : vector<16xi32> to vector<32xbf16>
        %bitcast3A_956 = vector.bitcast %gather3A_954 : vector<16xi32> to vector<32xbf16>
        %sub3A_957 = arith.subf %bitcast3A_955, %bitcast3A_956 : vector<32xbf16>
        %max3A_958 = arith.maximumf %max3A_918, %sub3A_957 : vector<32xbf16>
        %add3A_959 = arith.addi %get3A_946, %broadcast_in_dim3A_33 : vector<16xi32>
        %gather3A_960 = tpu.vector_load_idx %arg5[%add3A_959] : memref<40000xi32, #tpu.memory_space<vmem>>[vector<16xi32>], vector<16xi32>,
        %add3A_961 = arith.addi %get3A_950, %broadcast_in_dim3A_33 : vector<16xi32>
        %gather3A_962 = tpu.vector_load_idx %arg5[%add3A_961] : memref<40000xi32, #tpu.memory_space<vmem>>[vector<16xi32>], vector<16xi32>,
        %bitcast3A_963 = vector.bitcast %gather3A_960 : vector<16xi32> to vector<32xbf16>
        %bitcast3A_964 = vector.bitcast %gather3A_962 : vector<16xi32> to vector<32xbf16>
        %sub3A_965 = arith.subf %bitcast3A_963, %bitcast3A_964 : vector<32xbf16>
        %max3A_966 = arith.maximumf %max3A_926, %sub3A_965 : vector<32xbf16>
        %add3A_967 = arith.addi %get3A_946, %broadcast_in_dim3A_35 : vector<16xi32>
        %gather3A_968 = tpu.vector_load_idx %arg5[%add3A_967] : memref<40000xi32, #tpu.memory_space<vmem>>[vector<16xi32>], vector<16xi32>,
        %add3A_969 = arith.addi %get3A_950, %broadcast_in_dim3A_35 : vector<16xi32>
        %gather3A_970 = tpu.vector_load_idx %arg5[%add3A_969] : memref<40000xi32, #tpu.memory_space<vmem>>[vector<16xi32>], vector<16xi32>,
        %bitcast3A_971 = vector.bitcast %gather3A_968 : vector<16xi32> to vector<32xbf16>
        %bitcast3A_972 = vector.bitcast %gather3A_970 : vector<16xi32> to vector<32xbf16>
        %sub3A_973 = arith.subf %bitcast3A_971, %bitcast3A_972 : vector<32xbf16>
        %max3A_974 = arith.maximumf %max3A_934, %sub3A_973 : vector<32xbf16>
        %add3A_975 = arith.addi %get3A_946, %broadcast_in_dim3A_37 : vector<16xi32>
        %gather3A_976 = tpu.vector_load_idx %arg5[%add3A_975] : memref<40000xi32, #tpu.memory_space<vmem>>[vector<16xi32>], vector<16xi32>,
        %add3A_977 = arith.addi %get3A_950, %broadcast_in_dim3A_37 : vector<16xi32>
        %gather3A_978 = tpu.vector_load_idx %arg5[%add3A_977] : memref<40000xi32, #tpu.memory_space<vmem>>[vector<16xi32>], vector<16xi32>,
        %bitcast3A_979 = vector.bitcast %gather3A_976 : vector<16xi32> to vector<32xbf16>
        %bitcast3A_980 = vector.bitcast %gather3A_978 : vector<16xi32> to vector<32xbf16>
        %sub3A_981 = arith.subf %bitcast3A_979, %bitcast3A_980 : vector<32xbf16>
        %max3A_982 = arith.maximumf %max3A_942, %sub3A_981 : vector<32xbf16>
        %get3A_983 = arith.constant 21 : i32
        %get3A_984 = arith.index_cast %get3A_983 : i32 to index
        %get3A_985 = arith.index_cast %mul3A_150 : i32 to index
        %get3A_986 = tpu.vector_load %arg9[%get3A_984, %get3A_985] {strides = array<i32>} : memref<32x256xi32, #tpu.memory_space<vmem>>, vector<16xi32>,
        %get3A_987 = arith.constant 21 : i32
        %get3A_988 = arith.index_cast %get3A_987 : i32 to index
        %get3A_989 = arith.index_cast %mul3A_150 : i32 to index
        %get3A_990 = tpu.vector_load %arg10[%get3A_988, %get3A_989] {strides = array<i32>} : memref<32x256xi32, #tpu.memory_space<vmem>>, vector<16xi32>,
        %add3A_991 = arith.addi %get3A_986, %broadcast_in_dim3A_31 : vector<16xi32>
        %gather3A_992 = tpu.vector_load_idx %arg5[%add3A_991] : memref<40000xi32, #tpu.memory_space<vmem>>[vector<16xi32>], vector<16xi32>,
        %add3A_993 = arith.addi %get3A_990, %broadcast_in_dim3A_31 : vector<16xi32>
        %gather3A_994 = tpu.vector_load_idx %arg5[%add3A_993] : memref<40000xi32, #tpu.memory_space<vmem>>[vector<16xi32>], vector<16xi32>,
        %bitcast3A_995 = vector.bitcast %gather3A_992 : vector<16xi32> to vector<32xbf16>
        %bitcast3A_996 = vector.bitcast %gather3A_994 : vector<16xi32> to vector<32xbf16>
        %sub3A_997 = arith.subf %bitcast3A_995, %bitcast3A_996 : vector<32xbf16>
        %max3A_998 = arith.maximumf %max3A_958, %sub3A_997 : vector<32xbf16>
        %add3A_999 = arith.addi %get3A_986, %broadcast_in_dim3A_33 : vector<16xi32>
        %gather3A_1000 = tpu.vector_load_idx %arg5[%add3A_999] : memref<40000xi32, #tpu.memory_space<vmem>>[vector<16xi32>], vector<16xi32>,
        %add3A_1001 = arith.addi %get3A_990, %broadcast_in_dim3A_33 : vector<16xi32>
        %gather3A_1002 = tpu.vector_load_idx %arg5[%add3A_1001] : memref<40000xi32, #tpu.memory_space<vmem>>[vector<16xi32>], vector<16xi32>,
        %bitcast3A_1003 = vector.bitcast %gather3A_1000 : vector<16xi32> to vector<32xbf16>
        %bitcast3A_1004 = vector.bitcast %gather3A_1002 : vector<16xi32> to vector<32xbf16>
        %sub3A_1005 = arith.subf %bitcast3A_1003, %bitcast3A_1004 : vector<32xbf16>
        %max3A_1006 = arith.maximumf %max3A_966, %sub3A_1005 : vector<32xbf16>
        %add3A_1007 = arith.addi %get3A_986, %broadcast_in_dim3A_35 : vector<16xi32>
        %gather3A_1008 = tpu.vector_load_idx %arg5[%add3A_1007] : memref<40000xi32, #tpu.memory_space<vmem>>[vector<16xi32>], vector<16xi32>,
        %add3A_1009 = arith.addi %get3A_990, %broadcast_in_dim3A_35 : vector<16xi32>
        %gather3A_1010 = tpu.vector_load_idx %arg5[%add3A_1009] : memref<40000xi32, #tpu.memory_space<vmem>>[vector<16xi32>], vector<16xi32>,
        %bitcast3A_1011 = vector.bitcast %gather3A_1008 : vector<16xi32> to vector<32xbf16>
        %bitcast3A_1012 = vector.bitcast %gather3A_1010 : vector<16xi32> to vector<32xbf16>
        %sub3A_1013 = arith.subf %bitcast3A_1011, %bitcast3A_1012 : vector<32xbf16>
        %max3A_1014 = arith.maximumf %max3A_974, %sub3A_1013 : vector<32xbf16>
        %add3A_1015 = arith.addi %get3A_986, %broadcast_in_dim3A_37 : vector<16xi32>
        %gather3A_1016 = tpu.vector_load_idx %arg5[%add3A_1015] : memref<40000xi32, #tpu.memory_space<vmem>>[vector<16xi32>], vector<16xi32>,
        %add3A_1017 = arith.addi %get3A_990, %broadcast_in_dim3A_37 : vector<16xi32>
        %gather3A_1018 = tpu.vector_load_idx %arg5[%add3A_1017] : memref<40000xi32, #tpu.memory_space<vmem>>[vector<16xi32>], vector<16xi32>,
        %bitcast3A_1019 = vector.bitcast %gather3A_1016 : vector<16xi32> to vector<32xbf16>
        %bitcast3A_1020 = vector.bitcast %gather3A_1018 : vector<16xi32> to vector<32xbf16>
        %sub3A_1021 = arith.subf %bitcast3A_1019, %bitcast3A_1020 : vector<32xbf16>
        %max3A_1022 = arith.maximumf %max3A_982, %sub3A_1021 : vector<32xbf16>
        %get3A_1023 = arith.constant 22 : i32
        %get3A_1024 = arith.index_cast %get3A_1023 : i32 to index
        %get3A_1025 = arith.index_cast %mul3A_150 : i32 to index
        %get3A_1026 = tpu.vector_load %arg9[%get3A_1024, %get3A_1025] {strides = array<i32>} : memref<32x256xi32, #tpu.memory_space<vmem>>, vector<16xi32>,
        %get3A_1027 = arith.constant 22 : i32
        %get3A_1028 = arith.index_cast %get3A_1027 : i32 to index
        %get3A_1029 = arith.index_cast %mul3A_150 : i32 to index
        %get3A_1030 = tpu.vector_load %arg10[%get3A_1028, %get3A_1029] {strides = array<i32>} : memref<32x256xi32, #tpu.memory_space<vmem>>, vector<16xi32>,
        %add3A_1031 = arith.addi %get3A_1026, %broadcast_in_dim3A_31 : vector<16xi32>
        %gather3A_1032 = tpu.vector_load_idx %arg5[%add3A_1031] : memref<40000xi32, #tpu.memory_space<vmem>>[vector<16xi32>], vector<16xi32>,
        %add3A_1033 = arith.addi %get3A_1030, %broadcast_in_dim3A_31 : vector<16xi32>
        %gather3A_1034 = tpu.vector_load_idx %arg5[%add3A_1033] : memref<40000xi32, #tpu.memory_space<vmem>>[vector<16xi32>], vector<16xi32>,
        %bitcast3A_1035 = vector.bitcast %gather3A_1032 : vector<16xi32> to vector<32xbf16>
        %bitcast3A_1036 = vector.bitcast %gather3A_1034 : vector<16xi32> to vector<32xbf16>
        %sub3A_1037 = arith.subf %bitcast3A_1035, %bitcast3A_1036 : vector<32xbf16>
        %max3A_1038 = arith.maximumf %max3A_998, %sub3A_1037 : vector<32xbf16>
        %add3A_1039 = arith.addi %get3A_1026, %broadcast_in_dim3A_33 : vector<16xi32>
        %gather3A_1040 = tpu.vector_load_idx %arg5[%add3A_1039] : memref<40000xi32, #tpu.memory_space<vmem>>[vector<16xi32>], vector<16xi32>,
        %add3A_1041 = arith.addi %get3A_1030, %broadcast_in_dim3A_33 : vector<16xi32>
        %gather3A_1042 = tpu.vector_load_idx %arg5[%add3A_1041] : memref<40000xi32, #tpu.memory_space<vmem>>[vector<16xi32>], vector<16xi32>,
        %bitcast3A_1043 = vector.bitcast %gather3A_1040 : vector<16xi32> to vector<32xbf16>
        %bitcast3A_1044 = vector.bitcast %gather3A_1042 : vector<16xi32> to vector<32xbf16>
        %sub3A_1045 = arith.subf %bitcast3A_1043, %bitcast3A_1044 : vector<32xbf16>
        %max3A_1046 = arith.maximumf %max3A_1006, %sub3A_1045 : vector<32xbf16>
        %add3A_1047 = arith.addi %get3A_1026, %broadcast_in_dim3A_35 : vector<16xi32>
        %gather3A_1048 = tpu.vector_load_idx %arg5[%add3A_1047] : memref<40000xi32, #tpu.memory_space<vmem>>[vector<16xi32>], vector<16xi32>,
        %add3A_1049 = arith.addi %get3A_1030, %broadcast_in_dim3A_35 : vector<16xi32>
        %gather3A_1050 = tpu.vector_load_idx %arg5[%add3A_1049] : memref<40000xi32, #tpu.memory_space<vmem>>[vector<16xi32>], vector<16xi32>,
        %bitcast3A_1051 = vector.bitcast %gather3A_1048 : vector<16xi32> to vector<32xbf16>
        %bitcast3A_1052 = vector.bitcast %gather3A_1050 : vector<16xi32> to vector<32xbf16>
        %sub3A_1053 = arith.subf %bitcast3A_1051, %bitcast3A_1052 : vector<32xbf16>
        %max3A_1054 = arith.maximumf %max3A_1014, %sub3A_1053 : vector<32xbf16>
        %add3A_1055 = arith.addi %get3A_1026, %broadcast_in_dim3A_37 : vector<16xi32>
        %gather3A_1056 = tpu.vector_load_idx %arg5[%add3A_1055] : memref<40000xi32, #tpu.memory_space<vmem>>[vector<16xi32>], vector<16xi32>,
        %add3A_1057 = arith.addi %get3A_1030, %broadcast_in_dim3A_37 : vector<16xi32>
        %gather3A_1058 = tpu.vector_load_idx %arg5[%add3A_1057] : memref<40000xi32, #tpu.memory_space<vmem>>[vector<16xi32>], vector<16xi32>,
        %bitcast3A_1059 = vector.bitcast %gather3A_1056 : vector<16xi32> to vector<32xbf16>
        %bitcast3A_1060 = vector.bitcast %gather3A_1058 : vector<16xi32> to vector<32xbf16>
        %sub3A_1061 = arith.subf %bitcast3A_1059, %bitcast3A_1060 : vector<32xbf16>
        %max3A_1062 = arith.maximumf %max3A_1022, %sub3A_1061 : vector<32xbf16>
        %get3A_1063 = arith.constant 23 : i32
        %get3A_1064 = arith.index_cast %get3A_1063 : i32 to index
        %get3A_1065 = arith.index_cast %mul3A_150 : i32 to index
        %get3A_1066 = tpu.vector_load %arg9[%get3A_1064, %get3A_1065] {strides = array<i32>} : memref<32x256xi32, #tpu.memory_space<vmem>>, vector<16xi32>,
        %get3A_1067 = arith.constant 23 : i32
        %get3A_1068 = arith.index_cast %get3A_1067 : i32 to index
        %get3A_1069 = arith.index_cast %mul3A_150 : i32 to index
        %get3A_1070 = tpu.vector_load %arg10[%get3A_1068, %get3A_1069] {strides = array<i32>} : memref<32x256xi32, #tpu.memory_space<vmem>>, vector<16xi32>,
        %add3A_1071 = arith.addi %get3A_1066, %broadcast_in_dim3A_31 : vector<16xi32>
        %gather3A_1072 = tpu.vector_load_idx %arg5[%add3A_1071] : memref<40000xi32, #tpu.memory_space<vmem>>[vector<16xi32>], vector<16xi32>,
        %add3A_1073 = arith.addi %get3A_1070, %broadcast_in_dim3A_31 : vector<16xi32>
        %gather3A_1074 = tpu.vector_load_idx %arg5[%add3A_1073] : memref<40000xi32, #tpu.memory_space<vmem>>[vector<16xi32>], vector<16xi32>,
        %bitcast3A_1075 = vector.bitcast %gather3A_1072 : vector<16xi32> to vector<32xbf16>
        %bitcast3A_1076 = vector.bitcast %gather3A_1074 : vector<16xi32> to vector<32xbf16>
        %sub3A_1077 = arith.subf %bitcast3A_1075, %bitcast3A_1076 : vector<32xbf16>
        %max3A_1078 = arith.maximumf %max3A_1038, %sub3A_1077 : vector<32xbf16>
        %add3A_1079 = arith.addi %get3A_1066, %broadcast_in_dim3A_33 : vector<16xi32>
        %gather3A_1080 = tpu.vector_load_idx %arg5[%add3A_1079] : memref<40000xi32, #tpu.memory_space<vmem>>[vector<16xi32>], vector<16xi32>,
        %add3A_1081 = arith.addi %get3A_1070, %broadcast_in_dim3A_33 : vector<16xi32>
        %gather3A_1082 = tpu.vector_load_idx %arg5[%add3A_1081] : memref<40000xi32, #tpu.memory_space<vmem>>[vector<16xi32>], vector<16xi32>,
        %bitcast3A_1083 = vector.bitcast %gather3A_1080 : vector<16xi32> to vector<32xbf16>
        %bitcast3A_1084 = vector.bitcast %gather3A_1082 : vector<16xi32> to vector<32xbf16>
        %sub3A_1085 = arith.subf %bitcast3A_1083, %bitcast3A_1084 : vector<32xbf16>
        %max3A_1086 = arith.maximumf %max3A_1046, %sub3A_1085 : vector<32xbf16>
        %add3A_1087 = arith.addi %get3A_1066, %broadcast_in_dim3A_35 : vector<16xi32>
        %gather3A_1088 = tpu.vector_load_idx %arg5[%add3A_1087] : memref<40000xi32, #tpu.memory_space<vmem>>[vector<16xi32>], vector<16xi32>,
        %add3A_1089 = arith.addi %get3A_1070, %broadcast_in_dim3A_35 : vector<16xi32>
        %gather3A_1090 = tpu.vector_load_idx %arg5[%add3A_1089] : memref<40000xi32, #tpu.memory_space<vmem>>[vector<16xi32>], vector<16xi32>,
        %bitcast3A_1091 = vector.bitcast %gather3A_1088 : vector<16xi32> to vector<32xbf16>
        %bitcast3A_1092 = vector.bitcast %gather3A_1090 : vector<16xi32> to vector<32xbf16>
        %sub3A_1093 = arith.subf %bitcast3A_1091, %bitcast3A_1092 : vector<32xbf16>
        %max3A_1094 = arith.maximumf %max3A_1054, %sub3A_1093 : vector<32xbf16>
        %add3A_1095 = arith.addi %get3A_1066, %broadcast_in_dim3A_37 : vector<16xi32>
        %gather3A_1096 = tpu.vector_load_idx %arg5[%add3A_1095] : memref<40000xi32, #tpu.memory_space<vmem>>[vector<16xi32>], vector<16xi32>,
        %add3A_1097 = arith.addi %get3A_1070, %broadcast_in_dim3A_37 : vector<16xi32>
        %gather3A_1098 = tpu.vector_load_idx %arg5[%add3A_1097] : memref<40000xi32, #tpu.memory_space<vmem>>[vector<16xi32>], vector<16xi32>,
        %bitcast3A_1099 = vector.bitcast %gather3A_1096 : vector<16xi32> to vector<32xbf16>
        %bitcast3A_1100 = vector.bitcast %gather3A_1098 : vector<16xi32> to vector<32xbf16>
        %sub3A_1101 = arith.subf %bitcast3A_1099, %bitcast3A_1100 : vector<32xbf16>
        %max3A_1102 = arith.maximumf %max3A_1062, %sub3A_1101 : vector<32xbf16>
        %get3A_1103 = arith.constant 24 : i32
        %get3A_1104 = arith.index_cast %get3A_1103 : i32 to index
        %get3A_1105 = arith.index_cast %mul3A_150 : i32 to index
        %get3A_1106 = tpu.vector_load %arg9[%get3A_1104, %get3A_1105] {strides = array<i32>} : memref<32x256xi32, #tpu.memory_space<vmem>>, vector<16xi32>,
        %get3A_1107 = arith.constant 24 : i32
        %get3A_1108 = arith.index_cast %get3A_1107 : i32 to index
        %get3A_1109 = arith.index_cast %mul3A_150 : i32 to index
        %get3A_1110 = tpu.vector_load %arg10[%get3A_1108, %get3A_1109] {strides = array<i32>} : memref<32x256xi32, #tpu.memory_space<vmem>>, vector<16xi32>,
        %add3A_1111 = arith.addi %get3A_1106, %broadcast_in_dim3A_31 : vector<16xi32>
        %gather3A_1112 = tpu.vector_load_idx %arg5[%add3A_1111] : memref<40000xi32, #tpu.memory_space<vmem>>[vector<16xi32>], vector<16xi32>,
        %add3A_1113 = arith.addi %get3A_1110, %broadcast_in_dim3A_31 : vector<16xi32>
        %gather3A_1114 = tpu.vector_load_idx %arg5[%add3A_1113] : memref<40000xi32, #tpu.memory_space<vmem>>[vector<16xi32>], vector<16xi32>,
        %bitcast3A_1115 = vector.bitcast %gather3A_1112 : vector<16xi32> to vector<32xbf16>
        %bitcast3A_1116 = vector.bitcast %gather3A_1114 : vector<16xi32> to vector<32xbf16>
        %sub3A_1117 = arith.subf %bitcast3A_1115, %bitcast3A_1116 : vector<32xbf16>
        %max3A_1118 = arith.maximumf %max3A_1078, %sub3A_1117 : vector<32xbf16>
        %add3A_1119 = arith.addi %get3A_1106, %broadcast_in_dim3A_33 : vector<16xi32>
        %gather3A_1120 = tpu.vector_load_idx %arg5[%add3A_1119] : memref<40000xi32, #tpu.memory_space<vmem>>[vector<16xi32>], vector<16xi32>,
        %add3A_1121 = arith.addi %get3A_1110, %broadcast_in_dim3A_33 : vector<16xi32>
        %gather3A_1122 = tpu.vector_load_idx %arg5[%add3A_1121] : memref<40000xi32, #tpu.memory_space<vmem>>[vector<16xi32>], vector<16xi32>,
        %bitcast3A_1123 = vector.bitcast %gather3A_1120 : vector<16xi32> to vector<32xbf16>
        %bitcast3A_1124 = vector.bitcast %gather3A_1122 : vector<16xi32> to vector<32xbf16>
        %sub3A_1125 = arith.subf %bitcast3A_1123, %bitcast3A_1124 : vector<32xbf16>
        %max3A_1126 = arith.maximumf %max3A_1086, %sub3A_1125 : vector<32xbf16>
        %add3A_1127 = arith.addi %get3A_1106, %broadcast_in_dim3A_35 : vector<16xi32>
        %gather3A_1128 = tpu.vector_load_idx %arg5[%add3A_1127] : memref<40000xi32, #tpu.memory_space<vmem>>[vector<16xi32>], vector<16xi32>,
        %add3A_1129 = arith.addi %get3A_1110, %broadcast_in_dim3A_35 : vector<16xi32>
        %gather3A_1130 = tpu.vector_load_idx %arg5[%add3A_1129] : memref<40000xi32, #tpu.memory_space<vmem>>[vector<16xi32>], vector<16xi32>,
        %bitcast3A_1131 = vector.bitcast %gather3A_1128 : vector<16xi32> to vector<32xbf16>
        %bitcast3A_1132 = vector.bitcast %gather3A_1130 : vector<16xi32> to vector<32xbf16>
        %sub3A_1133 = arith.subf %bitcast3A_1131, %bitcast3A_1132 : vector<32xbf16>
        %max3A_1134 = arith.maximumf %max3A_1094, %sub3A_1133 : vector<32xbf16>
        %add3A_1135 = arith.addi %get3A_1106, %broadcast_in_dim3A_37 : vector<16xi32>
        %gather3A_1136 = tpu.vector_load_idx %arg5[%add3A_1135] : memref<40000xi32, #tpu.memory_space<vmem>>[vector<16xi32>], vector<16xi32>,
        %add3A_1137 = arith.addi %get3A_1110, %broadcast_in_dim3A_37 : vector<16xi32>
        %gather3A_1138 = tpu.vector_load_idx %arg5[%add3A_1137] : memref<40000xi32, #tpu.memory_space<vmem>>[vector<16xi32>], vector<16xi32>,
        %bitcast3A_1139 = vector.bitcast %gather3A_1136 : vector<16xi32> to vector<32xbf16>
        %bitcast3A_1140 = vector.bitcast %gather3A_1138 : vector<16xi32> to vector<32xbf16>
        %sub3A_1141 = arith.subf %bitcast3A_1139, %bitcast3A_1140 : vector<32xbf16>
        %max3A_1142 = arith.maximumf %max3A_1102, %sub3A_1141 : vector<32xbf16>
        %get3A_1143 = arith.constant 25 : i32
        %get3A_1144 = arith.index_cast %get3A_1143 : i32 to index
        %get3A_1145 = arith.index_cast %mul3A_150 : i32 to index
        %get3A_1146 = tpu.vector_load %arg9[%get3A_1144, %get3A_1145] {strides = array<i32>} : memref<32x256xi32, #tpu.memory_space<vmem>>, vector<16xi32>,
        %get3A_1147 = arith.constant 25 : i32
        %get3A_1148 = arith.index_cast %get3A_1147 : i32 to index
        %get3A_1149 = arith.index_cast %mul3A_150 : i32 to index
        %get3A_1150 = tpu.vector_load %arg10[%get3A_1148, %get3A_1149] {strides = array<i32>} : memref<32x256xi32, #tpu.memory_space<vmem>>, vector<16xi32>,
        %add3A_1151 = arith.addi %get3A_1146, %broadcast_in_dim3A_31 : vector<16xi32>
        %gather3A_1152 = tpu.vector_load_idx %arg5[%add3A_1151] : memref<40000xi32, #tpu.memory_space<vmem>>[vector<16xi32>], vector<16xi32>,
        %add3A_1153 = arith.addi %get3A_1150, %broadcast_in_dim3A_31 : vector<16xi32>
        %gather3A_1154 = tpu.vector_load_idx %arg5[%add3A_1153] : memref<40000xi32, #tpu.memory_space<vmem>>[vector<16xi32>], vector<16xi32>,
        %bitcast3A_1155 = vector.bitcast %gather3A_1152 : vector<16xi32> to vector<32xbf16>
        %bitcast3A_1156 = vector.bitcast %gather3A_1154 : vector<16xi32> to vector<32xbf16>
        %sub3A_1157 = arith.subf %bitcast3A_1155, %bitcast3A_1156 : vector<32xbf16>
        %max3A_1158 = arith.maximumf %max3A_1118, %sub3A_1157 : vector<32xbf16>
        %add3A_1159 = arith.addi %get3A_1146, %broadcast_in_dim3A_33 : vector<16xi32>
        %gather3A_1160 = tpu.vector_load_idx %arg5[%add3A_1159] : memref<40000xi32, #tpu.memory_space<vmem>>[vector<16xi32>], vector<16xi32>,
        %add3A_1161 = arith.addi %get3A_1150, %broadcast_in_dim3A_33 : vector<16xi32>
        %gather3A_1162 = tpu.vector_load_idx %arg5[%add3A_1161] : memref<40000xi32, #tpu.memory_space<vmem>>[vector<16xi32>], vector<16xi32>,
        %bitcast3A_1163 = vector.bitcast %gather3A_1160 : vector<16xi32> to vector<32xbf16>
        %bitcast3A_1164 = vector.bitcast %gather3A_1162 : vector<16xi32> to vector<32xbf16>
        %sub3A_1165 = arith.subf %bitcast3A_1163, %bitcast3A_1164 : vector<32xbf16>
        %max3A_1166 = arith.maximumf %max3A_1126, %sub3A_1165 : vector<32xbf16>
        %add3A_1167 = arith.addi %get3A_1146, %broadcast_in_dim3A_35 : vector<16xi32>
        %gather3A_1168 = tpu.vector_load_idx %arg5[%add3A_1167] : memref<40000xi32, #tpu.memory_space<vmem>>[vector<16xi32>], vector<16xi32>,
        %add3A_1169 = arith.addi %get3A_1150, %broadcast_in_dim3A_35 : vector<16xi32>
        %gather3A_1170 = tpu.vector_load_idx %arg5[%add3A_1169] : memref<40000xi32, #tpu.memory_space<vmem>>[vector<16xi32>], vector<16xi32>,
        %bitcast3A_1171 = vector.bitcast %gather3A_1168 : vector<16xi32> to vector<32xbf16>
        %bitcast3A_1172 = vector.bitcast %gather3A_1170 : vector<16xi32> to vector<32xbf16>
        %sub3A_1173 = arith.subf %bitcast3A_1171, %bitcast3A_1172 : vector<32xbf16>
        %max3A_1174 = arith.maximumf %max3A_1134, %sub3A_1173 : vector<32xbf16>
        %add3A_1175 = arith.addi %get3A_1146, %broadcast_in_dim3A_37 : vector<16xi32>
        %gather3A_1176 = tpu.vector_load_idx %arg5[%add3A_1175] : memref<40000xi32, #tpu.memory_space<vmem>>[vector<16xi32>], vector<16xi32>,
        %add3A_1177 = arith.addi %get3A_1150, %broadcast_in_dim3A_37 : vector<16xi32>
        %gather3A_1178 = tpu.vector_load_idx %arg5[%add3A_1177] : memref<40000xi32, #tpu.memory_space<vmem>>[vector<16xi32>], vector<16xi32>,
        %bitcast3A_1179 = vector.bitcast %gather3A_1176 : vector<16xi32> to vector<32xbf16>
        %bitcast3A_1180 = vector.bitcast %gather3A_1178 : vector<16xi32> to vector<32xbf16>
        %sub3A_1181 = arith.subf %bitcast3A_1179, %bitcast3A_1180 : vector<32xbf16>
        %max3A_1182 = arith.maximumf %max3A_1142, %sub3A_1181 : vector<32xbf16>
        %get3A_1183 = arith.constant 26 : i32
        %get3A_1184 = arith.index_cast %get3A_1183 : i32 to index
        %get3A_1185 = arith.index_cast %mul3A_150 : i32 to index
        %get3A_1186 = tpu.vector_load %arg9[%get3A_1184, %get3A_1185] {strides = array<i32>} : memref<32x256xi32, #tpu.memory_space<vmem>>, vector<16xi32>,
        %get3A_1187 = arith.constant 26 : i32
        %get3A_1188 = arith.index_cast %get3A_1187 : i32 to index
        %get3A_1189 = arith.index_cast %mul3A_150 : i32 to index
        %get3A_1190 = tpu.vector_load %arg10[%get3A_1188, %get3A_1189] {strides = array<i32>} : memref<32x256xi32, #tpu.memory_space<vmem>>, vector<16xi32>,
        %add3A_1191 = arith.addi %get3A_1186, %broadcast_in_dim3A_31 : vector<16xi32>
        %gather3A_1192 = tpu.vector_load_idx %arg5[%add3A_1191] : memref<40000xi32, #tpu.memory_space<vmem>>[vector<16xi32>], vector<16xi32>,
        %add3A_1193 = arith.addi %get3A_1190, %broadcast_in_dim3A_31 : vector<16xi32>
        %gather3A_1194 = tpu.vector_load_idx %arg5[%add3A_1193] : memref<40000xi32, #tpu.memory_space<vmem>>[vector<16xi32>], vector<16xi32>,
        %bitcast3A_1195 = vector.bitcast %gather3A_1192 : vector<16xi32> to vector<32xbf16>
        %bitcast3A_1196 = vector.bitcast %gather3A_1194 : vector<16xi32> to vector<32xbf16>
        %sub3A_1197 = arith.subf %bitcast3A_1195, %bitcast3A_1196 : vector<32xbf16>
        %max3A_1198 = arith.maximumf %max3A_1158, %sub3A_1197 : vector<32xbf16>
        %add3A_1199 = arith.addi %get3A_1186, %broadcast_in_dim3A_33 : vector<16xi32>
        %gather3A_1200 = tpu.vector_load_idx %arg5[%add3A_1199] : memref<40000xi32, #tpu.memory_space<vmem>>[vector<16xi32>], vector<16xi32>,
        %add3A_1201 = arith.addi %get3A_1190, %broadcast_in_dim3A_33 : vector<16xi32>
        %gather3A_1202 = tpu.vector_load_idx %arg5[%add3A_1201] : memref<40000xi32, #tpu.memory_space<vmem>>[vector<16xi32>], vector<16xi32>,
        %bitcast3A_1203 = vector.bitcast %gather3A_1200 : vector<16xi32> to vector<32xbf16>
        %bitcast3A_1204 = vector.bitcast %gather3A_1202 : vector<16xi32> to vector<32xbf16>
        %sub3A_1205 = arith.subf %bitcast3A_1203, %bitcast3A_1204 : vector<32xbf16>
        %max3A_1206 = arith.maximumf %max3A_1166, %sub3A_1205 : vector<32xbf16>
        %add3A_1207 = arith.addi %get3A_1186, %broadcast_in_dim3A_35 : vector<16xi32>
        %gather3A_1208 = tpu.vector_load_idx %arg5[%add3A_1207] : memref<40000xi32, #tpu.memory_space<vmem>>[vector<16xi32>], vector<16xi32>,
        %add3A_1209 = arith.addi %get3A_1190, %broadcast_in_dim3A_35 : vector<16xi32>
        %gather3A_1210 = tpu.vector_load_idx %arg5[%add3A_1209] : memref<40000xi32, #tpu.memory_space<vmem>>[vector<16xi32>], vector<16xi32>,
        %bitcast3A_1211 = vector.bitcast %gather3A_1208 : vector<16xi32> to vector<32xbf16>
        %bitcast3A_1212 = vector.bitcast %gather3A_1210 : vector<16xi32> to vector<32xbf16>
        %sub3A_1213 = arith.subf %bitcast3A_1211, %bitcast3A_1212 : vector<32xbf16>
        %max3A_1214 = arith.maximumf %max3A_1174, %sub3A_1213 : vector<32xbf16>
        %add3A_1215 = arith.addi %get3A_1186, %broadcast_in_dim3A_37 : vector<16xi32>
        %gather3A_1216 = tpu.vector_load_idx %arg5[%add3A_1215] : memref<40000xi32, #tpu.memory_space<vmem>>[vector<16xi32>], vector<16xi32>,
        %add3A_1217 = arith.addi %get3A_1190, %broadcast_in_dim3A_37 : vector<16xi32>
        %gather3A_1218 = tpu.vector_load_idx %arg5[%add3A_1217] : memref<40000xi32, #tpu.memory_space<vmem>>[vector<16xi32>], vector<16xi32>,
        %bitcast3A_1219 = vector.bitcast %gather3A_1216 : vector<16xi32> to vector<32xbf16>
        %bitcast3A_1220 = vector.bitcast %gather3A_1218 : vector<16xi32> to vector<32xbf16>
        %sub3A_1221 = arith.subf %bitcast3A_1219, %bitcast3A_1220 : vector<32xbf16>
        %max3A_1222 = arith.maximumf %max3A_1182, %sub3A_1221 : vector<32xbf16>
        %get3A_1223 = arith.constant 27 : i32
        %get3A_1224 = arith.index_cast %get3A_1223 : i32 to index
        %get3A_1225 = arith.index_cast %mul3A_150 : i32 to index
        %get3A_1226 = tpu.vector_load %arg9[%get3A_1224, %get3A_1225] {strides = array<i32>} : memref<32x256xi32, #tpu.memory_space<vmem>>, vector<16xi32>,
        %get3A_1227 = arith.constant 27 : i32
        %get3A_1228 = arith.index_cast %get3A_1227 : i32 to index
        %get3A_1229 = arith.index_cast %mul3A_150 : i32 to index
        %get3A_1230 = tpu.vector_load %arg10[%get3A_1228, %get3A_1229] {strides = array<i32>} : memref<32x256xi32, #tpu.memory_space<vmem>>, vector<16xi32>,
        %add3A_1231 = arith.addi %get3A_1226, %broadcast_in_dim3A_31 : vector<16xi32>
        %gather3A_1232 = tpu.vector_load_idx %arg5[%add3A_1231] : memref<40000xi32, #tpu.memory_space<vmem>>[vector<16xi32>], vector<16xi32>,
        %add3A_1233 = arith.addi %get3A_1230, %broadcast_in_dim3A_31 : vector<16xi32>
        %gather3A_1234 = tpu.vector_load_idx %arg5[%add3A_1233] : memref<40000xi32, #tpu.memory_space<vmem>>[vector<16xi32>], vector<16xi32>,
        %bitcast3A_1235 = vector.bitcast %gather3A_1232 : vector<16xi32> to vector<32xbf16>
        %bitcast3A_1236 = vector.bitcast %gather3A_1234 : vector<16xi32> to vector<32xbf16>
        %sub3A_1237 = arith.subf %bitcast3A_1235, %bitcast3A_1236 : vector<32xbf16>
        %max3A_1238 = arith.maximumf %max3A_1198, %sub3A_1237 : vector<32xbf16>
        %add3A_1239 = arith.addi %get3A_1226, %broadcast_in_dim3A_33 : vector<16xi32>
        %gather3A_1240 = tpu.vector_load_idx %arg5[%add3A_1239] : memref<40000xi32, #tpu.memory_space<vmem>>[vector<16xi32>], vector<16xi32>,
        %add3A_1241 = arith.addi %get3A_1230, %broadcast_in_dim3A_33 : vector<16xi32>
        %gather3A_1242 = tpu.vector_load_idx %arg5[%add3A_1241] : memref<40000xi32, #tpu.memory_space<vmem>>[vector<16xi32>], vector<16xi32>,
        %bitcast3A_1243 = vector.bitcast %gather3A_1240 : vector<16xi32> to vector<32xbf16>
        %bitcast3A_1244 = vector.bitcast %gather3A_1242 : vector<16xi32> to vector<32xbf16>
        %sub3A_1245 = arith.subf %bitcast3A_1243, %bitcast3A_1244 : vector<32xbf16>
        %max3A_1246 = arith.maximumf %max3A_1206, %sub3A_1245 : vector<32xbf16>
        %add3A_1247 = arith.addi %get3A_1226, %broadcast_in_dim3A_35 : vector<16xi32>
        %gather3A_1248 = tpu.vector_load_idx %arg5[%add3A_1247] : memref<40000xi32, #tpu.memory_space<vmem>>[vector<16xi32>], vector<16xi32>,
        %add3A_1249 = arith.addi %get3A_1230, %broadcast_in_dim3A_35 : vector<16xi32>
        %gather3A_1250 = tpu.vector_load_idx %arg5[%add3A_1249] : memref<40000xi32, #tpu.memory_space<vmem>>[vector<16xi32>], vector<16xi32>,
        %bitcast3A_1251 = vector.bitcast %gather3A_1248 : vector<16xi32> to vector<32xbf16>
        %bitcast3A_1252 = vector.bitcast %gather3A_1250 : vector<16xi32> to vector<32xbf16>
        %sub3A_1253 = arith.subf %bitcast3A_1251, %bitcast3A_1252 : vector<32xbf16>
        %max3A_1254 = arith.maximumf %max3A_1214, %sub3A_1253 : vector<32xbf16>
        %add3A_1255 = arith.addi %get3A_1226, %broadcast_in_dim3A_37 : vector<16xi32>
        %gather3A_1256 = tpu.vector_load_idx %arg5[%add3A_1255] : memref<40000xi32, #tpu.memory_space<vmem>>[vector<16xi32>], vector<16xi32>,
        %add3A_1257 = arith.addi %get3A_1230, %broadcast_in_dim3A_37 : vector<16xi32>
        %gather3A_1258 = tpu.vector_load_idx %arg5[%add3A_1257] : memref<40000xi32, #tpu.memory_space<vmem>>[vector<16xi32>], vector<16xi32>,
        %bitcast3A_1259 = vector.bitcast %gather3A_1256 : vector<16xi32> to vector<32xbf16>
        %bitcast3A_1260 = vector.bitcast %gather3A_1258 : vector<16xi32> to vector<32xbf16>
        %sub3A_1261 = arith.subf %bitcast3A_1259, %bitcast3A_1260 : vector<32xbf16>
        %max3A_1262 = arith.maximumf %max3A_1222, %sub3A_1261 : vector<32xbf16>
        %get3A_1263 = arith.constant 28 : i32
        %get3A_1264 = arith.index_cast %get3A_1263 : i32 to index
        %get3A_1265 = arith.index_cast %mul3A_150 : i32 to index
        %get3A_1266 = tpu.vector_load %arg9[%get3A_1264, %get3A_1265] {strides = array<i32>} : memref<32x256xi32, #tpu.memory_space<vmem>>, vector<16xi32>,
        %get3A_1267 = arith.constant 28 : i32
        %get3A_1268 = arith.index_cast %get3A_1267 : i32 to index
        %get3A_1269 = arith.index_cast %mul3A_150 : i32 to index
        %get3A_1270 = tpu.vector_load %arg10[%get3A_1268, %get3A_1269] {strides = array<i32>} : memref<32x256xi32, #tpu.memory_space<vmem>>, vector<16xi32>,
        %add3A_1271 = arith.addi %get3A_1266, %broadcast_in_dim3A_31 : vector<16xi32>
        %gather3A_1272 = tpu.vector_load_idx %arg5[%add3A_1271] : memref<40000xi32, #tpu.memory_space<vmem>>[vector<16xi32>], vector<16xi32>,
        %add3A_1273 = arith.addi %get3A_1270, %broadcast_in_dim3A_31 : vector<16xi32>
        %gather3A_1274 = tpu.vector_load_idx %arg5[%add3A_1273] : memref<40000xi32, #tpu.memory_space<vmem>>[vector<16xi32>], vector<16xi32>,
        %bitcast3A_1275 = vector.bitcast %gather3A_1272 : vector<16xi32> to vector<32xbf16>
        %bitcast3A_1276 = vector.bitcast %gather3A_1274 : vector<16xi32> to vector<32xbf16>
        %sub3A_1277 = arith.subf %bitcast3A_1275, %bitcast3A_1276 : vector<32xbf16>
        %max3A_1278 = arith.maximumf %max3A_1238, %sub3A_1277 : vector<32xbf16>
        %add3A_1279 = arith.addi %get3A_1266, %broadcast_in_dim3A_33 : vector<16xi32>
        %gather3A_1280 = tpu.vector_load_idx %arg5[%add3A_1279] : memref<40000xi32, #tpu.memory_space<vmem>>[vector<16xi32>], vector<16xi32>,
        %add3A_1281 = arith.addi %get3A_1270, %broadcast_in_dim3A_33 : vector<16xi32>
        %gather3A_1282 = tpu.vector_load_idx %arg5[%add3A_1281] : memref<40000xi32, #tpu.memory_space<vmem>>[vector<16xi32>], vector<16xi32>,
        %bitcast3A_1283 = vector.bitcast %gather3A_1280 : vector<16xi32> to vector<32xbf16>
        %bitcast3A_1284 = vector.bitcast %gather3A_1282 : vector<16xi32> to vector<32xbf16>
        %sub3A_1285 = arith.subf %bitcast3A_1283, %bitcast3A_1284 : vector<32xbf16>
        %max3A_1286 = arith.maximumf %max3A_1246, %sub3A_1285 : vector<32xbf16>
        %add3A_1287 = arith.addi %get3A_1266, %broadcast_in_dim3A_35 : vector<16xi32>
        %gather3A_1288 = tpu.vector_load_idx %arg5[%add3A_1287] : memref<40000xi32, #tpu.memory_space<vmem>>[vector<16xi32>], vector<16xi32>,
        %add3A_1289 = arith.addi %get3A_1270, %broadcast_in_dim3A_35 : vector<16xi32>
        %gather3A_1290 = tpu.vector_load_idx %arg5[%add3A_1289] : memref<40000xi32, #tpu.memory_space<vmem>>[vector<16xi32>], vector<16xi32>,
        %bitcast3A_1291 = vector.bitcast %gather3A_1288 : vector<16xi32> to vector<32xbf16>
        %bitcast3A_1292 = vector.bitcast %gather3A_1290 : vector<16xi32> to vector<32xbf16>
        %sub3A_1293 = arith.subf %bitcast3A_1291, %bitcast3A_1292 : vector<32xbf16>
        %max3A_1294 = arith.maximumf %max3A_1254, %sub3A_1293 : vector<32xbf16>
        %add3A_1295 = arith.addi %get3A_1266, %broadcast_in_dim3A_37 : vector<16xi32>
        %gather3A_1296 = tpu.vector_load_idx %arg5[%add3A_1295] : memref<40000xi32, #tpu.memory_space<vmem>>[vector<16xi32>], vector<16xi32>,
        %add3A_1297 = arith.addi %get3A_1270, %broadcast_in_dim3A_37 : vector<16xi32>
        %gather3A_1298 = tpu.vector_load_idx %arg5[%add3A_1297] : memref<40000xi32, #tpu.memory_space<vmem>>[vector<16xi32>], vector<16xi32>,
        %bitcast3A_1299 = vector.bitcast %gather3A_1296 : vector<16xi32> to vector<32xbf16>
        %bitcast3A_1300 = vector.bitcast %gather3A_1298 : vector<16xi32> to vector<32xbf16>
        %sub3A_1301 = arith.subf %bitcast3A_1299, %bitcast3A_1300 : vector<32xbf16>
        %max3A_1302 = arith.maximumf %max3A_1262, %sub3A_1301 : vector<32xbf16>
        %get3A_1303 = arith.constant 29 : i32
        %get3A_1304 = arith.index_cast %get3A_1303 : i32 to index
        %get3A_1305 = arith.index_cast %mul3A_150 : i32 to index
        %get3A_1306 = tpu.vector_load %arg9[%get3A_1304, %get3A_1305] {strides = array<i32>} : memref<32x256xi32, #tpu.memory_space<vmem>>, vector<16xi32>,
        %get3A_1307 = arith.constant 29 : i32
        %get3A_1308 = arith.index_cast %get3A_1307 : i32 to index
        %get3A_1309 = arith.index_cast %mul3A_150 : i32 to index
        %get3A_1310 = tpu.vector_load %arg10[%get3A_1308, %get3A_1309] {strides = array<i32>} : memref<32x256xi32, #tpu.memory_space<vmem>>, vector<16xi32>,
        %add3A_1311 = arith.addi %get3A_1306, %broadcast_in_dim3A_31 : vector<16xi32>
        %gather3A_1312 = tpu.vector_load_idx %arg5[%add3A_1311] : memref<40000xi32, #tpu.memory_space<vmem>>[vector<16xi32>], vector<16xi32>,
        %add3A_1313 = arith.addi %get3A_1310, %broadcast_in_dim3A_31 : vector<16xi32>
        %gather3A_1314 = tpu.vector_load_idx %arg5[%add3A_1313] : memref<40000xi32, #tpu.memory_space<vmem>>[vector<16xi32>], vector<16xi32>,
        %bitcast3A_1315 = vector.bitcast %gather3A_1312 : vector<16xi32> to vector<32xbf16>
        %bitcast3A_1316 = vector.bitcast %gather3A_1314 : vector<16xi32> to vector<32xbf16>
        %sub3A_1317 = arith.subf %bitcast3A_1315, %bitcast3A_1316 : vector<32xbf16>
        %max3A_1318 = arith.maximumf %max3A_1278, %sub3A_1317 : vector<32xbf16>
        %add3A_1319 = arith.addi %get3A_1306, %broadcast_in_dim3A_33 : vector<16xi32>
        %gather3A_1320 = tpu.vector_load_idx %arg5[%add3A_1319] : memref<40000xi32, #tpu.memory_space<vmem>>[vector<16xi32>], vector<16xi32>,
        %add3A_1321 = arith.addi %get3A_1310, %broadcast_in_dim3A_33 : vector<16xi32>
        %gather3A_1322 = tpu.vector_load_idx %arg5[%add3A_1321] : memref<40000xi32, #tpu.memory_space<vmem>>[vector<16xi32>], vector<16xi32>,
        %bitcast3A_1323 = vector.bitcast %gather3A_1320 : vector<16xi32> to vector<32xbf16>
        %bitcast3A_1324 = vector.bitcast %gather3A_1322 : vector<16xi32> to vector<32xbf16>
        %sub3A_1325 = arith.subf %bitcast3A_1323, %bitcast3A_1324 : vector<32xbf16>
        %max3A_1326 = arith.maximumf %max3A_1286, %sub3A_1325 : vector<32xbf16>
        %add3A_1327 = arith.addi %get3A_1306, %broadcast_in_dim3A_35 : vector<16xi32>
        %gather3A_1328 = tpu.vector_load_idx %arg5[%add3A_1327] : memref<40000xi32, #tpu.memory_space<vmem>>[vector<16xi32>], vector<16xi32>,
        %add3A_1329 = arith.addi %get3A_1310, %broadcast_in_dim3A_35 : vector<16xi32>
        %gather3A_1330 = tpu.vector_load_idx %arg5[%add3A_1329] : memref<40000xi32, #tpu.memory_space<vmem>>[vector<16xi32>], vector<16xi32>,
        %bitcast3A_1331 = vector.bitcast %gather3A_1328 : vector<16xi32> to vector<32xbf16>
        %bitcast3A_1332 = vector.bitcast %gather3A_1330 : vector<16xi32> to vector<32xbf16>
        %sub3A_1333 = arith.subf %bitcast3A_1331, %bitcast3A_1332 : vector<32xbf16>
        %max3A_1334 = arith.maximumf %max3A_1294, %sub3A_1333 : vector<32xbf16>
        %add3A_1335 = arith.addi %get3A_1306, %broadcast_in_dim3A_37 : vector<16xi32>
        %gather3A_1336 = tpu.vector_load_idx %arg5[%add3A_1335] : memref<40000xi32, #tpu.memory_space<vmem>>[vector<16xi32>], vector<16xi32>,
        %add3A_1337 = arith.addi %get3A_1310, %broadcast_in_dim3A_37 : vector<16xi32>
        %gather3A_1338 = tpu.vector_load_idx %arg5[%add3A_1337] : memref<40000xi32, #tpu.memory_space<vmem>>[vector<16xi32>], vector<16xi32>,
        %bitcast3A_1339 = vector.bitcast %gather3A_1336 : vector<16xi32> to vector<32xbf16>
        %bitcast3A_1340 = vector.bitcast %gather3A_1338 : vector<16xi32> to vector<32xbf16>
        %sub3A_1341 = arith.subf %bitcast3A_1339, %bitcast3A_1340 : vector<32xbf16>
        %max3A_1342 = arith.maximumf %max3A_1302, %sub3A_1341 : vector<32xbf16>
        %get3A_1343 = arith.constant 30 : i32
        %get3A_1344 = arith.index_cast %get3A_1343 : i32 to index
        %get3A_1345 = arith.index_cast %mul3A_150 : i32 to index
        %get3A_1346 = tpu.vector_load %arg9[%get3A_1344, %get3A_1345] {strides = array<i32>} : memref<32x256xi32, #tpu.memory_space<vmem>>, vector<16xi32>,
        %get3A_1347 = arith.constant 30 : i32
        %get3A_1348 = arith.index_cast %get3A_1347 : i32 to index
        %get3A_1349 = arith.index_cast %mul3A_150 : i32 to index
        %get3A_1350 = tpu.vector_load %arg10[%get3A_1348, %get3A_1349] {strides = array<i32>} : memref<32x256xi32, #tpu.memory_space<vmem>>, vector<16xi32>,
        %add3A_1351 = arith.addi %get3A_1346, %broadcast_in_dim3A_31 : vector<16xi32>
        %gather3A_1352 = tpu.vector_load_idx %arg5[%add3A_1351] : memref<40000xi32, #tpu.memory_space<vmem>>[vector<16xi32>], vector<16xi32>,
        %add3A_1353 = arith.addi %get3A_1350, %broadcast_in_dim3A_31 : vector<16xi32>
        %gather3A_1354 = tpu.vector_load_idx %arg5[%add3A_1353] : memref<40000xi32, #tpu.memory_space<vmem>>[vector<16xi32>], vector<16xi32>,
        %bitcast3A_1355 = vector.bitcast %gather3A_1352 : vector<16xi32> to vector<32xbf16>
        %bitcast3A_1356 = vector.bitcast %gather3A_1354 : vector<16xi32> to vector<32xbf16>
        %sub3A_1357 = arith.subf %bitcast3A_1355, %bitcast3A_1356 : vector<32xbf16>
        %max3A_1358 = arith.maximumf %max3A_1318, %sub3A_1357 : vector<32xbf16>
        %add3A_1359 = arith.addi %get3A_1346, %broadcast_in_dim3A_33 : vector<16xi32>
        %gather3A_1360 = tpu.vector_load_idx %arg5[%add3A_1359] : memref<40000xi32, #tpu.memory_space<vmem>>[vector<16xi32>], vector<16xi32>,
        %add3A_1361 = arith.addi %get3A_1350, %broadcast_in_dim3A_33 : vector<16xi32>
        %gather3A_1362 = tpu.vector_load_idx %arg5[%add3A_1361] : memref<40000xi32, #tpu.memory_space<vmem>>[vector<16xi32>], vector<16xi32>,
        %bitcast3A_1363 = vector.bitcast %gather3A_1360 : vector<16xi32> to vector<32xbf16>
        %bitcast3A_1364 = vector.bitcast %gather3A_1362 : vector<16xi32> to vector<32xbf16>
        %sub3A_1365 = arith.subf %bitcast3A_1363, %bitcast3A_1364 : vector<32xbf16>
        %max3A_1366 = arith.maximumf %max3A_1326, %sub3A_1365 : vector<32xbf16>
        %add3A_1367 = arith.addi %get3A_1346, %broadcast_in_dim3A_35 : vector<16xi32>
        %gather3A_1368 = tpu.vector_load_idx %arg5[%add3A_1367] : memref<40000xi32, #tpu.memory_space<vmem>>[vector<16xi32>], vector<16xi32>,
        %add3A_1369 = arith.addi %get3A_1350, %broadcast_in_dim3A_35 : vector<16xi32>
        %gather3A_1370 = tpu.vector_load_idx %arg5[%add3A_1369] : memref<40000xi32, #tpu.memory_space<vmem>>[vector<16xi32>], vector<16xi32>,
        %bitcast3A_1371 = vector.bitcast %gather3A_1368 : vector<16xi32> to vector<32xbf16>
        %bitcast3A_1372 = vector.bitcast %gather3A_1370 : vector<16xi32> to vector<32xbf16>
        %sub3A_1373 = arith.subf %bitcast3A_1371, %bitcast3A_1372 : vector<32xbf16>
        %max3A_1374 = arith.maximumf %max3A_1334, %sub3A_1373 : vector<32xbf16>
        %add3A_1375 = arith.addi %get3A_1346, %broadcast_in_dim3A_37 : vector<16xi32>
        %gather3A_1376 = tpu.vector_load_idx %arg5[%add3A_1375] : memref<40000xi32, #tpu.memory_space<vmem>>[vector<16xi32>], vector<16xi32>,
        %add3A_1377 = arith.addi %get3A_1350, %broadcast_in_dim3A_37 : vector<16xi32>
        %gather3A_1378 = tpu.vector_load_idx %arg5[%add3A_1377] : memref<40000xi32, #tpu.memory_space<vmem>>[vector<16xi32>], vector<16xi32>,
        %bitcast3A_1379 = vector.bitcast %gather3A_1376 : vector<16xi32> to vector<32xbf16>
        %bitcast3A_1380 = vector.bitcast %gather3A_1378 : vector<16xi32> to vector<32xbf16>
        %sub3A_1381 = arith.subf %bitcast3A_1379, %bitcast3A_1380 : vector<32xbf16>
        %max3A_1382 = arith.maximumf %max3A_1342, %sub3A_1381 : vector<32xbf16>
        %get3A_1383 = arith.constant 31 : i32
        %get3A_1384 = arith.index_cast %get3A_1383 : i32 to index
        %get3A_1385 = arith.index_cast %mul3A_150 : i32 to index
        %get3A_1386 = tpu.vector_load %arg9[%get3A_1384, %get3A_1385] {strides = array<i32>} : memref<32x256xi32, #tpu.memory_space<vmem>>, vector<16xi32>,
        %get3A_1387 = arith.constant 31 : i32
        %get3A_1388 = arith.index_cast %get3A_1387 : i32 to index
        %get3A_1389 = arith.index_cast %mul3A_150 : i32 to index
        %get3A_1390 = tpu.vector_load %arg10[%get3A_1388, %get3A_1389] {strides = array<i32>} : memref<32x256xi32, #tpu.memory_space<vmem>>, vector<16xi32>,
        %add3A_1391 = arith.addi %get3A_1386, %broadcast_in_dim3A_31 : vector<16xi32>
        %gather3A_1392 = tpu.vector_load_idx %arg5[%add3A_1391] : memref<40000xi32, #tpu.memory_space<vmem>>[vector<16xi32>], vector<16xi32>,
        %add3A_1393 = arith.addi %get3A_1390, %broadcast_in_dim3A_31 : vector<16xi32>
        %gather3A_1394 = tpu.vector_load_idx %arg5[%add3A_1393] : memref<40000xi32, #tpu.memory_space<vmem>>[vector<16xi32>], vector<16xi32>,
        %bitcast3A_1395 = vector.bitcast %gather3A_1392 : vector<16xi32> to vector<32xbf16>
        %bitcast3A_1396 = vector.bitcast %gather3A_1394 : vector<16xi32> to vector<32xbf16>
        %sub3A_1397 = arith.subf %bitcast3A_1395, %bitcast3A_1396 : vector<32xbf16>
        %max3A_1398 = arith.maximumf %max3A_1358, %sub3A_1397 : vector<32xbf16>
        %add3A_1399 = arith.addi %get3A_1386, %broadcast_in_dim3A_33 : vector<16xi32>
        %gather3A_1400 = tpu.vector_load_idx %arg5[%add3A_1399] : memref<40000xi32, #tpu.memory_space<vmem>>[vector<16xi32>], vector<16xi32>,
        %add3A_1401 = arith.addi %get3A_1390, %broadcast_in_dim3A_33 : vector<16xi32>
        %gather3A_1402 = tpu.vector_load_idx %arg5[%add3A_1401] : memref<40000xi32, #tpu.memory_space<vmem>>[vector<16xi32>], vector<16xi32>,
        %bitcast3A_1403 = vector.bitcast %gather3A_1400 : vector<16xi32> to vector<32xbf16>
        %bitcast3A_1404 = vector.bitcast %gather3A_1402 : vector<16xi32> to vector<32xbf16>
        %sub3A_1405 = arith.subf %bitcast3A_1403, %bitcast3A_1404 : vector<32xbf16>
        %max3A_1406 = arith.maximumf %max3A_1366, %sub3A_1405 : vector<32xbf16>
        %add3A_1407 = arith.addi %get3A_1386, %broadcast_in_dim3A_35 : vector<16xi32>
        %gather3A_1408 = tpu.vector_load_idx %arg5[%add3A_1407] : memref<40000xi32, #tpu.memory_space<vmem>>[vector<16xi32>], vector<16xi32>,
        %add3A_1409 = arith.addi %get3A_1390, %broadcast_in_dim3A_35 : vector<16xi32>
        %gather3A_1410 = tpu.vector_load_idx %arg5[%add3A_1409] : memref<40000xi32, #tpu.memory_space<vmem>>[vector<16xi32>], vector<16xi32>,
        %bitcast3A_1411 = vector.bitcast %gather3A_1408 : vector<16xi32> to vector<32xbf16>
        %bitcast3A_1412 = vector.bitcast %gather3A_1410 : vector<16xi32> to vector<32xbf16>
        %sub3A_1413 = arith.subf %bitcast3A_1411, %bitcast3A_1412 : vector<32xbf16>
        %max3A_1414 = arith.maximumf %max3A_1374, %sub3A_1413 : vector<32xbf16>
        %add3A_1415 = arith.addi %get3A_1386, %broadcast_in_dim3A_37 : vector<16xi32>
        %gather3A_1416 = tpu.vector_load_idx %arg5[%add3A_1415] : memref<40000xi32, #tpu.memory_space<vmem>>[vector<16xi32>], vector<16xi32>,
        %add3A_1417 = arith.addi %get3A_1390, %broadcast_in_dim3A_37 : vector<16xi32>
        %gather3A_1418 = tpu.vector_load_idx %arg5[%add3A_1417] : memref<40000xi32, #tpu.memory_space<vmem>>[vector<16xi32>], vector<16xi32>,
        %bitcast3A_1419 = vector.bitcast %gather3A_1416 : vector<16xi32> to vector<32xbf16>
        %bitcast3A_1420 = vector.bitcast %gather3A_1418 : vector<16xi32> to vector<32xbf16>
        %sub3A_1421 = arith.subf %bitcast3A_1419, %bitcast3A_1420 : vector<32xbf16>
        %max3A_1422 = arith.maximumf %max3A_1382, %sub3A_1421 : vector<32xbf16>
        %mul3A_1423 = arith.constant 256 : i32
        %mul3A_1424 = arith.muli %add3A_74, %mul3A_1423 : i32
        %add3A_1425 = arith.addi %mul3A_1424, %mul3A_150 : i32
        %unpack3A = tpu.unpack_subelements %max3A_1398, 0 {pack_format = #tpu.pack_format<interleaved>} : vector<32xbf16> -> vector<16xf32>
        %unpack3A_1426 = tpu.unpack_subelements %max3A_1398, 1 {pack_format = #tpu.pack_format<interleaved>} : vector<32xbf16> -> vector<16xf32>
        %swap3A = arith.constant 0 : i32
        %swap3A_1427 = arith.index_cast %swap3A : i32 to index
        %swap3A_1428 = arith.index_cast %add3A_1425 : i32 to index
        %swap3A_1429 = tpu.vector_load %arg6[%swap3A_1427, %swap3A_1428] {strides = array<i32>} : memref<8x5120xf32, #tpu.memory_space<vmem>>, vector<16xf32>,
        tpu.vector_store %arg6[%swap3A_1427, %swap3A_1428], %unpack3A {strides = array<i32>} : memref<8x5120xf32, #tpu.memory_space<vmem>>, vector<16xf32>,
        %swap3A_1430 = arith.constant 1 : i32
        %swap3A_1431 = arith.index_cast %swap3A_1430 : i32 to index
        %swap3A_1432 = arith.index_cast %add3A_1425 : i32 to index
        %swap3A_1433 = tpu.vector_load %arg6[%swap3A_1431, %swap3A_1432] {strides = array<i32>} : memref<8x5120xf32, #tpu.memory_space<vmem>>, vector<16xf32>,
        tpu.vector_store %arg6[%swap3A_1431, %swap3A_1432], %unpack3A_1426 {strides = array<i32>} : memref<8x5120xf32, #tpu.memory_space<vmem>>, vector<16xf32>,
        %unpack3A_1434 = tpu.unpack_subelements %max3A_1406, 0 {pack_format = #tpu.pack_format<interleaved>} : vector<32xbf16> -> vector<16xf32>
        %unpack3A_1435 = tpu.unpack_subelements %max3A_1406, 1 {pack_format = #tpu.pack_format<interleaved>} : vector<32xbf16> -> vector<16xf32>
        %swap3A_1436 = arith.constant 2 : i32
        %swap3A_1437 = arith.index_cast %swap3A_1436 : i32 to index
        %swap3A_1438 = arith.index_cast %add3A_1425 : i32 to index
        %swap3A_1439 = tpu.vector_load %arg6[%swap3A_1437, %swap3A_1438] {strides = array<i32>} : memref<8x5120xf32, #tpu.memory_space<vmem>>, vector<16xf32>,
        tpu.vector_store %arg6[%swap3A_1437, %swap3A_1438], %unpack3A_1434 {strides = array<i32>} : memref<8x5120xf32, #tpu.memory_space<vmem>>, vector<16xf32>,
        %swap3A_1440 = arith.constant 3 : i32
        %swap3A_1441 = arith.index_cast %swap3A_1440 : i32 to index
        %swap3A_1442 = arith.index_cast %add3A_1425 : i32 to index
        %swap3A_1443 = tpu.vector_load %arg6[%swap3A_1441, %swap3A_1442] {strides = array<i32>} : memref<8x5120xf32, #tpu.memory_space<vmem>>, vector<16xf32>,
        tpu.vector_store %arg6[%swap3A_1441, %swap3A_1442], %unpack3A_1435 {strides = array<i32>} : memref<8x5120xf32, #tpu.memory_space<vmem>>, vector<16xf32>,
        %unpack3A_1444 = tpu.unpack_subelements %max3A_1414, 0 {pack_format = #tpu.pack_format<interleaved>} : vector<32xbf16> -> vector<16xf32>
        %unpack3A_1445 = tpu.unpack_subelements %max3A_1414, 1 {pack_format = #tpu.pack_format<interleaved>} : vector<32xbf16> -> vector<16xf32>
        %swap3A_1446 = arith.constant 4 : i32
        %swap3A_1447 = arith.index_cast %swap3A_1446 : i32 to index
        %swap3A_1448 = arith.index_cast %add3A_1425 : i32 to index
        %swap3A_1449 = tpu.vector_load %arg6[%swap3A_1447, %swap3A_1448] {strides = array<i32>} : memref<8x5120xf32, #tpu.memory_space<vmem>>, vector<16xf32>,
        tpu.vector_store %arg6[%swap3A_1447, %swap3A_1448], %unpack3A_1444 {strides = array<i32>} : memref<8x5120xf32, #tpu.memory_space<vmem>>, vector<16xf32>,
        %swap3A_1450 = arith.constant 5 : i32
        %swap3A_1451 = arith.index_cast %swap3A_1450 : i32 to index
        %swap3A_1452 = arith.index_cast %add3A_1425 : i32 to index
        %swap3A_1453 = tpu.vector_load %arg6[%swap3A_1451, %swap3A_1452] {strides = array<i32>} : memref<8x5120xf32, #tpu.memory_space<vmem>>, vector<16xf32>,
        tpu.vector_store %arg6[%swap3A_1451, %swap3A_1452], %unpack3A_1445 {strides = array<i32>} : memref<8x5120xf32, #tpu.memory_space<vmem>>, vector<16xf32>,
        %unpack3A_1454 = tpu.unpack_subelements %max3A_1422, 0 {pack_format = #tpu.pack_format<interleaved>} : vector<32xbf16> -> vector<16xf32>
        %unpack3A_1455 = tpu.unpack_subelements %max3A_1422, 1 {pack_format = #tpu.pack_format<interleaved>} : vector<32xbf16> -> vector<16xf32>
        %swap3A_1456 = arith.constant 6 : i32
        %swap3A_1457 = arith.index_cast %swap3A_1456 : i32 to index
        %swap3A_1458 = arith.index_cast %add3A_1425 : i32 to index
        %swap3A_1459 = tpu.vector_load %arg6[%swap3A_1457, %swap3A_1458] {strides = array<i32>} : memref<8x5120xf32, #tpu.memory_space<vmem>>, vector<16xf32>,
        tpu.vector_store %arg6[%swap3A_1457, %swap3A_1458], %unpack3A_1454 {strides = array<i32>} : memref<8x5120xf32, #tpu.memory_space<vmem>>, vector<16xf32>,
        %swap3A_1460 = arith.constant 7 : i32
        %swap3A_1461 = arith.index_cast %swap3A_1460 : i32 to index
        %swap3A_1462 = arith.index_cast %add3A_1425 : i32 to index
        %swap3A_1463 = tpu.vector_load %arg6[%swap3A_1461, %swap3A_1462] {strides = array<i32>} : memref<8x5120xf32, #tpu.memory_space<vmem>>, vector<16xf32>,
        tpu.vector_store %arg6[%swap3A_1461, %swap3A_1462], %unpack3A_1455 {strides = array<i32>} : memref<8x5120xf32, #tpu.memory_space<vmem>>, vector<16xf32>,
      }
      %scan3A_147 = arith.constant 16 : i32
    }
    %scan3A_61 = arith.constant 10 : i32
    %mul3A_62 = arith.constant 2 : i32
    %mul3A_63 = arith.muli %select_n3A, %mul3A_62 : i32
    %mul3A_64 = arith.constant 4 : i32
    %mul3A_65 = arith.muli %mul3A_63, %mul3A_64 : i32
    %mul3A_66 = arith.constant 5120 : i32
    %mul3A_67 = arith.muli %select_n3A_30, %mul3A_66 : i32
    "tpu.region"() ({
      %run_scoped3A = tpu.sem_alloc : memref<!tpu.dma_semaphore, #tpu.memory_space<semaphore_mem>>
      %dma_start3A_68 = tpu.memref_slice %arg4[%mul3A_65, %mul3A_67] : memref<128x10240xf32, #tpu.memory_space<hbm>> -> memref<8x5120xf32, #tpu.memory_space<hbm>>
      %dma_start3A_69 = tpu.memref_slice %arg4[%mul3A_65, %mul3A_67] : memref<128x10240xf32, #tpu.memory_space<hbm>> -> memref<8x5120xf32, #tpu.memory_space<hbm>>
      tpu.enqueue_dma source(%arg6 : memref<8x5120xf32, #tpu.memory_space<vmem>>) target(%dma_start3A_69 : memref<8x5120xf32, #tpu.memory_space<hbm>>) target_semaphore(%run_scoped3A : memref<!tpu.dma_semaphore, #tpu.memory_space<semaphore_mem>>)
      %dma_wait3A = tpu.memref_slice %arg4[%mul3A_65, %mul3A_67] : memref<128x10240xf32, #tpu.memory_space<hbm>> -> memref<8x5120xf32, #tpu.memory_space<hbm>>
      %dma_wait3A_70 = tpu.memref_slice %arg4[%mul3A_65, %mul3A_67] : memref<128x10240xf32, #tpu.memory_space<hbm>> -> memref<8x5120xf32, #tpu.memory_space<hbm>>
      tpu.wait_dma2 semaphore(%run_scoped3A : memref<!tpu.dma_semaphore, #tpu.memory_space<semaphore_mem>>) src(%arg6 : memref<8x5120xf32, #tpu.memory_space<vmem>>) dst(%dma_wait3A_70 : memref<8x5120xf32, #tpu.memory_space<hbm>>)
      tpu.yield
    }) : () -> ()
    return
  }
}

module attributes {stable_mosaic.version = 14 : i64} {
  func.func @body(%arg0: memref<128x10000xf32, #tpu.memory_space<vmem>>, %arg1: memref<128x128xf32, #tpu.memory_space<vmem>>, %arg2: memref<128x1xf32, #tpu.memory_space<vmem>>, %arg3: memref<128x10000xf32, #tpu.memory_space<vmem>>) attributes {dimension_semantics = [], scalar_prefetch = 0 : i64, scratch_operands = 0 : i64, tpu.core_type = #tpu.core_type<tc>} {
    %get3A = arith.constant 0 : index
    %get3A_0 = arith.constant 0 : index
    %get3A_1 = vector.load %arg1[%get3A, %get3A_0] : memref<128x128xf32, #tpu.memory_space<vmem>>, vector<128x128xf32>
    %get3A_2 = arith.constant 0 : index
    %get3A_3 = arith.constant 0 : index
    %get3A_4 = vector.load %arg0[%get3A_2, %get3A_3] : memref<128x10000xf32, #tpu.memory_space<vmem>>, vector<128x10000xf32>
    %dot_general3A = arith.constant dense<0.000000e+00> : vector<128x10000xf32>
    %dot_general3A_5 = tpu.matmul %get3A_1, %get3A_4, %dot_general3A {dimension_numbers = #tpu.dot_dimension_numbers<[1], [0], [0], [1], [0, 0, 1, 1], [], []>, transpose_lhs_hint = false} : vector<128x128xf32>, vector<128x10000xf32>, vector<128x10000xf32> -> vector<128x10000xf32>
    %get3A_6 = arith.constant 0 : index
    %get3A_7 = arith.constant 0 : index
    %get3A_8 = vector.load %arg2[%get3A_6, %get3A_7] : memref<128x1xf32, #tpu.memory_space<vmem>>, vector<128x1xf32>
    %add3A = vector.broadcast %get3A_8 : vector<128x1xf32> to vector<128x10000xf32>
    %add3A_9 = arith.addf %dot_general3A_5, %add3A : vector<128x10000xf32>
    %swap3A = arith.constant 0 : index
    %swap3A_10 = arith.constant 0 : index
    %swap3A_11 = vector.load %arg3[%swap3A, %swap3A_10] : memref<128x10000xf32, #tpu.memory_space<vmem>>, vector<128x10000xf32>
    tpu.vector_store %arg3[%swap3A, %swap3A_10], %add3A_9 {strides = array<i32>} : memref<128x10000xf32, #tpu.memory_space<vmem>>, vector<128x10000xf32>,
    return
  }
}

module attributes {stable_mosaic.version = 14 : i64} {
  func.func @body(%arg0: memref<128x10000xf32, #tpu.memory_space<vmem>>, %arg1: memref<128x10240xf32, #tpu.memory_space<vmem>>, %arg2: memref<128x128xf32, #tpu.memory_space<vmem>>, %arg3: memref<128x10000xf32, #tpu.memory_space<vmem>>) attributes {dimension_semantics = [], scalar_prefetch = 0 : i64, scratch_operands = 0 : i64, tpu.core_type = #tpu.core_type<tc>} {
    %get3A = arith.constant 0 : index
    %get3A_0 = arith.constant 0 : index
    %get3A_1 = vector.load %arg0[%get3A, %get3A_0] : memref<128x10000xf32, #tpu.memory_space<vmem>>, vector<128x10000xf32>
    %get3A_2 = arith.constant 0 : index
    %get3A_3 = arith.constant 0 : index
    %get3A_4 = vector.load %arg2[%get3A_2, %get3A_3] : memref<128x128xf32, #tpu.memory_space<vmem>>, vector<128x128xf32>
    %get3A_5 = arith.constant 0 : index
    %get3A_6 = arith.constant 0 : index
    %get3A_7 = vector.load %arg1[%get3A_5, %get3A_6] : memref<128x10240xf32, #tpu.memory_space<vmem>>, vector<128x10000xf32>
    %dot_general3A = arith.constant dense<0.000000e+00> : vector<128x10000xf32>
    %dot_general3A_8 = tpu.matmul %get3A_4, %get3A_7, %dot_general3A {dimension_numbers = #tpu.dot_dimension_numbers<[1], [0], [0], [1], [0, 0, 1, 1], [], []>, transpose_lhs_hint = false} : vector<128x128xf32>, vector<128x10000xf32>, vector<128x10000xf32> -> vector<128x10000xf32>
    %add3A = arith.addf %get3A_1, %dot_general3A_8 : vector<128x10000xf32>
    %max3A = arith.constant 0.000000e+00 : f32
    %max3A_9 = vector.broadcast %max3A : f32 to vector<128x10000xf32>
    %max3A_10 = arith.maximumf %add3A, %max3A_9 : vector<128x10000xf32>
    %swap3A = arith.constant 0 : index
    %swap3A_11 = arith.constant 0 : index
    %swap3A_12 = vector.load %arg3[%swap3A, %swap3A_11] : memref<128x10000xf32, #tpu.memory_space<vmem>>, vector<128x10000xf32>
    tpu.vector_store %arg3[%swap3A, %swap3A_11], %max3A_10 {strides = array<i32>} : memref<128x10000xf32, #tpu.memory_space<vmem>>, vector<128x10000xf32>,
    return
  }
}

</mosaic_0001>

<sc_bundles>
// kernel: kernel.5.cloned.1.call-start
scs
__scs_entry_jumppad:
0x0: {  	(pc) =	sbr.rel $0x88, $3  }
0x1: {  	(tag) =	ssettag $0x0;
	lr =	simm.s32 $0x1  }
0x2: {  	[smem:$0x3F9D] =	sst lr;
	_ =	strace $0xD0000000  }
0x3: {  	_ = 	snop  }
0x4: {  	_ = 	snop  }
0x5: {  	_ = 	snop  }
0x6: {  	_ = 	snop  }
0x7: {  	_ = 	snop  }
__scs_overlays_trampoline_lowered:
0x8: {  	[smem:$0x3FAC] =	sst s0  }
0x9: {  	[smem:$0x3FAD] =	sst s1  }
0xa: {  	[smem:$0x3FAE] =	sst s2  }
0xb: {  	[smem:$0x3FAF] =	sst s3  }
0xc: {  	[smem:$0x3FB0] =	sst s4  }
0xd: {  	[smem:$0x3FB1] =	sst s5  }
0xe: {  	[smem:$0x3FB2] =	sst s6  }
0xf: {  	[smem:$0x3FB3] =	sst s7  }
0x10: {  	[smem:$0x3FB4] =	sst s8  }
0x11: {  	[smem:$0x3FB5] =	sst s9;
	s0 =	simm.s32 @!p0 $0x0  }
0x12: {  	s1 =	sld [smem:$0x3F9B];
	s0 =	simm.s32 @p0 $0x1  }
0x13: {  	[smem:$0x3FB6] =	sst s0;
	s0 =	simm.s32 @!p1 $0x0  }
0x14: {  	s2 =	sld [smem:$0x3F9A];
	s0 =	simm.s32 @p1 $0x1  }
0x15: {  	[smem:$0x3FB7] =	sst s0;
	s0 =	simm.s32 @!p2 $0x0  }
0x16: {  	s3 =	sld [smem:$0x3FDB];
	s0 =	simm.s32 @p2 $0x1  }
0x17: {  	s4 =	simm.s32 $0x1BF5;
	[smem:$0x3FB9] =	sst s0  }
0x18: {  	s0 =	sld [smem:$0x3F9C];
	_ =	swait.ge [sflag:s4], $0x0  }
0x19: {  	s7 =	sld [smem:$0x3F9D]  }
0x1a: {  	s8 =	sadd.s32 $0xFFFFE003, lr  }
0x1b: {  	s9 =	sadd.s32 $0xFFFFFEF7, lr;
	s5 =	simm.s32 $0xFFFFFFFF;
	p2 =	slt.u32 s8, $0xFFFFF086  }
0x1c: {  	p1 =	slt.u32 s9, $0xF7A;
	s5 =	simm.s32 @!p2 $0x0  }
0x1d: {  	s5 =	simm.s32 @p1 $0x1;
	p0 =	seq.s32 s7, s2  }
0x1e: {  	s7 =	smul.u32 @!p0 $0xF7A, s2;
	p2 =	seq.s32 @!p0 s5, $0x0  }
0x1f: {  	s9 =	smul.u32 $0xF7A, s1;
	s8 =	simm.s32 @!p0 $0x1BF5;
	p2 =	por !p2, p0  }
0x20: {  	[sflag:s8] =	ssyncset.s32 @!p0 $0xFFFFF086;
	s6 =	sadd.s32 @!p0 s3, s7;
	s7 =	simm.s32 @!p0 $0x108  }
0x21: {  	s3 =	sadd.s32 s3, s9;
	s6 =	sadd.s32 @!p0 $0x88, s6;
	s7 =	simm.s32 @p2 $0x1082  }
0x22: {  	[simem:s7], [sflag:s8] =	dma.local @!p0 [hbm:s6], $0xF7A  }
0x23: {  	s9 =	sor.u32 $0xD0000000, s2;
	s6 =	simm.s32 $0x108;
	_ =	swait.ge @!p0 [sflag:s8], $0x0  }
0x24: {  	s3 =	sadd.s32 $0x88, s3;
	s6 =	simm.s32 @!p1 $0x1082;
	[sflag:s4] =	ssyncset.s32 $0xFFFFF086  }
0x25: {  	[simem:s6], [sflag:s4] =	dma.local [hbm:s3], $0xF7A  }
0x26: {  	[smem:$0x3F9D] =	sst s1;
	(tag) =	ssettag s2;
	_ =	strace s9  }
0x27: {  	s1 =	sld [smem:$0x3FAD]  }
0x28: {  	s2 =	sld [smem:$0x3FAE]  }
0x29: {  	s4 =	sld [smem:$0x3FB0]  }
0x2a: {  	p0 =	seq.s32 s5, $0x0;
	s5 =	sld [smem:$0x3FB1]  }
0x2b: {  	s6 =	sld [smem:$0x3FB2]  }
0x2c: {  	s7 =	sld [smem:$0x3FB3]  }
0x2d: {  	s3 =	simm.s32 $0x108;
	s8 =	sld [smem:$0x3FB4]  }
0x2e: {  	s3 =	simm.s32 @!p0 $0x1082;
	s9 =	sld [smem:$0x3FB5]  }
0x2f: {  	lr =	sadd.s32 s0, s3;
	s0 =	sld [smem:$0x3FAC]  }
0x30: {  	s3 =	sld [smem:$0x3FAF]  }
0x31: {  	[smem:$0x3FB8] =	sst s10  }
0x32: {  	s10 =	sld [smem:$0x3FB6];
	_ =	sdelay $0x3  }
0x33: {  	p0 =	seq.s32 s10, $0x1;
	s10 =	sld [smem:$0x3FB8];
	_ =	sdelay $0x3  }
0x34: {  	[smem:$0x3FB8] =	sst s10  }
0x35: {  	s10 =	sld [smem:$0x3FB7];
	_ =	sdelay $0x3  }
0x36: {  	p1 =	seq.s32 s10, $0x1;
	s10 =	sld [smem:$0x3FB8];
	_ =	sdelay $0x3  }
0x37: {  	[smem:$0x3FB8] =	sst s10  }
0x38: {  	s10 =	sld [smem:$0x3FB9]  }
0x39: {  	_ = 	snop;
	(pc) =	sbr.ind lr, $3  }
0x3a: {  	_ = 	snop  }
0x3b: {  	_ = 	snop  }
0x3c: {  	p2 =	seq.s32 s10, $0x1;
	s10 =	sld [smem:$0x3FB8]  }
0x3d: {  	_ =	shalt  }
0x3e: {  	_ =	shalt  }
0x3f: {  	_ =	shalt  }
0x40: {  	_ =	shalt  }
0x41: {  	_ =	shalt  }
0x42: {  	_ =	shalt  }
0x43: {  	_ =	shalt  }
0x44: {  	_ =	shalt  }
0x45: {  	_ =	shalt  }
0x46: {  	_ =	shalt  }
0x47: {  	_ =	shalt  }
0x48: {  	_ =	shalt  }
0x49: {  	_ =	shalt  }
0x4a: {  	_ =	shalt  }
0x4b: {  	_ =	shalt  }
0x4c: {  	_ =	shalt  }
0x4d: {  	_ =	shalt  }
0x4e: {  	_ =	shalt  }
0x4f: {  	_ =	shalt  }
0x50: {  	_ =	shalt  }
0x51: {  	_ =	shalt  }
0x52: {  	_ =	shalt  }
0x53: {  	_ =	shalt  }
0x54: {  	_ =	shalt  }
0x55: {  	_ =	shalt  }
0x56: {  	_ =	shalt  }
0x57: {  	_ =	shalt  }
0x58: {  	_ =	shalt  }
0x59: {  	_ =	shalt  }
0x5a: {  	_ =	shalt  }
0x5b: {  	_ =	shalt  }
0x5c: {  	_ =	shalt  }
0x5d: {  	_ =	shalt  }
0x5e: {  	_ =	shalt  }
0x5f: {  	_ =	shalt  }
0x60: {  	_ =	shalt  }
0x61: {  	_ =	shalt  }
0x62: {  	_ =	shalt  }
0x63: {  	_ =	shalt  }
0x64: {  	_ =	shalt  }
0x65: {  	_ =	shalt  }
0x66: {  	_ =	shalt  }
0x67: {  	_ =	shalt  }
0x68: {  	_ =	shalt  }
0x69: {  	_ =	shalt  }
0x6a: {  	_ =	shalt  }
0x6b: {  	_ =	shalt  }
0x6c: {  	_ =	shalt  }
0x6d: {  	_ =	shalt  }
0x6e: {  	_ =	shalt  }
0x6f: {  	_ =	shalt  }
0x70: {  	_ =	shalt  }
0x71: {  	_ =	shalt  }
0x72: {  	_ =	shalt  }
0x73: {  	_ =	shalt  }
0x74: {  	_ =	shalt  }
0x75: {  	_ =	shalt  }
0x76: {  	_ =	shalt  }
0x77: {  	_ =	shalt  }
0x78: {  	_ =	shalt  }
0x79: {  	_ =	shalt  }
0x7a: {  	_ =	shalt  }
0x7b: {  	_ =	shalt  }
0x7c: {  	_ =	shalt  }
0x7d: {  	_ =	shalt  }
0x7e: {  	_ =	shalt  }
0x7f: {  	_ =	shalt  }
0x80: {  	_ =	shalt  }
0x81: {  	_ =	shalt  }
0x82: {  	_ =	shalt  }
0x83: {  	_ =	shalt  }
0x84: {  	_ =	shalt  }
0x85: {  	_ =	shalt  }
0x86: {  	_ =	shalt  }
0x87: {  	_ =	shalt  }
.Lfunc_end0:
.L_simem_size_0:
called_computation_lowered:
.L_overlay_start_0:
0x88: {  	s2 =	sld [smem:$0x3FD9]  }
0x89: {  	s3 =	sld [smem:$0x3FFE];
	_ =	sdelay $0x1  }
0x8a: {  	s1 =	srdreg.scid  }
0x8b: {  	s0 =	sand.u32 $0x1, s1  }
0x8c: {  	s17 =	sshll.u32 s0, $0xA;
	s2 =	sadd.s32 s3, s2  }
0x8d: {  	s2 =	sadd.s32 s2, s17  }
0x8e: {  	[smem:$0x3FC4] =	sst s2  }
0x8f: {  	_ = 	snop  }
0x90: {  	s2 =	sld [smem:$0x3FD0];
	(tm) =	ssettm $0x1  }
0x91: {  	s18 =	sld [smem:$0x3FFB];
	_ =	sdelay $0x3  }
0x92: {  	_ =	strace s18  }
0x93: {  	s3 =	sld [smem:$0x3FFC];
	_ =	sdelay $0x3  }
0x94: {  	_ =	strace s3  }
0x95: {  	s3 =	sld [smem:$0x3FFD];
	_ =	sdelay $0x3  }
0x96: {  	_ =	strace s3  }
0x97: {  	_ =	strace $0x8FFFFFFF  }
0x98: {  	s19 =	sld [smem:$0x3FDB];
	_ =	sdelay $0x1  }
0x99: {  	s4 =	simm.s32 $_scs_section_size  }
0x9a: {  	s5 =	simm.s32 $_size__tile_overlayer_lowered;
	s6 =	simm.s32 $_tile_overlayer_lowered  }
0x9b: {  	s22 =	simm.s32 $0x1BFF;
	s21 =	sshll.u32 s6, $0x1;
	s3 =	sadd.s32 s4, s19  }
0x9c: {  	s7 =	simm.s32 $0x0;
	s20 =	sshll.u32 s5, $0x1;
	s5 =	sadd.s32 s21, s3  }
0x9d: {  	[timem:s7], [sflag:s22] =	dma.local [hbm:s5], s20  }
0x9e: {  	_ =	swait.ge [sflag:s22], s20  }
0x9f: {  	s4 =	ssub.s32 $0x0, s20;
	[sflag:s22] =	ssyncset.done $0x0  }
0xa0: {  	[sflag:s22] =	ssyncadd.s32 s4;
	_ =	sdelay $0x1  }
0xa1: {  	s23 =	simm.s32 $0x1B8B  }
0xa2: {  	_ =	swait.ge [sflag:s23], $0x1  }
0xa3: {  	[sflag:s23] =	ssyncset.done $0x0  }
0xa4: {  	s25 =	simm.s32 $0x1B8E;
	s24 =	sld [smem:$0x3FFE];
	[sflag:s23] =	ssyncadd.s32 $0xFFFFFFFF  }
0xa5: {  	s26 =	simm.s32 $execute0_lowered;
	[smem:$0x3FD2] =	sst s25  }
0xa6: {  	s5 =	sshll.u32 s26, $0x1;
	_ =	strace $0x80000046;
	[dreg:$0x1] =	wrdreg $0xFFFFFFFF  }
0xa7: {  	s28 =	simm.s32 $_size_execute0_lowered;
	s3 =	sadd.s32 s3, s5;
	[dreg:$0x0] =	wrdreg $0x0  }
0xa8: {  	s5 =	sshll.u32 s28, $0x1;
	[dreg:$0x2] =	wrdreg s3  }
0xa9: {  	[dreg:$0x3] =	wrdreg s5  }
0xaa: {  	[dreg:$0x4] =	wrdreg $0xC0  }
0xab: {  	_ =	task [dreg:s7], $0x5FFFF  }
0xac: {  	[dreg:$0x1] =	wrdreg $0xFFFFFFFF  }
0xad: {  	[dreg:$0x0] =	wrdreg $0x60  }
0xae: {  	[dreg:$0x2] =	wrdreg s24  }
0xaf: {  	[dreg:$0x3] =	wrdreg s2  }
0xb0: {  	[dreg:$0x4] =	wrdreg $0x9  }
0xb1: {  	_ =	task.clear_ibuf [dreg:s7], $0x5FFFF;
	_ =	strace $0x90000046  }
0xb2: {  	s29 =	simm.s32 $0x9;
	_ =	strace $0x80000048  }
0xb3: {  	_ =	swait.ge [sflag:s29], $0x1  }
0xb4: {  	[sflag:s29] =	ssyncadd.s32 $0xFFFFFFFF  }
0xb5: {  	_ =	strace $0x90000048  }
0xb6: {  	_ =	sfence  }
0xb7: {  	s30 =	sld [smem:$0x0];
	_ =	sdelay $0x2  }
0xb8: {  	s31 =	sshll.u32 s1, $0xD;
	s1 =	sshrl.u32 s1, $0x2  }
0xb9: {  	s3 =	sand.u32 $0x4000, s31;
	s1 =	sadd.s32 s1, s30  }
0xba: {  	s0 =	sor.u32 s3, s0;
	s1 =	sshll.u32 s1, $0x11  }
0xbb: {  	s0 =	sor.u32 s1, s0  }
0xbc: {  	s0 =	sadd.s32 $0x8F2B, s0  }
0xbd: {  	[sflag:s0] =	ssyncadd.remote.s32 $0x1  }
0xbe: {  	_ =	sfence.sel $0xFFFF  }
0xbf: {  	[dreg:$0x0] =	wrdreg $0xFFFFFFFF;
	(pc) =	sbr.abs _section_cstart, $3  }
0xc0: {  	[dreg:$0x1] =	wrdreg $0xFFFFFFFF  }
0xc1: {  	_ =	task.clear_ibuf [dreg:s7], $0x2FFFF;
	_ =	strace $0x9FFFFFFF  }
0xc2: {  	(tm) =	ssettm $0x7FFFFFFF  }
0xc3: {  	_ =	shalt  }
tec
execute0_lowered:
.L_overlay_start_1:
0x0: {  	(tag) =	ssettag $0x1  }
0x1: {  	s1 =	srdreg.scid  }
0x2: {  	s0 =	stileid.u32;
	s6 =	rddreg [dreg:$0x0]  }
0x3: {  	s2 =	rddreg [dreg:$0x1];
	s3 =	simm.s32 $0x0;
	s13 =	simm.s32 $0x15C40  }
0x4: {  	s14 =	simm.s32 $0x3;
	s15 =	simm.s32 $0x17C40;
	s5 =	sand.u32 $0x1, s1  }
0x5: {  	s16 =	simm.s32 $0x19C40;
	s17 =	simm.s32 $0x2;
	s1 =	sor.u32 s5, s0  }
0x6: {  	s18 =	simm.s32 $0x1400;
	p1 =	seq.s32 s5, $0x1;
	p0 =	seq.s32 s1, $0x0  }
0x7: {  	s19 =	simm.s32 $0x2800;
	s20 =	simm.s32 $0x9C40;
	p0 =	por !p0, !p1  }
0x8: {  	s9 =	smul.u32 $0x1400, s5;
	s1 =	simm.s32 $0x1;
	p0 =	por !p0, !p0  }
0x9: {  	s21 =	simm.s32 $0x0;
	s26 =	smul.u32 $0x28000, s5;
	s1 =	simm.s32 @!p0 $0x0  }
0xa: {  	s29 =	ssub.s32 $0x2, s5;
	s5 =	smul.u32 $0x14, s5;
	s4 =	ssub.s32 s0, s1  }
0xb: {  	[smem:$0x7FF] =	sst s3;
	s30 =	sshrl.u32 s29, $0x1;
	s8 =	smul.u32 $0x14000, s4  }
0xc: {  	s31 =	sshrl.u32 s26, $0x3;
	s12 =	ssub.s32 s29, s30;
	s7 =	smul.u32 $0x9C40, s4  }
0xd: {  	s1 =	rddreg [dreg:$0x2];
	_ =	strace $0x80000047;
	s8 =	sor.u32 s9, s8  }
0xe: {  	s4 =	simm.s32 $0x1;
	s7 =	sshrl.u32 s7, $0x3;
	s28 =	sshrl.u32 s8, $0x3  }
0xf: {  	s10 =	sadd.s32 s7, s6;
	s11 =	sadd.s32 s28, s6;
	s6 =	sadd.s32 s2, s31  }
0x10: {  	s9 =	sadd.s32 $0xA000, s2;
	s8 =	sadd.s32 $0xE00, s10;
	s7 =	sadd.s32 $0xA000, s6  }
0x11: {  	s10 =	sadd.s32 $0x14800, s11;
	s11 =	smax.u32 s12, $0x1;
	s12 =	simm.s32 $0x13C40  }
.LBB2_1:
0x12: {  	[tilespmem:s12], [sflag:$0x1] =	stream.linear.gather [hbm4b:s6+s3], $0x2000, $0x38;
	[tilespmem:$0x1BC40] =	vst v63  }
0x13: {  	_ = 	snop  }
0x14: {  	[tilespmem:s13], [sflag:$0x1] =	stream.linear.gather [hbm4b:s7+s3], $0x2000, $0x38;
	[tilespmem:$0x1BC40] =	vst v63  }
0x15: {  	_ = 	snop  }
0x16: {  	[tilespmem:s3], [sflag:$0x3] =	stream.linear.gather [hbm4b:s8+s3], $0x9C40, $0x38;
	[tilespmem:$0x1BC40] =	vst v63  }
0x17: {  	_ =	swait.ge [sflag:s14], $0x9C40  }
0x18: {  	[sflag:s14] =	ssyncset.done $0x0  }
0x19: {  	s22 =	simm.s32 $0x9C40;
	s23 =	simm.s32 $0x0;
	[sflag:s14] =	ssyncadd.s32 $0xFFFF63C0  }
.LBB2_3:
0x1a: {  	s24 =	sshll.u32 s23, $0x1  }
0x1b: {  	s25 =	sadd.s32 s24, s5  }
0x1c: {  	s25 =	sshll.u32 s25, $0xA  }
0x1d: {  	s26 =	sadd.s32 $0x400, s25  }
0x1e: {  	s25 =	simm.s32 $0x0;
	s28 =	sadd.s32 s2, s26  }
0x1f: {  	[tilespmem:s15], [sflag:$0x2] =	stream.linear.gather [hbm4b:s28+s25], $0x2000, $0x38;
	[tilespmem:$0x1BC40] =	vst v63  }
0x20: {  	s26 =	sadd.s32 s26, s9  }
0x21: {  	[tilespmem:s16], [sflag:$0x2] =	stream.linear.gather [hbm4b:s26+s25], $0x2000, $0x38;
	[tilespmem:$0x1BC40] =	vst v63  }
0x22: {  	_ =	swait.ge [sflag:s4], $0x2000  }
0x23: {  	[sflag:s4] =	ssyncset.done $0x0  }
0x24: {  	[sflag:s4] =	ssyncadd.s32 $0xFFFFE000  }
0x25: {  	_ =	swait.ge [sflag:s4], $0x2000  }
0x26: {  	v9 =	vmov s22;
	[sflag:s4] =	ssyncset.done $0x0  }
0x27: {  	[tilespmem:$0x1FFF0] =	vst v9;
	[sflag:s4] =	ssyncadd.s32 $0xFFFFE000  }
.LBB2_4:
0x28: {  	s26 =	sshra.s32 s25, $0x2  }
0x29: {  	v0 =	vld [tilespmem:s26+$0x13C40]  }
0x2a: {  	v1 =	vld [tilespmem:s26+$0x15C40]  }
0x2b: {  	v6 =	vld [tilespmem:s26+$0x13D40]  }
0x2c: {  	v7 =	vld [tilespmem:s26+$0x15D40]  }
0x2d: {  	v40 =	vld [tilespmem:s26+$0x13E40]  }
0x2e: {  	v42 =	vld [tilespmem:s26+$0x15E40]  }
0x2f: {  	v48 =	vld [tilespmem:s26+$0x13F40]  }
0x30: {  	v49 =	vld [tilespmem:s26+$0x15F40]  }
0x31: {  	v55 =	vld [tilespmem:s26+$0x14040]  }
0x32: {  	v56 =	vld [tilespmem:s26+$0x16040]  }
0x33: {  	v62 =	vld [tilespmem:s26+$0x14140]  }
0x34: {  	v63 =	vld [tilespmem:s26+$0x16140]  }
0x35: {  	v8 =	vld.idx.msk [tilespmem:v0+s3+$0x0], $0xffff  }
0x36: {  	v9 =	vld.idx.msk [tilespmem:v1+s3+$0x0], $0xffff  }
0x37: {  	v16 =	vld.idx.msk [tilespmem:v6+s3+$0x0], $0xffff  }
0x38: {  	v21 =	vld.idx.msk [tilespmem:v7+s3+$0x0], $0xffff  }
0x39: {  	v2 =	vadd.s32 $0x2710, v0;
	v20 =	vld.idx.msk [tilespmem:v40+s3+$0x0], $0xffff  }
0x3a: {  	v3 =	vadd.s32 $0x2710, v1;
	v25 =	vld.idx.msk [tilespmem:v42+s3+$0x0], $0xffff  }
0x3b: {  	v4 =	vadd.s32 $0x4E20, v0;
	v5 =	vadd.s32 $0x4E20, v1;
	v32 =	vld.idx.msk [tilespmem:v56+s3+$0x0], $0xffff  }
0x3c: {  	v28 =	vadd.s32 $0x2710, v6;
	v30 =	vadd.s32 $0x4E20, v6;
	v41 =	vadd.s32 $0x7530, v6;
	v6 =	vld [tilespmem:s26+$0x16240]  }
0x3d: {  	v29 =	vadd.s32 $0x2710, v7;
	v31 =	vadd.s32 $0x4E20, v7;
	v43 =	vadd.s32 $0x7530, v7;
	v7 =	vld [tilespmem:s26+$0x16340]  }
0x3e: {  	v13 =	vld.idx.msk [tilespmem:v2+s3+$0x0], $0xffff  }
0x3f: {  	v15 =	vld.idx.msk [tilespmem:v3+s3+$0x0], $0xffff  }
0x40: {  	v10 =	vld.idx.msk [tilespmem:v4+s3+$0x0], $0xffff  }
0x41: {  	v11 =	vld.idx.msk [tilespmem:v5+s3+$0x0], $0xffff  }
0x42: {  	v33 =	vld.idx.msk [tilespmem:v28+s3+$0x0], $0xffff  }
0x43: {  	v44 =	vadd.s32 $0x2710, v40;
	v37 =	vld.idx.msk [tilespmem:v29+s3+$0x0], $0xffff  }
0x44: {  	v45 =	vadd.s32 $0x2710, v42;
	v17 =	vld.idx.msk [tilespmem:v30+s3+$0x0], $0xffff  }
0x45: {  	v46 =	vadd.s32 $0x4E20, v40;
	v18 =	vld.idx.msk [tilespmem:v31+s3+$0x0], $0xffff  }
0x46: {  	v47 =	vadd.s32 $0x4E20, v42;
	v19 =	vld.idx.msk [tilespmem:v41+s3+$0x0], $0xffff  }
0x47: {  	v50 =	vadd.s32 $0x7530, v42;
	v22 =	vld.idx.msk [tilespmem:v43+s3+$0x0], $0xffff  }
0x48: {  	v35 =	vld.idx.msk [tilespmem:v44+s3+$0x0], $0xffff  }
0x49: {  	v4 =	vadd.s32 $0x7530, v40;
	v40 =	vld.idx.msk [tilespmem:v45+s3+$0x0], $0xffff  }
0x4a: {  	v51 =	vadd.s32 $0x2710, v48;
	v23 =	vld.idx.msk [tilespmem:v46+s3+$0x0], $0xffff  }
0x4b: {  	v52 =	vadd.s32 $0x2710, v49;
	v26 =	vld.idx.msk [tilespmem:v47+s3+$0x0], $0xffff  }
0x4c: {  	v53 =	vadd.s32 $0x4E20, v48;
	v27 =	vld.idx.msk [tilespmem:v50+s3+$0x0], $0xffff  }
0x4d: {  	v54 =	vadd.s32 $0x4E20, v49;
	v28 =	vld.idx.msk [tilespmem:v48+s3+$0x0], $0xffff  }
0x4e: {  	v57 =	vadd.s32 $0x7530, v49;
	v31 =	vld.idx.msk [tilespmem:v49+s3+$0x0], $0xffff  }
0x4f: {  	v38 =	vld.idx.msk [tilespmem:v51+s3+$0x0], $0xffff  }
0x50: {  	v58 =	vadd.s32 $0x2710, v55;
	v41 =	vld.idx.msk [tilespmem:v52+s3+$0x0], $0xffff  }
0x51: {  	v59 =	vadd.s32 $0x2710, v56;
	v42 =	vld.idx.msk [tilespmem:v53+s3+$0x0], $0xffff  }
0x52: {  	v60 =	vadd.s32 $0x4E20, v55;
	v45 =	vld.idx.msk [tilespmem:v54+s3+$0x0], $0xffff  }
0x53: {  	v61 =	vadd.s32 $0x4E20, v56;
	v39 =	vld.idx.msk [tilespmem:v57+s3+$0x0], $0xffff  }
0x54: {  	v34 =	vadd.s32 $0x7530, v56;
	v29 =	vld.idx.msk [tilespmem:v55+s3+$0x0], $0xffff  }
0x55: {  	v43 =	vld.idx.msk [tilespmem:v58+s3+$0x0], $0xffff  }
0x56: {  	v49 =	vld.idx.msk [tilespmem:v59+s3+$0x0], $0xffff  }
0x57: {  	v46 =	vld.idx.msk [tilespmem:v60+s3+$0x0], $0xffff  }
0x58: {  	v0 =	vadd.s32 $0x7530, v0;
	v50 =	vld.idx.msk [tilespmem:v61+s3+$0x0], $0xffff  }
0x59: {  	v1 =	vadd.s32 $0x7530, v1;
	v54 =	vld.idx.msk [tilespmem:v34+s3+$0x0], $0xffff  }
0x5a: {  	v30 =	vld.idx.msk [tilespmem:v62+s3+$0x0], $0xffff  }
0x5b: {  	v5 =	vadd.s32 $0x7530, v48;
	v34 =	vld.idx.msk [tilespmem:v63+s3+$0x0], $0xffff  }
0x5c: {  	v52 =	vadd.s32 $0x2710, v62;
	v61 =	vld [tilespmem:s26+$0x14240]  }
0x5d: {  	v53 =	vadd.s32 $0x2710, v63;
	v12 =	vld.idx.msk [tilespmem:v0+s3+$0x0], $0xffff  }
0x5e: {  	v60 =	vadd.s32 $0x4E20, v63;
	v14 =	vld.idx.msk [tilespmem:v1+s3+$0x0], $0xffff  }
0x5f: {  	v24 =	vld.idx.msk [tilespmem:v4+s3+$0x0], $0xffff  }
0x60: {  	v1 =	vadd.s32 $0x2710, v6;
	v36 =	vld.idx.msk [tilespmem:v5+s3+$0x0], $0xffff  }
0x61: {  	v4 =	vadd.s32 $0x7530, v55;
	v47 =	vld.idx.msk [tilespmem:v52+s3+$0x0], $0xffff  }
0x62: {  	v55 =	vadd.s32 $0x4E20, v62;
	v57 =	vld.idx.msk [tilespmem:v53+s3+$0x0], $0xffff  }
0x63: {  	v5 =	vadd.s32 $0x7530, v62;
	v52 =	vld.idx.msk [tilespmem:v60+s3+$0x0], $0xffff  }
0x64: {  	v44 =	vld.idx.msk [tilespmem:v61+s3+$0x0], $0xffff  }
0x65: {  	v62 =	vadd.s32 $0x7530, v63;
	v1 =	vld.idx.msk [tilespmem:v1+s3+$0x0], $0xffff  }
0x66: {  	v51 =	vld.idx.msk [tilespmem:v4+s3+$0x0], $0xffff  }
0x67: {  	v63 =	vadd.s32 $0x2710, v61;
	v48 =	vld.idx.msk [tilespmem:v55+s3+$0x0], $0xffff  }
0x68: {  	v56 =	vadd.s32 $0x4E20, v61;
	v53 =	vld.idx.msk [tilespmem:v5+s3+$0x0], $0xffff  }
0x69: {  	v58 =	vadd.s32 $0x4E20, v6;
	v5 =	vld [tilespmem:s26+$0x14340]  }
0x6a: {  	v59 =	vld.idx.msk [tilespmem:v62+s3+$0x0], $0xffff;
	v4 =	vadd.s32 $0x7530, v61  }
0x6b: {  	v55 =	vld.idx.msk [tilespmem:v6+s3+$0x0], $0xffff;
	v6 =	vadd.s32 $0x7530, v6  }
0x6c: {  	v61 =	vld.idx.msk [tilespmem:v63+s3+$0x0], $0xffff;
	v62 =	vadd.s32 $0x2710, v7  }
0x6d: {  	v63 =	vld.idx.msk [tilespmem:v56+s3+$0x0], $0xffff  }
0x6e: {  	v56 =	vld.idx.msk [tilespmem:v58+s3+$0x0], $0xffff;
	v58 =	vadd.s32 $0x2710, v5  }
0x6f: {  	v60 =	vld.idx.msk [tilespmem:v4+s3+$0x0], $0xffff  }
0x70: {  	v0 =	vld.idx.msk [tilespmem:v6+s3+$0x0], $0xffff;
	v3 =	vadd.s32 $0x4E20, v5  }
0x71: {  	v2 =	vld.idx.msk [tilespmem:v62+s3+$0x0], $0xffff  }
0x72: {  	[tilespmem:$0x1F7E0] =	vst v1;
	v6 =	vld.idx.msk [tilespmem:v5+s3+$0x0], $0xffff  }
0x73: {  	[tilespmem:$0x1F7F0] =	vst v56;
	v1 =	vld.idx.msk [tilespmem:v58+s3+$0x0], $0xffff  }
0x74: {  	[tilespmem:$0x1F800] =	vst v60;
	v58 =	vld.idx.msk [tilespmem:v7+s3+$0x0], $0xffff  }
0x75: {  	[tilespmem:$0x1F810] =	vst v0;
	v3 =	vld.idx.msk [tilespmem:v3+s3+$0x0], $0xffff  }
0x76: {  	v56 =	vadd.s32 $0x7530, v5;
	v0 =	vld [tilespmem:s26+$0x14440];
	[tilespmem:$0x1F850] =	vst v2  }
0x77: {  	v60 =	vadd.s32 $0x7530, v7;
	[tilespmem:$0x1F820] =	vst v6  }
0x78: {  	[tilespmem:$0x1F840] =	vst v1  }
0x79: {  	[tilespmem:$0x1F830] =	vst v58  }
0x7a: {  	v5 =	vld [tilespmem:s26+$0x16440];
	[tilespmem:$0x1F860] =	vst v3  }
0x7b: {  	v1 =	vadd.s32 $0x4E20, v7;
	v62 =	vadd.s32 $0x2710, v0;
	v7 =	vld.idx.msk [tilespmem:v56+s3+$0x0], $0xffff  }
0x7c: {  	v56 =	vld.idx.msk [tilespmem:v60+s3+$0x0], $0xffff;
	_ =	sdelay $0x2  }
0x7d: {  	v6 =	vld [tilespmem:s26+$0x16540]  }
0x7e: {  	v58 =	vld.idx.msk [tilespmem:v62+s3+$0x0], $0xffff  }
0x7f: {  	[tilespmem:$0x1F890] =	vst v56;
	v56 =	vld.idx.msk [tilespmem:v0+s3+$0x0], $0xffff  }
0x80: {  	v60 =	vadd.s32 $0x2710, v5;
	v1 =	vld.idx.msk [tilespmem:v1+s3+$0x0], $0xffff  }
0x81: {  	v3 =	vld [tilespmem:s26+$0x14540];
	v62 =	vadd.s32 $0x4E20, v0;
	_ =	sdelay $0x1  }
0x82: {  	v0 =	vadd.s32 $0x7530, v0;
	[tilespmem:$0x1F8C0] =	vst v58  }
0x83: {  	v58 =	vld.idx.msk [tilespmem:v5+s3+$0x0], $0xffff;
	[tilespmem:$0x1F8A0] =	vst v56;
	v56 =	vadd.s32 $0x2710, v6  }
0x84: {  	[tilespmem:$0x1F870] =	vst v1;
	v1 =	vld.idx.msk [tilespmem:v60+s3+$0x0], $0xffff  }
0x85: {  	v60 =	vld.idx.msk [tilespmem:v62+s3+$0x0], $0xffff;
	v62 =	vadd.s32 $0x2710, v3  }
0x86: {  	v4 =	vadd.s32 $0x4E20, v5;
	v5 =	vadd.s32 $0x7530, v5  }
0x87: {  	v0 =	vld.idx.msk [tilespmem:v0+s3+$0x0], $0xffff  }
0x88: {  	v2 =	vld.idx.msk [tilespmem:v56+s3+$0x0], $0xffff  }
0x89: {  	[tilespmem:$0x1F8B0] =	vst v58  }
0x8a: {  	[tilespmem:$0x1F8D0] =	vst v1;
	v1 =	vld.idx.msk [tilespmem:v62+s3+$0x0], $0xffff  }
0x8b: {  	[tilespmem:$0x1F8E0] =	vst v60;
	v58 =	vld.idx.msk [tilespmem:v5+s3+$0x0], $0xffff  }
0x8c: {  	[tilespmem:$0x1F900] =	vst v0;
	v0 =	vld [tilespmem:s26+$0x14640]  }
0x8d: {  	v60 =	vld.idx.msk [tilespmem:v3+s3+$0x0], $0xffff;
	[tilespmem:$0x1F950] =	vst v2;
	v2 =	vadd.s32 $0x4E20, v6  }
0x8e: {  	[tilespmem:$0x1F880] =	vst v7;
	v7 =	vld.idx.msk [tilespmem:v4+s3+$0x0], $0xffff;
	v56 =	vadd.s32 $0x7530, v6  }
0x8f: {  	v62 =	vld.idx.msk [tilespmem:v6+s3+$0x0], $0xffff;
	[tilespmem:$0x1F940] =	vst v1;
	v1 =	vadd.s32 $0x4E20, v3;
	v3 =	vadd.s32 $0x7530, v3;
	_ =	sdelay $0x1  }
0x90: {  	v5 =	vld [tilespmem:s26+$0x16640];
	[tilespmem:$0x1F910] =	vst v58;
	v58 =	vadd.s32 $0x2710, v0  }
0x91: {  	[tilespmem:$0x1F920] =	vst v60;
	v60 =	vld.idx.msk [tilespmem:v2+s3+$0x0], $0xffff  }
0x92: {  	[tilespmem:$0x1F8F0] =	vst v7;
	v7 =	vld.idx.msk [tilespmem:v56+s3+$0x0], $0xffff  }
0x93: {  	[tilespmem:$0x1F930] =	vst v62;
	v62 =	vld.idx.msk [tilespmem:v3+s3+$0x0], $0xffff  }
0x94: {  	v1 =	vld.idx.msk [tilespmem:v1+s3+$0x0], $0xffff  }
0x95: {  	v56 =	vld.idx.msk [tilespmem:v58+s3+$0x0], $0xffff;
	v58 =	vadd.s32 $0x2710, v5  }
0x96: {  	v3 =	vld [tilespmem:s26+$0x14740];
	[tilespmem:$0x1F970] =	vst v60;
	v60 =	vadd.s32 $0x4E20, v0;
	_ =	sdelay $0x1  }
0x97: {  	[tilespmem:$0x1F980] =	vst v62;
	v62 =	vld.idx.msk [tilespmem:v0+s3+$0x0], $0xffff;
	v0 =	vadd.s32 $0x7530, v0  }
0x98: {  	v6 =	vld [tilespmem:s26+$0x16740]  }
0x99: {  	v4 =	vadd.s32 $0x4E20, v5;
	[tilespmem:$0x1F960] =	vst v1;
	v1 =	vld.idx.msk [tilespmem:v58+s3+$0x0], $0xffff  }
0x9a: {  	v58 =	vld.idx.msk [tilespmem:v60+s3+$0x0], $0xffff;
	v60 =	vadd.s32 $0x2710, v3;
	_ =	sdelay $0x1  }
0x9b: {  	v0 =	vld.idx.msk [tilespmem:v0+s3+$0x0], $0xffff  }
0x9c: {  	[tilespmem:$0x1F9C0] =	vst v56;
	v56 =	vld.idx.msk [tilespmem:v5+s3+$0x0], $0xffff  }
0x9d: {  	[tilespmem:$0x1F9A0] =	vst v62;
	v62 =	vld.idx.msk [tilespmem:v4+s3+$0x0], $0xffff;
	v4 =	vadd.s32 $0x2710, v6  }
0x9e: {  	v5 =	vadd.s32 $0x7530, v5;
	[tilespmem:$0x1F9D0] =	vst v1;
	v1 =	vld.idx.msk [tilespmem:v60+s3+$0x0], $0xffff;
	_ =	sdelay $0x1  }
0x9f: {  	[tilespmem:$0x1FA00] =	vst v0;
	v0 =	vld [tilespmem:s26+$0x14840]  }
0xa0: {  	[tilespmem:$0x1F9E0] =	vst v58;
	v58 =	vld.idx.msk [tilespmem:v6+s3+$0x0], $0xffff;
	v60 =	vadd.s32 $0x7530, v6  }
0xa1: {  	[tilespmem:$0x1F990] =	vst v7;
	v2 =	vld.idx.msk [tilespmem:v4+s3+$0x0], $0xffff  }
0xa2: {  	v7 =	vld.idx.msk [tilespmem:v5+s3+$0x0], $0xffff;
	[tilespmem:$0x1FA40] =	vst v1;
	v1 =	vadd.s32 $0x4E20, v3  }
0xa3: {  	[tilespmem:$0x1F9B0] =	vst v56;
	v56 =	vld.idx.msk [tilespmem:v3+s3+$0x0], $0xffff;
	v3 =	vadd.s32 $0x7530, v3  }
0xa4: {  	v5 =	vld [tilespmem:s26+$0x16840];
	[tilespmem:$0x1F9F0] =	vst v62;
	v62 =	vadd.s32 $0x2710, v0  }
0xa5: {  	[tilespmem:$0x1FA30] =	vst v58;
	v58 =	vld.idx.msk [tilespmem:v60+s3+$0x0], $0xffff  }
0xa6: {  	[tilespmem:$0x1FA50] =	vst v2;
	v2 =	vadd.s32 $0x4E20, v6;
	v6 =	vld [tilespmem:s26+$0x16940]  }
0xa7: {  	v1 =	vld.idx.msk [tilespmem:v1+s3+$0x0], $0xffff  }
0xa8: {  	[tilespmem:$0x1FA20] =	vst v56;
	v56 =	vld.idx.msk [tilespmem:v3+s3+$0x0], $0xffff  }
0xa9: {  	v60 =	vld.idx.msk [tilespmem:v62+s3+$0x0], $0xffff  }
0xaa: {  	[tilespmem:$0x1FA90] =	vst v58;
	v62 =	vadd.s32 $0x4E20, v0;
	v58 =	vld.idx.msk [tilespmem:v0+s3+$0x0], $0xffff  }
0xab: {  	[tilespmem:$0x1FA10] =	vst v7;
	v7 =	vld.idx.msk [tilespmem:v2+s3+$0x0], $0xffff;
	v0 =	vadd.s32 $0x7530, v0  }
0xac: {  	v3 =	vld [tilespmem:s26+$0x14940];
	[tilespmem:$0x1FA60] =	vst v1;
	v1 =	vadd.s32 $0x2710, v5  }
0xad: {  	[tilespmem:$0x1FA80] =	vst v56;
	v56 =	vadd.s32 $0x4E20, v5  }
0xae: {  	[tilespmem:$0x1FAC0] =	vst v60;
	v60 =	vld.idx.msk [tilespmem:v5+s3+$0x0], $0xffff;
	v5 =	vadd.s32 $0x7530, v5  }
0xaf: {  	[tilespmem:$0x1FAA0] =	vst v58;
	v62 =	vld.idx.msk [tilespmem:v62+s3+$0x0], $0xffff;
	v58 =	vadd.s32 $0x2710, v6  }
0xb0: {  	v0 =	vld.idx.msk [tilespmem:v0+s3+$0x0], $0xffff  }
0xb1: {  	[tilespmem:$0x1FA70] =	vst v7;
	v7 =	vadd.s32 $0x2710, v3;
	v1 =	vld.idx.msk [tilespmem:v1+s3+$0x0], $0xffff  }
0xb2: {  	v56 =	vld.idx.msk [tilespmem:v56+s3+$0x0], $0xffff  }
0xb3: {  	[tilespmem:$0x1FAB0] =	vst v60;
	v60 =	vld.idx.msk [tilespmem:v5+s3+$0x0], $0xffff  }
0xb4: {  	v2 =	vld.idx.msk [tilespmem:v58+s3+$0x0], $0xffff  }
0xb5: {  	[tilespmem:$0x1FB00] =	vst v0;
	v0 =	vld [tilespmem:s26+$0x14A40]  }
0xb6: {  	[tilespmem:$0x1FAD0] =	vst v1;
	v1 =	vld.idx.msk [tilespmem:v7+s3+$0x0], $0xffff  }
0xb7: {  	v58 =	vadd.s32 $0x7530, v6;
	[tilespmem:$0x1FAF0] =	vst v56;
	v56 =	vld.idx.msk [tilespmem:v6+s3+$0x0], $0xffff  }
0xb8: {  	[tilespmem:$0x1FAE0] =	vst v62  }
0xb9: {  	v62 =	vld.idx.msk [tilespmem:v3+s3+$0x0], $0xffff;
	[tilespmem:$0x1FB50] =	vst v2;
	v2 =	vadd.s32 $0x4E20, v6  }
0xba: {  	[tilespmem:$0x1FB10] =	vst v60;
	v60 =	vadd.s32 $0x2710, v0  }
0xbb: {  	v5 =	vld [tilespmem:s26+$0x16A40];
	[tilespmem:$0x1FB40] =	vst v1;
	v1 =	vadd.s32 $0x4E20, v3  }
0xbc: {  	[tilespmem:$0x1FB30] =	vst v56;
	v56 =	vld.idx.msk [tilespmem:v58+s3+$0x0], $0xffff  }
0xbd: {  	v6 =	vld [tilespmem:s26+$0x16B40];
	v3 =	vadd.s32 $0x7530, v3  }
0xbe: {  	[tilespmem:$0x1FB20] =	vst v62;
	v62 =	vld.idx.msk [tilespmem:v2+s3+$0x0], $0xffff  }
0xbf: {  	v58 =	vld.idx.msk [tilespmem:v60+s3+$0x0], $0xffff  }
0xc0: {  	v1 =	vld.idx.msk [tilespmem:v1+s3+$0x0], $0xffff  }
0xc1: {  	[tilespmem:$0x1FB90] =	vst v56;
	v56 =	vld.idx.msk [tilespmem:v0+s3+$0x0], $0xffff  }
0xc2: {  	v60 =	vadd.s32 $0x2710, v5;
	v7 =	vld.idx.msk [tilespmem:v3+s3+$0x0], $0xffff  }
0xc3: {  	[tilespmem:$0x1FB70] =	vst v62;
	v62 =	vadd.s32 $0x4E20, v0;
	v3 =	vld [tilespmem:s26+$0x14B40];
	_ =	sdelay $0x1  }
0xc4: {  	[tilespmem:$0x1FBC0] =	vst v58;
	v0 =	vadd.s32 $0x7530, v0  }
0xc5: {  	v58 =	vld.idx.msk [tilespmem:v5+s3+$0x0], $0xffff;
	[tilespmem:$0x1FBA0] =	vst v56;
	v56 =	vadd.s32 $0x2710, v6  }
0xc6: {  	[tilespmem:$0x1FB60] =	vst v1;
	v1 =	vld.idx.msk [tilespmem:v60+s3+$0x0], $0xffff  }
0xc7: {  	v60 =	vld.idx.msk [tilespmem:v62+s3+$0x0], $0xffff;
	v62 =	vadd.s32 $0x2710, v3  }
0xc8: {  	v4 =	vadd.s32 $0x4E20, v5;
	v5 =	vadd.s32 $0x7530, v5  }
0xc9: {  	v0 =	vld.idx.msk [tilespmem:v0+s3+$0x0], $0xffff  }
0xca: {  	v2 =	vld.idx.msk [tilespmem:v56+s3+$0x0], $0xffff  }
0xcb: {  	[tilespmem:$0x1FBB0] =	vst v58  }
0xcc: {  	[tilespmem:$0x1FBD0] =	vst v1;
	v1 =	vld.idx.msk [tilespmem:v62+s3+$0x0], $0xffff  }
0xcd: {  	v58 =	vld.idx.msk [tilespmem:v5+s3+$0x0], $0xffff;
	[tilespmem:$0x1FBE0] =	vst v60  }
0xce: {  	[tilespmem:$0x1FC00] =	vst v0;
	v0 =	vld [tilespmem:s26+$0x14C40]  }
0xcf: {  	v60 =	vld.idx.msk [tilespmem:v3+s3+$0x0], $0xffff;
	[tilespmem:$0x1FC50] =	vst v2;
	v2 =	vadd.s32 $0x4E20, v6  }
0xd0: {  	[tilespmem:$0x1FB80] =	vst v7;
	v7 =	vld.idx.msk [tilespmem:v4+s3+$0x0], $0xffff;
	v56 =	vadd.s32 $0x7530, v6  }
0xd1: {  	[tilespmem:$0x1FC40] =	vst v1;
	v1 =	vadd.s32 $0x4E20, v3  }
0xd2: {  	v62 =	vld.idx.msk [tilespmem:v6+s3+$0x0], $0xffff;
	v3 =	vadd.s32 $0x7530, v3  }
0xd3: {  	v5 =	vld [tilespmem:s26+$0x16C40];
	[tilespmem:$0x1FC10] =	vst v58;
	v58 =	vadd.s32 $0x2710, v0  }
0xd4: {  	[tilespmem:$0x1FC20] =	vst v60;
	v60 =	vld.idx.msk [tilespmem:v2+s3+$0x0], $0xffff  }
0xd5: {  	[tilespmem:$0x1FBF0] =	vst v7;
	v7 =	vld.idx.msk [tilespmem:v56+s3+$0x0], $0xffff  }
0xd6: {  	v1 =	vld.idx.msk [tilespmem:v1+s3+$0x0], $0xffff  }
0xd7: {  	[tilespmem:$0x1FC30] =	vst v62;
	v62 =	vld.idx.msk [tilespmem:v3+s3+$0x0], $0xffff  }
0xd8: {  	v56 =	vld.idx.msk [tilespmem:v58+s3+$0x0], $0xffff;
	v58 =	vadd.s32 $0x2710, v5  }
0xd9: {  	v3 =	vld [tilespmem:s26+$0x14D40];
	[tilespmem:$0x1FC70] =	vst v60;
	v60 =	vadd.s32 $0x4E20, v0;
	_ =	sdelay $0x1  }
0xda: {  	v6 =	vld [tilespmem:s26+$0x16D40]  }
0xdb: {  	[tilespmem:$0x1FC80] =	vst v62;
	v62 =	vld.idx.msk [tilespmem:v0+s3+$0x0], $0xffff;
	v0 =	vadd.s32 $0x7530, v0  }
0xdc: {  	v4 =	vadd.s32 $0x4E20, v5;
	[tilespmem:$0x1FC60] =	vst v1;
	v1 =	vld.idx.msk [tilespmem:v58+s3+$0x0], $0xffff  }
0xdd: {  	v58 =	vld.idx.msk [tilespmem:v60+s3+$0x0], $0xffff;
	v60 =	vadd.s32 $0x2710, v3;
	_ =	sdelay $0x1  }
0xde: {  	[tilespmem:$0x1FCC0] =	vst v56;
	v56 =	vld.idx.msk [tilespmem:v5+s3+$0x0], $0xffff  }
0xdf: {  	v0 =	vld.idx.msk [tilespmem:v0+s3+$0x0], $0xffff  }
0xe0: {  	[tilespmem:$0x1FCA0] =	vst v62;
	v62 =	vld.idx.msk [tilespmem:v4+s3+$0x0], $0xffff;
	v4 =	vadd.s32 $0x2710, v6  }
0xe1: {  	v5 =	vadd.s32 $0x7530, v5;
	[tilespmem:$0x1FCD0] =	vst v1;
	v1 =	vld.idx.msk [tilespmem:v60+s3+$0x0], $0xffff  }
0xe2: {  	v48 =	vsub.bf16 v48, v52;
	v52 =	vld [tilespmem:s26+$0x17440]  }
0xe3: {  	[tilespmem:$0x1FCE0] =	vst v58;
	v58 =	vld.idx.msk [tilespmem:v6+s3+$0x0], $0xffff;
	v60 =	vadd.s32 $0x7530, v6  }
0xe4: {  	[tilespmem:$0x1FD00] =	vst v0;
	v0 =	vld [tilespmem:s26+$0x14E40]  }
0xe5: {  	[tilespmem:$0x1FC90] =	vst v7;
	v2 =	vld.idx.msk [tilespmem:v4+s3+$0x0], $0xffff  }
0xe6: {  	v7 =	vld.idx.msk [tilespmem:v5+s3+$0x0], $0xffff;
	[tilespmem:$0x1FD40] =	vst v1;
	v1 =	vadd.s32 $0x4E20, v3  }
0xe7: {  	[tilespmem:$0x1FCB0] =	vst v56;
	v56 =	vld.idx.msk [tilespmem:v3+s3+$0x0], $0xffff;
	v3 =	vadd.s32 $0x7530, v3  }
0xe8: {  	[tilespmem:$0x1FD30] =	vst v58;
	v58 =	vld.idx.msk [tilespmem:v60+s3+$0x0], $0xffff  }
0xe9: {  	v5 =	vld [tilespmem:s26+$0x16E40];
	[tilespmem:$0x1FCF0] =	vst v62;
	v62 =	vadd.s32 $0x2710, v0  }
0xea: {  	[tilespmem:$0x1FD50] =	vst v2;
	v2 =	vadd.s32 $0x4E20, v6;
	v6 =	vld [tilespmem:s26+$0x16F40]  }
0xeb: {  	v1 =	vld.idx.msk [tilespmem:v1+s3+$0x0], $0xffff  }
0xec: {  	[tilespmem:$0x1FD20] =	vst v56;
	v56 =	vld.idx.msk [tilespmem:v3+s3+$0x0], $0xffff  }
0xed: {  	v21 =	vsub.bf16 v16, v21;
	[tilespmem:$0x1FD90] =	vst v58;
	v58 =	vld.idx.msk [tilespmem:v0+s3+$0x0], $0xffff  }
0xee: {  	v16 =	vsub.bf16 v24, v27;
	v27 =	vsub.bf16 v29, v32;
	v60 =	vld.idx.msk [tilespmem:v62+s3+$0x0], $0xffff  }
0xef: {  	v29 =	vsub.bf16 v46, v50;
	v50 =	vsub.bf16 v53, v59;
	v59 =	vld [tilespmem:$0x1F7E0];
	[tilespmem:$0x1FD10] =	vst v7;
	v62 =	vadd.s32 $0x4E20, v0  }
0xf0: {  	v7 =	vld.idx.msk [tilespmem:v2+s3+$0x0], $0xffff;
	v0 =	vadd.s32 $0x7530, v0;
	[tilespmem:$0x1FD60] =	vst v1  }
0xf1: {  	v3 =	vld [tilespmem:s26+$0x14F40];
	[tilespmem:$0x1FD80] =	vst v56;
	v1 =	vadd.s32 $0x2710, v5  }
0xf2: {  	v25 =	vsub.bf16 v20, v25;
	v20 =	vsub.bf16 v42, v45;
	v42 =	vld [tilespmem:s26+$0x15540];
	[tilespmem:$0x1FDA0] =	vst v58;
	v58 =	vadd.s32 $0x2710, v6  }
0xf3: {  	[tilespmem:$0x1FDC0] =	vst v60;
	v56 =	vadd.s32 $0x4E20, v5;
	v60 =	vld.idx.msk [tilespmem:v5+s3+$0x0], $0xffff  }
0xf4: {  	v5 =	vadd.s32 $0x7530, v5;
	v62 =	vld.idx.msk [tilespmem:v62+s3+$0x0], $0xffff  }
0xf5: {  	v0 =	vld.idx.msk [tilespmem:v0+s3+$0x0], $0xffff  }
0xf6: {  	[tilespmem:$0x1FD70] =	vst v7;
	v7 =	vadd.s32 $0x2710, v3;
	v1 =	vld.idx.msk [tilespmem:v1+s3+$0x0], $0xffff  }
0xf7: {  	v2 =	vld.idx.msk [tilespmem:v58+s3+$0x0], $0xffff  }
0xf8: {  	[tilespmem:$0x1FDB0] =	vst v60;
	v56 =	vld.idx.msk [tilespmem:v56+s3+$0x0], $0xffff  }
0xf9: {  	[tilespmem:$0x1FDE0] =	vst v62;
	v60 =	vld.idx.msk [tilespmem:v5+s3+$0x0], $0xffff  }
0xfa: {  	[tilespmem:$0x1FE00] =	vst v0;
	v0 =	vld [tilespmem:s26+$0x15040]  }
0xfb: {  	[tilespmem:$0x1FDD0] =	vst v1;
	v1 =	vld.idx.msk [tilespmem:v7+s3+$0x0], $0xffff  }
0xfc: {  	v62 =	vld.idx.msk [tilespmem:v3+s3+$0x0], $0xffff;
	[tilespmem:$0x1FE50] =	vst v2;
	v2 =	vadd.s32 $0x4E20, v6  }
0xfd: {  	v58 =	vadd.s32 $0x7530, v6;
	[tilespmem:$0x1FDF0] =	vst v56;
	v56 =	vld.idx.msk [tilespmem:v6+s3+$0x0], $0xffff  }
0xfe: {  	v55 =	vsub.bf16 v44, v55;
	v44 =	vld [tilespmem:s26+$0x17540]  }
0xff: {  	v46 =	vld [tilespmem:s26+$0x15640];
	[tilespmem:$0x1FE10] =	vst v60;
	v60 =	vadd.s32 $0x2710, v0  }
0x100: {  	v5 =	vld [tilespmem:s26+$0x17040];
	[tilespmem:$0x1FE40] =	vst v1;
	v1 =	vadd.s32 $0x4E20, v3  }
0x101: {  	[tilespmem:$0x1FE20] =	vst v62;
	v3 =	vadd.s32 $0x7530, v3;
	v62 =	vld.idx.msk [tilespmem:v2+s3+$0x0], $0xffff  }
0x102: {  	[tilespmem:$0x1FE30] =	vst v56;
	v56 =	vld.idx.msk [tilespmem:v58+s3+$0x0], $0xffff  }
0x103: {  	v6 =	vld [tilespmem:s26+$0x17140]  }
0x104: {  	v58 =	vld.idx.msk [tilespmem:v60+s3+$0x0], $0xffff  }
0x105: {  	v1 =	vld.idx.msk [tilespmem:v1+s3+$0x0], $0xffff  }
0x106: {  	v60 =	vadd.s32 $0x2710, v5;
	[tilespmem:$0x1FE70] =	vst v62;
	v7 =	vld.idx.msk [tilespmem:v3+s3+$0x0], $0xffff  }
0x107: {  	[tilespmem:$0x1FE90] =	vst v56;
	v62 =	vadd.s32 $0x4E20, v0;
	v56 =	vld.idx.msk [tilespmem:v0+s3+$0x0], $0xffff;
	v0 =	vadd.s32 $0x7530, v0  }
0x108: {  	v3 =	vld [tilespmem:s26+$0x15140]  }
0x109: {  	v4 =	vadd.s32 $0x4E20, v5;
	[tilespmem:$0x1FEC0] =	vst v58;
	v58 =	vld.idx.msk [tilespmem:v5+s3+$0x0], $0xffff;
	v5 =	vadd.s32 $0x7530, v5  }
0x10a: {  	v15 =	vsub.bf16 v13, v15;
	v13 =	vld.idx.msk [tilespmem:v52+s3+$0x0], $0xffff  }
0x10b: {  	[tilespmem:$0x1FE60] =	vst v1;
	v1 =	vld.idx.msk [tilespmem:v60+s3+$0x0], $0xffff  }
0x10c: {  	v0 =	vld.idx.msk [tilespmem:v0+s3+$0x0], $0xffff  }
0x10d: {  	[tilespmem:$0x1FEA0] =	vst v56;
	v60 =	vld.idx.msk [tilespmem:v62+s3+$0x0], $0xffff;
	v62 =	vadd.s32 $0x2710, v3  }
0x10e: {  	[tilespmem:$0x1FEB0] =	vst v58;
	v56 =	vadd.s32 $0x2710, v6;
	v58 =	vld.idx.msk [tilespmem:v5+s3+$0x0], $0xffff  }
0x10f: {  	[tilespmem:$0x1FE80] =	vst v7;
	v7 =	vld.idx.msk [tilespmem:v4+s3+$0x0], $0xffff  }
0x110: {  	v5 =	vld [tilespmem:s26+$0x17240];
	[tilespmem:$0x1FED0] =	vst v1  }
0x111: {  	[tilespmem:$0x1FF00] =	vst v0;
	v0 =	vld [tilespmem:s26+$0x15240]  }
0x112: {  	[tilespmem:$0x1FEE0] =	vst v60;
	v1 =	vld.idx.msk [tilespmem:v62+s3+$0x0], $0xffff;
	v60 =	vadd.s32 $0x4E20, v6  }
0x113: {  	[tilespmem:$0x1FF10] =	vst v58;
	v2 =	vld.idx.msk [tilespmem:v56+s3+$0x0], $0xffff;
	v58 =	vadd.s32 $0x7530, v6  }
0x114: {  	v62 =	vld.idx.msk [tilespmem:v3+s3+$0x0], $0xffff  }
0x115: {  	v56 =	vld.idx.msk [tilespmem:v6+s3+$0x0], $0xffff  }
0x116: {  	[tilespmem:$0x1FEF0] =	vst v7;
	v7 =	vld [tilespmem:s26+$0x15340]  }
0x117: {  	v60 =	vld.idx.msk [tilespmem:v60+s3+$0x0], $0xffff  }
0x118: {  	v37 =	vsub.bf16 v33, v37;
	v4 =	vld.idx.msk [tilespmem:v58+s3+$0x0], $0xffff  }
0x119: {  	[tilespmem:$0x1FF40] =	vst v1;
	v58 =	vsub.bf16 v12, v14;
	v12 =	vld [tilespmem:s26+$0x17340]  }
0x11a: {  	v1 =	vadd.s32 $0x4E20, v3;
	[tilespmem:$0x1FF50] =	vst v2;
	v2 =	vmax.bf16 v15, v37;
	v37 =	vld.idx.msk [tilespmem:v5+s3+$0x0], $0xffff  }
0x11b: {  	v6 =	vadd.s32 $0x2710, v0;
	v14 =	vld [tilespmem:$0x1F820]  }
0x11c: {  	v3 =	vadd.s32 $0x7530, v3;
	v15 =	vld [tilespmem:$0x1F830]  }
0x11d: {  	v18 =	vsub.bf16 v17, v18;
	v33 =	vsub.bf16 v35, v40;
	v32 =	vadd.s32 $0x4E20, v7;
	v35 =	vld.idx.msk [tilespmem:v0+s3+$0x0], $0xffff  }
0x11e: {  	v17 =	vsub.bf16 v28, v31;
	v28 =	vsub.bf16 v43, v49;
	v49 =	vld.idx.msk [tilespmem:v7+s3+$0x0], $0xffff  }
0x11f: {  	[tilespmem:$0x1FF30] =	vst v56;
	v56 =	vsub.bf16 v10, v11;
	v1 =	vld.idx.msk [tilespmem:v1+s3+$0x0], $0xffff  }
0x120: {  	[tilespmem:$0x1FF70] =	vst v60;
	v6 =	vld.idx.msk [tilespmem:v6+s3+$0x0], $0xffff;
	v60 =	vadd.s32 $0x2710, v5  }
0x121: {  	v3 =	vld.idx.msk [tilespmem:v3+s3+$0x0], $0xffff;
	[tilespmem:$0x1FF90] =	vst v4;
	v4 =	vmax.bf16 v56, v18;
	v18 =	vadd.s32 $0x2710, v7  }
0x122: {  	v2 =	vmax.bf16 v2, v33;
	v33 =	vadd.s32 $0x4E20, v12;
	v45 =	vld.idx.msk [tilespmem:v32+s3+$0x0], $0xffff  }
0x123: {  	v32 =	vld [tilespmem:$0x1F900]  }
0x124: {  	[tilespmem:$0x1FFB0] =	vst v37;
	v37 =	vsub.bf16 v47, v57;
	v47 =	vld.idx.msk [tilespmem:v12+s3+$0x0], $0xffff  }
0x125: {  	v40 =	vsub.bf16 v23, v26;
	[tilespmem:$0x1FFC0] =	vst v6;
	v6 =	vld.idx.msk [tilespmem:v60+s3+$0x0], $0xffff  }
0x126: {  	v31 =	vsub.bf16 v51, v54;
	[tilespmem:$0x1FF20] =	vst v62;
	v62 =	vsub.bf16 v8, v9;
	v54 =	vld.idx.msk [tilespmem:v18+s3+$0x0], $0xffff  }
0x127: {  	v4 =	vmax.bf16 v4, v40;
	[tilespmem:$0x1FFA0] =	vst v35;
	v43 =	vld.idx.msk [tilespmem:v33+s3+$0x0], $0xffff  }
0x128: {  	v35 =	vadd.s32 $0x7530, v7;
	[tilespmem:$0x1FF60] =	vst v1;
	v1 =	vmax.bf16 v62, v21;
	v21 =	vsub.bf16 v19, v22;
	v33 =	vld [tilespmem:$0x1F910]  }
0x129: {  	v19 =	vsub.bf16 v38, v41;
	v1 =	vmax.bf16 v1, v25;
	v25 =	vmax.bf16 v4, v20;
	v20 =	vld [tilespmem:$0x1F860]  }
0x12a: {  	v38 =	vadd.s32 $0x7530, v12;
	v8 =	vmax.bf16 v58, v21;
	v21 =	vadd.s32 $0x2710, v12;
	v12 =	vld [tilespmem:$0x1F810]  }
0x12b: {  	v62 =	vadd.s32 $0x4E20, v0;
	v23 =	vmax.bf16 v1, v17;
	v17 =	vld [tilespmem:$0x1F850]  }
0x12c: {  	v22 =	vadd.s32 $0x4E20, v5;
	v24 =	vmax.bf16 v2, v19;
	v2 =	vmax.bf16 v25, v29;
	v25 =	vld [tilespmem:$0x1F8A0]  }
0x12d: {  	v0 =	vadd.s32 $0x7530, v0;
	v41 =	vld.idx.msk [tilespmem:v35+s3+$0x0], $0xffff  }
0x12e: {  	v5 =	vadd.s32 $0x7530, v5;
	v1 =	vmax.bf16 v24, v28;
	v28 =	vld [tilespmem:$0x1F8D0]  }
0x12f: {  	v35 =	vld [tilespmem:$0x1F930]  }
0x130: {  	v60 =	vld.idx.msk [tilespmem:v62+s3+$0x0], $0xffff  }
0x131: {  	v56 =	vld.idx.msk [tilespmem:v22+s3+$0x0], $0xffff  }
0x132: {  	v0 =	vld.idx.msk [tilespmem:v0+s3+$0x0], $0xffff  }
0x133: {  	v18 =	vadd.s32 $0x2710, v52;
	v58 =	vld.idx.msk [tilespmem:v5+s3+$0x0], $0xffff  }
0x134: {  	[tilespmem:$0x1FFD0] =	vst v6;
	v6 =	vmax.bf16 v8, v16;
	v8 =	vld [tilespmem:s26+$0x15440]  }
0x135: {  	v62 =	vld [tilespmem:$0x1F7F0]  }
0x136: {  	v16 =	vld [tilespmem:$0x1F840]  }
0x137: {  	v22 =	vsub.bf16 v36, v39;
	v36 =	vsub.bf16 v30, v34;
	v30 =	vld [tilespmem:$0x1F8E0]  }
0x138: {  	v11 =	vld.idx.msk [tilespmem:v18+s3+$0x0], $0xffff  }
0x139: {  	v34 =	vld [tilespmem:$0x1F920]  }
0x13a: {  	v24 =	vadd.s32 $0x4E20, v52;
	v51 =	vld.idx.msk [tilespmem:v21+s3+$0x0], $0xffff  }
0x13b: {  	v21 =	vld [tilespmem:$0x1F870]  }
0x13c: {  	v26 =	vmax.bf16 v6, v22;
	v22 =	vld [tilespmem:$0x1F880]  }
0x13d: {  	v4 =	vmax.bf16 v26, v31;
	v26 =	vld [tilespmem:$0x1F8B0]  }
0x13e: {  	v31 =	vld [tilespmem:$0x1F8F0]  }
0x13f: {  	v10 =	vld.idx.msk [tilespmem:v24+s3+$0x0], $0xffff  }
0x140: {  	v24 =	vld [tilespmem:$0x1F9C0]  }
0x141: {  	v57 =	vmax.bf16 v4, v50;
	v4 =	vsub.bf16 v61, v59;
	v59 =	vld [tilespmem:$0x1F950]  }
0x142: {  	v5 =	vsub.bf16 v63, v62;
	v63 =	vld [tilespmem:$0x1F800]  }
0x143: {  	[tilespmem:$0x1FFE0] =	vst v0;
	v0 =	vmax.bf16 v23, v27;
	v23 =	vld [tilespmem:$0x1F890]  }
0x144: {  	v27 =	vld [tilespmem:$0x1F8C0]  }
0x145: {  	v1 =	vmax.bf16 v1, v37;
	v6 =	vsub.bf16 v16, v17;
	v62 =	vld [tilespmem:$0x1F960]  }
0x146: {  	v0 =	vmax.bf16 v0, v36;
	v1 =	vmax.bf16 v1, v4;
	v36 =	vld.idx.msk [tilespmem:v38+s3+$0x0], $0xffff  }
0x147: {  	v1 =	vmax.bf16 v1, v6;
	v6 =	vsub.bf16 v20, v21;
	v20 =	vld [tilespmem:$0x1F980]  }
0x148: {  	v53 =	vadd.s32 $0x2710, v8;
	v21 =	vld [tilespmem:$0x1F990]  }
0x149: {  	v0 =	vmax.bf16 v0, v55;
	v55 =	vld [tilespmem:$0x1FA20]  }
0x14a: {  	v4 =	vsub.bf16 v14, v15;
	v14 =	vld.idx.msk [tilespmem:v8+s3+$0x0], $0xffff  }
0x14b: {  	v9 =	vsub.bf16 v25, v26;
	v25 =	vld [tilespmem:$0x1F9D0]  }
0x14c: {  	v0 =	vmax.bf16 v0, v4;
	v4 =	vld.idx.msk [tilespmem:v44+s3+$0x0], $0xffff  }
0x14d: {  	v39 =	vld.idx.msk [tilespmem:v53+s3+$0x0], $0xffff  }
0x14e: {  	v19 =	vadd.s32 $0x4E20, v8;
	v7 =	vsub.bf16 v63, v12;
	v63 =	vld [tilespmem:$0x1F970]  }
0x14f: {  	v12 =	vsub.bf16 v27, v28;
	v27 =	vld [tilespmem:$0x1F9E0]  }
0x150: {  	v37 =	vsub.bf16 v34, v35;
	v28 =	vld [tilespmem:$0x1F9F0]  }
0x151: {  	v0 =	vmax.bf16 v0, v9;
	v53 =	vld [tilespmem:$0x1FC30]  }
0x152: {  	v8 =	vadd.s32 $0x7530, v8;
	v0 =	vmax.bf16 v0, v37;
	v37 =	vld [tilespmem:s26+$0x17640]  }
0x153: {  	v29 =	vadd.s32 $0x7530, v52;
	v1 =	vmax.bf16 v1, v12;
	v12 =	vld.idx.msk [tilespmem:v19+s3+$0x0], $0xffff  }
0x154: {  	[tilespmem:$0x1FF80] =	vst v3;
	v3 =	vmax.bf16 v57, v7;
	v57 =	vld [tilespmem:$0x1F940]  }
0x155: {  	v7 =	vsub.bf16 v22, v23;
	v22 =	vld [tilespmem:$0x1F9A0]  }
0x156: {  	v23 =	vld [tilespmem:$0x1F9B0]  }
0x157: {  	v9 =	vld.idx.msk [tilespmem:v8+s3+$0x0], $0xffff  }
0x158: {  	v8 =	vld.idx.msk [tilespmem:v29+s3+$0x0], $0xffff  }
0x159: {  	v26 =	vsub.bf16 v24, v25;
	v24 =	vld [tilespmem:$0x1FAB0]  }
0x15a: {  	v2 =	vmax.bf16 v2, v48;
	v3 =	vmax.bf16 v3, v7;
	v7 =	vsub.bf16 v30, v31;
	v30 =	vld [tilespmem:$0x1FA00]  }
0x15b: {  	v38 =	vadd.s32 $0x2710, v42;
	v2 =	vmax.bf16 v2, v5;
	v5 =	vsub.bf16 v32, v33;
	v31 =	vld [tilespmem:$0x1FA10]  }
0x15c: {  	v19 =	vadd.s32 $0x2710, v44;
	v18 =	vsub.bf16 v62, v63;
	v63 =	vld [tilespmem:$0x1FA60]  }
0x15d: {  	v3 =	vmax.bf16 v3, v5;
	v5 =	vsub.bf16 v20, v21;
	v20 =	vld [tilespmem:$0x1FA80]  }
0x15e: {  	v21 =	vld [tilespmem:$0x1FA90]  }
0x15f: {  	v2 =	vmax.bf16 v2, v6;
	v29 =	vsub.bf16 v27, v28;
	v27 =	vld [tilespmem:$0x1FAD0]  }
0x160: {  	v2 =	vmax.bf16 v2, v7;
	v7 =	vld.idx.msk [tilespmem:v38+s3+$0x0], $0xffff  }
0x161: {  	v34 =	vadd.s32 $0x4E20, v44;
	v6 =	vld.idx.msk [tilespmem:v19+s3+$0x0], $0xffff  }
0x162: {  	v61 =	vsub.bf16 v57, v59;
	v57 =	vld [tilespmem:$0x1FA30]  }
0x163: {  	v59 =	vld [tilespmem:$0x1FA40]  }
0x164: {  	v2 =	vmax.bf16 v2, v18;
	v18 =	vld [tilespmem:$0x1FA70]  }
0x165: {  	v3 =	vmax.bf16 v3, v5;
	v5 =	vsub.bf16 v22, v23;
	v23 =	vld [tilespmem:$0x1FAA0]  }
0x166: {  	v48 =	vmax.bf16 v2, v29;
	v2 =	vld.idx.msk [tilespmem:v34+s3+$0x0], $0xffff  }
0x167: {  	v34 =	vld [tilespmem:$0x1FB10]  }
0x168: {  	v0 =	vmax.bf16 v0, v5;
	v5 =	vld.idx.msk [tilespmem:v42+s3+$0x0], $0xffff  }
0x169: {  	v1 =	vmax.bf16 v1, v61;
	v61 =	vld [tilespmem:$0x1FA50]  }
0x16a: {  	v32 =	vsub.bf16 v30, v31;
	v30 =	vld [tilespmem:$0x1FAE0]  }
0x16b: {  	v33 =	vadd.s32 $0x4E20, v42;
	v31 =	vld [tilespmem:$0x1FAF0]  }
0x16c: {  	v1 =	vmax.bf16 v1, v26;
	v26 =	vld [tilespmem:$0x1FAC0]  }
0x16d: {  	v44 =	vadd.s32 $0x7530, v44;
	v22 =	vsub.bf16 v20, v21;
	v20 =	vld [tilespmem:$0x1FB50]  }
0x16e: {  	v35 =	vmax.bf16 v3, v32;
	v3 =	vsub.bf16 v55, v57;
	v19 =	vsub.bf16 v63, v18;
	v63 =	vld [tilespmem:$0x1FB30]  }
0x16f: {  	v55 =	vld [tilespmem:$0x1FB90]  }
0x170: {  	v0 =	vmax.bf16 v0, v3;
	v3 =	vld.idx.msk [tilespmem:v33+s3+$0x0], $0xffff  }
0x171: {  	v33 =	vld [tilespmem:$0x1FB00]  }
0x172: {  	v25 =	vsub.bf16 v23, v24;
	v48 =	vmax.bf16 v48, v19;
	v19 =	vld [tilespmem:$0x1FB40]  }
0x173: {  	v42 =	vadd.s32 $0x7530, v42;
	v62 =	vsub.bf16 v59, v61;
	v61 =	vld.idx.msk [tilespmem:v44+s3+$0x0], $0xffff  }
0x174: {  	v29 =	vmax.bf16 v0, v25;
	v25 =	vld [tilespmem:$0x1FB60]  }
0x175: {  	v28 =	vsub.bf16 v26, v27;
	v26 =	vld [tilespmem:$0x1FB70]  }
0x176: {  	v0 =	vld [tilespmem:$0x1FEE0]  }
0x177: {  	v52 =	vmax.bf16 v1, v62;
	v62 =	vld [tilespmem:$0x1FB20]  }
0x178: {  	v1 =	vld.idx.msk [tilespmem:v42+s3+$0x0], $0xffff  }
0x179: {  	v21 =	vsub.bf16 v19, v20;
	v19 =	vld [tilespmem:$0x1FBC0]  }
0x17a: {  	v20 =	vld [tilespmem:$0x1FBD0]  }
0x17b: {  	v27 =	vsub.bf16 v25, v26;
	v25 =	vld [tilespmem:$0x1FC10]  }
0x17c: {  	v50 =	vmax.bf16 v35, v22;
	v35 =	vsub.bf16 v33, v34;
	v18 =	vsub.bf16 v62, v63;
	v62 =	vld [tilespmem:$0x1FBA0]  }
0x17d: {  	v32 =	vsub.bf16 v30, v31;
	v63 =	vld [tilespmem:$0x1FBB0]  }
0x17e: {  	v24 =	vadd.s32 $0x2710, v37;
	v23 =	vmax.bf16 v50, v35;
	v35 =	vld [tilespmem:$0x1FB80]  }
0x17f: {  	v22 =	vmax.bf16 v48, v32;
	v50 =	vld [tilespmem:$0x1FC20]  }
0x180: {  	v38 =	vmax.bf16 v52, v28;
	v44 =	vmax.bf16 v22, v27;
	v22 =	vld [tilespmem:$0x1FBE0]  }
0x181: {  	v42 =	vmax.bf16 v38, v21;
	v21 =	vsub.bf16 v19, v20;
	v19 =	vld [tilespmem:$0x1FC50]  }
0x182: {  	v40 =	vmax.bf16 v29, v18;
	v18 =	vsub.bf16 v62, v63;
	v63 =	vld.idx.msk [tilespmem:v46+s3+$0x0], $0xffff  }
0x183: {  	v57 =	vsub.bf16 v35, v55;
	v55 =	vld.idx.msk [tilespmem:v24+s3+$0x0], $0xffff  }
0x184: {  	v24 =	vld [tilespmem:$0x1FC00]  }
0x185: {  	v48 =	vmax.bf16 v23, v57;
	v23 =	vld [tilespmem:$0x1FBF0]  }
0x186: {  	v33 =	vmax.bf16 v40, v18;
	v18 =	vld [tilespmem:$0x1FC40]  }
0x187: {  	v31 =	vmax.bf16 v42, v21;
	v21 =	vld [tilespmem:$0x1FC60]  }
0x188: {  	v62 =	vsub.bf16 v50, v53;
	v50 =	vld [tilespmem:$0x1FCD0]  }
0x189: {  	v26 =	vsub.bf16 v24, v25;
	v24 =	vld [tilespmem:$0x1FC80]  }
0x18a: {  	v25 =	vld [tilespmem:$0x1FC90];
	v40 =	vsub.bf16 v22, v23  }
0x18b: {  	v59 =	vadd.s32 $0x2710, v46;
	v20 =	vsub.bf16 v18, v19;
	v18 =	vld [tilespmem:$0x1FCE0]  }
0x18c: {  	v52 =	vadd.s32 $0x4E20, v46;
	v46 =	vadd.s32 $0x7530, v46;
	v40 =	vmax.bf16 v44, v40;
	v44 =	vld [tilespmem:$0x1FCC0]  }
0x18d: {  	v19 =	vld [tilespmem:$0x1FCF0]  }
0x18e: {  	v22 =	vld [tilespmem:$0x1FC70]  }
0x18f: {  	v27 =	vld [tilespmem:$0x1FD70]  }
0x190: {  	v35 =	vadd.s32 $0x4E20, v37;
	v57 =	vld.idx.msk [tilespmem:v37+s3+$0x0], $0xffff;
	v37 =	vadd.s32 $0x7530, v37  }
0x191: {  	v33 =	vmax.bf16 v33, v62;
	v42 =	vmax.bf16 v48, v26;
	v48 =	vld.idx.msk [tilespmem:v46+s3+$0x0], $0xffff;
	v62 =	vsub.bf16 v44, v50  }
0x192: {  	v30 =	vmax.bf16 v31, v20;
	v26 =	vsub.bf16 v24, v25;
	v20 =	vsub.bf16 v18, v19;
	v18 =	vld [tilespmem:$0x1FD30]  }
0x193: {  	v23 =	vsub.bf16 v21, v22;
	v30 =	vmax.bf16 v30, v62;
	v62 =	vld [tilespmem:$0x1FD20]  }
0x194: {  	v31 =	vmax.bf16 v42, v26;
	v42 =	vld [tilespmem:$0x1FCB0]  }
0x195: {  	v29 =	vmax.bf16 v40, v23;
	v40 =	vld [tilespmem:$0x1FCA0]  }
0x196: {  	v46 =	vld.idx.msk [tilespmem:v37+s3+$0x0], $0xffff  }
0x197: {  	v25 =	vld [tilespmem:$0x1FD60]  }
0x198: {  	v19 =	vsub.bf16 v62, v18;
	v62 =	vld [tilespmem:$0x1FD80]  }
0x199: {  	v18 =	vld [tilespmem:$0x1FD90]  }
0x19a: {  	v21 =	vld [tilespmem:$0x1FD00];
	v37 =	vsub.bf16 v40, v42  }
0x19b: {  	v22 =	vld [tilespmem:$0x1FD10]  }
0x19c: {  	v29 =	vmax.bf16 v29, v20;
	v20 =	vld [tilespmem:$0x1FDB0];
	v33 =	vmax.bf16 v33, v37  }
0x19d: {  	v33 =	vmax.bf16 v33, v19;
	v19 =	vld [tilespmem:$0x1FDA0]  }
0x19e: {  	v27 =	vsub.bf16 v25, v27;
	v25 =	vsub.bf16 v62, v18;
	v62 =	vld [tilespmem:$0x1FDE0]  }
0x19f: {  	v18 =	vld [tilespmem:$0x1FDF0]  }
0x1a0: {  	v28 =	vld [tilespmem:s26+$0x15840]  }
0x1a1: {  	v59 =	vld.idx.msk [tilespmem:v59+s3+$0x0], $0xffff  }
0x1a2: {  	v23 =	vsub.bf16 v21, v22;
	v21 =	vld [tilespmem:$0x1FDC0]  }
0x1a3: {  	v22 =	vld [tilespmem:$0x1FDD0]  }
0x1a4: {  	v37 =	vsub.bf16 v19, v20;
	v19 =	vsub.bf16 v62, v18;
	v62 =	vld [tilespmem:$0x1FE60]  }
0x1a5: {  	v18 =	vld [tilespmem:$0x1FE70]  }
0x1a6: {  	v34 =	vld [tilespmem:s26+$0x17740]  }
0x1a7: {  	v38 =	vld [tilespmem:s26+$0x15740]  }
0x1a8: {  	v27 =	vmax.bf16 v29, v27;
	v29 =	vld [tilespmem:$0x1FE10]  }
0x1a9: {  	v22 =	vsub.bf16 v21, v22;
	v21 =	vld [tilespmem:$0x1FE00]  }
0x1aa: {  	v27 =	vmax.bf16 v27, v19;
	v19 =	vsub.bf16 v62, v18;
	v62 =	vld [tilespmem:$0x1FE80]  }
0x1ab: {  	v18 =	vld [tilespmem:$0x1FE90]  }
0x1ac: {  	v53 =	vld.idx.msk [tilespmem:v52+s3+$0x0], $0xffff  }
0x1ad: {  	v32 =	vadd.s32 $0x2710, v38;
	v52 =	vld.idx.msk [tilespmem:v35+s3+$0x0], $0xffff  }
0x1ae: {  	v51 =	vsub.bf16 v54, v51;
	v35 =	vadd.s32 $0x2710, v34;
	v54 =	vsub.bf16 v63, v57;
	v57 =	vld [tilespmem:s26+$0x17B40]  }
0x1af: {  	v24 =	vld [tilespmem:$0x1FD50]  }
0x1b0: {  	v29 =	vsub.bf16 v21, v29;
	v21 =	vsub.bf16 v62, v18;
	v62 =	vld [tilespmem:$0x1FEC0]  }
0x1b1: {  	v18 =	vld [tilespmem:$0x1FED0]  }
0x1b2: {  	v50 =	vld.idx.msk [tilespmem:v32+s3+$0x0], $0xffff  }
0x1b3: {  	v32 =	vadd.s32 $0x4E20, v38;
	v44 =	vld.idx.msk [tilespmem:v35+s3+$0x0], $0xffff  }
0x1b4: {  	v26 =	vmax.bf16 v31, v23;
	v23 =	vld [tilespmem:$0x1FD40]  }
0x1b5: {  	v40 =	vld.idx.msk [tilespmem:v38+s3+$0x0], $0xffff  }
0x1b6: {  	v18 =	vsub.bf16 v62, v18;
	v62 =	vld [tilespmem:$0x1FEF0]  }
0x1b7: {  	v42 =	vld.idx.msk [tilespmem:v34+s3+$0x0], $0xffff  }
0x1b8: {  	v31 =	vadd.s32 $0x7530, v38;
	v32 =	vld.idx.msk [tilespmem:v32+s3+$0x0], $0xffff;
	v25 =	vmax.bf16 v26, v25  }
0x1b9: {  	v38 =	vsub.bf16 v23, v24;
	v24 =	vld [tilespmem:s26+$0x17840];
	v25 =	vmax.bf16 v25, v29  }
0x1ba: {  	v21 =	vmax.bf16 v25, v21;
	v25 =	vld [tilespmem:$0x1FF10]  }
0x1bb: {  	v16 =	vsub.bf16 v0, v62;
	v62 =	vld [tilespmem:$0x1FF00]  }
0x1bc: {  	v30 =	vmax.bf16 v30, v38;
	v38 =	vld [tilespmem:$0x1FE50]  }
0x1bd: {  	v22 =	vmax.bf16 v30, v22;
	v30 =	vld.idx.msk [tilespmem:v31+s3+$0x0], $0xffff  }
0x1be: {  	v31 =	vld [tilespmem:$0x1FE20]  }
0x1bf: {  	v0 =	vld [tilespmem:$0x1FF20]  }
0x1c0: {  	v25 =	vsub.bf16 v62, v25;
	v62 =	vld [tilespmem:$0x1FF30]  }
0x1c1: {  	v20 =	vld [tilespmem:$0x1FEB0]  }
0x1c2: {  	v35 =	vadd.s32 $0x4E20, v34;
	v26 =	vmax.bf16 v33, v37;
	v33 =	vld [tilespmem:$0x1FE30]  }
0x1c3: {  	v34 =	vadd.s32 $0x7530, v34;
	v37 =	vld [tilespmem:$0x1FE40]  }
0x1c4: {  	v23 =	vadd.s32 $0x2710, v28;
	v27 =	vmax.bf16 v27, v19;
	v19 =	vld [tilespmem:$0x1FEA0]  }
0x1c5: {  	v15 =	vsub.bf16 v0, v62;
	v0 =	vld [tilespmem:$0x1FF40]  }
0x1c6: {  	v62 =	vld [tilespmem:$0x1FF50]  }
0x1c7: {  	v35 =	vld.idx.msk [tilespmem:v35+s3+$0x0], $0xffff  }
0x1c8: {  	v31 =	vsub.bf16 v31, v33;
	v33 =	vld.idx.msk [tilespmem:v34+s3+$0x0], $0xffff;
	v34 =	vsub.bf16 v37, v38  }
0x1c9: {  	v23 =	vld.idx.msk [tilespmem:v23+s3+$0x0], $0xffff;
	v20 =	vsub.bf16 v19, v20  }
0x1ca: {  	v29 =	vld.idx.msk [tilespmem:v28+s3+$0x0], $0xffff;
	v26 =	vmax.bf16 v26, v31;
	v22 =	vmax.bf16 v22, v34;
	v34 =	vadd.s32 $0x4E20, v24  }
0x1cb: {  	v20 =	vmax.bf16 v26, v20;
	v26 =	vsub.bf16 v0, v62;
	v0 =	vld [tilespmem:$0x1FF60]  }
0x1cc: {  	v62 =	vld [tilespmem:$0x1FF70]  }
0x1cd: {  	v17 =	vld.idx.msk [tilespmem:v24+s3+$0x0], $0xffff;
	v38 =	vadd.s32 $0x2710, v24  }
0x1ce: {  	v37 =	vld [tilespmem:s26+$0x15940]  }
0x1cf: {  	v31 =	vadd.s32 $0x4E20, v28;
	v28 =	vadd.s32 $0x7530, v28;
	v18 =	vmax.bf16 v22, v18;
	v22 =	vld.idx.msk [tilespmem:v34+s3+$0x0], $0xffff  }
0x1d0: {  	v34 =	vld [tilespmem:$0x1FF80]  }
0x1d1: {  	v0 =	vsub.bf16 v0, v62;
	v62 =	vld [tilespmem:$0x1FF90]  }
0x1d2: {  	v38 =	vld.idx.msk [tilespmem:v38+s3+$0x0], $0xffff  }
0x1d3: {  	v24 =	vadd.s32 $0x7530, v24;
	v19 =	vld [tilespmem:s26+$0x17940];
	v16 =	vmax.bf16 v27, v16  }
0x1d4: {  	v0 =	vmax.bf16 v16, v0;
	v16 =	vld.idx.msk [tilespmem:v28+s3+$0x0], $0xffff  }
0x1d5: {  	v28 =	vld [tilespmem:$0x1FFA0]  }
0x1d6: {  	v15 =	vmax.bf16 v20, v15;
	v20 =	vsub.bf16 v34, v62;
	v34 =	vld [tilespmem:$0x1FFB0]  }
0x1d7: {  	v60 =	vsub.bf16 v60, v56;
	v31 =	vld.idx.msk [tilespmem:v31+s3+$0x0], $0xffff  }
0x1d8: {  	v24 =	vld.idx.msk [tilespmem:v24+s3+$0x0], $0xffff;
	v56 =	vadd.s32 $0x2710, v19  }
0x1d9: {  	v18 =	vmax.bf16 v18, v26;
	v26 =	vadd.s32 $0x2710, v37;
	v0 =	vmax.bf16 v0, v60;
	v60 =	vld [tilespmem:$0x1FFE0]  }
0x1da: {  	v47 =	vsub.bf16 v49, v47;
	v43 =	vsub.bf16 v45, v43;
	v62 =	vld [tilespmem:$0x1FFC0]  }
0x1db: {  	v36 =	vsub.bf16 v41, v36;
	v21 =	vmax.bf16 v21, v25;
	v25 =	vsub.bf16 v28, v34;
	v34 =	vld [tilespmem:$0x1FFD0]  }
0x1dc: {  	v13 =	vsub.bf16 v14, v13;
	v10 =	vsub.bf16 v12, v10;
	v28 =	vld [tilespmem:s26+$0x15A40]  }
0x1dd: {  	v55 =	vsub.bf16 v59, v55;
	v59 =	vsub.bf16 v48, v46;
	v48 =	vadd.s32 $0x7530, v57;
	v14 =	vld.idx.msk [tilespmem:v56+s3+$0x0], $0xffff  }
0x1de: {  	v4 =	vsub.bf16 v5, v4;
	v26 =	vld.idx.msk [tilespmem:v26+s3+$0x0], $0xffff;
	v15 =	vmax.bf16 v15, v25;
	v25 =	vadd.s32 $0x4E20, v37  }
0x1df: {  	v1 =	vsub.bf16 v1, v61;
	v20 =	vmax.bf16 v21, v20;
	v21 =	vld.idx.msk [tilespmem:v19+s3+$0x0], $0xffff;
	v15 =	vmax.bf16 v15, v47  }
0x1e0: {  	v58 =	vsub.bf16 v60, v58;
	v13 =	vmax.bf16 v15, v13;
	v27 =	vsub.bf16 v62, v34;
	v34 =	vld.idx.msk [tilespmem:v37+s3+$0x0], $0xffff  }
0x1e1: {  	v0 =	vmax.bf16 v0, v43;
	v37 =	vadd.s32 $0x7530, v37;
	v62 =	vld [tilespmem:s26+$0x17A40];
	v4 =	vmax.bf16 v13, v4  }
0x1e2: {  	v20 =	vmax.bf16 v20, v58;
	v41 =	vadd.s32 $0x2710, v28;
	v61 =	vmax.bf16 v4, v54;
	v54 =	vld.idx.msk [tilespmem:v48+s3+$0x0], $0xffff  }
0x1e3: {  	v0 =	vmax.bf16 v0, v10;
	v20 =	vmax.bf16 v20, v36;
	v45 =	vadd.s32 $0x4E20, v28;
	v25 =	vld.idx.msk [tilespmem:v25+s3+$0x0], $0xffff  }
0x1e4: {  	v36 =	vsub.bf16 v40, v42;
	v42 =	vadd.s32 $0x2710, v57;
	v18 =	vmax.bf16 v18, v27;
	v10 =	vld.idx.msk [tilespmem:v28+s3+$0x0], $0xffff  }
0x1e5: {  	v18 =	vmax.bf16 v18, v51;
	v51 =	vld [tilespmem:s26+$0x15B40]  }
0x1e6: {  	v11 =	vsub.bf16 v39, v11;
	v8 =	vsub.bf16 v9, v8;
	v27 =	vadd.s32 $0x4E20, v19;
	v9 =	vld.idx.msk [tilespmem:v37+s3+$0x0], $0xffff  }
0x1e7: {  	v39 =	vsub.bf16 v7, v6;
	v19 =	vadd.s32 $0x7530, v19;
	v7 =	vld.idx.msk [tilespmem:v41+s3+$0x0], $0xffff  }
0x1e8: {  	v56 =	vadd.s32 $0x7530, v28;
	v11 =	vmax.bf16 v18, v11;
	v63 =	vld.idx.msk [tilespmem:v45+s3+$0x0], $0xffff  }
0x1e9: {  	v5 =	vmax.bf16 v11, v39;
	v37 =	vsub.bf16 v50, v44;
	v50 =	vld.idx.msk [tilespmem:v42+s3+$0x0], $0xffff  }
0x1ea: {  	v47 =	vadd.s32 $0x4E20, v62;
	v5 =	vmax.bf16 v5, v55;
	v55 =	vld [tilespmem:$0x1FFF0]  }
0x1eb: {  	v2 =	vsub.bf16 v3, v2;
	v17 =	vsub.bf16 v29, v17;
	v15 =	vld.idx.msk [tilespmem:v27+s3+$0x0], $0xffff  }
0x1ec: {  	v46 =	vadd.s32 $0x4E20, v57;
	v30 =	vsub.bf16 v30, v33;
	v23 =	vsub.bf16 v23, v38;
	v6 =	vld.idx.msk [tilespmem:v19+s3+$0x0], $0xffff  }
0x1ed: {  	v22 =	vsub.bf16 v31, v22;
	v0 =	vmax.bf16 v0, v2;
	v43 =	vadd.s32 $0x2710, v62;
	v27 =	vld.idx.msk [tilespmem:v56+s3+$0x0], $0xffff  }
0x1ee: {  	v58 =	vsub.bf16 v53, v52;
	v8 =	vmax.bf16 v20, v8;
	v11 =	vld.idx.msk [tilespmem:v62+s3+$0x0], $0xffff;
	v40 =	vadd.s32 $0x2710, v51  }
0x1ef: {  	v16 =	vsub.bf16 v16, v24;
	v14 =	vsub.bf16 v26, v14;
	v1 =	vmax.bf16 v8, v1;
	v3 =	vld.idx.msk [tilespmem:v47+s3+$0x0], $0xffff  }
0x1f0: {  	v0 =	vmax.bf16 v0, v58;
	v1 =	vmax.bf16 v1, v59;
	v44 =	vadd.s32 $0x4E20, v51;
	v47 =	vld.idx.msk [tilespmem:v57+s3+$0x0], $0xffff  }
0x1f1: {  	v1 =	vmax.bf16 v1, v30;
	v2 =	vmax.bf16 v61, v36;
	v60 =	vadd.s32 $0x7530, v62;
	v45 =	vld.idx.msk [tilespmem:v51+s3+$0x0], $0xffff  }
0x1f2: {  	v41 =	vsub.bf16 v32, v35;
	v49 =	vsub.bf16 v34, v21;
	v18 =	vadd.s32 $0x7530, v51;
	v62 =	vld.idx.msk [tilespmem:v43+s3+$0x0], $0xffff  }
0x1f3: {  	v1 =	vmax.bf16 v1, v16;
	v2 =	vmax.bf16 v2, v17;
	v5 =	vmax.bf16 v5, v37;
	v19 =	vld.idx.msk [tilespmem:v40+s3+$0x0], $0xffff  }
0x1f4: {  	v0 =	vmax.bf16 v0, v41;
	v2 =	vmax.bf16 v2, v49;
	v5 =	vmax.bf16 v5, v23;
	v51 =	vld.idx.msk [tilespmem:v46+s3+$0x0], $0xffff  }
0x1f5: {  	v0 =	vmax.bf16 v0, v22;
	v15 =	vsub.bf16 v25, v15;
	v13 =	vld.idx.msk [tilespmem:v44+s3+$0x0], $0xffff;
	v10 =	vsub.bf16 v10, v11  }
0x1f6: {  	v5 =	vmax.bf16 v5, v14;
	v43 =	vld.idx.msk [tilespmem:v60+s3+$0x0], $0xffff;
	v6 =	vsub.bf16 v9, v6;
	v52 =	vsub.bf16 v45, v47  }
0x1f7: {  	v53 =	vld.idx.msk [tilespmem:v18+s3+$0x0], $0xffff;
	v0 =	vmax.bf16 v0, v15;
	v2 =	vmax.bf16 v2, v10;
	v4 =	vsub.bf16 v7, v62  }
0x1f8: {  	v1 =	vmax.bf16 v1, v6;
	v2 =	vmax.bf16 v2, v52;
	v56 =	vsub.bf16 v19, v50  }
0x1f9: {  	v3 =	vsub.bf16 v63, v3;
	v4 =	vmax.bf16 v5, v4;
	v57 =	vunpack.i.l.bf16.f32 v2  }
0x1fa: {  	v58 =	vsub.bf16 v13, v51;
	v2 =	vunpack.i.u.bf16.f32 v2;
	v4 =	vmax.bf16 v4, v56;
	[tilespmem:v55+s26+$0x0 ss:$0x1] =	vst.idx.msk $0xffff, v57  }
0x1fb: {  	v59 =	vsub.bf16 v27, v43;
	v0 =	vmax.bf16 v0, v3;
	[tilespmem:v55+s26+$0x1400 ss:$0x1] =	vst.idx.msk $0xffff, v2;
	v60 =	vunpack.i.l.bf16.f32 v4  }
0x1fc: {  	p0 =	sne.s32 s25, $0x3C0;
	v61 =	vsub.bf16 v53, v54;
	v0 =	vmax.bf16 v0, v58;
	v4 =	vunpack.i.u.bf16.f32 v4;
	[tilespmem:v55+s26+$0x2800 ss:$0x1] =	vst.idx.msk $0xffff, v60  }
.Ltmp0:
0x1fd: {  	v1 =	vmax.bf16 v1, v59;
	v62 =	vunpack.i.l.bf16.f32 v0;
	[tilespmem:v55+s26+$0x3C00 ss:$0x1] =	vst.idx.msk $0xffff, v4;
	(pc) =	sbr.rel @p0 .LBB2_4-.Ltmp0, $4  }
0x1fe: {  	v1 =	vmax.bf16 v1, v61;
	v0 =	vunpack.i.u.bf16.f32 v0;
	[tilespmem:v55+s26+$0x5000 ss:$0x1] =	vst.idx.msk $0xffff, v62  }
0x1ff: {  	v63 =	vunpack.i.l.bf16.f32 v1;
	[tilespmem:v55+s26+$0x6400 ss:$0x1] =	vst.idx.msk $0xffff, v0  }
0x200: {  	v1 =	vunpack.i.u.bf16.f32 v1;
	[tilespmem:v55+s26+$0x7800 ss:$0x1] =	vst.idx.msk $0xffff, v63  }
0x201: {  	s25 =	sadd.s32 $0x40, s25;
	[tilespmem:v55+s26+$0x8C00 ss:$0x1] =	vst.idx.msk $0xffff, v1  }
0x202: {  	p0 =	seq.s32 s23, $0x9  }
0x203: {  	s24 =	sadd.s32 @!p0 s5, s24  }
0x204: {  	s24 =	sshll.u32 @!p0 s24, $0xA  }
0x205: {  	s24 =	sand.u32 @!p0 $0x1FFFFC00, s24  }
0x206: {  	s24 =	sadd.s32 @!p0 s2, s24  }
0x207: {  	s26 =	simm.s32 @!p0 $0x0;
	s28 =	simm.s32 @!p0 $0x13C40;
	s25 =	sadd.s32 @!p0 $0x800, s24  }
0x208: {  	[tilespmem:s28], [sflag:$0x1] =	stream.linear.gather @!p0 [hbm4b:s25+s26], $0x2000, $0x38;
	[tilespmem:$0x1BC40] =	vst v63  }
0x209: {  	s24 =	sadd.s32 @!p0 $0xA800, s24;
	s25 =	simm.s32 @!p0 $0x15C40  }
0x20a: {  	[tilespmem:s25], [sflag:$0x1] =	stream.linear.gather @!p0 [hbm4b:s24+s26], $0x2000, $0x38;
	[tilespmem:$0x1BC40] =	vst v63  }
0x20b: {  	_ =	swait.ge [sflag:s17], $0x2000  }
0x20c: {  	[sflag:s17] =	ssyncset.done $0x0  }
0x20d: {  	[sflag:s17] =	ssyncadd.s32 $0xFFFFE000  }
0x20e: {  	_ =	swait.ge [sflag:s17], $0x2000  }
0x20f: {  	[sflag:s17] =	ssyncset.done $0x0  }
0x210: {  	s23 =	sadd.s32 $0x1, s23;
	s24 =	simm.s32 $0x0;
	[sflag:s17] =	ssyncadd.s32 $0xFFFFE000  }
.LBB2_6:
0x211: {  	s25 =	sshra.s32 s24, $0x2  }
0x212: {  	v0 =	vld [tilespmem:s25+$0x17C40]  }
0x213: {  	v1 =	vld [tilespmem:s25+$0x19C40]  }
0x214: {  	v6 =	vld [tilespmem:s25+$0x17D40]  }
0x215: {  	v7 =	vld [tilespmem:s25+$0x19D40]  }
0x216: {  	v40 =	vld [tilespmem:s25+$0x17E40]  }
0x217: {  	v42 =	vld [tilespmem:s25+$0x19E40]  }
0x218: {  	v48 =	vld [tilespmem:s25+$0x17F40]  }
0x219: {  	v49 =	vld [tilespmem:s25+$0x19F40]  }
0x21a: {  	v55 =	vld [tilespmem:s25+$0x18040]  }
0x21b: {  	v56 =	vld [tilespmem:s25+$0x1A040]  }
0x21c: {  	v62 =	vld [tilespmem:s25+$0x18140]  }
0x21d: {  	v63 =	vld [tilespmem:s25+$0x1A140]  }
0x21e: {  	v8 =	vld.idx.msk [tilespmem:v0+s3+$0x0], $0xffff  }
0x21f: {  	v9 =	vld.idx.msk [tilespmem:v1+s3+$0x0], $0xffff  }
0x220: {  	v16 =	vld.idx.msk [tilespmem:v6+s3+$0x0], $0xffff  }
0x221: {  	v21 =	vld.idx.msk [tilespmem:v7+s3+$0x0], $0xffff  }
0x222: {  	v20 =	vld.idx.msk [tilespmem:v40+s3+$0x0], $0xffff  }
0x223: {  	v2 =	vadd.s32 $0x2710, v0;
	v25 =	vld.idx.msk [tilespmem:v42+s3+$0x0], $0xffff  }
0x224: {  	v4 =	vadd.s32 $0x4E20, v0;
	v32 =	vld.idx.msk [tilespmem:v56+s3+$0x0], $0xffff  }
0x225: {  	v5 =	vadd.s32 $0x4E20, v1;
	v34 =	vld.idx.msk [tilespmem:v63+s3+$0x0], $0xffff  }
0x226: {  	v28 =	vadd.s32 $0x2710, v6;
	v30 =	vadd.s32 $0x4E20, v6;
	v41 =	vadd.s32 $0x7530, v6;
	v6 =	vld [tilespmem:s25+$0x1A240]  }
0x227: {  	v29 =	vadd.s32 $0x2710, v7;
	v31 =	vadd.s32 $0x4E20, v7;
	v43 =	vadd.s32 $0x7530, v7;
	v7 =	vld [tilespmem:s25+$0x1A340]  }
0x228: {  	v13 =	vld.idx.msk [tilespmem:v2+s3+$0x0], $0xffff  }
0x229: {  	v10 =	vld.idx.msk [tilespmem:v4+s3+$0x0], $0xffff  }
0x22a: {  	v11 =	vld.idx.msk [tilespmem:v5+s3+$0x0], $0xffff  }
0x22b: {  	v33 =	vld.idx.msk [tilespmem:v28+s3+$0x0], $0xffff  }
0x22c: {  	v44 =	vadd.s32 $0x2710, v40;
	v37 =	vld.idx.msk [tilespmem:v29+s3+$0x0], $0xffff  }
0x22d: {  	v45 =	vadd.s32 $0x2710, v42;
	v17 =	vld.idx.msk [tilespmem:v30+s3+$0x0], $0xffff  }
0x22e: {  	v46 =	vadd.s32 $0x4E20, v40;
	v18 =	vld.idx.msk [tilespmem:v31+s3+$0x0], $0xffff  }
0x22f: {  	v47 =	vadd.s32 $0x4E20, v42;
	v19 =	vld.idx.msk [tilespmem:v41+s3+$0x0], $0xffff  }
0x230: {  	v50 =	vadd.s32 $0x7530, v42;
	v22 =	vld.idx.msk [tilespmem:v43+s3+$0x0], $0xffff  }
0x231: {  	v35 =	vld.idx.msk [tilespmem:v44+s3+$0x0], $0xffff  }
0x232: {  	v4 =	vadd.s32 $0x7530, v40;
	v40 =	vld.idx.msk [tilespmem:v45+s3+$0x0], $0xffff  }
0x233: {  	v51 =	vadd.s32 $0x2710, v48;
	v23 =	vld.idx.msk [tilespmem:v46+s3+$0x0], $0xffff  }
0x234: {  	v52 =	vadd.s32 $0x2710, v49;
	v26 =	vld.idx.msk [tilespmem:v47+s3+$0x0], $0xffff  }
0x235: {  	v53 =	vadd.s32 $0x4E20, v48;
	v27 =	vld.idx.msk [tilespmem:v50+s3+$0x0], $0xffff  }
0x236: {  	v54 =	vadd.s32 $0x4E20, v49;
	v28 =	vld.idx.msk [tilespmem:v48+s3+$0x0], $0xffff  }
0x237: {  	v57 =	vadd.s32 $0x7530, v49;
	v31 =	vld.idx.msk [tilespmem:v49+s3+$0x0], $0xffff  }
0x238: {  	v38 =	vld.idx.msk [tilespmem:v51+s3+$0x0], $0xffff  }
0x239: {  	v58 =	vadd.s32 $0x2710, v55;
	v41 =	vld.idx.msk [tilespmem:v52+s3+$0x0], $0xffff  }
0x23a: {  	v59 =	vadd.s32 $0x2710, v56;
	v42 =	vld.idx.msk [tilespmem:v53+s3+$0x0], $0xffff  }
0x23b: {  	v60 =	vadd.s32 $0x4E20, v55;
	v45 =	vld.idx.msk [tilespmem:v54+s3+$0x0], $0xffff  }
0x23c: {  	v61 =	vadd.s32 $0x4E20, v56;
	v39 =	vld.idx.msk [tilespmem:v57+s3+$0x0], $0xffff  }
0x23d: {  	v29 =	vld.idx.msk [tilespmem:v55+s3+$0x0], $0xffff  }
0x23e: {  	v0 =	vadd.s32 $0x7530, v0;
	v43 =	vld.idx.msk [tilespmem:v58+s3+$0x0], $0xffff  }
0x23f: {  	v49 =	vld.idx.msk [tilespmem:v59+s3+$0x0], $0xffff  }
0x240: {  	v3 =	vadd.s32 $0x2710, v1;
	v1 =	vadd.s32 $0x7530, v1;
	v46 =	vld.idx.msk [tilespmem:v60+s3+$0x0], $0xffff  }
0x241: {  	v5 =	vadd.s32 $0x7530, v48;
	v50 =	vld.idx.msk [tilespmem:v61+s3+$0x0], $0xffff  }
0x242: {  	v30 =	vld.idx.msk [tilespmem:v62+s3+$0x0], $0xffff;
	v57 =	vadd.s32 $0x2710, v63  }
0x243: {  	v58 =	vadd.s32 $0x4E20, v62;
	v12 =	vld.idx.msk [tilespmem:v0+s3+$0x0], $0xffff  }
0x244: {  	v24 =	vld.idx.msk [tilespmem:v4+s3+$0x0], $0xffff;
	v4 =	vadd.s32 $0x7530, v55  }
0x245: {  	v14 =	vld.idx.msk [tilespmem:v1+s3+$0x0], $0xffff  }
0x246: {  	v59 =	vadd.s32 $0x4E20, v63;
	v36 =	vld.idx.msk [tilespmem:v5+s3+$0x0], $0xffff  }
0x247: {  	v44 =	vadd.s32 $0x7530, v63;
	v60 =	vld.idx.msk [tilespmem:v57+s3+$0x0], $0xffff  }
0x248: {  	v55 =	vadd.s32 $0x7530, v56;
	v48 =	vld.idx.msk [tilespmem:v58+s3+$0x0], $0xffff  }
0x249: {  	v56 =	vadd.s32 $0x2710, v62;
	v51 =	vld.idx.msk [tilespmem:v4+s3+$0x0], $0xffff  }
0x24a: {  	v5 =	vadd.s32 $0x7530, v62;
	v4 =	vld [tilespmem:s25+$0x18240]  }
0x24b: {  	v54 =	vld.idx.msk [tilespmem:v59+s3+$0x0], $0xffff  }
0x24c: {  	v62 =	vld.idx.msk [tilespmem:v44+s3+$0x0], $0xffff  }
0x24d: {  	v63 =	vadd.s32 $0x4E20, v6;
	v52 =	vld.idx.msk [tilespmem:v55+s3+$0x0], $0xffff  }
0x24e: {  	v47 =	vld.idx.msk [tilespmem:v56+s3+$0x0], $0xffff;
	v55 =	vadd.s32 $0x2710, v6  }
0x24f: {  	v56 =	vld.idx.msk [tilespmem:v5+s3+$0x0], $0xffff;
	v53 =	vadd.s32 $0x2710, v4  }
0x250: {  	v5 =	vld [tilespmem:s25+$0x18340];
	v61 =	vadd.s32 $0x4E20, v4  }
0x251: {  	v58 =	vld.idx.msk [tilespmem:v6+s3+$0x0], $0xffff  }
0x252: {  	v57 =	vld.idx.msk [tilespmem:v63+s3+$0x0], $0xffff;
	v63 =	vadd.s32 $0x2710, v7  }
0x253: {  	v1 =	vld.idx.msk [tilespmem:v55+s3+$0x0], $0xffff  }
0x254: {  	v0 =	vld.idx.msk [tilespmem:v53+s3+$0x0], $0xffff;
	v53 =	vadd.s32 $0x7530, v6  }
0x255: {  	v59 =	vadd.s32 $0x2710, v5;
	v55 =	vld.idx.msk [tilespmem:v61+s3+$0x0], $0xffff  }
0x256: {  	v44 =	vld.idx.msk [tilespmem:v4+s3+$0x0], $0xffff;
	v4 =	vadd.s32 $0x7530, v4  }
0x257: {  	v2 =	vld.idx.msk [tilespmem:v63+s3+$0x0], $0xffff  }
0x258: {  	[tilespmem:$0x1EFC0] =	vst v1;
	v6 =	vld.idx.msk [tilespmem:v5+s3+$0x0], $0xffff  }
0x259: {  	[tilespmem:$0x1EFB0] =	vst v0;
	v0 =	vld.idx.msk [tilespmem:v53+s3+$0x0], $0xffff;
	v53 =	vadd.s32 $0x4E20, v5  }
0x25a: {  	v1 =	vld.idx.msk [tilespmem:v59+s3+$0x0], $0xffff;
	[tilespmem:$0x1EFD0] =	vst v55;
	v55 =	vadd.s32 $0x4E20, v7  }
0x25b: {  	v61 =	vld.idx.msk [tilespmem:v4+s3+$0x0], $0xffff  }
0x25c: {  	v15 =	vld.idx.msk [tilespmem:v3+s3+$0x0], $0xffff;
	[tilespmem:$0x1EFE0] =	vst v57  }
0x25d: {  	[tilespmem:$0x1F040] =	vst v2;
	v59 =	vld.idx.msk [tilespmem:v7+s3+$0x0], $0xffff  }
0x25e: {  	[tilespmem:$0x1F010] =	vst v6;
	v3 =	vld.idx.msk [tilespmem:v53+s3+$0x0], $0xffff  }
0x25f: {  	[tilespmem:$0x1F030] =	vst v1;
	v1 =	vld.idx.msk [tilespmem:v55+s3+$0x0], $0xffff  }
0x260: {  	v57 =	vadd.s32 $0x7530, v5;
	[tilespmem:$0x1EFF0] =	vst v61  }
0x261: {  	v61 =	vadd.s32 $0x7530, v7;
	[tilespmem:$0x1F000] =	vst v0;
	v0 =	vld [tilespmem:s25+$0x18440]  }
0x262: {  	[tilespmem:$0x1F020] =	vst v59  }
0x263: {  	v5 =	vld [tilespmem:s25+$0x1A440];
	[tilespmem:$0x1F050] =	vst v3  }
0x264: {  	[tilespmem:$0x1F060] =	vst v1  }
0x265: {  	v1 =	vld.idx.msk [tilespmem:v57+s3+$0x0], $0xffff  }
0x266: {  	v63 =	vadd.s32 $0x2710, v0;
	v7 =	vld.idx.msk [tilespmem:v61+s3+$0x0], $0xffff  }
0x267: {  	v3 =	vld [tilespmem:s25+$0x18540]  }
0x268: {  	v13 =	vsub.bf16 v13, v15;
	v55 =	vadd.s32 $0x2710, v5;
	v6 =	vld [tilespmem:s25+$0x1A540]  }
0x269: {  	v15 =	vsub.bf16 v16, v21;
	v21 =	vsub.bf16 v12, v14;
	v57 =	vadd.s32 $0x4E20, v0;
	v12 =	vld [tilespmem:s25+$0x1B340]  }
0x26a: {  	v61 =	vld.idx.msk [tilespmem:v0+s3+$0x0], $0xffff;
	v0 =	vadd.s32 $0x7530, v0  }
0x26b: {  	v59 =	vadd.s32 $0x4E20, v5;
	v53 =	vld.idx.msk [tilespmem:v63+s3+$0x0], $0xffff  }
0x26c: {  	v63 =	vld.idx.msk [tilespmem:v5+s3+$0x0], $0xffff;
	v5 =	vadd.s32 $0x7530, v5  }
0x26d: {  	[tilespmem:$0x1F070] =	vst v1;
	v1 =	vld.idx.msk [tilespmem:v55+s3+$0x0], $0xffff  }
0x26e: {  	[tilespmem:$0x1F080] =	vst v7;
	v7 =	vld.idx.msk [tilespmem:v57+s3+$0x0], $0xffff;
	v57 =	vadd.s32 $0x2710, v6  }
0x26f: {  	v0 =	vld.idx.msk [tilespmem:v0+s3+$0x0], $0xffff  }
0x270: {  	v55 =	vld.idx.msk [tilespmem:v59+s3+$0x0], $0xffff;
	[tilespmem:$0x1F0B0] =	vst v53;
	v53 =	vadd.s32 $0x2710, v3  }
0x271: {  	v59 =	vld.idx.msk [tilespmem:v5+s3+$0x0], $0xffff  }
0x272: {  	[tilespmem:$0x1F090] =	vst v61;
	v5 =	vld [tilespmem:s25+$0x1A640]  }
0x273: {  	[tilespmem:$0x1F0A0] =	vst v63;
	v2 =	vld.idx.msk [tilespmem:v57+s3+$0x0], $0xffff  }
0x274: {  	v57 =	vadd.s32 $0x7530, v6;
	[tilespmem:$0x1F0F0] =	vst v0;
	v0 =	vld [tilespmem:s25+$0x18640]  }
0x275: {  	v61 =	vadd.s32 $0x4E20, v3;
	[tilespmem:$0x1F0C0] =	vst v1;
	v1 =	vld.idx.msk [tilespmem:v53+s3+$0x0], $0xffff  }
0x276: {  	v63 =	vadd.s32 $0x4E20, v6;
	[tilespmem:$0x1F0E0] =	vst v55;
	v55 =	vld.idx.msk [tilespmem:v6+s3+$0x0], $0xffff  }
0x277: {  	v53 =	vld.idx.msk [tilespmem:v3+s3+$0x0], $0xffff;
	v3 =	vadd.s32 $0x7530, v3  }
0x278: {  	[tilespmem:$0x1F0D0] =	vst v7;
	v6 =	vld [tilespmem:s25+$0x1A740]  }
0x279: {  	[tilespmem:$0x1F100] =	vst v59;
	v7 =	vld.idx.msk [tilespmem:v57+s3+$0x0], $0xffff;
	v59 =	vadd.s32 $0x2710, v0  }
0x27a: {  	[tilespmem:$0x1F130] =	vst v1;
	v1 =	vld.idx.msk [tilespmem:v61+s3+$0x0], $0xffff  }
0x27b: {  	v61 =	vld.idx.msk [tilespmem:v63+s3+$0x0], $0xffff  }
0x27c: {  	v57 =	vadd.s32 $0x4E20, v0;
	v63 =	vld.idx.msk [tilespmem:v3+s3+$0x0], $0xffff  }
0x27d: {  	[tilespmem:$0x1F120] =	vst v55;
	v3 =	vld [tilespmem:s25+$0x18740]  }
0x27e: {  	v55 =	vadd.s32 $0x2710, v5;
	[tilespmem:$0x1F110] =	vst v53;
	v53 =	vld.idx.msk [tilespmem:v59+s3+$0x0], $0xffff  }
0x27f: {  	v29 =	vsub.bf16 v29, v32;
	v32 =	vld [tilespmem:s25+$0x19440];
	[tilespmem:$0x1F180] =	vst v7;
	v59 =	vadd.s32 $0x4E20, v5  }
0x280: {  	[tilespmem:$0x1F160] =	vst v61;
	v61 =	vld.idx.msk [tilespmem:v0+s3+$0x0], $0xffff;
	v0 =	vadd.s32 $0x7530, v0  }
0x281: {  	v7 =	vld.idx.msk [tilespmem:v57+s3+$0x0], $0xffff;
	v57 =	vadd.s32 $0x2710, v6;
	[tilespmem:$0x1F150] =	vst v1  }
0x282: {  	[tilespmem:$0x1F170] =	vst v63;
	v63 =	vld.idx.msk [tilespmem:v5+s3+$0x0], $0xffff;
	v5 =	vadd.s32 $0x7530, v5  }
0x283: {  	v1 =	vld.idx.msk [tilespmem:v55+s3+$0x0], $0xffff;
	[tilespmem:$0x1F1B0] =	vst v53;
	v53 =	vadd.s32 $0x2710, v3  }
0x284: {  	v55 =	vld.idx.msk [tilespmem:v59+s3+$0x0], $0xffff  }
0x285: {  	v0 =	vld.idx.msk [tilespmem:v0+s3+$0x0], $0xffff  }
0x286: {  	[tilespmem:$0x1F140] =	vst v2;
	v2 =	vld.idx.msk [tilespmem:v57+s3+$0x0], $0xffff  }
0x287: {  	[tilespmem:$0x1F190] =	vst v61;
	v59 =	vld.idx.msk [tilespmem:v5+s3+$0x0], $0xffff  }
0x288: {  	[tilespmem:$0x1F1C0] =	vst v1;
	v61 =	vadd.s32 $0x4E20, v3;
	v1 =	vld.idx.msk [tilespmem:v53+s3+$0x0], $0xffff  }
0x289: {  	[tilespmem:$0x1F1A0] =	vst v63;
	v63 =	vadd.s32 $0x4E20, v6;
	v5 =	vld [tilespmem:s25+$0x1A840]  }
0x28a: {  	v57 =	vadd.s32 $0x7530, v6;
	[tilespmem:$0x1F1F0] =	vst v0;
	v0 =	vld [tilespmem:s25+$0x18840]  }
0x28b: {  	v53 =	vld.idx.msk [tilespmem:v3+s3+$0x0], $0xffff;
	v3 =	vadd.s32 $0x7530, v3  }
0x28c: {  	[tilespmem:$0x1F1E0] =	vst v55;
	v55 =	vld.idx.msk [tilespmem:v6+s3+$0x0], $0xffff  }
0x28d: {  	[tilespmem:$0x1F230] =	vst v1;
	v1 =	vld.idx.msk [tilespmem:v61+s3+$0x0], $0xffff  }
0x28e: {  	[tilespmem:$0x1F1D0] =	vst v7;
	v61 =	vld.idx.msk [tilespmem:v63+s3+$0x0], $0xffff  }
0x28f: {  	v7 =	vld.idx.msk [tilespmem:v57+s3+$0x0], $0xffff;
	[tilespmem:$0x1F200] =	vst v59;
	v59 =	vadd.s32 $0x2710, v0  }
0x290: {  	v63 =	vld.idx.msk [tilespmem:v3+s3+$0x0], $0xffff  }
0x291: {  	v6 =	vld [tilespmem:s25+$0x1A940];
	v57 =	vadd.s32 $0x4E20, v0  }
0x292: {  	[tilespmem:$0x1F220] =	vst v55;
	v55 =	vadd.s32 $0x2710, v5;
	v3 =	vld [tilespmem:s25+$0x18940]  }
0x293: {  	[tilespmem:$0x1F260] =	vst v61;
	v61 =	vld.idx.msk [tilespmem:v0+s3+$0x0], $0xffff;
	v0 =	vadd.s32 $0x7530, v0  }
0x294: {  	[tilespmem:$0x1F210] =	vst v53;
	v53 =	vld.idx.msk [tilespmem:v59+s3+$0x0], $0xffff;
	v59 =	vadd.s32 $0x4E20, v5  }
0x295: {  	[tilespmem:$0x1F270] =	vst v63;
	v63 =	vld.idx.msk [tilespmem:v5+s3+$0x0], $0xffff;
	v5 =	vadd.s32 $0x7530, v5  }
0x296: {  	[tilespmem:$0x1F280] =	vst v7;
	v7 =	vld.idx.msk [tilespmem:v57+s3+$0x0], $0xffff;
	v57 =	vadd.s32 $0x2710, v6  }
0x297: {  	[tilespmem:$0x1F250] =	vst v1;
	v1 =	vld.idx.msk [tilespmem:v55+s3+$0x0], $0xffff  }
0x298: {  	v0 =	vld.idx.msk [tilespmem:v0+s3+$0x0], $0xffff  }
0x299: {  	[tilespmem:$0x1F2B0] =	vst v53;
	v53 =	vadd.s32 $0x2710, v3;
	v55 =	vld.idx.msk [tilespmem:v59+s3+$0x0], $0xffff  }
0x29a: {  	v59 =	vld.idx.msk [tilespmem:v5+s3+$0x0], $0xffff  }
0x29b: {  	[tilespmem:$0x1F240] =	vst v2;
	v2 =	vld.idx.msk [tilespmem:v57+s3+$0x0], $0xffff  }
0x29c: {  	[tilespmem:$0x1F290] =	vst v61;
	v57 =	vadd.s32 $0x7530, v6;
	v5 =	vld [tilespmem:s25+$0x1AA40]  }
0x29d: {  	[tilespmem:$0x1F2F0] =	vst v0;
	v0 =	vld [tilespmem:s25+$0x18A40]  }
0x29e: {  	[tilespmem:$0x1F2C0] =	vst v1;
	v61 =	vadd.s32 $0x4E20, v3;
	v1 =	vld.idx.msk [tilespmem:v53+s3+$0x0], $0xffff  }
0x29f: {  	[tilespmem:$0x1F2A0] =	vst v63;
	v63 =	vadd.s32 $0x4E20, v6;
	v53 =	vld.idx.msk [tilespmem:v3+s3+$0x0], $0xffff  }
0x2a0: {  	[tilespmem:$0x1F2E0] =	vst v55;
	v3 =	vadd.s32 $0x7530, v3;
	v55 =	vld.idx.msk [tilespmem:v6+s3+$0x0], $0xffff  }
0x2a1: {  	[tilespmem:$0x1F2D0] =	vst v7;
	v7 =	vld.idx.msk [tilespmem:v57+s3+$0x0], $0xffff  }
0x2a2: {  	[tilespmem:$0x1F300] =	vst v59;
	v6 =	vld [tilespmem:s25+$0x1AB40];
	v59 =	vadd.s32 $0x2710, v0  }
0x2a3: {  	[tilespmem:$0x1F330] =	vst v1;
	v1 =	vld.idx.msk [tilespmem:v61+s3+$0x0], $0xffff  }
0x2a4: {  	v61 =	vld.idx.msk [tilespmem:v63+s3+$0x0], $0xffff  }
0x2a5: {  	v57 =	vadd.s32 $0x4E20, v0;
	v63 =	vld.idx.msk [tilespmem:v3+s3+$0x0], $0xffff  }
0x2a6: {  	[tilespmem:$0x1F310] =	vst v53;
	v3 =	vld [tilespmem:s25+$0x18B40]  }
0x2a7: {  	[tilespmem:$0x1F320] =	vst v55;
	v55 =	vadd.s32 $0x2710, v5;
	v53 =	vld.idx.msk [tilespmem:v59+s3+$0x0], $0xffff  }
0x2a8: {  	v62 =	vsub.bf16 v56, v62;
	v56 =	vld [tilespmem:$0x1F090];
	[tilespmem:$0x1F380] =	vst v7;
	v59 =	vadd.s32 $0x4E20, v5  }
0x2a9: {  	[tilespmem:$0x1F360] =	vst v61;
	v61 =	vld.idx.msk [tilespmem:v0+s3+$0x0], $0xffff;
	v0 =	vadd.s32 $0x7530, v0  }
0x2aa: {  	v7 =	vld.idx.msk [tilespmem:v57+s3+$0x0], $0xffff;
	v57 =	vadd.s32 $0x2710, v6;
	[tilespmem:$0x1F350] =	vst v1  }
0x2ab: {  	[tilespmem:$0x1F370] =	vst v63;
	v63 =	vld.idx.msk [tilespmem:v5+s3+$0x0], $0xffff;
	v5 =	vadd.s32 $0x7530, v5  }
0x2ac: {  	v1 =	vld.idx.msk [tilespmem:v55+s3+$0x0], $0xffff;
	[tilespmem:$0x1F3B0] =	vst v53;
	v53 =	vadd.s32 $0x2710, v3  }
0x2ad: {  	v55 =	vld.idx.msk [tilespmem:v59+s3+$0x0], $0xffff  }
0x2ae: {  	v0 =	vld.idx.msk [tilespmem:v0+s3+$0x0], $0xffff  }
0x2af: {  	[tilespmem:$0x1F340] =	vst v2;
	v2 =	vld.idx.msk [tilespmem:v57+s3+$0x0], $0xffff  }
0x2b0: {  	[tilespmem:$0x1F390] =	vst v61;
	v59 =	vld.idx.msk [tilespmem:v5+s3+$0x0], $0xffff  }
0x2b1: {  	[tilespmem:$0x1F3C0] =	vst v1;
	v61 =	vadd.s32 $0x4E20, v3;
	v1 =	vld.idx.msk [tilespmem:v53+s3+$0x0], $0xffff  }
0x2b2: {  	[tilespmem:$0x1F3A0] =	vst v63;
	v63 =	vadd.s32 $0x4E20, v6;
	v5 =	vld [tilespmem:s25+$0x1AC40]  }
0x2b3: {  	v57 =	vadd.s32 $0x7530, v6;
	[tilespmem:$0x1F3F0] =	vst v0;
	v0 =	vld [tilespmem:s25+$0x18C40]  }
0x2b4: {  	v53 =	vld.idx.msk [tilespmem:v3+s3+$0x0], $0xffff;
	v3 =	vadd.s32 $0x7530, v3  }
0x2b5: {  	[tilespmem:$0x1F3E0] =	vst v55;
	v55 =	vld.idx.msk [tilespmem:v6+s3+$0x0], $0xffff  }
0x2b6: {  	[tilespmem:$0x1F430] =	vst v1;
	v1 =	vld.idx.msk [tilespmem:v61+s3+$0x0], $0xffff  }
0x2b7: {  	[tilespmem:$0x1F3D0] =	vst v7;
	v61 =	vld.idx.msk [tilespmem:v63+s3+$0x0], $0xffff  }
0x2b8: {  	v7 =	vld.idx.msk [tilespmem:v57+s3+$0x0], $0xffff;
	[tilespmem:$0x1F400] =	vst v59;
	v59 =	vadd.s32 $0x2710, v0  }
0x2b9: {  	v63 =	vld.idx.msk [tilespmem:v3+s3+$0x0], $0xffff  }
0x2ba: {  	v6 =	vld [tilespmem:s25+$0x1AD40];
	v57 =	vadd.s32 $0x4E20, v0  }
0x2bb: {  	[tilespmem:$0x1F420] =	vst v55;
	v55 =	vadd.s32 $0x2710, v5;
	v3 =	vld [tilespmem:s25+$0x18D40]  }
0x2bc: {  	[tilespmem:$0x1F460] =	vst v61;
	v61 =	vld.idx.msk [tilespmem:v0+s3+$0x0], $0xffff;
	v0 =	vadd.s32 $0x7530, v0  }
0x2bd: {  	[tilespmem:$0x1F410] =	vst v53;
	v53 =	vld.idx.msk [tilespmem:v59+s3+$0x0], $0xffff;
	v59 =	vadd.s32 $0x4E20, v5  }
0x2be: {  	[tilespmem:$0x1F470] =	vst v63;
	v63 =	vld.idx.msk [tilespmem:v5+s3+$0x0], $0xffff;
	v5 =	vadd.s32 $0x7530, v5  }
0x2bf: {  	[tilespmem:$0x1F480] =	vst v7;
	v7 =	vld.idx.msk [tilespmem:v57+s3+$0x0], $0xffff;
	v57 =	vadd.s32 $0x2710, v6  }
0x2c0: {  	[tilespmem:$0x1F450] =	vst v1;
	v1 =	vld.idx.msk [tilespmem:v55+s3+$0x0], $0xffff  }
0x2c1: {  	v0 =	vld.idx.msk [tilespmem:v0+s3+$0x0], $0xffff  }
0x2c2: {  	[tilespmem:$0x1F4B0] =	vst v53;
	v53 =	vadd.s32 $0x2710, v3;
	v55 =	vld.idx.msk [tilespmem:v59+s3+$0x0], $0xffff  }
0x2c3: {  	v59 =	vld.idx.msk [tilespmem:v5+s3+$0x0], $0xffff  }
0x2c4: {  	[tilespmem:$0x1F440] =	vst v2;
	v2 =	vld.idx.msk [tilespmem:v57+s3+$0x0], $0xffff  }
0x2c5: {  	[tilespmem:$0x1F490] =	vst v61;
	v57 =	vadd.s32 $0x7530, v6;
	v5 =	vld [tilespmem:s25+$0x1AE40]  }
0x2c6: {  	[tilespmem:$0x1F4F0] =	vst v0;
	v0 =	vld [tilespmem:s25+$0x18E40]  }
0x2c7: {  	[tilespmem:$0x1F4C0] =	vst v1;
	v61 =	vadd.s32 $0x4E20, v3;
	v1 =	vld.idx.msk [tilespmem:v53+s3+$0x0], $0xffff  }
0x2c8: {  	[tilespmem:$0x1F4A0] =	vst v63;
	v63 =	vadd.s32 $0x4E20, v6;
	v53 =	vld.idx.msk [tilespmem:v3+s3+$0x0], $0xffff  }
0x2c9: {  	[tilespmem:$0x1F4E0] =	vst v55;
	v3 =	vadd.s32 $0x7530, v3;
	v55 =	vld.idx.msk [tilespmem:v6+s3+$0x0], $0xffff  }
0x2ca: {  	[tilespmem:$0x1F4D0] =	vst v7;
	v7 =	vld.idx.msk [tilespmem:v57+s3+$0x0], $0xffff  }
0x2cb: {  	[tilespmem:$0x1F500] =	vst v59;
	v6 =	vld [tilespmem:s25+$0x1AF40];
	v59 =	vadd.s32 $0x2710, v0  }
0x2cc: {  	[tilespmem:$0x1F530] =	vst v1;
	v1 =	vld.idx.msk [tilespmem:v61+s3+$0x0], $0xffff  }
0x2cd: {  	v61 =	vld.idx.msk [tilespmem:v63+s3+$0x0], $0xffff  }
0x2ce: {  	v57 =	vadd.s32 $0x4E20, v0;
	v63 =	vld.idx.msk [tilespmem:v3+s3+$0x0], $0xffff  }
0x2cf: {  	[tilespmem:$0x1F510] =	vst v53;
	v3 =	vld [tilespmem:s25+$0x18F40]  }
0x2d0: {  	[tilespmem:$0x1F520] =	vst v55;
	v55 =	vadd.s32 $0x2710, v5;
	v53 =	vld.idx.msk [tilespmem:v59+s3+$0x0], $0xffff  }
0x2d1: {  	v14 =	vld [tilespmem:$0x1F0E0];
	[tilespmem:$0x1F580] =	vst v7;
	v59 =	vadd.s32 $0x4E20, v5  }
0x2d2: {  	[tilespmem:$0x1F560] =	vst v61;
	v61 =	vld.idx.msk [tilespmem:v0+s3+$0x0], $0xffff;
	v0 =	vadd.s32 $0x7530, v0  }
0x2d3: {  	v7 =	vld.idx.msk [tilespmem:v57+s3+$0x0], $0xffff;
	v57 =	vadd.s32 $0x2710, v6;
	[tilespmem:$0x1F550] =	vst v1  }
0x2d4: {  	[tilespmem:$0x1F570] =	vst v63;
	v63 =	vld.idx.msk [tilespmem:v5+s3+$0x0], $0xffff;
	v5 =	vadd.s32 $0x7530, v5  }
0x2d5: {  	v1 =	vld.idx.msk [tilespmem:v55+s3+$0x0], $0xffff;
	[tilespmem:$0x1F5B0] =	vst v53;
	v53 =	vadd.s32 $0x2710, v3  }
0x2d6: {  	v55 =	vld.idx.msk [tilespmem:v59+s3+$0x0], $0xffff  }
0x2d7: {  	v0 =	vld.idx.msk [tilespmem:v0+s3+$0x0], $0xffff  }
0x2d8: {  	[tilespmem:$0x1F540] =	vst v2;
	v2 =	vld.idx.msk [tilespmem:v57+s3+$0x0], $0xffff  }
0x2d9: {  	[tilespmem:$0x1F590] =	vst v61;
	v59 =	vld.idx.msk [tilespmem:v5+s3+$0x0], $0xffff  }
0x2da: {  	[tilespmem:$0x1F5C0] =	vst v1;
	v61 =	vadd.s32 $0x4E20, v3;
	v1 =	vld.idx.msk [tilespmem:v53+s3+$0x0], $0xffff  }
0x2db: {  	[tilespmem:$0x1F5A0] =	vst v63;
	v63 =	vadd.s32 $0x4E20, v6;
	v5 =	vld [tilespmem:s25+$0x1B040]  }
0x2dc: {  	v57 =	vadd.s32 $0x7530, v6;
	[tilespmem:$0x1F5F0] =	vst v0;
	v0 =	vld [tilespmem:s25+$0x19040]  }
0x2dd: {  	v53 =	vld.idx.msk [tilespmem:v3+s3+$0x0], $0xffff;
	v3 =	vadd.s32 $0x7530, v3  }
0x2de: {  	[tilespmem:$0x1F5E0] =	vst v55;
	v55 =	vld.idx.msk [tilespmem:v6+s3+$0x0], $0xffff  }
0x2df: {  	[tilespmem:$0x1F630] =	vst v1;
	v1 =	vld.idx.msk [tilespmem:v61+s3+$0x0], $0xffff  }
0x2e0: {  	[tilespmem:$0x1F5D0] =	vst v7;
	v61 =	vld.idx.msk [tilespmem:v63+s3+$0x0], $0xffff  }
0x2e1: {  	v7 =	vld.idx.msk [tilespmem:v57+s3+$0x0], $0xffff;
	[tilespmem:$0x1F600] =	vst v59;
	v59 =	vadd.s32 $0x2710, v0  }
0x2e2: {  	v63 =	vld.idx.msk [tilespmem:v3+s3+$0x0], $0xffff  }
0x2e3: {  	v6 =	vld [tilespmem:s25+$0x1B140];
	v57 =	vadd.s32 $0x4E20, v0  }
0x2e4: {  	[tilespmem:$0x1F620] =	vst v55;
	v55 =	vadd.s32 $0x2710, v5;
	v3 =	vld [tilespmem:s25+$0x19140]  }
0x2e5: {  	[tilespmem:$0x1F660] =	vst v61;
	v61 =	vld.idx.msk [tilespmem:v0+s3+$0x0], $0xffff;
	v0 =	vadd.s32 $0x7530, v0  }
0x2e6: {  	[tilespmem:$0x1F610] =	vst v53;
	v53 =	vld.idx.msk [tilespmem:v59+s3+$0x0], $0xffff;
	v59 =	vadd.s32 $0x4E20, v5  }
0x2e7: {  	[tilespmem:$0x1F670] =	vst v63;
	v63 =	vld.idx.msk [tilespmem:v5+s3+$0x0], $0xffff;
	v5 =	vadd.s32 $0x7530, v5  }
0x2e8: {  	[tilespmem:$0x1F680] =	vst v7;
	v7 =	vld.idx.msk [tilespmem:v57+s3+$0x0], $0xffff;
	v57 =	vadd.s32 $0x2710, v6  }
0x2e9: {  	[tilespmem:$0x1F650] =	vst v1;
	v1 =	vld.idx.msk [tilespmem:v55+s3+$0x0], $0xffff  }
0x2ea: {  	v0 =	vld.idx.msk [tilespmem:v0+s3+$0x0], $0xffff  }
0x2eb: {  	v55 =	vld.idx.msk [tilespmem:v59+s3+$0x0], $0xffff  }
0x2ec: {  	[tilespmem:$0x1F6B0] =	vst v53;
	v53 =	vadd.s32 $0x2710, v3;
	v59 =	vld.idx.msk [tilespmem:v5+s3+$0x0], $0xffff  }
0x2ed: {  	[tilespmem:$0x1F640] =	vst v2;
	v2 =	vld.idx.msk [tilespmem:v57+s3+$0x0], $0xffff  }
0x2ee: {  	[tilespmem:$0x1F690] =	vst v61;
	v5 =	vld [tilespmem:s25+$0x1B240]  }
0x2ef: {  	[tilespmem:$0x1F6D0] =	vst v7;
	v57 =	vadd.s32 $0x7530, v6;
	v7 =	vld [tilespmem:s25+$0x19340]  }
0x2f0: {  	[tilespmem:$0x1F6F0] =	vst v0;
	v0 =	vld [tilespmem:s25+$0x19240]  }
0x2f1: {  	[tilespmem:$0x1F6C0] =	vst v1;
	v1 =	vld.idx.msk [tilespmem:v53+s3+$0x0], $0xffff  }
0x2f2: {  	[tilespmem:$0x1F6A0] =	vst v63;
	v61 =	vadd.s32 $0x4E20, v3;
	v53 =	vld.idx.msk [tilespmem:v3+s3+$0x0], $0xffff  }
0x2f3: {  	v16 =	vsub.bf16 v33, v37;
	v63 =	vadd.s32 $0x4E20, v6;
	[tilespmem:$0x1F6E0] =	vst v55;
	v55 =	vld.idx.msk [tilespmem:v6+s3+$0x0], $0xffff  }
0x2f4: {  	v3 =	vadd.s32 $0x7530, v3;
	v4 =	vld.idx.msk [tilespmem:v57+s3+$0x0], $0xffff  }
0x2f5: {  	[tilespmem:$0x1F740] =	vst v2;
	v2 =	vmax.bf16 v13, v16;
	v13 =	vld [tilespmem:$0x1F0D0]  }
0x2f6: {  	v16 =	vld.idx.msk [tilespmem:v5+s3+$0x0], $0xffff  }
0x2f7: {  	[tilespmem:$0x1F730] =	vst v1;
	v1 =	vld.idx.msk [tilespmem:v61+s3+$0x0], $0xffff  }
0x2f8: {  	[tilespmem:$0x1F700] =	vst v59;
	v61 =	vld.idx.msk [tilespmem:v63+s3+$0x0], $0xffff  }
0x2f9: {  	v59 =	vadd.s32 $0x2710, v0;
	[tilespmem:$0x1F710] =	vst v53;
	v3 =	vld.idx.msk [tilespmem:v3+s3+$0x0], $0xffff;
	v53 =	vsub.bf16 v17, v18;
	v18 =	vsub.bf16 v24, v27  }
0x2fa: {  	v24 =	vsub.bf16 v36, v39;
	v39 =	vsub.bf16 v30, v34;
	v30 =	vld [tilespmem:$0x1F040]  }
0x2fb: {  	[tilespmem:$0x1F720] =	vst v55;
	v55 =	vsub.bf16 v19, v22;
	v22 =	vsub.bf16 v42, v45;
	v45 =	vld [tilespmem:$0x1F050]  }
0x2fc: {  	v19 =	vsub.bf16 v28, v31;
	v31 =	vsub.bf16 v43, v49;
	v49 =	vld [tilespmem:$0x1F070]  }
0x2fd: {  	[tilespmem:$0x1F780] =	vst v4;
	v4 =	vsub.bf16 v10, v11;
	v11 =	vld [tilespmem:$0x1F210]  }
0x2fe: {  	v17 =	vsub.bf16 v23, v26;
	v23 =	vadd.s32 $0x2710, v12;
	v6 =	vld.idx.msk [tilespmem:v59+s3+$0x0], $0xffff  }
0x2ff: {  	v4 =	vmax.bf16 v4, v53;
	[tilespmem:$0x1F7A0] =	vst v16;
	v16 =	vld [tilespmem:$0x1F100]  }
0x300: {  	v63 =	vsub.bf16 v8, v9;
	v36 =	vadd.s32 $0x4E20, v7;
	v4 =	vmax.bf16 v4, v17;
	v17 =	vld [tilespmem:$0x1F110]  }
0x301: {  	v27 =	vmax.bf16 v4, v22;
	v22 =	vld [tilespmem:$0x1EFC0]  }
0x302: {  	[tilespmem:$0x1F750] =	vst v1;
	v1 =	vmax.bf16 v63, v15;
	v63 =	vld.idx.msk [tilespmem:v0+s3+$0x0], $0xffff  }
0x303: {  	v53 =	vld.idx.msk [tilespmem:v23+s3+$0x0], $0xffff  }
0x304: {  	[tilespmem:$0x1F760] =	vst v61;
	v61 =	vsub.bf16 v35, v40;
	v35 =	vsub.bf16 v51, v52;
	v52 =	vld.idx.msk [tilespmem:v7+s3+$0x0], $0xffff  }
0x305: {  	v40 =	vsub.bf16 v47, v60;
	v60 =	vsub.bf16 v48, v54;
	v48 =	vld.idx.msk [tilespmem:v36+s3+$0x0], $0xffff  }
0x306: {  	v33 =	vadd.s32 $0x2710, v5;
	v57 =	vadd.s32 $0x4E20, v5;
	v5 =	vadd.s32 $0x7530, v5;
	v23 =	vld [tilespmem:$0x1EFD0]  }
0x307: {  	v37 =	vadd.s32 $0x4E20, v0;
	v36 =	vld [tilespmem:s25+$0x19540]  }
0x308: {  	v8 =	vmax.bf16 v21, v55;
	v21 =	vsub.bf16 v38, v41;
	v38 =	vadd.s32 $0x7530, v7;
	v47 =	vld [tilespmem:$0x1F060]  }
0x309: {  	v59 =	vsub.bf16 v20, v25;
	v51 =	vld [tilespmem:$0x1F080]  }
0x30a: {  	v15 =	vld [tilespmem:$0x1F0F0]  }
0x30b: {  	v1 =	vmax.bf16 v1, v59;
	v59 =	vld.idx.msk [tilespmem:v5+s3+$0x0], $0xffff  }
0x30c: {  	v20 =	vadd.s32 $0x2710, v7;
	v2 =	vmax.bf16 v2, v61;
	v61 =	vld.idx.msk [tilespmem:v37+s3+$0x0], $0xffff  }
0x30d: {  	v25 =	vmax.bf16 v1, v19;
	v19 =	vsub.bf16 v44, v58;
	v44 =	vld.idx.msk [tilespmem:v38+s3+$0x0], $0xffff  }
0x30e: {  	v58 =	vld [tilespmem:$0x1F0A0]  }
0x30f: {  	v38 =	vld.idx.msk [tilespmem:v32+s3+$0x0], $0xffff  }
0x310: {  	v0 =	vadd.s32 $0x7530, v0;
	[tilespmem:$0x1F7B0] =	vst v6;
	v6 =	vld.idx.msk [tilespmem:v33+s3+$0x0], $0xffff  }
0x311: {  	v55 =	vld.idx.msk [tilespmem:v20+s3+$0x0], $0xffff  }
0x312: {  	v33 =	vsub.bf16 v46, v50;
	v50 =	vld.idx.msk [tilespmem:v12+s3+$0x0], $0xffff  }
0x313: {  	v41 =	vadd.s32 $0x7530, v12;
	v26 =	vmax.bf16 v2, v21;
	v21 =	vld [tilespmem:$0x1EFB0]  }
0x314: {  	v1 =	vmax.bf16 v26, v31;
	v26 =	vld [tilespmem:$0x1F000]  }
0x315: {  	v0 =	vld.idx.msk [tilespmem:v0+s3+$0x0], $0xffff  }
0x316: {  	v37 =	vadd.s32 $0x4E20, v12;
	[tilespmem:$0x1F790] =	vst v63;
	v63 =	vld [tilespmem:s25+$0x1B440]  }
0x317: {  	v43 =	vadd.s32 $0x4E20, v32;
	v2 =	vmax.bf16 v27, v33;
	v27 =	vld [tilespmem:$0x1F010]  }
0x318: {  	v1 =	vmax.bf16 v1, v40;
	v40 =	vld.idx.msk [tilespmem:v41+s3+$0x0], $0xffff  }
0x319: {  	v41 =	vld [tilespmem:s25+$0x19640]  }
0x31a: {  	v2 =	vmax.bf16 v2, v60;
	v60 =	vld [tilespmem:$0x1F0B0]  }
0x31b: {  	v46 =	vld.idx.msk [tilespmem:v37+s3+$0x0], $0xffff  }
0x31c: {  	v37 =	vld.idx.msk [tilespmem:v43+s3+$0x0], $0xffff  }
0x31d: {  	v43 =	vld [tilespmem:$0x1F190]  }
0x31e: {  	v9 =	vsub.bf16 v56, v58;
	v56 =	vld [tilespmem:$0x1F1D0]  }
0x31f: {  	v58 =	vld [tilespmem:$0x1F1E0]  }
0x320: {  	[tilespmem:$0x1F7C0] =	vst v6;
	v6 =	vmax.bf16 v8, v18;
	v18 =	vadd.s32 $0x2710, v32;
	v8 =	vadd.s32 $0x7530, v32;
	v32 =	vld [tilespmem:$0x1F180]  }
0x321: {  	v28 =	vmax.bf16 v6, v24;
	v24 =	vld [tilespmem:$0x1EFE0]  }
0x322: {  	[tilespmem:$0x1F7D0] =	vst v0;
	v0 =	vmax.bf16 v25, v29;
	v25 =	vld [tilespmem:$0x1EFF0]  }
0x323: {  	v4 =	vmax.bf16 v28, v35;
	v28 =	vld [tilespmem:$0x1F020]  }
0x324: {  	v29 =	vld [tilespmem:$0x1F030]  }
0x325: {  	v0 =	vmax.bf16 v0, v39;
	v39 =	vld [tilespmem:s25+$0x1B540]  }
0x326: {  	v20 =	vmax.bf16 v4, v62;
	v62 =	vld [tilespmem:$0x1F0C0]  }
0x327: {  	v4 =	vsub.bf16 v21, v22;
	v21 =	vld [tilespmem:$0x1F130]  }
0x328: {  	v31 =	vadd.s32 $0x2710, v63;
	v22 =	vld [tilespmem:$0x1F140]  }
0x329: {  	v42 =	vld.idx.msk [tilespmem:v18+s3+$0x0], $0xffff  }
0x32a: {  	v54 =	vadd.s32 $0x4E20, v63;
	v35 =	vld.idx.msk [tilespmem:v63+s3+$0x0], $0xffff  }
0x32b: {  	v18 =	vld [tilespmem:$0x1F120]  }
0x32c: {  	v5 =	vsub.bf16 v23, v24;
	v24 =	vld [tilespmem:$0x1F150]  }
0x32d: {  	v34 =	vld.idx.msk [tilespmem:v31+s3+$0x0], $0xffff  }
0x32e: {  	v7 =	vsub.bf16 v25, v26;
	v25 =	vld [tilespmem:$0x1F160]  }
0x32f: {  	v33 =	vld.idx.msk [tilespmem:v54+s3+$0x0], $0xffff  }
0x330: {  	v31 =	vld [tilespmem:$0x1F170]  }
0x331: {  	v1 =	vmax.bf16 v1, v4;
	v4 =	vsub.bf16 v27, v28;
	v28 =	vld.idx.msk [tilespmem:v36+s3+$0x0], $0xffff  }
0x332: {  	v12 =	vsub.bf16 v60, v62;
	v62 =	vld [tilespmem:$0x1F1F0]  }
0x333: {  	v6 =	vsub.bf16 v29, v30;
	v23 =	vsub.bf16 v21, v22;
	v21 =	vld [tilespmem:$0x1F280]  }
0x334: {  	v60 =	vsub.bf16 v56, v58;
	v56 =	vld.idx.msk [tilespmem:v41+s3+$0x0], $0xffff  }
0x335: {  	v1 =	vmax.bf16 v1, v6;
	v6 =	vsub.bf16 v45, v47;
	v47 =	vld [tilespmem:$0x1F1A0]  }
0x336: {  	[tilespmem:$0x1F770] =	vst v3;
	v3 =	vmax.bf16 v20, v7;
	v7 =	vsub.bf16 v49, v51;
	v49 =	vld [tilespmem:$0x1F1B0]  }
0x337: {  	v0 =	vmax.bf16 v0, v19;
	v51 =	vld [tilespmem:$0x1F1C0]  }
0x338: {  	v0 =	vmax.bf16 v0, v4;
	v4 =	vld [tilespmem:$0x1F2F0]  }
0x339: {  	v1 =	vmax.bf16 v1, v12;
	v12 =	vld [tilespmem:$0x1F220]  }
0x33a: {  	v63 =	vadd.s32 $0x7530, v63;
	v19 =	vsub.bf16 v17, v18;
	v17 =	vld [tilespmem:$0x1F250]  }
0x33b: {  	v2 =	vmax.bf16 v2, v5;
	v18 =	vld [tilespmem:$0x1F260]  }
0x33c: {  	v5 =	vsub.bf16 v15, v16;
	v3 =	vmax.bf16 v3, v7;
	v7 =	vsub.bf16 v13, v14;
	v13 =	vld [tilespmem:$0x1F230]  }
0x33d: {  	v27 =	vadd.s32 $0x2710, v39;
	v14 =	vld [tilespmem:$0x1F240]  }
0x33e: {  	v20 =	vadd.s32 $0x2710, v36;
	v3 =	vmax.bf16 v3, v5;
	v5 =	vsub.bf16 v31, v32;
	v32 =	vld.idx.msk [tilespmem:v8+s3+$0x0], $0xffff  }
0x33f: {  	v31 =	vld.idx.msk [tilespmem:v63+s3+$0x0], $0xffff  }
0x340: {  	v63 =	vld [tilespmem:$0x1F200]  }
0x341: {  	v26 =	vsub.bf16 v24, v25;
	v24 =	vld [tilespmem:$0x1F2D0]  }
0x342: {  	v2 =	vmax.bf16 v2, v6;
	v29 =	vld.idx.msk [tilespmem:v27+s3+$0x0], $0xffff  }
0x343: {  	v0 =	vmax.bf16 v0, v9;
	v9 =	vadd.s32 $0x4E20, v39;
	v2 =	vmax.bf16 v2, v7;
	v30 =	vld.idx.msk [tilespmem:v20+s3+$0x0], $0xffff  }
0x344: {  	v2 =	vmax.bf16 v2, v26;
	v26 =	vld.idx.msk [tilespmem:v39+s3+$0x0], $0xffff  }
0x345: {  	v20 =	vld [tilespmem:$0x1F270]  }
0x346: {  	v3 =	vmax.bf16 v3, v5;
	v5 =	vsub.bf16 v43, v47;
	v43 =	vmax.bf16 v2, v60;
	v60 =	vld [tilespmem:s25+$0x1B640]  }
0x347: {  	v0 =	vmax.bf16 v0, v19;
	v19 =	vsub.bf16 v17, v18;
	v17 =	vld [tilespmem:$0x1F2C0]  }
0x348: {  	v8 =	vadd.s32 $0x4E20, v36;
	v25 =	vld.idx.msk [tilespmem:v9+s3+$0x0], $0xffff  }
0x349: {  	v54 =	vsub.bf16 v49, v51;
	v9 =	vld [tilespmem:$0x1F320]  }
0x34a: {  	v1 =	vmax.bf16 v1, v23;
	v16 =	vsub.bf16 v13, v14;
	v13 =	vld [tilespmem:$0x1F2A0]  }
0x34b: {  	v1 =	vmax.bf16 v1, v54;
	v54 =	vld [tilespmem:$0x1F2E0]  }
0x34c: {  	v0 =	vmax.bf16 v0, v5;
	v5 =	vld [tilespmem:$0x1F300]  }
0x34d: {  	v27 =	vld.idx.msk [tilespmem:v8+s3+$0x0], $0xffff  }
0x34e: {  	v8 =	vld [tilespmem:$0x1F310]  }
0x34f: {  	v39 =	vadd.s32 $0x7530, v39;
	v7 =	vsub.bf16 v62, v63;
	v63 =	vld [tilespmem:$0x1F390]  }
0x350: {  	v47 =	vmax.bf16 v1, v16;
	v16 =	vld [tilespmem:$0x1F2B0]  }
0x351: {  	v1 =	vld [tilespmem:s25+$0x1B740]  }
0x352: {  	v49 =	vadd.s32 $0x4E20, v41;
	v10 =	vmax.bf16 v3, v7;
	v3 =	vsub.bf16 v11, v12;
	v12 =	vld [tilespmem:$0x1F290]  }
0x353: {  	v36 =	vadd.s32 $0x7530, v36;
	v11 =	vld [tilespmem:$0x1F330]  }
0x354: {  	v62 =	vld.idx.msk [tilespmem:v39+s3+$0x0], $0xffff  }
0x355: {  	v22 =	vsub.bf16 v20, v21;
	v20 =	vld [tilespmem:$0x1F370]  }
0x356: {  	v21 =	vld [tilespmem:$0x1F380]  }
0x357: {  	v51 =	vld.idx.msk [tilespmem:v49+s3+$0x0], $0xffff  }
0x358: {  	v58 =	vsub.bf16 v24, v54;
	v24 =	vld.idx.msk [tilespmem:v36+s3+$0x0], $0xffff  }
0x359: {  	v45 =	vmax.bf16 v10, v22;
	v10 =	vsub.bf16 v8, v9;
	v8 =	vld [tilespmem:$0x1F3B0]  }
0x35a: {  	v9 =	vld [tilespmem:$0x1F3C0]  }
0x35b: {  	v18 =	vsub.bf16 v16, v17;
	v17 =	vld [tilespmem:$0x1F350]  }
0x35c: {  	v14 =	vsub.bf16 v12, v13;
	v12 =	vld [tilespmem:$0x1F340]  }
0x35d: {  	v22 =	vsub.bf16 v20, v21;
	v20 =	vld [tilespmem:$0x1F440]  }
0x35e: {  	v21 =	vld [tilespmem:$0x1F450]  }
0x35f: {  	v0 =	vmax.bf16 v0, v3;
	v6 =	vsub.bf16 v4, v5;
	v7 =	vmax.bf16 v47, v18;
	v18 =	vld [tilespmem:$0x1F360]  }
0x360: {  	v43 =	vmax.bf16 v43, v19;
	v16 =	vadd.s32 $0x2710, v60;
	v19 =	vmax.bf16 v0, v14;
	v0 =	vld [tilespmem:s25+$0x19740]  }
0x361: {  	v15 =	vmax.bf16 v45, v6;
	v14 =	vmax.bf16 v43, v58;
	v58 =	vld.idx.msk [tilespmem:v60+s3+$0x0], $0xffff  }
0x362: {  	v43 =	vmax.bf16 v15, v22;
	v22 =	vld [tilespmem:$0x1F460]  }
0x363: {  	v47 =	vmax.bf16 v19, v10;
	v10 =	vld [tilespmem:$0x1F3D0]  }
0x364: {  	v3 =	vsub.bf16 v8, v9;
	v8 =	vld [tilespmem:$0x1F510]  }
0x365: {  	v54 =	vld.idx.msk [tilespmem:v16+s3+$0x0], $0xffff  }
0x366: {  	v16 =	vld [tilespmem:$0x1F410]  }
0x367: {  	v13 =	vsub.bf16 v11, v12;
	v11 =	vld [tilespmem:$0x1F3E0]  }
0x368: {  	v6 =	vadd.s32 $0x4E20, v60;
	v19 =	vsub.bf16 v17, v18;
	v17 =	vld [tilespmem:$0x1F420]  }
0x369: {  	v36 =	vmax.bf16 v7, v13;
	v7 =	vld [tilespmem:$0x1F3A0]  }
0x36a: {  	v13 =	vld [tilespmem:$0x1F3F0]  }
0x36b: {  	v39 =	vmax.bf16 v14, v19;
	v14 =	vld [tilespmem:$0x1F400]  }
0x36c: {  	v19 =	vld [tilespmem:$0x1F430]  }
0x36d: {  	v5 =	vmax.bf16 v36, v3;
	v3 =	vsub.bf16 v21, v22;
	v22 =	vld.idx.msk [tilespmem:v6+s3+$0x0], $0xffff  }
0x36e: {  	v6 =	vadd.s32 $0x2710, v1;
	v12 =	vsub.bf16 v10, v11;
	v11 =	vld [tilespmem:$0x1F490]  }
0x36f: {  	v60 =	vadd.s32 $0x7530, v60;
	v18 =	vsub.bf16 v16, v17;
	v17 =	vld [tilespmem:$0x1F4D0]  }
0x370: {  	v2 =	vsub.bf16 v63, v7;
	v63 =	vld [tilespmem:$0x1F480]  }
0x371: {  	v36 =	vmax.bf16 v39, v12;
	v12 =	vld [tilespmem:$0x1F4A0]  }
0x372: {  	v15 =	vsub.bf16 v13, v14;
	v14 =	vld [tilespmem:$0x1F4B0]  }
0x373: {  	v21 =	vld.idx.msk [tilespmem:v6+s3+$0x0], $0xffff  }
0x374: {  	v4 =	vmax.bf16 v47, v2;
	v2 =	vsub.bf16 v19, v20;
	v20 =	vld.idx.msk [tilespmem:v60+s3+$0x0], $0xffff  }
0x375: {  	v23 =	vadd.s32 $0x2710, v41;
	v41 =	vadd.s32 $0x7530, v41;
	v45 =	vmax.bf16 v43, v15;
	v43 =	vld [tilespmem:$0x1F470]  }
0x376: {  	v60 =	vld [tilespmem:s25+$0x19840]  }
0x377: {  	v15 =	vld [tilespmem:$0x1F4C0]  }
0x378: {  	v4 =	vmax.bf16 v4, v18;
	v18 =	vld [tilespmem:$0x1F4E0]  }
0x379: {  	v13 =	vsub.bf16 v11, v12;
	v12 =	vld [tilespmem:$0x1F520]  }
0x37a: {  	v10 =	vsub.bf16 v43, v63;
	v43 =	vld.idx.msk [tilespmem:v41+s3+$0x0], $0xffff  }
0x37b: {  	v63 =	vld [tilespmem:$0x1F500]  }
0x37c: {  	v41 =	vld.idx.msk [tilespmem:v0+s3+$0x0], $0xffff  }
0x37d: {  	v19 =	vsub.bf16 v17, v18;
	v17 =	vld [tilespmem:$0x1F540]  }
0x37e: {  	v18 =	vld [tilespmem:$0x1F550]  }
0x37f: {  	v16 =	vsub.bf16 v14, v15;
	v14 =	vld [tilespmem:$0x1F570]  }
0x380: {  	v15 =	vld [tilespmem:$0x1F580]  }
0x381: {  	v49 =	vadd.s32 $0x2710, v0;
	v9 =	vadd.s32 $0x7530, v0;
	v11 =	vadd.s32 $0x4E20, v0;
	v0 =	vld [tilespmem:s25+$0x1B840]  }
0x382: {  	v3 =	vmax.bf16 v36, v3;
	v5 =	vmax.bf16 v5, v2;
	v36 =	vmax.bf16 v45, v10;
	v45 =	vld [tilespmem:$0x1F4F0]  }
0x383: {  	v7 =	vmax.bf16 v5, v16;
	v16 =	vld [tilespmem:$0x1F530]  }
0x384: {  	v39 =	vmax.bf16 v4, v13;
	v5 =	vmax.bf16 v3, v19;
	v13 =	vsub.bf16 v8, v12;
	v19 =	vld [tilespmem:$0x1F560]  }
0x385: {  	v12 =	vld [tilespmem:$0x1F5F0]  }
0x386: {  	v39 =	vmax.bf16 v39, v13;
	v13 =	vld [tilespmem:$0x1F600]  }
0x387: {  	v3 =	vsub.bf16 v14, v15;
	v14 =	vld [tilespmem:$0x1F610]  }
0x388: {  	v15 =	vld [tilespmem:$0x1F620]  }
0x389: {  	v4 =	vsub.bf16 v16, v17;
	v16 =	vld [tilespmem:$0x1F590]  }
0x38a: {  	v2 =	vsub.bf16 v45, v63;
	v63 =	vsub.bf16 v18, v19;
	v18 =	vld [tilespmem:$0x1F5B0]  }
0x38b: {  	v19 =	vld [tilespmem:$0x1F5C0]  }
0x38c: {  	v17 =	vld [tilespmem:$0x1F5A0]  }
0x38d: {  	v10 =	vadd.s32 $0x4E20, v1;
	v45 =	vmax.bf16 v36, v2;
	v36 =	vld.idx.msk [tilespmem:v1+s3+$0x0], $0xffff  }
0x38e: {  	v2 =	vmax.bf16 v5, v63;
	v63 =	vld [tilespmem:$0x1F5D0]  }
0x38f: {  	v8 =	vadd.s32 $0x7530, v1;
	v3 =	vmax.bf16 v45, v3;
	v45 =	vld [tilespmem:$0x1F650]  }
0x390: {  	v1 =	vsub.bf16 v18, v19;
	v19 =	vld.idx.msk [tilespmem:v11+s3+$0x0], $0xffff  }
0x391: {  	v11 =	vld [tilespmem:$0x1F5E0]  }
0x392: {  	v47 =	vsub.bf16 v16, v17;
	v17 =	vld.idx.msk [tilespmem:v10+s3+$0x0], $0xffff  }
0x393: {  	v16 =	vld.idx.msk [tilespmem:v9+s3+$0x0], $0xffff  }
0x394: {  	v9 =	vsub.bf16 v14, v15;
	v14 =	vld.idx.msk [tilespmem:v8+s3+$0x0], $0xffff  }
0x395: {  	v18 =	vld [tilespmem:$0x1F630]  }
0x396: {  	v6 =	vadd.s32 $0x2710, v60;
	v10 =	vmax.bf16 v39, v47;
	v39 =	vld [tilespmem:$0x1F640]  }
0x397: {  	v47 =	vld [tilespmem:$0x1F660];
	v5 =	vsub.bf16 v63, v11  }
0x398: {  	v4 =	vmax.bf16 v7, v4;
	v7 =	vmax.bf16 v10, v9;
	v9 =	vld [tilespmem:$0x1F690]  }
0x399: {  	v2 =	vmax.bf16 v2, v5;
	v5 =	vsub.bf16 v12, v13;
	v13 =	vld [tilespmem:$0x1F6A0]  }
0x39a: {  	v8 =	vld [tilespmem:$0x1F680]  }
0x39b: {  	v39 =	vsub.bf16 v18, v39;
	v18 =	vld.idx.msk [tilespmem:v6+s3+$0x0], $0xffff  }
0x39c: {  	v6 =	vmax.bf16 v3, v5;
	v5 =	vld [tilespmem:$0x1F670];
	_ =	sdelay $0x1  }
0x39d: {  	v63 =	vsub.bf16 v45, v47;
	v3 =	vsub.bf16 v9, v13;
	v9 =	vld [tilespmem:$0x1F6D0]  }
0x39e: {  	v13 =	vld [tilespmem:$0x1F6E0]  }
0x39f: {  	v11 =	vmax.bf16 v2, v63;
	v63 =	vld [tilespmem:$0x1F6B0]  }
0x3a0: {  	v2 =	vsub.bf16 v5, v8;
	v8 =	vld [tilespmem:$0x1F6C0];
	_ =	sdelay $0x2  }
0x3a1: {  	v1 =	vmax.bf16 v4, v1;
	v47 =	vadd.s32 $0x2710, v0;
	v5 =	vsub.bf16 v9, v13;
	v13 =	vld.idx.msk [tilespmem:v0+s3+$0x0], $0xffff  }
0x3a2: {  	v12 =	vmax.bf16 v1, v39;
	v39 =	vadd.s32 $0x4E20, v0;
	v9 =	vadd.s32 $0x7530, v0;
	v0 =	vld [tilespmem:$0x1F6F0]  }
0x3a3: {  	v8 =	vsub.bf16 v63, v8;
	v63 =	vld [tilespmem:$0x1F700];
	_ =	sdelay $0x4  }
0x3a4: {  	v2 =	vmax.bf16 v6, v2;
	v6 =	vsub.bf16 v0, v63;
	v0 =	vld [tilespmem:$0x1F710]  }
0x3a5: {  	v63 =	vld [tilespmem:$0x1F720];
	_ =	sdelay $0x3  }
0x3a6: {  	v57 =	vld.idx.msk [tilespmem:v57+s3+$0x0], $0xffff  }
0x3a7: {  	v4 =	vsub.bf16 v0, v63;
	v0 =	vld [tilespmem:$0x1F730]  }
0x3a8: {  	v63 =	vld [tilespmem:$0x1F740]  }
0x3a9: {  	v23 =	vld.idx.msk [tilespmem:v23+s3+$0x0], $0xffff  }
0x3aa: {  	v49 =	vld.idx.msk [tilespmem:v49+s3+$0x0], $0xffff;
	v10 =	vadd.s32 $0x4E20, v60  }
0x3ab: {  	v15 =	vld.idx.msk [tilespmem:v60+s3+$0x0], $0xffff  }
0x3ac: {  	v45 =	vld [tilespmem:s25+$0x19940]  }
0x3ad: {  	v3 =	vmax.bf16 v7, v3;
	v7 =	vsub.bf16 v0, v63;
	v0 =	vld [tilespmem:$0x1F750]  }
0x3ae: {  	v63 =	vld [tilespmem:$0x1F760]  }
0x3af: {  	v10 =	vld.idx.msk [tilespmem:v10+s3+$0x0], $0xffff  }
0x3b0: {  	v60 =	vadd.s32 $0x7530, v60;
	v1 =	vld [tilespmem:s25+$0x1B940]  }
0x3b1: {  	v8 =	vmax.bf16 v12, v8;
	v12 =	vld [tilespmem:$0x1F780]  }
0x3b2: {  	v2 =	vmax.bf16 v2, v6;
	v6 =	vld.idx.msk [tilespmem:v39+s3+$0x0], $0xffff  }
0x3b3: {  	v39 =	vld [tilespmem:$0x1F790];
	v0 =	vsub.bf16 v0, v63  }
0x3b4: {  	v5 =	vmax.bf16 v11, v5;
	v11 =	vadd.s32 $0x2710, v45;
	v63 =	vld [tilespmem:$0x1F770]  }
0x3b5: {  	v0 =	vmax.bf16 v5, v0;
	v5 =	vld.idx.msk [tilespmem:v60+s3+$0x0], $0xffff  }
0x3b6: {  	v60 =	vld [tilespmem:$0x1F7A0]  }
0x3b7: {  	v47 =	vld.idx.msk [tilespmem:v47+s3+$0x0], $0xffff  }
0x3b8: {  	v9 =	vld.idx.msk [tilespmem:v9+s3+$0x0], $0xffff  }
0x3b9: {  	v11 =	vld.idx.msk [tilespmem:v11+s3+$0x0], $0xffff  }
0x3ba: {  	v3 =	vmax.bf16 v3, v4;
	v4 =	vmax.bf16 v8, v7;
	v7 =	vsub.bf16 v63, v12;
	v63 =	vld [tilespmem:$0x1F7B0]  }
0x3bb: {  	v8 =	vsub.bf16 v39, v60;
	v60 =	vld [tilespmem:$0x1F7C0]  }
0x3bc: {  	v46 =	vsub.bf16 v48, v46;
	v39 =	vsub.bf16 v61, v57;
	v57 =	vld.idx.msk [tilespmem:v45+s3+$0x0], $0xffff  }
0x3bd: {  	v2 =	vmax.bf16 v2, v7;
	v7 =	vld.idx.msk [tilespmem:v1+s3+$0x0], $0xffff;
	v3 =	vmax.bf16 v3, v8;
	v8 =	vadd.s32 $0x4E20, v45  }
0x3be: {  	v50 =	vsub.bf16 v52, v50;
	v0 =	vmax.bf16 v0, v39;
	v39 =	vld [tilespmem:s25+$0x19A40];
	v45 =	vadd.s32 $0x7530, v45  }
0x3bf: {  	v53 =	vsub.bf16 v55, v53;
	v40 =	vsub.bf16 v44, v40;
	v0 =	vmax.bf16 v0, v46;
	v46 =	vld [tilespmem:s25+$0x19B40]  }
0x3c0: {  	v35 =	vsub.bf16 v38, v35;
	v61 =	vld [tilespmem:$0x1F7D0];
	v12 =	vsub.bf16 v63, v60;
	v60 =	vadd.s32 $0x2710, v1  }
0x3c1: {  	v34 =	vsub.bf16 v42, v34;
	v33 =	vsub.bf16 v37, v33;
	v63 =	vld [tilespmem:s25+$0x1BA40]  }
0x3c2: {  	v31 =	vsub.bf16 v32, v31;
	v26 =	vsub.bf16 v28, v26;
	v8 =	vld.idx.msk [tilespmem:v8+s3+$0x0], $0xffff  }
0x3c3: {  	v37 =	vsub.bf16 v30, v29;
	v4 =	vmax.bf16 v4, v12;
	v12 =	vadd.s32 $0x4E20, v1;
	v32 =	vld.idx.msk [tilespmem:v45+s3+$0x0], $0xffff  }
0x3c4: {  	v25 =	vsub.bf16 v27, v25;
	v1 =	vadd.s32 $0x7530, v1;
	v4 =	vmax.bf16 v4, v53;
	v53 =	vld [tilespmem:s25+$0x1BB40]  }
0x3c5: {  	v24 =	vsub.bf16 v24, v62;
	v59 =	vsub.bf16 v61, v59;
	v44 =	vadd.s32 $0x4E20, v39;
	v38 =	vld.idx.msk [tilespmem:v60+s3+$0x0], $0xffff  }
0x3c6: {  	v48 =	vsub.bf16 v56, v58;
	v3 =	vmax.bf16 v3, v50;
	v50 =	vadd.s32 $0x7530, v39;
	v30 =	vld.idx.msk [tilespmem:v39+s3+$0x0], $0xffff  }
0x3c7: {  	v23 =	vsub.bf16 v23, v54;
	v2 =	vmax.bf16 v2, v59;
	v4 =	vmax.bf16 v4, v34;
	v34 =	vld.idx.msk [tilespmem:v46+s3+$0x0], $0xffff  }
0x3c8: {  	v22 =	vsub.bf16 v51, v22;
	v2 =	vmax.bf16 v2, v40;
	v40 =	vadd.s32 $0x2710, v39;
	v12 =	vld.idx.msk [tilespmem:v12+s3+$0x0], $0xffff  }
0x3c9: {  	v21 =	vsub.bf16 v49, v21;
	v20 =	vsub.bf16 v43, v20;
	v42 =	vadd.s32 $0x2710, v63;
	v1 =	vld.idx.msk [tilespmem:v1+s3+$0x0], $0xffff  }
0x3ca: {  	v58 =	vsub.bf16 v41, v36;
	v17 =	vsub.bf16 v19, v17;
	v45 =	vadd.s32 $0x4E20, v63;
	v56 =	vld.idx.msk [tilespmem:v44+s3+$0x0], $0xffff  }
0x3cb: {  	v14 =	vsub.bf16 v16, v14;
	v3 =	vmax.bf16 v3, v35;
	v54 =	vadd.s32 $0x7530, v63;
	v61 =	vld.idx.msk [tilespmem:v50+s3+$0x0], $0xffff  }
0x3cc: {  	v36 =	vsub.bf16 v18, v47;
	v3 =	vmax.bf16 v3, v26;
	v60 =	vadd.s32 $0x2710, v46;
	v26 =	vld.idx.msk [tilespmem:v63+s3+$0x0], $0xffff  }
0x3cd: {  	v13 =	vsub.bf16 v15, v13;
	v6 =	vsub.bf16 v10, v6;
	v0 =	vmax.bf16 v0, v33;
	v29 =	vld.idx.msk [tilespmem:v40+s3+$0x0], $0xffff  }
0x3ce: {  	v5 =	vsub.bf16 v5, v9;
	v0 =	vmax.bf16 v0, v25;
	v7 =	vsub.bf16 v57, v7;
	v55 =	vld.idx.msk [tilespmem:v42+s3+$0x0], $0xffff  }
0x3cf: {  	v3 =	vmax.bf16 v3, v48;
	v0 =	vmax.bf16 v0, v22;
	v62 =	vadd.s32 $0x2710, v53;
	v59 =	vld.idx.msk [tilespmem:v45+s3+$0x0], $0xffff  }
0x3d0: {  	v3 =	vmax.bf16 v3, v58;
	v2 =	vmax.bf16 v2, v31;
	v31 =	vadd.s32 $0x4E20, v46;
	v63 =	vld.idx.msk [tilespmem:v54+s3+$0x0], $0xffff  }
0x3d1: {  	v0 =	vmax.bf16 v0, v17;
	v3 =	vmax.bf16 v3, v13;
	v35 =	vadd.s32 $0x4E20, v53;
	v41 =	vld.idx.msk [tilespmem:v60+s3+$0x0], $0xffff  }
0x3d2: {  	v0 =	vmax.bf16 v0, v6;
	v4 =	vmax.bf16 v4, v37;
	v40 =	vadd.s32 $0x7530, v46;
	v39 =	vld.idx.msk [tilespmem:v53+s3+$0x0], $0xffff  }
0x3d3: {  	v2 =	vmax.bf16 v2, v24;
	v42 =	vadd.s32 $0x7530, v53;
	v51 =	vsub.bf16 v29, v55;
	v55 =	vld [tilespmem:$0x1FFF0]  }
0x3d4: {  	v3 =	vmax.bf16 v3, v7;
	v4 =	vmax.bf16 v4, v23;
	v2 =	vmax.bf16 v2, v20;
	v43 =	vld.idx.msk [tilespmem:v62+s3+$0x0], $0xffff  }
0x3d5: {  	v4 =	vmax.bf16 v4, v21;
	v2 =	vmax.bf16 v2, v14;
	v44 =	vsub.bf16 v11, v38;
	v45 =	vld.idx.msk [tilespmem:v31+s3+$0x0], $0xffff  }
0x3d6: {  	v4 =	vmax.bf16 v4, v36;
	v46 =	vsub.bf16 v8, v12;
	v47 =	vsub.bf16 v30, v26;
	v48 =	vld.idx.msk [tilespmem:v35+s3+$0x0], $0xffff  }
0x3d7: {  	v2 =	vmax.bf16 v2, v5;
	v1 =	vsub.bf16 v32, v1;
	v50 =	vld.idx.msk [tilespmem:v40+s3+$0x0], $0xffff;
	v49 =	vsub.bf16 v34, v39  }
0x3d8: {  	v4 =	vmax.bf16 v4, v44;
	v0 =	vmax.bf16 v0, v46;
	v3 =	vmax.bf16 v3, v47;
	v52 =	vld.idx.msk [tilespmem:v42+s3+$0x0], $0xffff  }
0x3d9: {  	v1 =	vmax.bf16 v2, v1;
	v53 =	vmax.bf16 v3, v49;
	v54 =	vsub.bf16 v41, v43  }
0x3da: {  	v56 =	vsub.bf16 v56, v59;
	v4 =	vmax.bf16 v4, v51;
	v57 =	vunpack.i.l.bf16.f32 v53  }
0x3db: {  	v58 =	vsub.bf16 v45, v48;
	v2 =	vunpack.i.u.bf16.f32 v53;
	v3 =	vmax.bf16 v4, v54;
	[tilespmem:v55+s25+$0x100 ss:$0x1] =	vst.idx.msk $0xffff, v57  }
0x3dc: {  	v59 =	vsub.bf16 v61, v63;
	v0 =	vmax.bf16 v0, v56;
	v60 =	vunpack.i.l.bf16.f32 v3;
	[tilespmem:v55+s25+$0x1500 ss:$0x1] =	vst.idx.msk $0xffff, v2  }
0x3dd: {  	p0 =	seq.s32 s24, $0x3C0;
	v0 =	vmax.bf16 v0, v58;
	v61 =	vsub.bf16 v50, v52;
	v3 =	vunpack.i.u.bf16.f32 v3;
	[tilespmem:v55+s25+$0x2900 ss:$0x1] =	vst.idx.msk $0xffff, v60  }
.Ltmp1:
0x3de: {  	v1 =	vmax.bf16 v1, v59;
	v62 =	vunpack.i.l.bf16.f32 v0;
	[tilespmem:v55+s25+$0x3D00 ss:$0x1] =	vst.idx.msk $0xffff, v3;
	(pc) =	sbr.rel @!p0 .LBB2_6-.Ltmp1, $4  }
0x3df: {  	v0 =	vunpack.i.u.bf16.f32 v0;
	v1 =	vmax.bf16 v1, v61;
	[tilespmem:v55+s25+$0x5100 ss:$0x1] =	vst.idx.msk $0xffff, v62  }
0x3e0: {  	v63 =	vunpack.i.l.bf16.f32 v1;
	[tilespmem:v55+s25+$0x6500 ss:$0x1] =	vst.idx.msk $0xffff, v0  }
0x3e1: {  	v1 =	vunpack.i.u.bf16.f32 v1;
	[tilespmem:v55+s25+$0x7900 ss:$0x1] =	vst.idx.msk $0xffff, v63  }
0x3e2: {  	s24 =	sadd.s32 $0x40, s24;
	[tilespmem:v55+s25+$0x8D00 ss:$0x1] =	vst.idx.msk $0xffff, v1  }
0x3e3: {  	p0 =	seq.s32 s23, $0xA  }
.Ltmp2:
0x3e4: {  	_ = 	snop;
	(pc) =	sbr.rel @!p0 .LBB2_3-.Ltmp2, $2  }
0x3e5: {  	_ =	sdelay $0x2  }
0x3e6: {  	s22 =	sadd.s32 $0x200, s22  }
0x3e7: {  	s21 =	sadd.s32 $0x1, s21  }
0x3e8: {  	p0 =	sne.s32 s21, s11  }
.Ltmp3:
0x3e9: {  	_ = 	snop;
	(pc) =	sbr.rel @p0 .LBB2_1-.Ltmp3, $4  }
0x3ea: {  	[hbm4b:s10+s18] =	stream.strided.scatter [tilespmem:s20], [sflag:$0x3], $0xA000, s19, s18, $0x38;
	[tilespmem:$0x1BC40] =	vst v63  }
0x3eb: {  	_ =	swait.ge [sflag:s14], $0xA000  }
0x3ec: {  	[sflag:s14] =	ssyncset.done $0x0  }
0x3ed: {  	[sflag:s14] =	ssyncadd.s32 $0xFFFF6000  }
0x3ee: {  	_ =	sfence.sel $0x180000  }
0x3ef: {  	[bflag:$0x0] =	sbarrier.arrive $0xFFFF  }
0x3f0: {  	p0 =	sne.s32 s0, $0x0;
	_ =	strace $0x90000047  }
0x3f1: {  	s0 =	sadd.s32 @!p0 $0x100000, s1;
	[bflag:$0x2] =	sbarrier.arrive $0xFFFF  }
0x3f2: {  	[sflag:s0] =	ssyncadd.tile.s32 @!p0 $0x1;
	_ =	shalt  }
.Lfunc_end2:
_tile_overlayer_lowered:
.L_overlay_start_2:
0x3f3: {  	(tag) =	ssettag $0x2  }
0x3f4: {  	s0 =	rddreg [dreg:$0x0];
	s2 =	stileid.u32  }
0x3f5: {  	s1 =	rddreg [dreg:$0x1];
	p0 =	sne.s32 s2, $0x0  }
0x3f6: {  	s3 =	rddreg [dreg:$0x2];
	[bflag:$0x3] =	sbarrier.arrive $0xFFFF;
	s2 =	simm.s32 @!p0 $0x1C03  }
0x3f7: {  	[timem:s3], [sflag:s2] =	dma.local @!p0 [hbm:s0], s1  }
0x3f8: {  	s0 =	simm.s32 @!p0 $0x3  }
0x3f9: {  	_ =	swait.ge @!p0 [sflag:s0], s1  }
0x3fa: {  	s1 =	ssub.s32 @!p0 $0x0, s1;
	[sflag:s0] =	ssyncset.done @!p0 $0x0  }
0x3fb: {  	[sflag:s0] =	ssyncadd.s32 @!p0 s1  }
0x3fc: {  	[bflag:$0x3] =	sbarrier.arrive $0xFFFF  }
0x3fd: {  	_ =	shalt  }

</sc_bundles>
